<compile_context>
chip_gen: v7x
topology: tpu7x:2x2x1
jax: 0.10.2.dev20260603
libtpu: 0.0.44.dev20260713+nightly
codegen_flags: <defaults>
</compile_context>

<pallas_src>
import functools

import jax
import jax.numpy as jnp
from jax import lax
from jax.experimental import pallas as pl
from jax.experimental.pallas import tpu as pltpu
from jax.experimental.pallas import tpu_sc as plsc

B, N, S, D = 2048, 40, 20, 512
H = 256
BB = 128
NW = 32
CW = B // NW


def _tc_body(f_ref, v_ref, w1_ref, b1_ref, w2_ref, b2_ref, score_ref,
             fidx_ref, vnew_ref):
    X = f_ref[...]
    Xf = X.reshape(BB * N, D)
    h = jnp.dot(Xf, w1_ref[...], preferred_element_type=jnp.float32)
    h = h + b1_ref[...]
    h = jnp.where(h >= 0, h, 0.2 * h)
    sc = jnp.dot(h, w2_ref[...], preferred_element_type=jnp.float32)
    sc = sc + b2_ref[...]
    sc3 = sc.reshape(BB, N, N)
    score_ref[...] = sc3

    pooled = jnp.sum(X, axis=1) * (1.0 / N)
    hp = jnp.dot(pooled, w1_ref[...], preferred_element_type=jnp.float32)
    hp = hp + b1_ref[...]
    hp = jnp.where(hp >= 0, hp, 0.2 * hp)
    pli = jnp.dot(hp, w2_ref[...], preferred_element_type=jnp.float32)
    pli = pli + b2_ref[...]

    iota = lax.broadcasted_iota(jnp.int32, (BB, N), 1)
    pmax = jnp.max(pli, axis=-1, keepdims=True)
    pred = jnp.min(jnp.where(pli == pmax, iota, N), axis=-1, keepdims=True)
    onehot = (iota == pred).astype(jnp.float32)
    score_f = jnp.sum(sc3 * onehot[:, None, :], axis=-1)

    w = score_f.T
    vt = v_ref[...]
    iota_n = lax.broadcasted_iota(jnp.int32, (N, BB), 0)
    one = jnp.int32(1)
    zero = jnp.int32(0)
    rank = jnp.zeros((N, BB), jnp.int32)
    for m in range(N):
        wm = w[m:m + 1, :]
        gt = (wm > w)
        tie = (wm == w) & (iota_n > m)
        rank = rank + jnp.where(gt | tie, one, zero)
    rows_i, vrows = [], [[], [], []]
    for s in range(S):
        sel = (rank == s)
        rows_i.append(jnp.max(jnp.where(sel, iota_n, zero), axis=0,
                              keepdims=True))
        mf = sel.astype(jnp.float32)
        for c in range(3):
            vrows[c].append(jnp.sum(mf * vt[c], axis=0, keepdims=True))
    idx_t = jnp.concatenate(rows_i, axis=0)
    row0 = pl.program_id(0) * BB
    rows = row0 + lax.broadcasted_iota(jnp.int32, (S, BB), 1)
    fidx_ref[...] = rows * N + idx_t
    for c in range(3):
        vnew_ref[c] = jnp.concatenate(vrows[c], axis=0)


def _tc_score(F0, vertices0, W1, b1, W2, b2):
    grid = (B // BB,)
    return pl.pallas_call(
        _tc_body,
        grid=grid,
        in_specs=[
            pl.BlockSpec((BB, N, D), lambda i: (i, 0, 0)),
            pl.BlockSpec((3, N, BB), lambda i: (0, 0, i)),
            pl.BlockSpec((D, H), lambda i: (0, 0)),
            pl.BlockSpec((1, H), lambda i: (0, 0)),
            pl.BlockSpec((H, N), lambda i: (0, 0)),
            pl.BlockSpec((1, N), lambda i: (0, 0)),
        ],
        out_specs=[
            pl.BlockSpec((BB, N, N), lambda i: (i, 0, 0)),
            pl.BlockSpec((S, BB), lambda i: (0, i)),
            pl.BlockSpec((3, S, BB), lambda i: (0, 0, i)),
        ],
        out_shape=[
            jax.ShapeDtypeStruct((B, N, N), jnp.float32),
            jax.ShapeDtypeStruct((S, B), jnp.int32),
            jax.ShapeDtypeStruct((3, S, B), jnp.float32),
        ],
        compiler_params=pltpu.CompilerParams(
            dimension_semantics=("parallel",),
        ),
    )(F0, vertices0, W1, b1, W2, b2)


def _sc_gather(Fflat, idxt):
    mesh = plsc.VectorSubcoreMesh(core_axis_name="c", subcore_axis_name="s")

    @functools.partial(
        pl.kernel,
        mesh=mesh,
        out_type=jax.ShapeDtypeStruct((S * B, D), jnp.float32),
        scratch_types=[
            pltpu.VMEM((S, 2 * CW), jnp.int32),
            pltpu.VMEM((3, CW, D), jnp.float32),
            pltpu.SemaphoreType.DMA,
            pltpu.SemaphoreType.DMA,
            pltpu.SemaphoreType.DMA,
            pltpu.SemaphoreType.DMA,
            pltpu.SemaphoreType.DMA,
            pltpu.SemaphoreType.DMA,
        ],
    )
    def k(f_hbm, idx_hbm, outf_hbm, idx_v, fbuf,
          g0, g1, g2, o0, o1, o2):
        gsem = [g0, g1, g2]
        osem = [o0, o1, o2]
        wid = lax.axis_index("s") * 2 + lax.axis_index("c")
        pltpu.sync_copy(idx_hbm.at[:, pl.ds((wid // 2) * 2 * CW, 2 * CW)],
                        idx_v)
        half = (wid % 2) * CW
        gs, ws = [], []
        for s in range(2):
            gs.append(pltpu.async_copy(
                f_hbm.at[idx_v.at[s, pl.ds(half, CW)]], fbuf.at[s],
                gsem[s]))
        for s in range(S):
            if s >= 1 and s + 2 < S:
                ws[s - 1].wait()
            if s + 2 < S:
                gs.append(pltpu.async_copy(
                    f_hbm.at[idx_v.at[s + 2, pl.ds(half, CW)]],
                    fbuf.at[(s + 2) % 3], gsem[(s + 2) % 3]))
            gs[s].wait()
            ws.append(pltpu.async_copy(
                fbuf.at[s % 3],
                outf_hbm.at[pl.ds(s * B + wid * CW, CW)], osem[s % 3]))
        ws[S - 2].wait()
        ws[S - 1].wait()

    return k(Fflat, idxt)


def kernel(F0, vertices0, k, W1, b1, W2, b2):
    score, fidx_t, vnew_t = _tc_score(
        F0, jnp.transpose(vertices0, (2, 1, 0)), W1, b1.reshape(1, H),
        W2, b2.reshape(1, N))
    Ff = _sc_gather(F0.reshape(B * N, D), fidx_t)
    F_new = jnp.transpose(Ff.reshape(S, B, D), (1, 0, 2))
    vertices_new = jnp.transpose(vnew_t, (2, 1, 0))
    return (F_new, score, vertices_new)

# --- scband reference (transcript-rebuilt; emitter-appended) ---
"""Pipeline reference for scband-view-selector-ri-cam-34961033789528 (READ-ONLY COPY).

The authoritative reference and input builder live on the scoring server;
editing this copy changes nothing except your own understanding.
"""

import jax, jax.numpy as jnp
import numpy as np

B, N, S, D = 2048, 40, 20, 512

def cls_fn(x, W1, b1, W2, b2):
    h = jax.nn.leaky_relu(x @ W1 + b1, negative_slope=0.2)
    return h @ W2 + b2

def setup_inputs(seed: int = 0):
    key = jax.random.key(seed)
    k1, k2, k3, k4 = jax.random.split(key, 4)
    F0 = jax.random.normal(k1, (B, N, D), dtype=jnp.float32)
    vertices0 = jax.random.normal(k2, (B, N, 3), dtype=jnp.float32)
    W1 = jax.random.normal(k3, (D, 256), dtype=jnp.float32) * 0.02
    b1 = jnp.zeros((256,), dtype=jnp.float32)
    W2 = jax.random.normal(k4, (256, 40), dtype=jnp.float32) * 0.02
    b2 = jnp.zeros((40,), dtype=jnp.float32)
    return {"F0": F0, "vertices0": vertices0, "k": S, "W1": W1, "b1": b1, "W2": W2, "b2": b2}

def reference(F0, vertices0, k, W1, b1, W2, b2):
    n_views = N
    s_views = S
    Bsz = F0.shape[0]
    pooled_F = jnp.sum(F0, axis=1) / n_views                 # [B, 512]
    pred_logits = cls_fn(pooled_F, W1, b1, W2, b2)           # [B, 40]
    pred = jnp.argmax(pred_logits, axis=-1)                  # [B]
    score = cls_fn(F0, W1, b1, W2, b2)                       # [B, N, 40]
    score_F = score[jnp.arange(Bsz), :, pred]                # [B, N]
    _, idx = jax.lax.top_k(score_F, s_views)                 # [B, S]
    F_new = jnp.take_along_axis(F0, idx[:, :, None], axis=1)         # [B, S, 512]
    vertices_new = jnp.take_along_axis(vertices0, idx[:, :, None], axis=1)  # [B, S, 3]
    return (F_new, score, vertices_new)

if __name__ == "__main__":
    import jax
    _d = setup_inputs()
    print(jax.jit(kernel)(*tuple(_d.values())))

</pallas_src>

<mosaic_0001>
#map = affine_map<(d0, d1) -> (0, 0)>
module attributes {stable_mosaic.version = 14 : i64} {
  func.func @k(%arg0: i32, %arg1: i32, %arg2: memref<81920x512xf32, #tpu.memory_space<hbm>>, %arg3: memref<20x2048xi32, #tpu.memory_space<hbm>>, %arg4: memref<40960x512xf32, #tpu.memory_space<hbm>>, %arg5: memref<20x128xi32, #tpu.memory_space<vmem>>, %arg6: memref<3x64x512xf32, #tpu.memory_space<vmem>>, %arg7: memref<!tpu.dma_semaphore, #tpu.memory_space<semaphore_mem>>, %arg8: memref<!tpu.dma_semaphore, #tpu.memory_space<semaphore_mem>>, %arg9: memref<!tpu.dma_semaphore, #tpu.memory_space<semaphore_mem>>, %arg10: memref<!tpu.dma_semaphore, #tpu.memory_space<semaphore_mem>>, %arg11: memref<!tpu.dma_semaphore, #tpu.memory_space<semaphore_mem>>, %arg12: memref<!tpu.dma_semaphore, #tpu.memory_space<semaphore_mem>>) attributes {dimension_semantics = [#tpu.dimension_semantics<core_parallel>, #tpu.dimension_semantics<subcore_parallel>], iteration_bounds = array<i64: 2, 16>, scalar_prefetch = 0 : i64, scratch_operands = 8 : i64, tpu.core_type = #tpu.core_type<sc_vector_subcore>, window_params = [{transform_indices = #map}, {transform_indices = #map}, {transform_indices = #map}]} {
    %mul3A = arith.constant 2 : i32
    %mul3A_0 = arith.muli %arg1, %mul3A : i32
    %add3A = arith.addi %mul3A_0, %arg0 : i32
    %jit3A = arith.constant 2 : i32
    %div3A = arith.divsi %add3A, %jit3A : i32
    %sign3A = arith.constant 0 : i32
    %sign3A_1 = arith.cmpi sgt, %add3A, %sign3A : i32
    %sign3A_2 = arith.extui %sign3A_1 : i1 to i32
    %sign3A_3 = arith.constant 0 : i32
    %sign3A_4 = arith.cmpi slt, %add3A, %sign3A_3 : i32
    %sign3A_5 = arith.extui %sign3A_4 : i1 to i32
    %sign3A_6 = arith.subi %sign3A_2, %sign3A_5 : i32
    %sign3A_7 = arith.constant 0 : i32
    %sign3A_8 = arith.cmpi sgt, %jit3A, %sign3A_7 : i32
    %sign3A_9 = arith.extui %sign3A_8 : i1 to i32
    %sign3A_10 = arith.constant 0 : i32
    %sign3A_11 = arith.cmpi slt, %jit3A, %sign3A_10 : i32
    %sign3A_12 = arith.extui %sign3A_11 : i1 to i32
    %sign3A_13 = arith.subi %sign3A_9, %sign3A_12 : i32
    %ne3A = arith.cmpi ne, %sign3A_6, %sign3A_13 : i32
    %rem3A = arith.remsi %add3A, %jit3A : i32
    %ne3A_14 = arith.constant 0 : i32
    %ne3A_15 = arith.cmpi ne, %rem3A, %ne3A_14 : i32
    %and3A = arith.andi %ne3A, %ne3A_15 : i1
    %sub3A = arith.constant 1 : i32
    %sub3A_16 = arith.subi %div3A, %sub3A : i32
    %select_n3A = arith.select %and3A, %sub3A_16, %div3A : i32
    %mul3A_17 = arith.constant 2 : i32
    %mul3A_18 = arith.muli %select_n3A, %mul3A_17 : i32
    %mul3A_19 = arith.constant 64 : i32
    %mul3A_20 = arith.muli %mul3A_18, %mul3A_19 : i32
    "tpu.region"() ({
      %run_scoped3A = tpu.sem_alloc : memref<!tpu.dma_semaphore, #tpu.memory_space<semaphore_mem>>
      %dma_start3A_1062 = arith.constant 0 : i32
      %dma_start3A_1063 = tpu.memref_slice %arg3[%dma_start3A_1062, %mul3A_20] : memref<20x2048xi32, #tpu.memory_space<hbm>> -> memref<20x128xi32, #tpu.memory_space<hbm>>
      %dma_start3A_1064 = arith.constant 0 : i32
      %dma_start3A_1065 = tpu.memref_slice %arg3[%dma_start3A_1064, %mul3A_20] : memref<20x2048xi32, #tpu.memory_space<hbm>> -> memref<20x128xi32, #tpu.memory_space<hbm>>
      tpu.enqueue_dma source(%dma_start3A_1065 : memref<20x128xi32, #tpu.memory_space<hbm>>) target(%arg5 : memref<20x128xi32, #tpu.memory_space<vmem>>) target_semaphore(%run_scoped3A : memref<!tpu.dma_semaphore, #tpu.memory_space<semaphore_mem>>)
      %dma_wait3A_1066 = arith.constant 0 : i32
      %dma_wait3A_1067 = tpu.memref_slice %arg3[%dma_wait3A_1066, %mul3A_20] : memref<20x2048xi32, #tpu.memory_space<hbm>> -> memref<20x128xi32, #tpu.memory_space<hbm>>
      %dma_wait3A_1068 = arith.constant 0 : i32
      %dma_wait3A_1069 = tpu.memref_slice %arg3[%dma_wait3A_1068, %mul3A_20] : memref<20x2048xi32, #tpu.memory_space<hbm>> -> memref<20x128xi32, #tpu.memory_space<hbm>>
      tpu.wait_dma2 semaphore(%run_scoped3A : memref<!tpu.dma_semaphore, #tpu.memory_space<semaphore_mem>>) src(%dma_wait3A_1069 : memref<20x128xi32, #tpu.memory_space<hbm>>) dst(%arg5 : memref<20x128xi32, #tpu.memory_space<vmem>>)
      tpu.yield
    }) : () -> ()
    %jit3A_21 = arith.constant 2 : i32
    %eq3A = arith.constant 0 : i32
    %eq3A_22 = arith.cmpi eq, %jit3A_21, %eq3A : i32
    %jit3A_23 = arith.constant 1 : i32
    %select_n3A_24 = arith.select %eq3A_22, %jit3A_23, %jit3A_21 : i32
    %rem3A_25 = arith.remsi %add3A, %select_n3A_24 : i32
    %ne3A_26 = arith.constant 0 : i32
    %ne3A_27 = arith.cmpi ne, %rem3A_25, %ne3A_26 : i32
    %lt3A = arith.constant 0 : i32
    %lt3A_28 = arith.cmpi slt, %rem3A_25, %lt3A : i32
    %lt3A_29 = arith.constant 0 : i32
    %lt3A_30 = arith.cmpi slt, %select_n3A_24, %lt3A_29 : i32
    %ne3A_31 = arith.xori %lt3A_28, %lt3A_30 : i1
    %and3A_32 = arith.andi %ne3A_31, %ne3A_27 : i1
    %add3A_33 = arith.addi %rem3A_25, %select_n3A_24 : i32
    %select_n3A_34 = arith.select %and3A_32, %add3A_33, %rem3A_25 : i32
    %mul3A_35 = arith.constant 64 : i32
    %mul3A_36 = arith.muli %select_n3A_34, %mul3A_35 : i32
    %dma_start3A = arith.constant 0 : i32
    %dma_start3A_37 = arith.constant 0 : i32
    %dma_start3A_38 = arith.constant 0 : i32
    %dma_start3A_39 = arith.constant 0 : i32
    %dma_start3A_40 = tpu.memref_slice %arg6[%dma_start3A_37, %dma_start3A_38, %dma_start3A_39] : memref<3x64x512xf32, #tpu.memory_space<vmem>> -> memref<1x64x512xf32, #tpu.memory_space<vmem>>
    %dma_start3A_41 = tpu.memref_squeeze %dma_start3A_40 : memref<1x64x512xf32, #tpu.memory_space<vmem>> -> memref<64x512xf32, #tpu.memory_space<vmem>>
    %dma_start3A_42 = tpu.memref_slice %arg5[%dma_start3A, %mul3A_36] : memref<20x128xi32, #tpu.memory_space<vmem>> -> memref<1x64xi32, #tpu.memory_space<vmem>>
    %dma_start3A_43 = tpu.memref_squeeze %dma_start3A_42 : memref<1x64xi32, #tpu.memory_space<vmem>> -> memref<64xi32, #tpu.memory_space<vmem>>
    %dma_start3A_44 = arith.constant 0 : i32
    %dma_start3A_45 = arith.constant 0 : i32
    %dma_start3A_46 = tpu.memref_slice %arg2[%dma_start3A_44, %dma_start3A_45] : memref<81920x512xf32, #tpu.memory_space<hbm>> -> memref<81920x512xf32, #tpu.memory_space<hbm>>
    tpu.enqueue_indirect_dma source(%dma_start3A_46 : memref<81920x512xf32, #tpu.memory_space<hbm>>) target(%dma_start3A_41 : memref<64x512xf32, #tpu.memory_space<vmem>>) offsets(%dma_start3A_43 : memref<64xi32, #tpu.memory_space<vmem>>) semaphore(%arg7 : memref<!tpu.dma_semaphore, #tpu.memory_space<semaphore_mem>>)
    %dma_start3A_47 = arith.constant 1 : i32
    %dma_start3A_48 = arith.constant 1 : i32
    %dma_start3A_49 = arith.constant 0 : i32
    %dma_start3A_50 = arith.constant 0 : i32
    %dma_start3A_51 = tpu.memref_slice %arg6[%dma_start3A_48, %dma_start3A_49, %dma_start3A_50] : memref<3x64x512xf32, #tpu.memory_space<vmem>> -> memref<1x64x512xf32, #tpu.memory_space<vmem>>
    %dma_start3A_52 = tpu.memref_squeeze %dma_start3A_51 : memref<1x64x512xf32, #tpu.memory_space<vmem>> -> memref<64x512xf32, #tpu.memory_space<vmem>>
    %dma_start3A_53 = tpu.memref_slice %arg5[%dma_start3A_47, %mul3A_36] : memref<20x128xi32, #tpu.memory_space<vmem>> -> memref<1x64xi32, #tpu.memory_space<vmem>>
    %dma_start3A_54 = tpu.memref_squeeze %dma_start3A_53 : memref<1x64xi32, #tpu.memory_space<vmem>> -> memref<64xi32, #tpu.memory_space<vmem>>
    %dma_start3A_55 = arith.constant 0 : i32
    %dma_start3A_56 = arith.constant 0 : i32
    %dma_start3A_57 = tpu.memref_slice %arg2[%dma_start3A_55, %dma_start3A_56] : memref<81920x512xf32, #tpu.memory_space<hbm>> -> memref<81920x512xf32, #tpu.memory_space<hbm>>
    tpu.enqueue_indirect_dma source(%dma_start3A_57 : memref<81920x512xf32, #tpu.memory_space<hbm>>) target(%dma_start3A_52 : memref<64x512xf32, #tpu.memory_space<vmem>>) offsets(%dma_start3A_54 : memref<64xi32, #tpu.memory_space<vmem>>) semaphore(%arg8 : memref<!tpu.dma_semaphore, #tpu.memory_space<semaphore_mem>>)
    %dma_start3A_58 = arith.constant 2 : i32
    %dma_start3A_59 = arith.constant 2 : i32
    %dma_start3A_60 = arith.constant 0 : i32
    %dma_start3A_61 = arith.constant 0 : i32
    %dma_start3A_62 = tpu.memref_slice %arg6[%dma_start3A_59, %dma_start3A_60, %dma_start3A_61] : memref<3x64x512xf32, #tpu.memory_space<vmem>> -> memref<1x64x512xf32, #tpu.memory_space<vmem>>
    %dma_start3A_63 = tpu.memref_squeeze %dma_start3A_62 : memref<1x64x512xf32, #tpu.memory_space<vmem>> -> memref<64x512xf32, #tpu.memory_space<vmem>>
    %dma_start3A_64 = tpu.memref_slice %arg5[%dma_start3A_58, %mul3A_36] : memref<20x128xi32, #tpu.memory_space<vmem>> -> memref<1x64xi32, #tpu.memory_space<vmem>>
    %dma_start3A_65 = tpu.memref_squeeze %dma_start3A_64 : memref<1x64xi32, #tpu.memory_space<vmem>> -> memref<64xi32, #tpu.memory_space<vmem>>
    %dma_start3A_66 = arith.constant 0 : i32
    %dma_start3A_67 = arith.constant 0 : i32
    %dma_start3A_68 = tpu.memref_slice %arg2[%dma_start3A_66, %dma_start3A_67] : memref<81920x512xf32, #tpu.memory_space<hbm>> -> memref<81920x512xf32, #tpu.memory_space<hbm>>
    tpu.enqueue_indirect_dma source(%dma_start3A_68 : memref<81920x512xf32, #tpu.memory_space<hbm>>) target(%dma_start3A_63 : memref<64x512xf32, #tpu.memory_space<vmem>>) offsets(%dma_start3A_65 : memref<64xi32, #tpu.memory_space<vmem>>) semaphore(%arg9 : memref<!tpu.dma_semaphore, #tpu.memory_space<semaphore_mem>>)
    %dma_wait3A = arith.constant 0 : i32
    %dma_wait3A_69 = arith.constant 0 : i32
    %dma_wait3A_70 = arith.constant 0 : i32
    %dma_wait3A_71 = arith.constant 0 : i32
    %dma_wait3A_72 = tpu.memref_slice %arg6[%dma_wait3A_69, %dma_wait3A_70, %dma_wait3A_71] : memref<3x64x512xf32, #tpu.memory_space<vmem>> -> memref<1x64x512xf32, #tpu.memory_space<vmem>>
    %dma_wait3A_73 = tpu.memref_squeeze %dma_wait3A_72 : memref<1x64x512xf32, #tpu.memory_space<vmem>> -> memref<64x512xf32, #tpu.memory_space<vmem>>
    %dma_wait3A_74 = tpu.memref_slice %arg5[%dma_wait3A, %mul3A_36] : memref<20x128xi32, #tpu.memory_space<vmem>> -> memref<1x64xi32, #tpu.memory_space<vmem>>
    %dma_wait3A_75 = tpu.memref_squeeze %dma_wait3A_74 : memref<1x64xi32, #tpu.memory_space<vmem>> -> memref<64xi32, #tpu.memory_space<vmem>>
    %dma_wait3A_76 = arith.constant 0 : i32
    %dma_wait3A_77 = arith.constant 0 : i32
    %dma_wait3A_78 = tpu.memref_slice %arg2[%dma_wait3A_76, %dma_wait3A_77] : memref<81920x512xf32, #tpu.memory_space<hbm>> -> memref<81920x512xf32, #tpu.memory_space<hbm>>
    tpu.wait_indirect_dma semaphore(%arg7 : memref<!tpu.dma_semaphore, #tpu.memory_space<semaphore_mem>>) src(%dma_wait3A_78 : memref<81920x512xf32, #tpu.memory_space<hbm>>) dst(%dma_wait3A_73 : memref<64x512xf32, #tpu.memory_space<vmem>>)
    %mul3A_79 = arith.constant 64 : i32
    %mul3A_80 = arith.muli %add3A, %mul3A_79 : i32
    %add3A_81 = arith.constant 0 : i32
    %add3A_82 = arith.addi %add3A_81, %mul3A_80 : i32
    %dma_start3A_83 = arith.constant 0 : i32
    %dma_start3A_84 = arith.constant 0 : i32
    %dma_start3A_85 = arith.constant 0 : i32
    %dma_start3A_86 = tpu.memref_slice %arg6[%dma_start3A_83, %dma_start3A_84, %dma_start3A_85] : memref<3x64x512xf32, #tpu.memory_space<vmem>> -> memref<1x64x512xf32, #tpu.memory_space<vmem>>
    %dma_start3A_87 = tpu.memref_squeeze %dma_start3A_86 : memref<1x64x512xf32, #tpu.memory_space<vmem>> -> memref<64x512xf32, #tpu.memory_space<vmem>>
    %dma_start3A_88 = arith.constant 0 : i32
    %dma_start3A_89 = tpu.memref_slice %arg4[%add3A_82, %dma_start3A_88] : memref<40960x512xf32, #tpu.memory_space<hbm>> -> memref<64x512xf32, #tpu.memory_space<hbm>>
    %dma_start3A_90 = arith.constant 0 : i32
    %dma_start3A_91 = tpu.memref_slice %arg4[%add3A_82, %dma_start3A_90] : memref<40960x512xf32, #tpu.memory_space<hbm>> -> memref<64x512xf32, #tpu.memory_space<hbm>>
    %dma_start3A_92 = arith.constant 0 : i32
    %dma_start3A_93 = arith.constant 0 : i32
    %dma_start3A_94 = tpu.memref_slice %arg6[%dma_start3A_83, %dma_start3A_92, %dma_start3A_93] : memref<3x64x512xf32, #tpu.memory_space<vmem>> -> memref<1x64x512xf32, #tpu.memory_space<vmem>>
    %dma_start3A_95 = tpu.memref_squeeze %dma_start3A_94 : memref<1x64x512xf32, #tpu.memory_space<vmem>> -> memref<64x512xf32, #tpu.memory_space<vmem>>
    tpu.enqueue_dma source(%dma_start3A_95 : memref<64x512xf32, #tpu.memory_space<vmem>>) target(%dma_start3A_91 : memref<64x512xf32, #tpu.memory_space<hbm>>) target_semaphore(%arg10 : memref<!tpu.dma_semaphore, #tpu.memory_space<semaphore_mem>>)
    %dma_wait3A_96 = arith.constant 0 : i32
    %dma_wait3A_97 = arith.constant 0 : i32
    %dma_wait3A_98 = arith.constant 0 : i32
    %dma_wait3A_99 = tpu.memref_slice %arg6[%dma_wait3A_96, %dma_wait3A_97, %dma_wait3A_98] : memref<3x64x512xf32, #tpu.memory_space<vmem>> -> memref<1x64x512xf32, #tpu.memory_space<vmem>>
    %dma_wait3A_100 = tpu.memref_squeeze %dma_wait3A_99 : memref<1x64x512xf32, #tpu.memory_space<vmem>> -> memref<64x512xf32, #tpu.memory_space<vmem>>
    %dma_wait3A_101 = arith.constant 0 : i32
    %dma_wait3A_102 = tpu.memref_slice %arg4[%add3A_82, %dma_wait3A_101] : memref<40960x512xf32, #tpu.memory_space<hbm>> -> memref<64x512xf32, #tpu.memory_space<hbm>>
    %dma_wait3A_103 = arith.constant 0 : i32
    %dma_wait3A_104 = tpu.memref_slice %arg4[%add3A_82, %dma_wait3A_103] : memref<40960x512xf32, #tpu.memory_space<hbm>> -> memref<64x512xf32, #tpu.memory_space<hbm>>
    %dma_wait3A_105 = arith.constant 0 : i32
    %dma_wait3A_106 = arith.constant 0 : i32
    %dma_wait3A_107 = tpu.memref_slice %arg6[%dma_wait3A_96, %dma_wait3A_105, %dma_wait3A_106] : memref<3x64x512xf32, #tpu.memory_space<vmem>> -> memref<1x64x512xf32, #tpu.memory_space<vmem>>
    %dma_wait3A_108 = tpu.memref_squeeze %dma_wait3A_107 : memref<1x64x512xf32, #tpu.memory_space<vmem>> -> memref<64x512xf32, #tpu.memory_space<vmem>>
    tpu.wait_dma2 semaphore(%arg10 : memref<!tpu.dma_semaphore, #tpu.memory_space<semaphore_mem>>) src(%dma_wait3A_108 : memref<64x512xf32, #tpu.memory_space<vmem>>) dst(%dma_wait3A_104 : memref<64x512xf32, #tpu.memory_space<hbm>>)
    %dma_start3A_109 = arith.constant 3 : i32
    %dma_start3A_110 = arith.constant 0 : i32
    %dma_start3A_111 = arith.constant 0 : i32
    %dma_start3A_112 = arith.constant 0 : i32
    %dma_start3A_113 = tpu.memref_slice %arg6[%dma_start3A_110, %dma_start3A_111, %dma_start3A_112] : memref<3x64x512xf32, #tpu.memory_space<vmem>> -> memref<1x64x512xf32, #tpu.memory_space<vmem>>
    %dma_start3A_114 = tpu.memref_squeeze %dma_start3A_113 : memref<1x64x512xf32, #tpu.memory_space<vmem>> -> memref<64x512xf32, #tpu.memory_space<vmem>>
    %dma_start3A_115 = tpu.memref_slice %arg5[%dma_start3A_109, %mul3A_36] : memref<20x128xi32, #tpu.memory_space<vmem>> -> memref<1x64xi32, #tpu.memory_space<vmem>>
    %dma_start3A_116 = tpu.memref_squeeze %dma_start3A_115 : memref<1x64xi32, #tpu.memory_space<vmem>> -> memref<64xi32, #tpu.memory_space<vmem>>
    %dma_start3A_117 = arith.constant 0 : i32
    %dma_start3A_118 = arith.constant 0 : i32
    %dma_start3A_119 = tpu.memref_slice %arg2[%dma_start3A_117, %dma_start3A_118] : memref<81920x512xf32, #tpu.memory_space<hbm>> -> memref<81920x512xf32, #tpu.memory_space<hbm>>
    tpu.enqueue_indirect_dma source(%dma_start3A_119 : memref<81920x512xf32, #tpu.memory_space<hbm>>) target(%dma_start3A_114 : memref<64x512xf32, #tpu.memory_space<vmem>>) offsets(%dma_start3A_116 : memref<64xi32, #tpu.memory_space<vmem>>) semaphore(%arg7 : memref<!tpu.dma_semaphore, #tpu.memory_space<semaphore_mem>>)
    %dma_wait3A_120 = arith.constant 1 : i32
    %dma_wait3A_121 = arith.constant 1 : i32
    %dma_wait3A_122 = arith.constant 0 : i32
    %dma_wait3A_123 = arith.constant 0 : i32
    %dma_wait3A_124 = tpu.memref_slice %arg6[%dma_wait3A_121, %dma_wait3A_122, %dma_wait3A_123] : memref<3x64x512xf32, #tpu.memory_space<vmem>> -> memref<1x64x512xf32, #tpu.memory_space<vmem>>
    %dma_wait3A_125 = tpu.memref_squeeze %dma_wait3A_124 : memref<1x64x512xf32, #tpu.memory_space<vmem>> -> memref<64x512xf32, #tpu.memory_space<vmem>>
    %dma_wait3A_126 = tpu.memref_slice %arg5[%dma_wait3A_120, %mul3A_36] : memref<20x128xi32, #tpu.memory_space<vmem>> -> memref<1x64xi32, #tpu.memory_space<vmem>>
    %dma_wait3A_127 = tpu.memref_squeeze %dma_wait3A_126 : memref<1x64xi32, #tpu.memory_space<vmem>> -> memref<64xi32, #tpu.memory_space<vmem>>
    %dma_wait3A_128 = arith.constant 0 : i32
    %dma_wait3A_129 = arith.constant 0 : i32
    %dma_wait3A_130 = tpu.memref_slice %arg2[%dma_wait3A_128, %dma_wait3A_129] : memref<81920x512xf32, #tpu.memory_space<hbm>> -> memref<81920x512xf32, #tpu.memory_space<hbm>>
    tpu.wait_indirect_dma semaphore(%arg8 : memref<!tpu.dma_semaphore, #tpu.memory_space<semaphore_mem>>) src(%dma_wait3A_130 : memref<81920x512xf32, #tpu.memory_space<hbm>>) dst(%dma_wait3A_125 : memref<64x512xf32, #tpu.memory_space<vmem>>)
    %mul3A_131 = arith.constant 64 : i32
    %mul3A_132 = arith.muli %add3A, %mul3A_131 : i32
    %add3A_133 = arith.constant 2048 : i32
    %add3A_134 = arith.addi %add3A_133, %mul3A_132 : i32
    %dma_start3A_135 = arith.constant 1 : i32
    %dma_start3A_136 = arith.constant 0 : i32
    %dma_start3A_137 = arith.constant 0 : i32
    %dma_start3A_138 = tpu.memref_slice %arg6[%dma_start3A_135, %dma_start3A_136, %dma_start3A_137] : memref<3x64x512xf32, #tpu.memory_space<vmem>> -> memref<1x64x512xf32, #tpu.memory_space<vmem>>
    %dma_start3A_139 = tpu.memref_squeeze %dma_start3A_138 : memref<1x64x512xf32, #tpu.memory_space<vmem>> -> memref<64x512xf32, #tpu.memory_space<vmem>>
    %dma_start3A_140 = arith.constant 0 : i32
    %dma_start3A_141 = tpu.memref_slice %arg4[%add3A_134, %dma_start3A_140] : memref<40960x512xf32, #tpu.memory_space<hbm>> -> memref<64x512xf32, #tpu.memory_space<hbm>>
    %dma_start3A_142 = arith.constant 0 : i32
    %dma_start3A_143 = tpu.memref_slice %arg4[%add3A_134, %dma_start3A_142] : memref<40960x512xf32, #tpu.memory_space<hbm>> -> memref<64x512xf32, #tpu.memory_space<hbm>>
    %dma_start3A_144 = arith.constant 0 : i32
    %dma_start3A_145 = arith.constant 0 : i32
    %dma_start3A_146 = tpu.memref_slice %arg6[%dma_start3A_135, %dma_start3A_144, %dma_start3A_145] : memref<3x64x512xf32, #tpu.memory_space<vmem>> -> memref<1x64x512xf32, #tpu.memory_space<vmem>>
    %dma_start3A_147 = tpu.memref_squeeze %dma_start3A_146 : memref<1x64x512xf32, #tpu.memory_space<vmem>> -> memref<64x512xf32, #tpu.memory_space<vmem>>
    tpu.enqueue_dma source(%dma_start3A_147 : memref<64x512xf32, #tpu.memory_space<vmem>>) target(%dma_start3A_143 : memref<64x512xf32, #tpu.memory_space<hbm>>) target_semaphore(%arg11 : memref<!tpu.dma_semaphore, #tpu.memory_space<semaphore_mem>>)
    %dma_wait3A_148 = arith.constant 1 : i32
    %dma_wait3A_149 = arith.constant 0 : i32
    %dma_wait3A_150 = arith.constant 0 : i32
    %dma_wait3A_151 = tpu.memref_slice %arg6[%dma_wait3A_148, %dma_wait3A_149, %dma_wait3A_150] : memref<3x64x512xf32, #tpu.memory_space<vmem>> -> memref<1x64x512xf32, #tpu.memory_space<vmem>>
    %dma_wait3A_152 = tpu.memref_squeeze %dma_wait3A_151 : memref<1x64x512xf32, #tpu.memory_space<vmem>> -> memref<64x512xf32, #tpu.memory_space<vmem>>
    %dma_wait3A_153 = arith.constant 0 : i32
    %dma_wait3A_154 = tpu.memref_slice %arg4[%add3A_134, %dma_wait3A_153] : memref<40960x512xf32, #tpu.memory_space<hbm>> -> memref<64x512xf32, #tpu.memory_space<hbm>>
    %dma_wait3A_155 = arith.constant 0 : i32
    %dma_wait3A_156 = tpu.memref_slice %arg4[%add3A_134, %dma_wait3A_155] : memref<40960x512xf32, #tpu.memory_space<hbm>> -> memref<64x512xf32, #tpu.memory_space<hbm>>
    %dma_wait3A_157 = arith.constant 0 : i32
    %dma_wait3A_158 = arith.constant 0 : i32
    %dma_wait3A_159 = tpu.memref_slice %arg6[%dma_wait3A_148, %dma_wait3A_157, %dma_wait3A_158] : memref<3x64x512xf32, #tpu.memory_space<vmem>> -> memref<1x64x512xf32, #tpu.memory_space<vmem>>
    %dma_wait3A_160 = tpu.memref_squeeze %dma_wait3A_159 : memref<1x64x512xf32, #tpu.memory_space<vmem>> -> memref<64x512xf32, #tpu.memory_space<vmem>>
    tpu.wait_dma2 semaphore(%arg11 : memref<!tpu.dma_semaphore, #tpu.memory_space<semaphore_mem>>) src(%dma_wait3A_160 : memref<64x512xf32, #tpu.memory_space<vmem>>) dst(%dma_wait3A_156 : memref<64x512xf32, #tpu.memory_space<hbm>>)
    %dma_start3A_161 = arith.constant 4 : i32
    %dma_start3A_162 = arith.constant 1 : i32
    %dma_start3A_163 = arith.constant 0 : i32
    %dma_start3A_164 = arith.constant 0 : i32
    %dma_start3A_165 = tpu.memref_slice %arg6[%dma_start3A_162, %dma_start3A_163, %dma_start3A_164] : memref<3x64x512xf32, #tpu.memory_space<vmem>> -> memref<1x64x512xf32, #tpu.memory_space<vmem>>
    %dma_start3A_166 = tpu.memref_squeeze %dma_start3A_165 : memref<1x64x512xf32, #tpu.memory_space<vmem>> -> memref<64x512xf32, #tpu.memory_space<vmem>>
    %dma_start3A_167 = tpu.memref_slice %arg5[%dma_start3A_161, %mul3A_36] : memref<20x128xi32, #tpu.memory_space<vmem>> -> memref<1x64xi32, #tpu.memory_space<vmem>>
    %dma_start3A_168 = tpu.memref_squeeze %dma_start3A_167 : memref<1x64xi32, #tpu.memory_space<vmem>> -> memref<64xi32, #tpu.memory_space<vmem>>
    %dma_start3A_169 = arith.constant 0 : i32
    %dma_start3A_170 = arith.constant 0 : i32
    %dma_start3A_171 = tpu.memref_slice %arg2[%dma_start3A_169, %dma_start3A_170] : memref<81920x512xf32, #tpu.memory_space<hbm>> -> memref<81920x512xf32, #tpu.memory_space<hbm>>
    tpu.enqueue_indirect_dma source(%dma_start3A_171 : memref<81920x512xf32, #tpu.memory_space<hbm>>) target(%dma_start3A_166 : memref<64x512xf32, #tpu.memory_space<vmem>>) offsets(%dma_start3A_168 : memref<64xi32, #tpu.memory_space<vmem>>) semaphore(%arg8 : memref<!tpu.dma_semaphore, #tpu.memory_space<semaphore_mem>>)
    %dma_wait3A_172 = arith.constant 2 : i32
    %dma_wait3A_173 = arith.constant 2 : i32
    %dma_wait3A_174 = arith.constant 0 : i32
    %dma_wait3A_175 = arith.constant 0 : i32
    %dma_wait3A_176 = tpu.memref_slice %arg6[%dma_wait3A_173, %dma_wait3A_174, %dma_wait3A_175] : memref<3x64x512xf32, #tpu.memory_space<vmem>> -> memref<1x64x512xf32, #tpu.memory_space<vmem>>
    %dma_wait3A_177 = tpu.memref_squeeze %dma_wait3A_176 : memref<1x64x512xf32, #tpu.memory_space<vmem>> -> memref<64x512xf32, #tpu.memory_space<vmem>>
    %dma_wait3A_178 = tpu.memref_slice %arg5[%dma_wait3A_172, %mul3A_36] : memref<20x128xi32, #tpu.memory_space<vmem>> -> memref<1x64xi32, #tpu.memory_space<vmem>>
    %dma_wait3A_179 = tpu.memref_squeeze %dma_wait3A_178 : memref<1x64xi32, #tpu.memory_space<vmem>> -> memref<64xi32, #tpu.memory_space<vmem>>
    %dma_wait3A_180 = arith.constant 0 : i32
    %dma_wait3A_181 = arith.constant 0 : i32
    %dma_wait3A_182 = tpu.memref_slice %arg2[%dma_wait3A_180, %dma_wait3A_181] : memref<81920x512xf32, #tpu.memory_space<hbm>> -> memref<81920x512xf32, #tpu.memory_space<hbm>>
    tpu.wait_indirect_dma semaphore(%arg9 : memref<!tpu.dma_semaphore, #tpu.memory_space<semaphore_mem>>) src(%dma_wait3A_182 : memref<81920x512xf32, #tpu.memory_space<hbm>>) dst(%dma_wait3A_177 : memref<64x512xf32, #tpu.memory_space<vmem>>)
    %mul3A_183 = arith.constant 64 : i32
    %mul3A_184 = arith.muli %add3A, %mul3A_183 : i32
    %add3A_185 = arith.constant 4096 : i32
    %add3A_186 = arith.addi %add3A_185, %mul3A_184 : i32
    %dma_start3A_187 = arith.constant 2 : i32
    %dma_start3A_188 = arith.constant 0 : i32
    %dma_start3A_189 = arith.constant 0 : i32
    %dma_start3A_190 = tpu.memref_slice %arg6[%dma_start3A_187, %dma_start3A_188, %dma_start3A_189] : memref<3x64x512xf32, #tpu.memory_space<vmem>> -> memref<1x64x512xf32, #tpu.memory_space<vmem>>
    %dma_start3A_191 = tpu.memref_squeeze %dma_start3A_190 : memref<1x64x512xf32, #tpu.memory_space<vmem>> -> memref<64x512xf32, #tpu.memory_space<vmem>>
    %dma_start3A_192 = arith.constant 0 : i32
    %dma_start3A_193 = tpu.memref_slice %arg4[%add3A_186, %dma_start3A_192] : memref<40960x512xf32, #tpu.memory_space<hbm>> -> memref<64x512xf32, #tpu.memory_space<hbm>>
    %dma_start3A_194 = arith.constant 0 : i32
    %dma_start3A_195 = tpu.memref_slice %arg4[%add3A_186, %dma_start3A_194] : memref<40960x512xf32, #tpu.memory_space<hbm>> -> memref<64x512xf32, #tpu.memory_space<hbm>>
    %dma_start3A_196 = arith.constant 0 : i32
    %dma_start3A_197 = arith.constant 0 : i32
    %dma_start3A_198 = tpu.memref_slice %arg6[%dma_start3A_187, %dma_start3A_196, %dma_start3A_197] : memref<3x64x512xf32, #tpu.memory_space<vmem>> -> memref<1x64x512xf32, #tpu.memory_space<vmem>>
    %dma_start3A_199 = tpu.memref_squeeze %dma_start3A_198 : memref<1x64x512xf32, #tpu.memory_space<vmem>> -> memref<64x512xf32, #tpu.memory_space<vmem>>
    tpu.enqueue_dma source(%dma_start3A_199 : memref<64x512xf32, #tpu.memory_space<vmem>>) target(%dma_start3A_195 : memref<64x512xf32, #tpu.memory_space<hbm>>) target_semaphore(%arg12 : memref<!tpu.dma_semaphore, #tpu.memory_space<semaphore_mem>>)
    %dma_wait3A_200 = arith.constant 2 : i32
    %dma_wait3A_201 = arith.constant 0 : i32
    %dma_wait3A_202 = arith.constant 0 : i32
    %dma_wait3A_203 = tpu.memref_slice %arg6[%dma_wait3A_200, %dma_wait3A_201, %dma_wait3A_202] : memref<3x64x512xf32, #tpu.memory_space<vmem>> -> memref<1x64x512xf32, #tpu.memory_space<vmem>>
    %dma_wait3A_204 = tpu.memref_squeeze %dma_wait3A_203 : memref<1x64x512xf32, #tpu.memory_space<vmem>> -> memref<64x512xf32, #tpu.memory_space<vmem>>
    %dma_wait3A_205 = arith.constant 0 : i32
    %dma_wait3A_206 = tpu.memref_slice %arg4[%add3A_186, %dma_wait3A_205] : memref<40960x512xf32, #tpu.memory_space<hbm>> -> memref<64x512xf32, #tpu.memory_space<hbm>>
    %dma_wait3A_207 = arith.constant 0 : i32
    %dma_wait3A_208 = tpu.memref_slice %arg4[%add3A_186, %dma_wait3A_207] : memref<40960x512xf32, #tpu.memory_space<hbm>> -> memref<64x512xf32, #tpu.memory_space<hbm>>
    %dma_wait3A_209 = arith.constant 0 : i32
    %dma_wait3A_210 = arith.constant 0 : i32
    %dma_wait3A_211 = tpu.memref_slice %arg6[%dma_wait3A_200, %dma_wait3A_209, %dma_wait3A_210] : memref<3x64x512xf32, #tpu.memory_space<vmem>> -> memref<1x64x512xf32, #tpu.memory_space<vmem>>
    %dma_wait3A_212 = tpu.memref_squeeze %dma_wait3A_211 : memref<1x64x512xf32, #tpu.memory_space<vmem>> -> memref<64x512xf32, #tpu.memory_space<vmem>>
    tpu.wait_dma2 semaphore(%arg12 : memref<!tpu.dma_semaphore, #tpu.memory_space<semaphore_mem>>) src(%dma_wait3A_212 : memref<64x512xf32, #tpu.memory_space<vmem>>) dst(%dma_wait3A_208 : memref<64x512xf32, #tpu.memory_space<hbm>>)
    %dma_start3A_213 = arith.constant 5 : i32
    %dma_start3A_214 = arith.constant 2 : i32
    %dma_start3A_215 = arith.constant 0 : i32
    %dma_start3A_216 = arith.constant 0 : i32
    %dma_start3A_217 = tpu.memref_slice %arg6[%dma_start3A_214, %dma_start3A_215, %dma_start3A_216] : memref<3x64x512xf32, #tpu.memory_space<vmem>> -> memref<1x64x512xf32, #tpu.memory_space<vmem>>
    %dma_start3A_218 = tpu.memref_squeeze %dma_start3A_217 : memref<1x64x512xf32, #tpu.memory_space<vmem>> -> memref<64x512xf32, #tpu.memory_space<vmem>>
    %dma_start3A_219 = tpu.memref_slice %arg5[%dma_start3A_213, %mul3A_36] : memref<20x128xi32, #tpu.memory_space<vmem>> -> memref<1x64xi32, #tpu.memory_space<vmem>>
    %dma_start3A_220 = tpu.memref_squeeze %dma_start3A_219 : memref<1x64xi32, #tpu.memory_space<vmem>> -> memref<64xi32, #tpu.memory_space<vmem>>
    %dma_start3A_221 = arith.constant 0 : i32
    %dma_start3A_222 = arith.constant 0 : i32
    %dma_start3A_223 = tpu.memref_slice %arg2[%dma_start3A_221, %dma_start3A_222] : memref<81920x512xf32, #tpu.memory_space<hbm>> -> memref<81920x512xf32, #tpu.memory_space<hbm>>
    tpu.enqueue_indirect_dma source(%dma_start3A_223 : memref<81920x512xf32, #tpu.memory_space<hbm>>) target(%dma_start3A_218 : memref<64x512xf32, #tpu.memory_space<vmem>>) offsets(%dma_start3A_220 : memref<64xi32, #tpu.memory_space<vmem>>) semaphore(%arg9 : memref<!tpu.dma_semaphore, #tpu.memory_space<semaphore_mem>>)
    %dma_wait3A_224 = arith.constant 3 : i32
    %dma_wait3A_225 = arith.constant 0 : i32
    %dma_wait3A_226 = arith.constant 0 : i32
    %dma_wait3A_227 = arith.constant 0 : i32
    %dma_wait3A_228 = tpu.memref_slice %arg6[%dma_wait3A_225, %dma_wait3A_226, %dma_wait3A_227] : memref<3x64x512xf32, #tpu.memory_space<vmem>> -> memref<1x64x512xf32, #tpu.memory_space<vmem>>
    %dma_wait3A_229 = tpu.memref_squeeze %dma_wait3A_228 : memref<1x64x512xf32, #tpu.memory_space<vmem>> -> memref<64x512xf32, #tpu.memory_space<vmem>>
    %dma_wait3A_230 = tpu.memref_slice %arg5[%dma_wait3A_224, %mul3A_36] : memref<20x128xi32, #tpu.memory_space<vmem>> -> memref<1x64xi32, #tpu.memory_space<vmem>>
    %dma_wait3A_231 = tpu.memref_squeeze %dma_wait3A_230 : memref<1x64xi32, #tpu.memory_space<vmem>> -> memref<64xi32, #tpu.memory_space<vmem>>
    %dma_wait3A_232 = arith.constant 0 : i32
    %dma_wait3A_233 = arith.constant 0 : i32
    %dma_wait3A_234 = tpu.memref_slice %arg2[%dma_wait3A_232, %dma_wait3A_233] : memref<81920x512xf32, #tpu.memory_space<hbm>> -> memref<81920x512xf32, #tpu.memory_space<hbm>>
    tpu.wait_indirect_dma semaphore(%arg7 : memref<!tpu.dma_semaphore, #tpu.memory_space<semaphore_mem>>) src(%dma_wait3A_234 : memref<81920x512xf32, #tpu.memory_space<hbm>>) dst(%dma_wait3A_229 : memref<64x512xf32, #tpu.memory_space<vmem>>)
    %mul3A_235 = arith.constant 64 : i32
    %mul3A_236 = arith.muli %add3A, %mul3A_235 : i32
    %add3A_237 = arith.constant 6144 : i32
    %add3A_238 = arith.addi %add3A_237, %mul3A_236 : i32
    %dma_start3A_239 = arith.constant 0 : i32
    %dma_start3A_240 = arith.constant 0 : i32
    %dma_start3A_241 = arith.constant 0 : i32
    %dma_start3A_242 = tpu.memref_slice %arg6[%dma_start3A_239, %dma_start3A_240, %dma_start3A_241] : memref<3x64x512xf32, #tpu.memory_space<vmem>> -> memref<1x64x512xf32, #tpu.memory_space<vmem>>
    %dma_start3A_243 = tpu.memref_squeeze %dma_start3A_242 : memref<1x64x512xf32, #tpu.memory_space<vmem>> -> memref<64x512xf32, #tpu.memory_space<vmem>>
    %dma_start3A_244 = arith.constant 0 : i32
    %dma_start3A_245 = tpu.memref_slice %arg4[%add3A_238, %dma_start3A_244] : memref<40960x512xf32, #tpu.memory_space<hbm>> -> memref<64x512xf32, #tpu.memory_space<hbm>>
    %dma_start3A_246 = arith.constant 0 : i32
    %dma_start3A_247 = tpu.memref_slice %arg4[%add3A_238, %dma_start3A_246] : memref<40960x512xf32, #tpu.memory_space<hbm>> -> memref<64x512xf32, #tpu.memory_space<hbm>>
    %dma_start3A_248 = arith.constant 0 : i32
    %dma_start3A_249 = arith.constant 0 : i32
    %dma_start3A_250 = tpu.memref_slice %arg6[%dma_start3A_239, %dma_start3A_248, %dma_start3A_249] : memref<3x64x512xf32, #tpu.memory_space<vmem>> -> memref<1x64x512xf32, #tpu.memory_space<vmem>>
    %dma_start3A_251 = tpu.memref_squeeze %dma_start3A_250 : memref<1x64x512xf32, #tpu.memory_space<vmem>> -> memref<64x512xf32, #tpu.memory_space<vmem>>
    tpu.enqueue_dma source(%dma_start3A_251 : memref<64x512xf32, #tpu.memory_space<vmem>>) target(%dma_start3A_247 : memref<64x512xf32, #tpu.memory_space<hbm>>) target_semaphore(%arg10 : memref<!tpu.dma_semaphore, #tpu.memory_space<semaphore_mem>>)
    %dma_wait3A_252 = arith.constant 0 : i32
    %dma_wait3A_253 = arith.constant 0 : i32
    %dma_wait3A_254 = arith.constant 0 : i32
    %dma_wait3A_255 = tpu.memref_slice %arg6[%dma_wait3A_252, %dma_wait3A_253, %dma_wait3A_254] : memref<3x64x512xf32, #tpu.memory_space<vmem>> -> memref<1x64x512xf32, #tpu.memory_space<vmem>>
    %dma_wait3A_256 = tpu.memref_squeeze %dma_wait3A_255 : memref<1x64x512xf32, #tpu.memory_space<vmem>> -> memref<64x512xf32, #tpu.memory_space<vmem>>
    %dma_wait3A_257 = arith.constant 0 : i32
    %dma_wait3A_258 = tpu.memref_slice %arg4[%add3A_238, %dma_wait3A_257] : memref<40960x512xf32, #tpu.memory_space<hbm>> -> memref<64x512xf32, #tpu.memory_space<hbm>>
    %dma_wait3A_259 = arith.constant 0 : i32
    %dma_wait3A_260 = tpu.memref_slice %arg4[%add3A_238, %dma_wait3A_259] : memref<40960x512xf32, #tpu.memory_space<hbm>> -> memref<64x512xf32, #tpu.memory_space<hbm>>
    %dma_wait3A_261 = arith.constant 0 : i32
    %dma_wait3A_262 = arith.constant 0 : i32
    %dma_wait3A_263 = tpu.memref_slice %arg6[%dma_wait3A_252, %dma_wait3A_261, %dma_wait3A_262] : memref<3x64x512xf32, #tpu.memory_space<vmem>> -> memref<1x64x512xf32, #tpu.memory_space<vmem>>
    %dma_wait3A_264 = tpu.memref_squeeze %dma_wait3A_263 : memref<1x64x512xf32, #tpu.memory_space<vmem>> -> memref<64x512xf32, #tpu.memory_space<vmem>>
    tpu.wait_dma2 semaphore(%arg10 : memref<!tpu.dma_semaphore, #tpu.memory_space<semaphore_mem>>) src(%dma_wait3A_264 : memref<64x512xf32, #tpu.memory_space<vmem>>) dst(%dma_wait3A_260 : memref<64x512xf32, #tpu.memory_space<hbm>>)
    %dma_start3A_265 = arith.constant 6 : i32
    %dma_start3A_266 = arith.constant 0 : i32
    %dma_start3A_267 = arith.constant 0 : i32
    %dma_start3A_268 = arith.constant 0 : i32
    %dma_start3A_269 = tpu.memref_slice %arg6[%dma_start3A_266, %dma_start3A_267, %dma_start3A_268] : memref<3x64x512xf32, #tpu.memory_space<vmem>> -> memref<1x64x512xf32, #tpu.memory_space<vmem>>
    %dma_start3A_270 = tpu.memref_squeeze %dma_start3A_269 : memref<1x64x512xf32, #tpu.memory_space<vmem>> -> memref<64x512xf32, #tpu.memory_space<vmem>>
    %dma_start3A_271 = tpu.memref_slice %arg5[%dma_start3A_265, %mul3A_36] : memref<20x128xi32, #tpu.memory_space<vmem>> -> memref<1x64xi32, #tpu.memory_space<vmem>>
    %dma_start3A_272 = tpu.memref_squeeze %dma_start3A_271 : memref<1x64xi32, #tpu.memory_space<vmem>> -> memref<64xi32, #tpu.memory_space<vmem>>
    %dma_start3A_273 = arith.constant 0 : i32
    %dma_start3A_274 = arith.constant 0 : i32
    %dma_start3A_275 = tpu.memref_slice %arg2[%dma_start3A_273, %dma_start3A_274] : memref<81920x512xf32, #tpu.memory_space<hbm>> -> memref<81920x512xf32, #tpu.memory_space<hbm>>
    tpu.enqueue_indirect_dma source(%dma_start3A_275 : memref<81920x512xf32, #tpu.memory_space<hbm>>) target(%dma_start3A_270 : memref<64x512xf32, #tpu.memory_space<vmem>>) offsets(%dma_start3A_272 : memref<64xi32, #tpu.memory_space<vmem>>) semaphore(%arg7 : memref<!tpu.dma_semaphore, #tpu.memory_space<semaphore_mem>>)
    %dma_wait3A_276 = arith.constant 4 : i32
    %dma_wait3A_277 = arith.constant 1 : i32
    %dma_wait3A_278 = arith.constant 0 : i32
    %dma_wait3A_279 = arith.constant 0 : i32
    %dma_wait3A_280 = tpu.memref_slice %arg6[%dma_wait3A_277, %dma_wait3A_278, %dma_wait3A_279] : memref<3x64x512xf32, #tpu.memory_space<vmem>> -> memref<1x64x512xf32, #tpu.memory_space<vmem>>
    %dma_wait3A_281 = tpu.memref_squeeze %dma_wait3A_280 : memref<1x64x512xf32, #tpu.memory_space<vmem>> -> memref<64x512xf32, #tpu.memory_space<vmem>>
    %dma_wait3A_282 = tpu.memref_slice %arg5[%dma_wait3A_276, %mul3A_36] : memref<20x128xi32, #tpu.memory_space<vmem>> -> memref<1x64xi32, #tpu.memory_space<vmem>>
    %dma_wait3A_283 = tpu.memref_squeeze %dma_wait3A_282 : memref<1x64xi32, #tpu.memory_space<vmem>> -> memref<64xi32, #tpu.memory_space<vmem>>
    %dma_wait3A_284 = arith.constant 0 : i32
    %dma_wait3A_285 = arith.constant 0 : i32
    %dma_wait3A_286 = tpu.memref_slice %arg2[%dma_wait3A_284, %dma_wait3A_285] : memref<81920x512xf32, #tpu.memory_space<hbm>> -> memref<81920x512xf32, #tpu.memory_space<hbm>>
    tpu.wait_indirect_dma semaphore(%arg8 : memref<!tpu.dma_semaphore, #tpu.memory_space<semaphore_mem>>) src(%dma_wait3A_286 : memref<81920x512xf32, #tpu.memory_space<hbm>>) dst(%dma_wait3A_281 : memref<64x512xf32, #tpu.memory_space<vmem>>)
    %mul3A_287 = arith.constant 64 : i32
    %mul3A_288 = arith.muli %add3A, %mul3A_287 : i32
    %add3A_289 = arith.constant 8192 : i32
    %add3A_290 = arith.addi %add3A_289, %mul3A_288 : i32
    %dma_start3A_291 = arith.constant 1 : i32
    %dma_start3A_292 = arith.constant 0 : i32
    %dma_start3A_293 = arith.constant 0 : i32
    %dma_start3A_294 = tpu.memref_slice %arg6[%dma_start3A_291, %dma_start3A_292, %dma_start3A_293] : memref<3x64x512xf32, #tpu.memory_space<vmem>> -> memref<1x64x512xf32, #tpu.memory_space<vmem>>
    %dma_start3A_295 = tpu.memref_squeeze %dma_start3A_294 : memref<1x64x512xf32, #tpu.memory_space<vmem>> -> memref<64x512xf32, #tpu.memory_space<vmem>>
    %dma_start3A_296 = arith.constant 0 : i32
    %dma_start3A_297 = tpu.memref_slice %arg4[%add3A_290, %dma_start3A_296] : memref<40960x512xf32, #tpu.memory_space<hbm>> -> memref<64x512xf32, #tpu.memory_space<hbm>>
    %dma_start3A_298 = arith.constant 0 : i32
    %dma_start3A_299 = tpu.memref_slice %arg4[%add3A_290, %dma_start3A_298] : memref<40960x512xf32, #tpu.memory_space<hbm>> -> memref<64x512xf32, #tpu.memory_space<hbm>>
    %dma_start3A_300 = arith.constant 0 : i32
    %dma_start3A_301 = arith.constant 0 : i32
    %dma_start3A_302 = tpu.memref_slice %arg6[%dma_start3A_291, %dma_start3A_300, %dma_start3A_301] : memref<3x64x512xf32, #tpu.memory_space<vmem>> -> memref<1x64x512xf32, #tpu.memory_space<vmem>>
    %dma_start3A_303 = tpu.memref_squeeze %dma_start3A_302 : memref<1x64x512xf32, #tpu.memory_space<vmem>> -> memref<64x512xf32, #tpu.memory_space<vmem>>
    tpu.enqueue_dma source(%dma_start3A_303 : memref<64x512xf32, #tpu.memory_space<vmem>>) target(%dma_start3A_299 : memref<64x512xf32, #tpu.memory_space<hbm>>) target_semaphore(%arg11 : memref<!tpu.dma_semaphore, #tpu.memory_space<semaphore_mem>>)
    %dma_wait3A_304 = arith.constant 1 : i32
    %dma_wait3A_305 = arith.constant 0 : i32
    %dma_wait3A_306 = arith.constant 0 : i32
    %dma_wait3A_307 = tpu.memref_slice %arg6[%dma_wait3A_304, %dma_wait3A_305, %dma_wait3A_306] : memref<3x64x512xf32, #tpu.memory_space<vmem>> -> memref<1x64x512xf32, #tpu.memory_space<vmem>>
    %dma_wait3A_308 = tpu.memref_squeeze %dma_wait3A_307 : memref<1x64x512xf32, #tpu.memory_space<vmem>> -> memref<64x512xf32, #tpu.memory_space<vmem>>
    %dma_wait3A_309 = arith.constant 0 : i32
    %dma_wait3A_310 = tpu.memref_slice %arg4[%add3A_290, %dma_wait3A_309] : memref<40960x512xf32, #tpu.memory_space<hbm>> -> memref<64x512xf32, #tpu.memory_space<hbm>>
    %dma_wait3A_311 = arith.constant 0 : i32
    %dma_wait3A_312 = tpu.memref_slice %arg4[%add3A_290, %dma_wait3A_311] : memref<40960x512xf32, #tpu.memory_space<hbm>> -> memref<64x512xf32, #tpu.memory_space<hbm>>
    %dma_wait3A_313 = arith.constant 0 : i32
    %dma_wait3A_314 = arith.constant 0 : i32
    %dma_wait3A_315 = tpu.memref_slice %arg6[%dma_wait3A_304, %dma_wait3A_313, %dma_wait3A_314] : memref<3x64x512xf32, #tpu.memory_space<vmem>> -> memref<1x64x512xf32, #tpu.memory_space<vmem>>
    %dma_wait3A_316 = tpu.memref_squeeze %dma_wait3A_315 : memref<1x64x512xf32, #tpu.memory_space<vmem>> -> memref<64x512xf32, #tpu.memory_space<vmem>>
    tpu.wait_dma2 semaphore(%arg11 : memref<!tpu.dma_semaphore, #tpu.memory_space<semaphore_mem>>) src(%dma_wait3A_316 : memref<64x512xf32, #tpu.memory_space<vmem>>) dst(%dma_wait3A_312 : memref<64x512xf32, #tpu.memory_space<hbm>>)
    %dma_start3A_317 = arith.constant 7 : i32
    %dma_start3A_318 = arith.constant 1 : i32
    %dma_start3A_319 = arith.constant 0 : i32
    %dma_start3A_320 = arith.constant 0 : i32
    %dma_start3A_321 = tpu.memref_slice %arg6[%dma_start3A_318, %dma_start3A_319, %dma_start3A_320] : memref<3x64x512xf32, #tpu.memory_space<vmem>> -> memref<1x64x512xf32, #tpu.memory_space<vmem>>
    %dma_start3A_322 = tpu.memref_squeeze %dma_start3A_321 : memref<1x64x512xf32, #tpu.memory_space<vmem>> -> memref<64x512xf32, #tpu.memory_space<vmem>>
    %dma_start3A_323 = tpu.memref_slice %arg5[%dma_start3A_317, %mul3A_36] : memref<20x128xi32, #tpu.memory_space<vmem>> -> memref<1x64xi32, #tpu.memory_space<vmem>>
    %dma_start3A_324 = tpu.memref_squeeze %dma_start3A_323 : memref<1x64xi32, #tpu.memory_space<vmem>> -> memref<64xi32, #tpu.memory_space<vmem>>
    %dma_start3A_325 = arith.constant 0 : i32
    %dma_start3A_326 = arith.constant 0 : i32
    %dma_start3A_327 = tpu.memref_slice %arg2[%dma_start3A_325, %dma_start3A_326] : memref<81920x512xf32, #tpu.memory_space<hbm>> -> memref<81920x512xf32, #tpu.memory_space<hbm>>
    tpu.enqueue_indirect_dma source(%dma_start3A_327 : memref<81920x512xf32, #tpu.memory_space<hbm>>) target(%dma_start3A_322 : memref<64x512xf32, #tpu.memory_space<vmem>>) offsets(%dma_start3A_324 : memref<64xi32, #tpu.memory_space<vmem>>) semaphore(%arg8 : memref<!tpu.dma_semaphore, #tpu.memory_space<semaphore_mem>>)
    %dma_wait3A_328 = arith.constant 5 : i32
    %dma_wait3A_329 = arith.constant 2 : i32
    %dma_wait3A_330 = arith.constant 0 : i32
    %dma_wait3A_331 = arith.constant 0 : i32
    %dma_wait3A_332 = tpu.memref_slice %arg6[%dma_wait3A_329, %dma_wait3A_330, %dma_wait3A_331] : memref<3x64x512xf32, #tpu.memory_space<vmem>> -> memref<1x64x512xf32, #tpu.memory_space<vmem>>
    %dma_wait3A_333 = tpu.memref_squeeze %dma_wait3A_332 : memref<1x64x512xf32, #tpu.memory_space<vmem>> -> memref<64x512xf32, #tpu.memory_space<vmem>>
    %dma_wait3A_334 = tpu.memref_slice %arg5[%dma_wait3A_328, %mul3A_36] : memref<20x128xi32, #tpu.memory_space<vmem>> -> memref<1x64xi32, #tpu.memory_space<vmem>>
    %dma_wait3A_335 = tpu.memref_squeeze %dma_wait3A_334 : memref<1x64xi32, #tpu.memory_space<vmem>> -> memref<64xi32, #tpu.memory_space<vmem>>
    %dma_wait3A_336 = arith.constant 0 : i32
    %dma_wait3A_337 = arith.constant 0 : i32
    %dma_wait3A_338 = tpu.memref_slice %arg2[%dma_wait3A_336, %dma_wait3A_337] : memref<81920x512xf32, #tpu.memory_space<hbm>> -> memref<81920x512xf32, #tpu.memory_space<hbm>>
    tpu.wait_indirect_dma semaphore(%arg9 : memref<!tpu.dma_semaphore, #tpu.memory_space<semaphore_mem>>) src(%dma_wait3A_338 : memref<81920x512xf32, #tpu.memory_space<hbm>>) dst(%dma_wait3A_333 : memref<64x512xf32, #tpu.memory_space<vmem>>)
    %mul3A_339 = arith.constant 64 : i32
    %mul3A_340 = arith.muli %add3A, %mul3A_339 : i32
    %add3A_341 = arith.constant 10240 : i32
    %add3A_342 = arith.addi %add3A_341, %mul3A_340 : i32
    %dma_start3A_343 = arith.constant 2 : i32
    %dma_start3A_344 = arith.constant 0 : i32
    %dma_start3A_345 = arith.constant 0 : i32
    %dma_start3A_346 = tpu.memref_slice %arg6[%dma_start3A_343, %dma_start3A_344, %dma_start3A_345] : memref<3x64x512xf32, #tpu.memory_space<vmem>> -> memref<1x64x512xf32, #tpu.memory_space<vmem>>
    %dma_start3A_347 = tpu.memref_squeeze %dma_start3A_346 : memref<1x64x512xf32, #tpu.memory_space<vmem>> -> memref<64x512xf32, #tpu.memory_space<vmem>>
    %dma_start3A_348 = arith.constant 0 : i32
    %dma_start3A_349 = tpu.memref_slice %arg4[%add3A_342, %dma_start3A_348] : memref<40960x512xf32, #tpu.memory_space<hbm>> -> memref<64x512xf32, #tpu.memory_space<hbm>>
    %dma_start3A_350 = arith.constant 0 : i32
    %dma_start3A_351 = tpu.memref_slice %arg4[%add3A_342, %dma_start3A_350] : memref<40960x512xf32, #tpu.memory_space<hbm>> -> memref<64x512xf32, #tpu.memory_space<hbm>>
    %dma_start3A_352 = arith.constant 0 : i32
    %dma_start3A_353 = arith.constant 0 : i32
    %dma_start3A_354 = tpu.memref_slice %arg6[%dma_start3A_343, %dma_start3A_352, %dma_start3A_353] : memref<3x64x512xf32, #tpu.memory_space<vmem>> -> memref<1x64x512xf32, #tpu.memory_space<vmem>>
    %dma_start3A_355 = tpu.memref_squeeze %dma_start3A_354 : memref<1x64x512xf32, #tpu.memory_space<vmem>> -> memref<64x512xf32, #tpu.memory_space<vmem>>
    tpu.enqueue_dma source(%dma_start3A_355 : memref<64x512xf32, #tpu.memory_space<vmem>>) target(%dma_start3A_351 : memref<64x512xf32, #tpu.memory_space<hbm>>) target_semaphore(%arg12 : memref<!tpu.dma_semaphore, #tpu.memory_space<semaphore_mem>>)
    %dma_wait3A_356 = arith.constant 2 : i32
    %dma_wait3A_357 = arith.constant 0 : i32
    %dma_wait3A_358 = arith.constant 0 : i32
    %dma_wait3A_359 = tpu.memref_slice %arg6[%dma_wait3A_356, %dma_wait3A_357, %dma_wait3A_358] : memref<3x64x512xf32, #tpu.memory_space<vmem>> -> memref<1x64x512xf32, #tpu.memory_space<vmem>>
    %dma_wait3A_360 = tpu.memref_squeeze %dma_wait3A_359 : memref<1x64x512xf32, #tpu.memory_space<vmem>> -> memref<64x512xf32, #tpu.memory_space<vmem>>
    %dma_wait3A_361 = arith.constant 0 : i32
    %dma_wait3A_362 = tpu.memref_slice %arg4[%add3A_342, %dma_wait3A_361] : memref<40960x512xf32, #tpu.memory_space<hbm>> -> memref<64x512xf32, #tpu.memory_space<hbm>>
    %dma_wait3A_363 = arith.constant 0 : i32
    %dma_wait3A_364 = tpu.memref_slice %arg4[%add3A_342, %dma_wait3A_363] : memref<40960x512xf32, #tpu.memory_space<hbm>> -> memref<64x512xf32, #tpu.memory_space<hbm>>
    %dma_wait3A_365 = arith.constant 0 : i32
    %dma_wait3A_366 = arith.constant 0 : i32
    %dma_wait3A_367 = tpu.memref_slice %arg6[%dma_wait3A_356, %dma_wait3A_365, %dma_wait3A_366] : memref<3x64x512xf32, #tpu.memory_space<vmem>> -> memref<1x64x512xf32, #tpu.memory_space<vmem>>
    %dma_wait3A_368 = tpu.memref_squeeze %dma_wait3A_367 : memref<1x64x512xf32, #tpu.memory_space<vmem>> -> memref<64x512xf32, #tpu.memory_space<vmem>>
    tpu.wait_dma2 semaphore(%arg12 : memref<!tpu.dma_semaphore, #tpu.memory_space<semaphore_mem>>) src(%dma_wait3A_368 : memref<64x512xf32, #tpu.memory_space<vmem>>) dst(%dma_wait3A_364 : memref<64x512xf32, #tpu.memory_space<hbm>>)
    %dma_start3A_369 = arith.constant 8 : i32
    %dma_start3A_370 = arith.constant 2 : i32
    %dma_start3A_371 = arith.constant 0 : i32
    %dma_start3A_372 = arith.constant 0 : i32
    %dma_start3A_373 = tpu.memref_slice %arg6[%dma_start3A_370, %dma_start3A_371, %dma_start3A_372] : memref<3x64x512xf32, #tpu.memory_space<vmem>> -> memref<1x64x512xf32, #tpu.memory_space<vmem>>
    %dma_start3A_374 = tpu.memref_squeeze %dma_start3A_373 : memref<1x64x512xf32, #tpu.memory_space<vmem>> -> memref<64x512xf32, #tpu.memory_space<vmem>>
    %dma_start3A_375 = tpu.memref_slice %arg5[%dma_start3A_369, %mul3A_36] : memref<20x128xi32, #tpu.memory_space<vmem>> -> memref<1x64xi32, #tpu.memory_space<vmem>>
    %dma_start3A_376 = tpu.memref_squeeze %dma_start3A_375 : memref<1x64xi32, #tpu.memory_space<vmem>> -> memref<64xi32, #tpu.memory_space<vmem>>
    %dma_start3A_377 = arith.constant 0 : i32
    %dma_start3A_378 = arith.constant 0 : i32
    %dma_start3A_379 = tpu.memref_slice %arg2[%dma_start3A_377, %dma_start3A_378] : memref<81920x512xf32, #tpu.memory_space<hbm>> -> memref<81920x512xf32, #tpu.memory_space<hbm>>
    tpu.enqueue_indirect_dma source(%dma_start3A_379 : memref<81920x512xf32, #tpu.memory_space<hbm>>) target(%dma_start3A_374 : memref<64x512xf32, #tpu.memory_space<vmem>>) offsets(%dma_start3A_376 : memref<64xi32, #tpu.memory_space<vmem>>) semaphore(%arg9 : memref<!tpu.dma_semaphore, #tpu.memory_space<semaphore_mem>>)
    %dma_wait3A_380 = arith.constant 6 : i32
    %dma_wait3A_381 = arith.constant 0 : i32
    %dma_wait3A_382 = arith.constant 0 : i32
    %dma_wait3A_383 = arith.constant 0 : i32
    %dma_wait3A_384 = tpu.memref_slice %arg6[%dma_wait3A_381, %dma_wait3A_382, %dma_wait3A_383] : memref<3x64x512xf32, #tpu.memory_space<vmem>> -> memref<1x64x512xf32, #tpu.memory_space<vmem>>
    %dma_wait3A_385 = tpu.memref_squeeze %dma_wait3A_384 : memref<1x64x512xf32, #tpu.memory_space<vmem>> -> memref<64x512xf32, #tpu.memory_space<vmem>>
    %dma_wait3A_386 = tpu.memref_slice %arg5[%dma_wait3A_380, %mul3A_36] : memref<20x128xi32, #tpu.memory_space<vmem>> -> memref<1x64xi32, #tpu.memory_space<vmem>>
    %dma_wait3A_387 = tpu.memref_squeeze %dma_wait3A_386 : memref<1x64xi32, #tpu.memory_space<vmem>> -> memref<64xi32, #tpu.memory_space<vmem>>
    %dma_wait3A_388 = arith.constant 0 : i32
    %dma_wait3A_389 = arith.constant 0 : i32
    %dma_wait3A_390 = tpu.memref_slice %arg2[%dma_wait3A_388, %dma_wait3A_389] : memref<81920x512xf32, #tpu.memory_space<hbm>> -> memref<81920x512xf32, #tpu.memory_space<hbm>>
    tpu.wait_indirect_dma semaphore(%arg7 : memref<!tpu.dma_semaphore, #tpu.memory_space<semaphore_mem>>) src(%dma_wait3A_390 : memref<81920x512xf32, #tpu.memory_space<hbm>>) dst(%dma_wait3A_385 : memref<64x512xf32, #tpu.memory_space<vmem>>)
    %mul3A_391 = arith.constant 64 : i32
    %mul3A_392 = arith.muli %add3A, %mul3A_391 : i32
    %add3A_393 = arith.constant 12288 : i32
    %add3A_394 = arith.addi %add3A_393, %mul3A_392 : i32
    %dma_start3A_395 = arith.constant 0 : i32
    %dma_start3A_396 = arith.constant 0 : i32
    %dma_start3A_397 = arith.constant 0 : i32
    %dma_start3A_398 = tpu.memref_slice %arg6[%dma_start3A_395, %dma_start3A_396, %dma_start3A_397] : memref<3x64x512xf32, #tpu.memory_space<vmem>> -> memref<1x64x512xf32, #tpu.memory_space<vmem>>
    %dma_start3A_399 = tpu.memref_squeeze %dma_start3A_398 : memref<1x64x512xf32, #tpu.memory_space<vmem>> -> memref<64x512xf32, #tpu.memory_space<vmem>>
    %dma_start3A_400 = arith.constant 0 : i32
    %dma_start3A_401 = tpu.memref_slice %arg4[%add3A_394, %dma_start3A_400] : memref<40960x512xf32, #tpu.memory_space<hbm>> -> memref<64x512xf32, #tpu.memory_space<hbm>>
    %dma_start3A_402 = arith.constant 0 : i32
    %dma_start3A_403 = tpu.memref_slice %arg4[%add3A_394, %dma_start3A_402] : memref<40960x512xf32, #tpu.memory_space<hbm>> -> memref<64x512xf32, #tpu.memory_space<hbm>>
    %dma_start3A_404 = arith.constant 0 : i32
    %dma_start3A_405 = arith.constant 0 : i32
    %dma_start3A_406 = tpu.memref_slice %arg6[%dma_start3A_395, %dma_start3A_404, %dma_start3A_405] : memref<3x64x512xf32, #tpu.memory_space<vmem>> -> memref<1x64x512xf32, #tpu.memory_space<vmem>>
    %dma_start3A_407 = tpu.memref_squeeze %dma_start3A_406 : memref<1x64x512xf32, #tpu.memory_space<vmem>> -> memref<64x512xf32, #tpu.memory_space<vmem>>
    tpu.enqueue_dma source(%dma_start3A_407 : memref<64x512xf32, #tpu.memory_space<vmem>>) target(%dma_start3A_403 : memref<64x512xf32, #tpu.memory_space<hbm>>) target_semaphore(%arg10 : memref<!tpu.dma_semaphore, #tpu.memory_space<semaphore_mem>>)
    %dma_wait3A_408 = arith.constant 0 : i32
    %dma_wait3A_409 = arith.constant 0 : i32
    %dma_wait3A_410 = arith.constant 0 : i32
    %dma_wait3A_411 = tpu.memref_slice %arg6[%dma_wait3A_408, %dma_wait3A_409, %dma_wait3A_410] : memref<3x64x512xf32, #tpu.memory_space<vmem>> -> memref<1x64x512xf32, #tpu.memory_space<vmem>>
    %dma_wait3A_412 = tpu.memref_squeeze %dma_wait3A_411 : memref<1x64x512xf32, #tpu.memory_space<vmem>> -> memref<64x512xf32, #tpu.memory_space<vmem>>
    %dma_wait3A_413 = arith.constant 0 : i32
    %dma_wait3A_414 = tpu.memref_slice %arg4[%add3A_394, %dma_wait3A_413] : memref<40960x512xf32, #tpu.memory_space<hbm>> -> memref<64x512xf32, #tpu.memory_space<hbm>>
    %dma_wait3A_415 = arith.constant 0 : i32
    %dma_wait3A_416 = tpu.memref_slice %arg4[%add3A_394, %dma_wait3A_415] : memref<40960x512xf32, #tpu.memory_space<hbm>> -> memref<64x512xf32, #tpu.memory_space<hbm>>
    %dma_wait3A_417 = arith.constant 0 : i32
    %dma_wait3A_418 = arith.constant 0 : i32
    %dma_wait3A_419 = tpu.memref_slice %arg6[%dma_wait3A_408, %dma_wait3A_417, %dma_wait3A_418] : memref<3x64x512xf32, #tpu.memory_space<vmem>> -> memref<1x64x512xf32, #tpu.memory_space<vmem>>
    %dma_wait3A_420 = tpu.memref_squeeze %dma_wait3A_419 : memref<1x64x512xf32, #tpu.memory_space<vmem>> -> memref<64x512xf32, #tpu.memory_space<vmem>>
    tpu.wait_dma2 semaphore(%arg10 : memref<!tpu.dma_semaphore, #tpu.memory_space<semaphore_mem>>) src(%dma_wait3A_420 : memref<64x512xf32, #tpu.memory_space<vmem>>) dst(%dma_wait3A_416 : memref<64x512xf32, #tpu.memory_space<hbm>>)
    %dma_start3A_421 = arith.constant 9 : i32
    %dma_start3A_422 = arith.constant 0 : i32
    %dma_start3A_423 = arith.constant 0 : i32
    %dma_start3A_424 = arith.constant 0 : i32
    %dma_start3A_425 = tpu.memref_slice %arg6[%dma_start3A_422, %dma_start3A_423, %dma_start3A_424] : memref<3x64x512xf32, #tpu.memory_space<vmem>> -> memref<1x64x512xf32, #tpu.memory_space<vmem>>
    %dma_start3A_426 = tpu.memref_squeeze %dma_start3A_425 : memref<1x64x512xf32, #tpu.memory_space<vmem>> -> memref<64x512xf32, #tpu.memory_space<vmem>>
    %dma_start3A_427 = tpu.memref_slice %arg5[%dma_start3A_421, %mul3A_36] : memref<20x128xi32, #tpu.memory_space<vmem>> -> memref<1x64xi32, #tpu.memory_space<vmem>>
    %dma_start3A_428 = tpu.memref_squeeze %dma_start3A_427 : memref<1x64xi32, #tpu.memory_space<vmem>> -> memref<64xi32, #tpu.memory_space<vmem>>
    %dma_start3A_429 = arith.constant 0 : i32
    %dma_start3A_430 = arith.constant 0 : i32
    %dma_start3A_431 = tpu.memref_slice %arg2[%dma_start3A_429, %dma_start3A_430] : memref<81920x512xf32, #tpu.memory_space<hbm>> -> memref<81920x512xf32, #tpu.memory_space<hbm>>
    tpu.enqueue_indirect_dma source(%dma_start3A_431 : memref<81920x512xf32, #tpu.memory_space<hbm>>) target(%dma_start3A_426 : memref<64x512xf32, #tpu.memory_space<vmem>>) offsets(%dma_start3A_428 : memref<64xi32, #tpu.memory_space<vmem>>) semaphore(%arg7 : memref<!tpu.dma_semaphore, #tpu.memory_space<semaphore_mem>>)
    %dma_wait3A_432 = arith.constant 7 : i32
    %dma_wait3A_433 = arith.constant 1 : i32
    %dma_wait3A_434 = arith.constant 0 : i32
    %dma_wait3A_435 = arith.constant 0 : i32
    %dma_wait3A_436 = tpu.memref_slice %arg6[%dma_wait3A_433, %dma_wait3A_434, %dma_wait3A_435] : memref<3x64x512xf32, #tpu.memory_space<vmem>> -> memref<1x64x512xf32, #tpu.memory_space<vmem>>
    %dma_wait3A_437 = tpu.memref_squeeze %dma_wait3A_436 : memref<1x64x512xf32, #tpu.memory_space<vmem>> -> memref<64x512xf32, #tpu.memory_space<vmem>>
    %dma_wait3A_438 = tpu.memref_slice %arg5[%dma_wait3A_432, %mul3A_36] : memref<20x128xi32, #tpu.memory_space<vmem>> -> memref<1x64xi32, #tpu.memory_space<vmem>>
    %dma_wait3A_439 = tpu.memref_squeeze %dma_wait3A_438 : memref<1x64xi32, #tpu.memory_space<vmem>> -> memref<64xi32, #tpu.memory_space<vmem>>
    %dma_wait3A_440 = arith.constant 0 : i32
    %dma_wait3A_441 = arith.constant 0 : i32
    %dma_wait3A_442 = tpu.memref_slice %arg2[%dma_wait3A_440, %dma_wait3A_441] : memref<81920x512xf32, #tpu.memory_space<hbm>> -> memref<81920x512xf32, #tpu.memory_space<hbm>>
    tpu.wait_indirect_dma semaphore(%arg8 : memref<!tpu.dma_semaphore, #tpu.memory_space<semaphore_mem>>) src(%dma_wait3A_442 : memref<81920x512xf32, #tpu.memory_space<hbm>>) dst(%dma_wait3A_437 : memref<64x512xf32, #tpu.memory_space<vmem>>)
    %mul3A_443 = arith.constant 64 : i32
    %mul3A_444 = arith.muli %add3A, %mul3A_443 : i32
    %add3A_445 = arith.constant 14336 : i32
    %add3A_446 = arith.addi %add3A_445, %mul3A_444 : i32
    %dma_start3A_447 = arith.constant 1 : i32
    %dma_start3A_448 = arith.constant 0 : i32
    %dma_start3A_449 = arith.constant 0 : i32
    %dma_start3A_450 = tpu.memref_slice %arg6[%dma_start3A_447, %dma_start3A_448, %dma_start3A_449] : memref<3x64x512xf32, #tpu.memory_space<vmem>> -> memref<1x64x512xf32, #tpu.memory_space<vmem>>
    %dma_start3A_451 = tpu.memref_squeeze %dma_start3A_450 : memref<1x64x512xf32, #tpu.memory_space<vmem>> -> memref<64x512xf32, #tpu.memory_space<vmem>>
    %dma_start3A_452 = arith.constant 0 : i32
    %dma_start3A_453 = tpu.memref_slice %arg4[%add3A_446, %dma_start3A_452] : memref<40960x512xf32, #tpu.memory_space<hbm>> -> memref<64x512xf32, #tpu.memory_space<hbm>>
    %dma_start3A_454 = arith.constant 0 : i32
    %dma_start3A_455 = tpu.memref_slice %arg4[%add3A_446, %dma_start3A_454] : memref<40960x512xf32, #tpu.memory_space<hbm>> -> memref<64x512xf32, #tpu.memory_space<hbm>>
    %dma_start3A_456 = arith.constant 0 : i32
    %dma_start3A_457 = arith.constant 0 : i32
    %dma_start3A_458 = tpu.memref_slice %arg6[%dma_start3A_447, %dma_start3A_456, %dma_start3A_457] : memref<3x64x512xf32, #tpu.memory_space<vmem>> -> memref<1x64x512xf32, #tpu.memory_space<vmem>>
    %dma_start3A_459 = tpu.memref_squeeze %dma_start3A_458 : memref<1x64x512xf32, #tpu.memory_space<vmem>> -> memref<64x512xf32, #tpu.memory_space<vmem>>
    tpu.enqueue_dma source(%dma_start3A_459 : memref<64x512xf32, #tpu.memory_space<vmem>>) target(%dma_start3A_455 : memref<64x512xf32, #tpu.memory_space<hbm>>) target_semaphore(%arg11 : memref<!tpu.dma_semaphore, #tpu.memory_space<semaphore_mem>>)
    %dma_wait3A_460 = arith.constant 1 : i32
    %dma_wait3A_461 = arith.constant 0 : i32
    %dma_wait3A_462 = arith.constant 0 : i32
    %dma_wait3A_463 = tpu.memref_slice %arg6[%dma_wait3A_460, %dma_wait3A_461, %dma_wait3A_462] : memref<3x64x512xf32, #tpu.memory_space<vmem>> -> memref<1x64x512xf32, #tpu.memory_space<vmem>>
    %dma_wait3A_464 = tpu.memref_squeeze %dma_wait3A_463 : memref<1x64x512xf32, #tpu.memory_space<vmem>> -> memref<64x512xf32, #tpu.memory_space<vmem>>
    %dma_wait3A_465 = arith.constant 0 : i32
    %dma_wait3A_466 = tpu.memref_slice %arg4[%add3A_446, %dma_wait3A_465] : memref<40960x512xf32, #tpu.memory_space<hbm>> -> memref<64x512xf32, #tpu.memory_space<hbm>>
    %dma_wait3A_467 = arith.constant 0 : i32
    %dma_wait3A_468 = tpu.memref_slice %arg4[%add3A_446, %dma_wait3A_467] : memref<40960x512xf32, #tpu.memory_space<hbm>> -> memref<64x512xf32, #tpu.memory_space<hbm>>
    %dma_wait3A_469 = arith.constant 0 : i32
    %dma_wait3A_470 = arith.constant 0 : i32
    %dma_wait3A_471 = tpu.memref_slice %arg6[%dma_wait3A_460, %dma_wait3A_469, %dma_wait3A_470] : memref<3x64x512xf32, #tpu.memory_space<vmem>> -> memref<1x64x512xf32, #tpu.memory_space<vmem>>
    %dma_wait3A_472 = tpu.memref_squeeze %dma_wait3A_471 : memref<1x64x512xf32, #tpu.memory_space<vmem>> -> memref<64x512xf32, #tpu.memory_space<vmem>>
    tpu.wait_dma2 semaphore(%arg11 : memref<!tpu.dma_semaphore, #tpu.memory_space<semaphore_mem>>) src(%dma_wait3A_472 : memref<64x512xf32, #tpu.memory_space<vmem>>) dst(%dma_wait3A_468 : memref<64x512xf32, #tpu.memory_space<hbm>>)
    %dma_start3A_473 = arith.constant 10 : i32
    %dma_start3A_474 = arith.constant 1 : i32
    %dma_start3A_475 = arith.constant 0 : i32
    %dma_start3A_476 = arith.constant 0 : i32
    %dma_start3A_477 = tpu.memref_slice %arg6[%dma_start3A_474, %dma_start3A_475, %dma_start3A_476] : memref<3x64x512xf32, #tpu.memory_space<vmem>> -> memref<1x64x512xf32, #tpu.memory_space<vmem>>
    %dma_start3A_478 = tpu.memref_squeeze %dma_start3A_477 : memref<1x64x512xf32, #tpu.memory_space<vmem>> -> memref<64x512xf32, #tpu.memory_space<vmem>>
    %dma_start3A_479 = tpu.memref_slice %arg5[%dma_start3A_473, %mul3A_36] : memref<20x128xi32, #tpu.memory_space<vmem>> -> memref<1x64xi32, #tpu.memory_space<vmem>>
    %dma_start3A_480 = tpu.memref_squeeze %dma_start3A_479 : memref<1x64xi32, #tpu.memory_space<vmem>> -> memref<64xi32, #tpu.memory_space<vmem>>
    %dma_start3A_481 = arith.constant 0 : i32
    %dma_start3A_482 = arith.constant 0 : i32
    %dma_start3A_483 = tpu.memref_slice %arg2[%dma_start3A_481, %dma_start3A_482] : memref<81920x512xf32, #tpu.memory_space<hbm>> -> memref<81920x512xf32, #tpu.memory_space<hbm>>
    tpu.enqueue_indirect_dma source(%dma_start3A_483 : memref<81920x512xf32, #tpu.memory_space<hbm>>) target(%dma_start3A_478 : memref<64x512xf32, #tpu.memory_space<vmem>>) offsets(%dma_start3A_480 : memref<64xi32, #tpu.memory_space<vmem>>) semaphore(%arg8 : memref<!tpu.dma_semaphore, #tpu.memory_space<semaphore_mem>>)
    %dma_wait3A_484 = arith.constant 8 : i32
    %dma_wait3A_485 = arith.constant 2 : i32
    %dma_wait3A_486 = arith.constant 0 : i32
    %dma_wait3A_487 = arith.constant 0 : i32
    %dma_wait3A_488 = tpu.memref_slice %arg6[%dma_wait3A_485, %dma_wait3A_486, %dma_wait3A_487] : memref<3x64x512xf32, #tpu.memory_space<vmem>> -> memref<1x64x512xf32, #tpu.memory_space<vmem>>
    %dma_wait3A_489 = tpu.memref_squeeze %dma_wait3A_488 : memref<1x64x512xf32, #tpu.memory_space<vmem>> -> memref<64x512xf32, #tpu.memory_space<vmem>>
    %dma_wait3A_490 = tpu.memref_slice %arg5[%dma_wait3A_484, %mul3A_36] : memref<20x128xi32, #tpu.memory_space<vmem>> -> memref<1x64xi32, #tpu.memory_space<vmem>>
    %dma_wait3A_491 = tpu.memref_squeeze %dma_wait3A_490 : memref<1x64xi32, #tpu.memory_space<vmem>> -> memref<64xi32, #tpu.memory_space<vmem>>
    %dma_wait3A_492 = arith.constant 0 : i32
    %dma_wait3A_493 = arith.constant 0 : i32
    %dma_wait3A_494 = tpu.memref_slice %arg2[%dma_wait3A_492, %dma_wait3A_493] : memref<81920x512xf32, #tpu.memory_space<hbm>> -> memref<81920x512xf32, #tpu.memory_space<hbm>>
    tpu.wait_indirect_dma semaphore(%arg9 : memref<!tpu.dma_semaphore, #tpu.memory_space<semaphore_mem>>) src(%dma_wait3A_494 : memref<81920x512xf32, #tpu.memory_space<hbm>>) dst(%dma_wait3A_489 : memref<64x512xf32, #tpu.memory_space<vmem>>)
    %mul3A_495 = arith.constant 64 : i32
    %mul3A_496 = arith.muli %add3A, %mul3A_495 : i32
    %add3A_497 = arith.constant 16384 : i32
    %add3A_498 = arith.addi %add3A_497, %mul3A_496 : i32
    %dma_start3A_499 = arith.constant 2 : i32
    %dma_start3A_500 = arith.constant 0 : i32
    %dma_start3A_501 = arith.constant 0 : i32
    %dma_start3A_502 = tpu.memref_slice %arg6[%dma_start3A_499, %dma_start3A_500, %dma_start3A_501] : memref<3x64x512xf32, #tpu.memory_space<vmem>> -> memref<1x64x512xf32, #tpu.memory_space<vmem>>
    %dma_start3A_503 = tpu.memref_squeeze %dma_start3A_502 : memref<1x64x512xf32, #tpu.memory_space<vmem>> -> memref<64x512xf32, #tpu.memory_space<vmem>>
    %dma_start3A_504 = arith.constant 0 : i32
    %dma_start3A_505 = tpu.memref_slice %arg4[%add3A_498, %dma_start3A_504] : memref<40960x512xf32, #tpu.memory_space<hbm>> -> memref<64x512xf32, #tpu.memory_space<hbm>>
    %dma_start3A_506 = arith.constant 0 : i32
    %dma_start3A_507 = tpu.memref_slice %arg4[%add3A_498, %dma_start3A_506] : memref<40960x512xf32, #tpu.memory_space<hbm>> -> memref<64x512xf32, #tpu.memory_space<hbm>>
    %dma_start3A_508 = arith.constant 0 : i32
    %dma_start3A_509 = arith.constant 0 : i32
    %dma_start3A_510 = tpu.memref_slice %arg6[%dma_start3A_499, %dma_start3A_508, %dma_start3A_509] : memref<3x64x512xf32, #tpu.memory_space<vmem>> -> memref<1x64x512xf32, #tpu.memory_space<vmem>>
    %dma_start3A_511 = tpu.memref_squeeze %dma_start3A_510 : memref<1x64x512xf32, #tpu.memory_space<vmem>> -> memref<64x512xf32, #tpu.memory_space<vmem>>
    tpu.enqueue_dma source(%dma_start3A_511 : memref<64x512xf32, #tpu.memory_space<vmem>>) target(%dma_start3A_507 : memref<64x512xf32, #tpu.memory_space<hbm>>) target_semaphore(%arg12 : memref<!tpu.dma_semaphore, #tpu.memory_space<semaphore_mem>>)
    %dma_wait3A_512 = arith.constant 2 : i32
    %dma_wait3A_513 = arith.constant 0 : i32
    %dma_wait3A_514 = arith.constant 0 : i32
    %dma_wait3A_515 = tpu.memref_slice %arg6[%dma_wait3A_512, %dma_wait3A_513, %dma_wait3A_514] : memref<3x64x512xf32, #tpu.memory_space<vmem>> -> memref<1x64x512xf32, #tpu.memory_space<vmem>>
    %dma_wait3A_516 = tpu.memref_squeeze %dma_wait3A_515 : memref<1x64x512xf32, #tpu.memory_space<vmem>> -> memref<64x512xf32, #tpu.memory_space<vmem>>
    %dma_wait3A_517 = arith.constant 0 : i32
    %dma_wait3A_518 = tpu.memref_slice %arg4[%add3A_498, %dma_wait3A_517] : memref<40960x512xf32, #tpu.memory_space<hbm>> -> memref<64x512xf32, #tpu.memory_space<hbm>>
    %dma_wait3A_519 = arith.constant 0 : i32
    %dma_wait3A_520 = tpu.memref_slice %arg4[%add3A_498, %dma_wait3A_519] : memref<40960x512xf32, #tpu.memory_space<hbm>> -> memref<64x512xf32, #tpu.memory_space<hbm>>
    %dma_wait3A_521 = arith.constant 0 : i32
    %dma_wait3A_522 = arith.constant 0 : i32
    %dma_wait3A_523 = tpu.memref_slice %arg6[%dma_wait3A_512, %dma_wait3A_521, %dma_wait3A_522] : memref<3x64x512xf32, #tpu.memory_space<vmem>> -> memref<1x64x512xf32, #tpu.memory_space<vmem>>
    %dma_wait3A_524 = tpu.memref_squeeze %dma_wait3A_523 : memref<1x64x512xf32, #tpu.memory_space<vmem>> -> memref<64x512xf32, #tpu.memory_space<vmem>>
    tpu.wait_dma2 semaphore(%arg12 : memref<!tpu.dma_semaphore, #tpu.memory_space<semaphore_mem>>) src(%dma_wait3A_524 : memref<64x512xf32, #tpu.memory_space<vmem>>) dst(%dma_wait3A_520 : memref<64x512xf32, #tpu.memory_space<hbm>>)
    %dma_start3A_525 = arith.constant 11 : i32
    %dma_start3A_526 = arith.constant 2 : i32
    %dma_start3A_527 = arith.constant 0 : i32
    %dma_start3A_528 = arith.constant 0 : i32
    %dma_start3A_529 = tpu.memref_slice %arg6[%dma_start3A_526, %dma_start3A_527, %dma_start3A_528] : memref<3x64x512xf32, #tpu.memory_space<vmem>> -> memref<1x64x512xf32, #tpu.memory_space<vmem>>
    %dma_start3A_530 = tpu.memref_squeeze %dma_start3A_529 : memref<1x64x512xf32, #tpu.memory_space<vmem>> -> memref<64x512xf32, #tpu.memory_space<vmem>>
    %dma_start3A_531 = tpu.memref_slice %arg5[%dma_start3A_525, %mul3A_36] : memref<20x128xi32, #tpu.memory_space<vmem>> -> memref<1x64xi32, #tpu.memory_space<vmem>>
    %dma_start3A_532 = tpu.memref_squeeze %dma_start3A_531 : memref<1x64xi32, #tpu.memory_space<vmem>> -> memref<64xi32, #tpu.memory_space<vmem>>
    %dma_start3A_533 = arith.constant 0 : i32
    %dma_start3A_534 = arith.constant 0 : i32
    %dma_start3A_535 = tpu.memref_slice %arg2[%dma_start3A_533, %dma_start3A_534] : memref<81920x512xf32, #tpu.memory_space<hbm>> -> memref<81920x512xf32, #tpu.memory_space<hbm>>
    tpu.enqueue_indirect_dma source(%dma_start3A_535 : memref<81920x512xf32, #tpu.memory_space<hbm>>) target(%dma_start3A_530 : memref<64x512xf32, #tpu.memory_space<vmem>>) offsets(%dma_start3A_532 : memref<64xi32, #tpu.memory_space<vmem>>) semaphore(%arg9 : memref<!tpu.dma_semaphore, #tpu.memory_space<semaphore_mem>>)
    %dma_wait3A_536 = arith.constant 9 : i32
    %dma_wait3A_537 = arith.constant 0 : i32
    %dma_wait3A_538 = arith.constant 0 : i32
    %dma_wait3A_539 = arith.constant 0 : i32
    %dma_wait3A_540 = tpu.memref_slice %arg6[%dma_wait3A_537, %dma_wait3A_538, %dma_wait3A_539] : memref<3x64x512xf32, #tpu.memory_space<vmem>> -> memref<1x64x512xf32, #tpu.memory_space<vmem>>
    %dma_wait3A_541 = tpu.memref_squeeze %dma_wait3A_540 : memref<1x64x512xf32, #tpu.memory_space<vmem>> -> memref<64x512xf32, #tpu.memory_space<vmem>>
    %dma_wait3A_542 = tpu.memref_slice %arg5[%dma_wait3A_536, %mul3A_36] : memref<20x128xi32, #tpu.memory_space<vmem>> -> memref<1x64xi32, #tpu.memory_space<vmem>>
    %dma_wait3A_543 = tpu.memref_squeeze %dma_wait3A_542 : memref<1x64xi32, #tpu.memory_space<vmem>> -> memref<64xi32, #tpu.memory_space<vmem>>
    %dma_wait3A_544 = arith.constant 0 : i32
    %dma_wait3A_545 = arith.constant 0 : i32
    %dma_wait3A_546 = tpu.memref_slice %arg2[%dma_wait3A_544, %dma_wait3A_545] : memref<81920x512xf32, #tpu.memory_space<hbm>> -> memref<81920x512xf32, #tpu.memory_space<hbm>>
    tpu.wait_indirect_dma semaphore(%arg7 : memref<!tpu.dma_semaphore, #tpu.memory_space<semaphore_mem>>) src(%dma_wait3A_546 : memref<81920x512xf32, #tpu.memory_space<hbm>>) dst(%dma_wait3A_541 : memref<64x512xf32, #tpu.memory_space<vmem>>)
    %mul3A_547 = arith.constant 64 : i32
    %mul3A_548 = arith.muli %add3A, %mul3A_547 : i32
    %add3A_549 = arith.constant 18432 : i32
    %add3A_550 = arith.addi %add3A_549, %mul3A_548 : i32
    %dma_start3A_551 = arith.constant 0 : i32
    %dma_start3A_552 = arith.constant 0 : i32
    %dma_start3A_553 = arith.constant 0 : i32
    %dma_start3A_554 = tpu.memref_slice %arg6[%dma_start3A_551, %dma_start3A_552, %dma_start3A_553] : memref<3x64x512xf32, #tpu.memory_space<vmem>> -> memref<1x64x512xf32, #tpu.memory_space<vmem>>
    %dma_start3A_555 = tpu.memref_squeeze %dma_start3A_554 : memref<1x64x512xf32, #tpu.memory_space<vmem>> -> memref<64x512xf32, #tpu.memory_space<vmem>>
    %dma_start3A_556 = arith.constant 0 : i32
    %dma_start3A_557 = tpu.memref_slice %arg4[%add3A_550, %dma_start3A_556] : memref<40960x512xf32, #tpu.memory_space<hbm>> -> memref<64x512xf32, #tpu.memory_space<hbm>>
    %dma_start3A_558 = arith.constant 0 : i32
    %dma_start3A_559 = tpu.memref_slice %arg4[%add3A_550, %dma_start3A_558] : memref<40960x512xf32, #tpu.memory_space<hbm>> -> memref<64x512xf32, #tpu.memory_space<hbm>>
    %dma_start3A_560 = arith.constant 0 : i32
    %dma_start3A_561 = arith.constant 0 : i32
    %dma_start3A_562 = tpu.memref_slice %arg6[%dma_start3A_551, %dma_start3A_560, %dma_start3A_561] : memref<3x64x512xf32, #tpu.memory_space<vmem>> -> memref<1x64x512xf32, #tpu.memory_space<vmem>>
    %dma_start3A_563 = tpu.memref_squeeze %dma_start3A_562 : memref<1x64x512xf32, #tpu.memory_space<vmem>> -> memref<64x512xf32, #tpu.memory_space<vmem>>
    tpu.enqueue_dma source(%dma_start3A_563 : memref<64x512xf32, #tpu.memory_space<vmem>>) target(%dma_start3A_559 : memref<64x512xf32, #tpu.memory_space<hbm>>) target_semaphore(%arg10 : memref<!tpu.dma_semaphore, #tpu.memory_space<semaphore_mem>>)
    %dma_wait3A_564 = arith.constant 0 : i32
    %dma_wait3A_565 = arith.constant 0 : i32
    %dma_wait3A_566 = arith.constant 0 : i32
    %dma_wait3A_567 = tpu.memref_slice %arg6[%dma_wait3A_564, %dma_wait3A_565, %dma_wait3A_566] : memref<3x64x512xf32, #tpu.memory_space<vmem>> -> memref<1x64x512xf32, #tpu.memory_space<vmem>>
    %dma_wait3A_568 = tpu.memref_squeeze %dma_wait3A_567 : memref<1x64x512xf32, #tpu.memory_space<vmem>> -> memref<64x512xf32, #tpu.memory_space<vmem>>
    %dma_wait3A_569 = arith.constant 0 : i32
    %dma_wait3A_570 = tpu.memref_slice %arg4[%add3A_550, %dma_wait3A_569] : memref<40960x512xf32, #tpu.memory_space<hbm>> -> memref<64x512xf32, #tpu.memory_space<hbm>>
    %dma_wait3A_571 = arith.constant 0 : i32
    %dma_wait3A_572 = tpu.memref_slice %arg4[%add3A_550, %dma_wait3A_571] : memref<40960x512xf32, #tpu.memory_space<hbm>> -> memref<64x512xf32, #tpu.memory_space<hbm>>
    %dma_wait3A_573 = arith.constant 0 : i32
    %dma_wait3A_574 = arith.constant 0 : i32
    %dma_wait3A_575 = tpu.memref_slice %arg6[%dma_wait3A_564, %dma_wait3A_573, %dma_wait3A_574] : memref<3x64x512xf32, #tpu.memory_space<vmem>> -> memref<1x64x512xf32, #tpu.memory_space<vmem>>
    %dma_wait3A_576 = tpu.memref_squeeze %dma_wait3A_575 : memref<1x64x512xf32, #tpu.memory_space<vmem>> -> memref<64x512xf32, #tpu.memory_space<vmem>>
    tpu.wait_dma2 semaphore(%arg10 : memref<!tpu.dma_semaphore, #tpu.memory_space<semaphore_mem>>) src(%dma_wait3A_576 : memref<64x512xf32, #tpu.memory_space<vmem>>) dst(%dma_wait3A_572 : memref<64x512xf32, #tpu.memory_space<hbm>>)
    %dma_start3A_577 = arith.constant 12 : i32
    %dma_start3A_578 = arith.constant 0 : i32
    %dma_start3A_579 = arith.constant 0 : i32
    %dma_start3A_580 = arith.constant 0 : i32
    %dma_start3A_581 = tpu.memref_slice %arg6[%dma_start3A_578, %dma_start3A_579, %dma_start3A_580] : memref<3x64x512xf32, #tpu.memory_space<vmem>> -> memref<1x64x512xf32, #tpu.memory_space<vmem>>
    %dma_start3A_582 = tpu.memref_squeeze %dma_start3A_581 : memref<1x64x512xf32, #tpu.memory_space<vmem>> -> memref<64x512xf32, #tpu.memory_space<vmem>>
    %dma_start3A_583 = tpu.memref_slice %arg5[%dma_start3A_577, %mul3A_36] : memref<20x128xi32, #tpu.memory_space<vmem>> -> memref<1x64xi32, #tpu.memory_space<vmem>>
    %dma_start3A_584 = tpu.memref_squeeze %dma_start3A_583 : memref<1x64xi32, #tpu.memory_space<vmem>> -> memref<64xi32, #tpu.memory_space<vmem>>
    %dma_start3A_585 = arith.constant 0 : i32
    %dma_start3A_586 = arith.constant 0 : i32
    %dma_start3A_587 = tpu.memref_slice %arg2[%dma_start3A_585, %dma_start3A_586] : memref<81920x512xf32, #tpu.memory_space<hbm>> -> memref<81920x512xf32, #tpu.memory_space<hbm>>
    tpu.enqueue_indirect_dma source(%dma_start3A_587 : memref<81920x512xf32, #tpu.memory_space<hbm>>) target(%dma_start3A_582 : memref<64x512xf32, #tpu.memory_space<vmem>>) offsets(%dma_start3A_584 : memref<64xi32, #tpu.memory_space<vmem>>) semaphore(%arg7 : memref<!tpu.dma_semaphore, #tpu.memory_space<semaphore_mem>>)
    %dma_wait3A_588 = arith.constant 10 : i32
    %dma_wait3A_589 = arith.constant 1 : i32
    %dma_wait3A_590 = arith.constant 0 : i32
    %dma_wait3A_591 = arith.constant 0 : i32
    %dma_wait3A_592 = tpu.memref_slice %arg6[%dma_wait3A_589, %dma_wait3A_590, %dma_wait3A_591] : memref<3x64x512xf32, #tpu.memory_space<vmem>> -> memref<1x64x512xf32, #tpu.memory_space<vmem>>
    %dma_wait3A_593 = tpu.memref_squeeze %dma_wait3A_592 : memref<1x64x512xf32, #tpu.memory_space<vmem>> -> memref<64x512xf32, #tpu.memory_space<vmem>>
    %dma_wait3A_594 = tpu.memref_slice %arg5[%dma_wait3A_588, %mul3A_36] : memref<20x128xi32, #tpu.memory_space<vmem>> -> memref<1x64xi32, #tpu.memory_space<vmem>>
    %dma_wait3A_595 = tpu.memref_squeeze %dma_wait3A_594 : memref<1x64xi32, #tpu.memory_space<vmem>> -> memref<64xi32, #tpu.memory_space<vmem>>
    %dma_wait3A_596 = arith.constant 0 : i32
    %dma_wait3A_597 = arith.constant 0 : i32
    %dma_wait3A_598 = tpu.memref_slice %arg2[%dma_wait3A_596, %dma_wait3A_597] : memref<81920x512xf32, #tpu.memory_space<hbm>> -> memref<81920x512xf32, #tpu.memory_space<hbm>>
    tpu.wait_indirect_dma semaphore(%arg8 : memref<!tpu.dma_semaphore, #tpu.memory_space<semaphore_mem>>) src(%dma_wait3A_598 : memref<81920x512xf32, #tpu.memory_space<hbm>>) dst(%dma_wait3A_593 : memref<64x512xf32, #tpu.memory_space<vmem>>)
    %mul3A_599 = arith.constant 64 : i32
    %mul3A_600 = arith.muli %add3A, %mul3A_599 : i32
    %add3A_601 = arith.constant 20480 : i32
    %add3A_602 = arith.addi %add3A_601, %mul3A_600 : i32
    %dma_start3A_603 = arith.constant 1 : i32
    %dma_start3A_604 = arith.constant 0 : i32
    %dma_start3A_605 = arith.constant 0 : i32
    %dma_start3A_606 = tpu.memref_slice %arg6[%dma_start3A_603, %dma_start3A_604, %dma_start3A_605] : memref<3x64x512xf32, #tpu.memory_space<vmem>> -> memref<1x64x512xf32, #tpu.memory_space<vmem>>
    %dma_start3A_607 = tpu.memref_squeeze %dma_start3A_606 : memref<1x64x512xf32, #tpu.memory_space<vmem>> -> memref<64x512xf32, #tpu.memory_space<vmem>>
    %dma_start3A_608 = arith.constant 0 : i32
    %dma_start3A_609 = tpu.memref_slice %arg4[%add3A_602, %dma_start3A_608] : memref<40960x512xf32, #tpu.memory_space<hbm>> -> memref<64x512xf32, #tpu.memory_space<hbm>>
    %dma_start3A_610 = arith.constant 0 : i32
    %dma_start3A_611 = tpu.memref_slice %arg4[%add3A_602, %dma_start3A_610] : memref<40960x512xf32, #tpu.memory_space<hbm>> -> memref<64x512xf32, #tpu.memory_space<hbm>>
    %dma_start3A_612 = arith.constant 0 : i32
    %dma_start3A_613 = arith.constant 0 : i32
    %dma_start3A_614 = tpu.memref_slice %arg6[%dma_start3A_603, %dma_start3A_612, %dma_start3A_613] : memref<3x64x512xf32, #tpu.memory_space<vmem>> -> memref<1x64x512xf32, #tpu.memory_space<vmem>>
    %dma_start3A_615 = tpu.memref_squeeze %dma_start3A_614 : memref<1x64x512xf32, #tpu.memory_space<vmem>> -> memref<64x512xf32, #tpu.memory_space<vmem>>
    tpu.enqueue_dma source(%dma_start3A_615 : memref<64x512xf32, #tpu.memory_space<vmem>>) target(%dma_start3A_611 : memref<64x512xf32, #tpu.memory_space<hbm>>) target_semaphore(%arg11 : memref<!tpu.dma_semaphore, #tpu.memory_space<semaphore_mem>>)
    %dma_wait3A_616 = arith.constant 1 : i32
    %dma_wait3A_617 = arith.constant 0 : i32
    %dma_wait3A_618 = arith.constant 0 : i32
    %dma_wait3A_619 = tpu.memref_slice %arg6[%dma_wait3A_616, %dma_wait3A_617, %dma_wait3A_618] : memref<3x64x512xf32, #tpu.memory_space<vmem>> -> memref<1x64x512xf32, #tpu.memory_space<vmem>>
    %dma_wait3A_620 = tpu.memref_squeeze %dma_wait3A_619 : memref<1x64x512xf32, #tpu.memory_space<vmem>> -> memref<64x512xf32, #tpu.memory_space<vmem>>
    %dma_wait3A_621 = arith.constant 0 : i32
    %dma_wait3A_622 = tpu.memref_slice %arg4[%add3A_602, %dma_wait3A_621] : memref<40960x512xf32, #tpu.memory_space<hbm>> -> memref<64x512xf32, #tpu.memory_space<hbm>>
    %dma_wait3A_623 = arith.constant 0 : i32
    %dma_wait3A_624 = tpu.memref_slice %arg4[%add3A_602, %dma_wait3A_623] : memref<40960x512xf32, #tpu.memory_space<hbm>> -> memref<64x512xf32, #tpu.memory_space<hbm>>
    %dma_wait3A_625 = arith.constant 0 : i32
    %dma_wait3A_626 = arith.constant 0 : i32
    %dma_wait3A_627 = tpu.memref_slice %arg6[%dma_wait3A_616, %dma_wait3A_625, %dma_wait3A_626] : memref<3x64x512xf32, #tpu.memory_space<vmem>> -> memref<1x64x512xf32, #tpu.memory_space<vmem>>
    %dma_wait3A_628 = tpu.memref_squeeze %dma_wait3A_627 : memref<1x64x512xf32, #tpu.memory_space<vmem>> -> memref<64x512xf32, #tpu.memory_space<vmem>>
    tpu.wait_dma2 semaphore(%arg11 : memref<!tpu.dma_semaphore, #tpu.memory_space<semaphore_mem>>) src(%dma_wait3A_628 : memref<64x512xf32, #tpu.memory_space<vmem>>) dst(%dma_wait3A_624 : memref<64x512xf32, #tpu.memory_space<hbm>>)
    %dma_start3A_629 = arith.constant 13 : i32
    %dma_start3A_630 = arith.constant 1 : i32
    %dma_start3A_631 = arith.constant 0 : i32
    %dma_start3A_632 = arith.constant 0 : i32
    %dma_start3A_633 = tpu.memref_slice %arg6[%dma_start3A_630, %dma_start3A_631, %dma_start3A_632] : memref<3x64x512xf32, #tpu.memory_space<vmem>> -> memref<1x64x512xf32, #tpu.memory_space<vmem>>
    %dma_start3A_634 = tpu.memref_squeeze %dma_start3A_633 : memref<1x64x512xf32, #tpu.memory_space<vmem>> -> memref<64x512xf32, #tpu.memory_space<vmem>>
    %dma_start3A_635 = tpu.memref_slice %arg5[%dma_start3A_629, %mul3A_36] : memref<20x128xi32, #tpu.memory_space<vmem>> -> memref<1x64xi32, #tpu.memory_space<vmem>>
    %dma_start3A_636 = tpu.memref_squeeze %dma_start3A_635 : memref<1x64xi32, #tpu.memory_space<vmem>> -> memref<64xi32, #tpu.memory_space<vmem>>
    %dma_start3A_637 = arith.constant 0 : i32
    %dma_start3A_638 = arith.constant 0 : i32
    %dma_start3A_639 = tpu.memref_slice %arg2[%dma_start3A_637, %dma_start3A_638] : memref<81920x512xf32, #tpu.memory_space<hbm>> -> memref<81920x512xf32, #tpu.memory_space<hbm>>
    tpu.enqueue_indirect_dma source(%dma_start3A_639 : memref<81920x512xf32, #tpu.memory_space<hbm>>) target(%dma_start3A_634 : memref<64x512xf32, #tpu.memory_space<vmem>>) offsets(%dma_start3A_636 : memref<64xi32, #tpu.memory_space<vmem>>) semaphore(%arg8 : memref<!tpu.dma_semaphore, #tpu.memory_space<semaphore_mem>>)
    %dma_wait3A_640 = arith.constant 11 : i32
    %dma_wait3A_641 = arith.constant 2 : i32
    %dma_wait3A_642 = arith.constant 0 : i32
    %dma_wait3A_643 = arith.constant 0 : i32
    %dma_wait3A_644 = tpu.memref_slice %arg6[%dma_wait3A_641, %dma_wait3A_642, %dma_wait3A_643] : memref<3x64x512xf32, #tpu.memory_space<vmem>> -> memref<1x64x512xf32, #tpu.memory_space<vmem>>
    %dma_wait3A_645 = tpu.memref_squeeze %dma_wait3A_644 : memref<1x64x512xf32, #tpu.memory_space<vmem>> -> memref<64x512xf32, #tpu.memory_space<vmem>>
    %dma_wait3A_646 = tpu.memref_slice %arg5[%dma_wait3A_640, %mul3A_36] : memref<20x128xi32, #tpu.memory_space<vmem>> -> memref<1x64xi32, #tpu.memory_space<vmem>>
    %dma_wait3A_647 = tpu.memref_squeeze %dma_wait3A_646 : memref<1x64xi32, #tpu.memory_space<vmem>> -> memref<64xi32, #tpu.memory_space<vmem>>
    %dma_wait3A_648 = arith.constant 0 : i32
    %dma_wait3A_649 = arith.constant 0 : i32
    %dma_wait3A_650 = tpu.memref_slice %arg2[%dma_wait3A_648, %dma_wait3A_649] : memref<81920x512xf32, #tpu.memory_space<hbm>> -> memref<81920x512xf32, #tpu.memory_space<hbm>>
    tpu.wait_indirect_dma semaphore(%arg9 : memref<!tpu.dma_semaphore, #tpu.memory_space<semaphore_mem>>) src(%dma_wait3A_650 : memref<81920x512xf32, #tpu.memory_space<hbm>>) dst(%dma_wait3A_645 : memref<64x512xf32, #tpu.memory_space<vmem>>)
    %mul3A_651 = arith.constant 64 : i32
    %mul3A_652 = arith.muli %add3A, %mul3A_651 : i32
    %add3A_653 = arith.constant 22528 : i32
    %add3A_654 = arith.addi %add3A_653, %mul3A_652 : i32
    %dma_start3A_655 = arith.constant 2 : i32
    %dma_start3A_656 = arith.constant 0 : i32
    %dma_start3A_657 = arith.constant 0 : i32
    %dma_start3A_658 = tpu.memref_slice %arg6[%dma_start3A_655, %dma_start3A_656, %dma_start3A_657] : memref<3x64x512xf32, #tpu.memory_space<vmem>> -> memref<1x64x512xf32, #tpu.memory_space<vmem>>
    %dma_start3A_659 = tpu.memref_squeeze %dma_start3A_658 : memref<1x64x512xf32, #tpu.memory_space<vmem>> -> memref<64x512xf32, #tpu.memory_space<vmem>>
    %dma_start3A_660 = arith.constant 0 : i32
    %dma_start3A_661 = tpu.memref_slice %arg4[%add3A_654, %dma_start3A_660] : memref<40960x512xf32, #tpu.memory_space<hbm>> -> memref<64x512xf32, #tpu.memory_space<hbm>>
    %dma_start3A_662 = arith.constant 0 : i32
    %dma_start3A_663 = tpu.memref_slice %arg4[%add3A_654, %dma_start3A_662] : memref<40960x512xf32, #tpu.memory_space<hbm>> -> memref<64x512xf32, #tpu.memory_space<hbm>>
    %dma_start3A_664 = arith.constant 0 : i32
    %dma_start3A_665 = arith.constant 0 : i32
    %dma_start3A_666 = tpu.memref_slice %arg6[%dma_start3A_655, %dma_start3A_664, %dma_start3A_665] : memref<3x64x512xf32, #tpu.memory_space<vmem>> -> memref<1x64x512xf32, #tpu.memory_space<vmem>>
    %dma_start3A_667 = tpu.memref_squeeze %dma_start3A_666 : memref<1x64x512xf32, #tpu.memory_space<vmem>> -> memref<64x512xf32, #tpu.memory_space<vmem>>
    tpu.enqueue_dma source(%dma_start3A_667 : memref<64x512xf32, #tpu.memory_space<vmem>>) target(%dma_start3A_663 : memref<64x512xf32, #tpu.memory_space<hbm>>) target_semaphore(%arg12 : memref<!tpu.dma_semaphore, #tpu.memory_space<semaphore_mem>>)
    %dma_wait3A_668 = arith.constant 2 : i32
    %dma_wait3A_669 = arith.constant 0 : i32
    %dma_wait3A_670 = arith.constant 0 : i32
    %dma_wait3A_671 = tpu.memref_slice %arg6[%dma_wait3A_668, %dma_wait3A_669, %dma_wait3A_670] : memref<3x64x512xf32, #tpu.memory_space<vmem>> -> memref<1x64x512xf32, #tpu.memory_space<vmem>>
    %dma_wait3A_672 = tpu.memref_squeeze %dma_wait3A_671 : memref<1x64x512xf32, #tpu.memory_space<vmem>> -> memref<64x512xf32, #tpu.memory_space<vmem>>
    %dma_wait3A_673 = arith.constant 0 : i32
    %dma_wait3A_674 = tpu.memref_slice %arg4[%add3A_654, %dma_wait3A_673] : memref<40960x512xf32, #tpu.memory_space<hbm>> -> memref<64x512xf32, #tpu.memory_space<hbm>>
    %dma_wait3A_675 = arith.constant 0 : i32
    %dma_wait3A_676 = tpu.memref_slice %arg4[%add3A_654, %dma_wait3A_675] : memref<40960x512xf32, #tpu.memory_space<hbm>> -> memref<64x512xf32, #tpu.memory_space<hbm>>
    %dma_wait3A_677 = arith.constant 0 : i32
    %dma_wait3A_678 = arith.constant 0 : i32
    %dma_wait3A_679 = tpu.memref_slice %arg6[%dma_wait3A_668, %dma_wait3A_677, %dma_wait3A_678] : memref<3x64x512xf32, #tpu.memory_space<vmem>> -> memref<1x64x512xf32, #tpu.memory_space<vmem>>
    %dma_wait3A_680 = tpu.memref_squeeze %dma_wait3A_679 : memref<1x64x512xf32, #tpu.memory_space<vmem>> -> memref<64x512xf32, #tpu.memory_space<vmem>>
    tpu.wait_dma2 semaphore(%arg12 : memref<!tpu.dma_semaphore, #tpu.memory_space<semaphore_mem>>) src(%dma_wait3A_680 : memref<64x512xf32, #tpu.memory_space<vmem>>) dst(%dma_wait3A_676 : memref<64x512xf32, #tpu.memory_space<hbm>>)
    %dma_start3A_681 = arith.constant 14 : i32
    %dma_start3A_682 = arith.constant 2 : i32
    %dma_start3A_683 = arith.constant 0 : i32
    %dma_start3A_684 = arith.constant 0 : i32
    %dma_start3A_685 = tpu.memref_slice %arg6[%dma_start3A_682, %dma_start3A_683, %dma_start3A_684] : memref<3x64x512xf32, #tpu.memory_space<vmem>> -> memref<1x64x512xf32, #tpu.memory_space<vmem>>
    %dma_start3A_686 = tpu.memref_squeeze %dma_start3A_685 : memref<1x64x512xf32, #tpu.memory_space<vmem>> -> memref<64x512xf32, #tpu.memory_space<vmem>>
    %dma_start3A_687 = tpu.memref_slice %arg5[%dma_start3A_681, %mul3A_36] : memref<20x128xi32, #tpu.memory_space<vmem>> -> memref<1x64xi32, #tpu.memory_space<vmem>>
    %dma_start3A_688 = tpu.memref_squeeze %dma_start3A_687 : memref<1x64xi32, #tpu.memory_space<vmem>> -> memref<64xi32, #tpu.memory_space<vmem>>
    %dma_start3A_689 = arith.constant 0 : i32
    %dma_start3A_690 = arith.constant 0 : i32
    %dma_start3A_691 = tpu.memref_slice %arg2[%dma_start3A_689, %dma_start3A_690] : memref<81920x512xf32, #tpu.memory_space<hbm>> -> memref<81920x512xf32, #tpu.memory_space<hbm>>
    tpu.enqueue_indirect_dma source(%dma_start3A_691 : memref<81920x512xf32, #tpu.memory_space<hbm>>) target(%dma_start3A_686 : memref<64x512xf32, #tpu.memory_space<vmem>>) offsets(%dma_start3A_688 : memref<64xi32, #tpu.memory_space<vmem>>) semaphore(%arg9 : memref<!tpu.dma_semaphore, #tpu.memory_space<semaphore_mem>>)
    %dma_wait3A_692 = arith.constant 12 : i32
    %dma_wait3A_693 = arith.constant 0 : i32
    %dma_wait3A_694 = arith.constant 0 : i32
    %dma_wait3A_695 = arith.constant 0 : i32
    %dma_wait3A_696 = tpu.memref_slice %arg6[%dma_wait3A_693, %dma_wait3A_694, %dma_wait3A_695] : memref<3x64x512xf32, #tpu.memory_space<vmem>> -> memref<1x64x512xf32, #tpu.memory_space<vmem>>
    %dma_wait3A_697 = tpu.memref_squeeze %dma_wait3A_696 : memref<1x64x512xf32, #tpu.memory_space<vmem>> -> memref<64x512xf32, #tpu.memory_space<vmem>>
    %dma_wait3A_698 = tpu.memref_slice %arg5[%dma_wait3A_692, %mul3A_36] : memref<20x128xi32, #tpu.memory_space<vmem>> -> memref<1x64xi32, #tpu.memory_space<vmem>>
    %dma_wait3A_699 = tpu.memref_squeeze %dma_wait3A_698 : memref<1x64xi32, #tpu.memory_space<vmem>> -> memref<64xi32, #tpu.memory_space<vmem>>
    %dma_wait3A_700 = arith.constant 0 : i32
    %dma_wait3A_701 = arith.constant 0 : i32
    %dma_wait3A_702 = tpu.memref_slice %arg2[%dma_wait3A_700, %dma_wait3A_701] : memref<81920x512xf32, #tpu.memory_space<hbm>> -> memref<81920x512xf32, #tpu.memory_space<hbm>>
    tpu.wait_indirect_dma semaphore(%arg7 : memref<!tpu.dma_semaphore, #tpu.memory_space<semaphore_mem>>) src(%dma_wait3A_702 : memref<81920x512xf32, #tpu.memory_space<hbm>>) dst(%dma_wait3A_697 : memref<64x512xf32, #tpu.memory_space<vmem>>)
    %mul3A_703 = arith.constant 64 : i32
    %mul3A_704 = arith.muli %add3A, %mul3A_703 : i32
    %add3A_705 = arith.constant 24576 : i32
    %add3A_706 = arith.addi %add3A_705, %mul3A_704 : i32
    %dma_start3A_707 = arith.constant 0 : i32
    %dma_start3A_708 = arith.constant 0 : i32
    %dma_start3A_709 = arith.constant 0 : i32
    %dma_start3A_710 = tpu.memref_slice %arg6[%dma_start3A_707, %dma_start3A_708, %dma_start3A_709] : memref<3x64x512xf32, #tpu.memory_space<vmem>> -> memref<1x64x512xf32, #tpu.memory_space<vmem>>
    %dma_start3A_711 = tpu.memref_squeeze %dma_start3A_710 : memref<1x64x512xf32, #tpu.memory_space<vmem>> -> memref<64x512xf32, #tpu.memory_space<vmem>>
    %dma_start3A_712 = arith.constant 0 : i32
    %dma_start3A_713 = tpu.memref_slice %arg4[%add3A_706, %dma_start3A_712] : memref<40960x512xf32, #tpu.memory_space<hbm>> -> memref<64x512xf32, #tpu.memory_space<hbm>>
    %dma_start3A_714 = arith.constant 0 : i32
    %dma_start3A_715 = tpu.memref_slice %arg4[%add3A_706, %dma_start3A_714] : memref<40960x512xf32, #tpu.memory_space<hbm>> -> memref<64x512xf32, #tpu.memory_space<hbm>>
    %dma_start3A_716 = arith.constant 0 : i32
    %dma_start3A_717 = arith.constant 0 : i32
    %dma_start3A_718 = tpu.memref_slice %arg6[%dma_start3A_707, %dma_start3A_716, %dma_start3A_717] : memref<3x64x512xf32, #tpu.memory_space<vmem>> -> memref<1x64x512xf32, #tpu.memory_space<vmem>>
    %dma_start3A_719 = tpu.memref_squeeze %dma_start3A_718 : memref<1x64x512xf32, #tpu.memory_space<vmem>> -> memref<64x512xf32, #tpu.memory_space<vmem>>
    tpu.enqueue_dma source(%dma_start3A_719 : memref<64x512xf32, #tpu.memory_space<vmem>>) target(%dma_start3A_715 : memref<64x512xf32, #tpu.memory_space<hbm>>) target_semaphore(%arg10 : memref<!tpu.dma_semaphore, #tpu.memory_space<semaphore_mem>>)
    %dma_wait3A_720 = arith.constant 0 : i32
    %dma_wait3A_721 = arith.constant 0 : i32
    %dma_wait3A_722 = arith.constant 0 : i32
    %dma_wait3A_723 = tpu.memref_slice %arg6[%dma_wait3A_720, %dma_wait3A_721, %dma_wait3A_722] : memref<3x64x512xf32, #tpu.memory_space<vmem>> -> memref<1x64x512xf32, #tpu.memory_space<vmem>>
    %dma_wait3A_724 = tpu.memref_squeeze %dma_wait3A_723 : memref<1x64x512xf32, #tpu.memory_space<vmem>> -> memref<64x512xf32, #tpu.memory_space<vmem>>
    %dma_wait3A_725 = arith.constant 0 : i32
    %dma_wait3A_726 = tpu.memref_slice %arg4[%add3A_706, %dma_wait3A_725] : memref<40960x512xf32, #tpu.memory_space<hbm>> -> memref<64x512xf32, #tpu.memory_space<hbm>>
    %dma_wait3A_727 = arith.constant 0 : i32
    %dma_wait3A_728 = tpu.memref_slice %arg4[%add3A_706, %dma_wait3A_727] : memref<40960x512xf32, #tpu.memory_space<hbm>> -> memref<64x512xf32, #tpu.memory_space<hbm>>
    %dma_wait3A_729 = arith.constant 0 : i32
    %dma_wait3A_730 = arith.constant 0 : i32
    %dma_wait3A_731 = tpu.memref_slice %arg6[%dma_wait3A_720, %dma_wait3A_729, %dma_wait3A_730] : memref<3x64x512xf32, #tpu.memory_space<vmem>> -> memref<1x64x512xf32, #tpu.memory_space<vmem>>
    %dma_wait3A_732 = tpu.memref_squeeze %dma_wait3A_731 : memref<1x64x512xf32, #tpu.memory_space<vmem>> -> memref<64x512xf32, #tpu.memory_space<vmem>>
    tpu.wait_dma2 semaphore(%arg10 : memref<!tpu.dma_semaphore, #tpu.memory_space<semaphore_mem>>) src(%dma_wait3A_732 : memref<64x512xf32, #tpu.memory_space<vmem>>) dst(%dma_wait3A_728 : memref<64x512xf32, #tpu.memory_space<hbm>>)
    %dma_start3A_733 = arith.constant 15 : i32
    %dma_start3A_734 = arith.constant 0 : i32
    %dma_start3A_735 = arith.constant 0 : i32
    %dma_start3A_736 = arith.constant 0 : i32
    %dma_start3A_737 = tpu.memref_slice %arg6[%dma_start3A_734, %dma_start3A_735, %dma_start3A_736] : memref<3x64x512xf32, #tpu.memory_space<vmem>> -> memref<1x64x512xf32, #tpu.memory_space<vmem>>
    %dma_start3A_738 = tpu.memref_squeeze %dma_start3A_737 : memref<1x64x512xf32, #tpu.memory_space<vmem>> -> memref<64x512xf32, #tpu.memory_space<vmem>>
    %dma_start3A_739 = tpu.memref_slice %arg5[%dma_start3A_733, %mul3A_36] : memref<20x128xi32, #tpu.memory_space<vmem>> -> memref<1x64xi32, #tpu.memory_space<vmem>>
    %dma_start3A_740 = tpu.memref_squeeze %dma_start3A_739 : memref<1x64xi32, #tpu.memory_space<vmem>> -> memref<64xi32, #tpu.memory_space<vmem>>
    %dma_start3A_741 = arith.constant 0 : i32
    %dma_start3A_742 = arith.constant 0 : i32
    %dma_start3A_743 = tpu.memref_slice %arg2[%dma_start3A_741, %dma_start3A_742] : memref<81920x512xf32, #tpu.memory_space<hbm>> -> memref<81920x512xf32, #tpu.memory_space<hbm>>
    tpu.enqueue_indirect_dma source(%dma_start3A_743 : memref<81920x512xf32, #tpu.memory_space<hbm>>) target(%dma_start3A_738 : memref<64x512xf32, #tpu.memory_space<vmem>>) offsets(%dma_start3A_740 : memref<64xi32, #tpu.memory_space<vmem>>) semaphore(%arg7 : memref<!tpu.dma_semaphore, #tpu.memory_space<semaphore_mem>>)
    %dma_wait3A_744 = arith.constant 13 : i32
    %dma_wait3A_745 = arith.constant 1 : i32
    %dma_wait3A_746 = arith.constant 0 : i32
    %dma_wait3A_747 = arith.constant 0 : i32
    %dma_wait3A_748 = tpu.memref_slice %arg6[%dma_wait3A_745, %dma_wait3A_746, %dma_wait3A_747] : memref<3x64x512xf32, #tpu.memory_space<vmem>> -> memref<1x64x512xf32, #tpu.memory_space<vmem>>
    %dma_wait3A_749 = tpu.memref_squeeze %dma_wait3A_748 : memref<1x64x512xf32, #tpu.memory_space<vmem>> -> memref<64x512xf32, #tpu.memory_space<vmem>>
    %dma_wait3A_750 = tpu.memref_slice %arg5[%dma_wait3A_744, %mul3A_36] : memref<20x128xi32, #tpu.memory_space<vmem>> -> memref<1x64xi32, #tpu.memory_space<vmem>>
    %dma_wait3A_751 = tpu.memref_squeeze %dma_wait3A_750 : memref<1x64xi32, #tpu.memory_space<vmem>> -> memref<64xi32, #tpu.memory_space<vmem>>
    %dma_wait3A_752 = arith.constant 0 : i32
    %dma_wait3A_753 = arith.constant 0 : i32
    %dma_wait3A_754 = tpu.memref_slice %arg2[%dma_wait3A_752, %dma_wait3A_753] : memref<81920x512xf32, #tpu.memory_space<hbm>> -> memref<81920x512xf32, #tpu.memory_space<hbm>>
    tpu.wait_indirect_dma semaphore(%arg8 : memref<!tpu.dma_semaphore, #tpu.memory_space<semaphore_mem>>) src(%dma_wait3A_754 : memref<81920x512xf32, #tpu.memory_space<hbm>>) dst(%dma_wait3A_749 : memref<64x512xf32, #tpu.memory_space<vmem>>)
    %mul3A_755 = arith.constant 64 : i32
    %mul3A_756 = arith.muli %add3A, %mul3A_755 : i32
    %add3A_757 = arith.constant 26624 : i32
    %add3A_758 = arith.addi %add3A_757, %mul3A_756 : i32
    %dma_start3A_759 = arith.constant 1 : i32
    %dma_start3A_760 = arith.constant 0 : i32
    %dma_start3A_761 = arith.constant 0 : i32
    %dma_start3A_762 = tpu.memref_slice %arg6[%dma_start3A_759, %dma_start3A_760, %dma_start3A_761] : memref<3x64x512xf32, #tpu.memory_space<vmem>> -> memref<1x64x512xf32, #tpu.memory_space<vmem>>
    %dma_start3A_763 = tpu.memref_squeeze %dma_start3A_762 : memref<1x64x512xf32, #tpu.memory_space<vmem>> -> memref<64x512xf32, #tpu.memory_space<vmem>>
    %dma_start3A_764 = arith.constant 0 : i32
    %dma_start3A_765 = tpu.memref_slice %arg4[%add3A_758, %dma_start3A_764] : memref<40960x512xf32, #tpu.memory_space<hbm>> -> memref<64x512xf32, #tpu.memory_space<hbm>>
    %dma_start3A_766 = arith.constant 0 : i32
    %dma_start3A_767 = tpu.memref_slice %arg4[%add3A_758, %dma_start3A_766] : memref<40960x512xf32, #tpu.memory_space<hbm>> -> memref<64x512xf32, #tpu.memory_space<hbm>>
    %dma_start3A_768 = arith.constant 0 : i32
    %dma_start3A_769 = arith.constant 0 : i32
    %dma_start3A_770 = tpu.memref_slice %arg6[%dma_start3A_759, %dma_start3A_768, %dma_start3A_769] : memref<3x64x512xf32, #tpu.memory_space<vmem>> -> memref<1x64x512xf32, #tpu.memory_space<vmem>>
    %dma_start3A_771 = tpu.memref_squeeze %dma_start3A_770 : memref<1x64x512xf32, #tpu.memory_space<vmem>> -> memref<64x512xf32, #tpu.memory_space<vmem>>
    tpu.enqueue_dma source(%dma_start3A_771 : memref<64x512xf32, #tpu.memory_space<vmem>>) target(%dma_start3A_767 : memref<64x512xf32, #tpu.memory_space<hbm>>) target_semaphore(%arg11 : memref<!tpu.dma_semaphore, #tpu.memory_space<semaphore_mem>>)
    %dma_wait3A_772 = arith.constant 1 : i32
    %dma_wait3A_773 = arith.constant 0 : i32
    %dma_wait3A_774 = arith.constant 0 : i32
    %dma_wait3A_775 = tpu.memref_slice %arg6[%dma_wait3A_772, %dma_wait3A_773, %dma_wait3A_774] : memref<3x64x512xf32, #tpu.memory_space<vmem>> -> memref<1x64x512xf32, #tpu.memory_space<vmem>>
    %dma_wait3A_776 = tpu.memref_squeeze %dma_wait3A_775 : memref<1x64x512xf32, #tpu.memory_space<vmem>> -> memref<64x512xf32, #tpu.memory_space<vmem>>
    %dma_wait3A_777 = arith.constant 0 : i32
    %dma_wait3A_778 = tpu.memref_slice %arg4[%add3A_758, %dma_wait3A_777] : memref<40960x512xf32, #tpu.memory_space<hbm>> -> memref<64x512xf32, #tpu.memory_space<hbm>>
    %dma_wait3A_779 = arith.constant 0 : i32
    %dma_wait3A_780 = tpu.memref_slice %arg4[%add3A_758, %dma_wait3A_779] : memref<40960x512xf32, #tpu.memory_space<hbm>> -> memref<64x512xf32, #tpu.memory_space<hbm>>
    %dma_wait3A_781 = arith.constant 0 : i32
    %dma_wait3A_782 = arith.constant 0 : i32
    %dma_wait3A_783 = tpu.memref_slice %arg6[%dma_wait3A_772, %dma_wait3A_781, %dma_wait3A_782] : memref<3x64x512xf32, #tpu.memory_space<vmem>> -> memref<1x64x512xf32, #tpu.memory_space<vmem>>
    %dma_wait3A_784 = tpu.memref_squeeze %dma_wait3A_783 : memref<1x64x512xf32, #tpu.memory_space<vmem>> -> memref<64x512xf32, #tpu.memory_space<vmem>>
    tpu.wait_dma2 semaphore(%arg11 : memref<!tpu.dma_semaphore, #tpu.memory_space<semaphore_mem>>) src(%dma_wait3A_784 : memref<64x512xf32, #tpu.memory_space<vmem>>) dst(%dma_wait3A_780 : memref<64x512xf32, #tpu.memory_space<hbm>>)
    %dma_start3A_785 = arith.constant 16 : i32
    %dma_start3A_786 = arith.constant 1 : i32
    %dma_start3A_787 = arith.constant 0 : i32
    %dma_start3A_788 = arith.constant 0 : i32
    %dma_start3A_789 = tpu.memref_slice %arg6[%dma_start3A_786, %dma_start3A_787, %dma_start3A_788] : memref<3x64x512xf32, #tpu.memory_space<vmem>> -> memref<1x64x512xf32, #tpu.memory_space<vmem>>
    %dma_start3A_790 = tpu.memref_squeeze %dma_start3A_789 : memref<1x64x512xf32, #tpu.memory_space<vmem>> -> memref<64x512xf32, #tpu.memory_space<vmem>>
    %dma_start3A_791 = tpu.memref_slice %arg5[%dma_start3A_785, %mul3A_36] : memref<20x128xi32, #tpu.memory_space<vmem>> -> memref<1x64xi32, #tpu.memory_space<vmem>>
    %dma_start3A_792 = tpu.memref_squeeze %dma_start3A_791 : memref<1x64xi32, #tpu.memory_space<vmem>> -> memref<64xi32, #tpu.memory_space<vmem>>
    %dma_start3A_793 = arith.constant 0 : i32
    %dma_start3A_794 = arith.constant 0 : i32
    %dma_start3A_795 = tpu.memref_slice %arg2[%dma_start3A_793, %dma_start3A_794] : memref<81920x512xf32, #tpu.memory_space<hbm>> -> memref<81920x512xf32, #tpu.memory_space<hbm>>
    tpu.enqueue_indirect_dma source(%dma_start3A_795 : memref<81920x512xf32, #tpu.memory_space<hbm>>) target(%dma_start3A_790 : memref<64x512xf32, #tpu.memory_space<vmem>>) offsets(%dma_start3A_792 : memref<64xi32, #tpu.memory_space<vmem>>) semaphore(%arg8 : memref<!tpu.dma_semaphore, #tpu.memory_space<semaphore_mem>>)
    %dma_wait3A_796 = arith.constant 14 : i32
    %dma_wait3A_797 = arith.constant 2 : i32
    %dma_wait3A_798 = arith.constant 0 : i32
    %dma_wait3A_799 = arith.constant 0 : i32
    %dma_wait3A_800 = tpu.memref_slice %arg6[%dma_wait3A_797, %dma_wait3A_798, %dma_wait3A_799] : memref<3x64x512xf32, #tpu.memory_space<vmem>> -> memref<1x64x512xf32, #tpu.memory_space<vmem>>
    %dma_wait3A_801 = tpu.memref_squeeze %dma_wait3A_800 : memref<1x64x512xf32, #tpu.memory_space<vmem>> -> memref<64x512xf32, #tpu.memory_space<vmem>>
    %dma_wait3A_802 = tpu.memref_slice %arg5[%dma_wait3A_796, %mul3A_36] : memref<20x128xi32, #tpu.memory_space<vmem>> -> memref<1x64xi32, #tpu.memory_space<vmem>>
    %dma_wait3A_803 = tpu.memref_squeeze %dma_wait3A_802 : memref<1x64xi32, #tpu.memory_space<vmem>> -> memref<64xi32, #tpu.memory_space<vmem>>
    %dma_wait3A_804 = arith.constant 0 : i32
    %dma_wait3A_805 = arith.constant 0 : i32
    %dma_wait3A_806 = tpu.memref_slice %arg2[%dma_wait3A_804, %dma_wait3A_805] : memref<81920x512xf32, #tpu.memory_space<hbm>> -> memref<81920x512xf32, #tpu.memory_space<hbm>>
    tpu.wait_indirect_dma semaphore(%arg9 : memref<!tpu.dma_semaphore, #tpu.memory_space<semaphore_mem>>) src(%dma_wait3A_806 : memref<81920x512xf32, #tpu.memory_space<hbm>>) dst(%dma_wait3A_801 : memref<64x512xf32, #tpu.memory_space<vmem>>)
    %mul3A_807 = arith.constant 64 : i32
    %mul3A_808 = arith.muli %add3A, %mul3A_807 : i32
    %add3A_809 = arith.constant 28672 : i32
    %add3A_810 = arith.addi %add3A_809, %mul3A_808 : i32
    %dma_start3A_811 = arith.constant 2 : i32
    %dma_start3A_812 = arith.constant 0 : i32
    %dma_start3A_813 = arith.constant 0 : i32
    %dma_start3A_814 = tpu.memref_slice %arg6[%dma_start3A_811, %dma_start3A_812, %dma_start3A_813] : memref<3x64x512xf32, #tpu.memory_space<vmem>> -> memref<1x64x512xf32, #tpu.memory_space<vmem>>
    %dma_start3A_815 = tpu.memref_squeeze %dma_start3A_814 : memref<1x64x512xf32, #tpu.memory_space<vmem>> -> memref<64x512xf32, #tpu.memory_space<vmem>>
    %dma_start3A_816 = arith.constant 0 : i32
    %dma_start3A_817 = tpu.memref_slice %arg4[%add3A_810, %dma_start3A_816] : memref<40960x512xf32, #tpu.memory_space<hbm>> -> memref<64x512xf32, #tpu.memory_space<hbm>>
    %dma_start3A_818 = arith.constant 0 : i32
    %dma_start3A_819 = tpu.memref_slice %arg4[%add3A_810, %dma_start3A_818] : memref<40960x512xf32, #tpu.memory_space<hbm>> -> memref<64x512xf32, #tpu.memory_space<hbm>>
    %dma_start3A_820 = arith.constant 0 : i32
    %dma_start3A_821 = arith.constant 0 : i32
    %dma_start3A_822 = tpu.memref_slice %arg6[%dma_start3A_811, %dma_start3A_820, %dma_start3A_821] : memref<3x64x512xf32, #tpu.memory_space<vmem>> -> memref<1x64x512xf32, #tpu.memory_space<vmem>>
    %dma_start3A_823 = tpu.memref_squeeze %dma_start3A_822 : memref<1x64x512xf32, #tpu.memory_space<vmem>> -> memref<64x512xf32, #tpu.memory_space<vmem>>
    tpu.enqueue_dma source(%dma_start3A_823 : memref<64x512xf32, #tpu.memory_space<vmem>>) target(%dma_start3A_819 : memref<64x512xf32, #tpu.memory_space<hbm>>) target_semaphore(%arg12 : memref<!tpu.dma_semaphore, #tpu.memory_space<semaphore_mem>>)
    %dma_wait3A_824 = arith.constant 2 : i32
    %dma_wait3A_825 = arith.constant 0 : i32
    %dma_wait3A_826 = arith.constant 0 : i32
    %dma_wait3A_827 = tpu.memref_slice %arg6[%dma_wait3A_824, %dma_wait3A_825, %dma_wait3A_826] : memref<3x64x512xf32, #tpu.memory_space<vmem>> -> memref<1x64x512xf32, #tpu.memory_space<vmem>>
    %dma_wait3A_828 = tpu.memref_squeeze %dma_wait3A_827 : memref<1x64x512xf32, #tpu.memory_space<vmem>> -> memref<64x512xf32, #tpu.memory_space<vmem>>
    %dma_wait3A_829 = arith.constant 0 : i32
    %dma_wait3A_830 = tpu.memref_slice %arg4[%add3A_810, %dma_wait3A_829] : memref<40960x512xf32, #tpu.memory_space<hbm>> -> memref<64x512xf32, #tpu.memory_space<hbm>>
    %dma_wait3A_831 = arith.constant 0 : i32
    %dma_wait3A_832 = tpu.memref_slice %arg4[%add3A_810, %dma_wait3A_831] : memref<40960x512xf32, #tpu.memory_space<hbm>> -> memref<64x512xf32, #tpu.memory_space<hbm>>
    %dma_wait3A_833 = arith.constant 0 : i32
    %dma_wait3A_834 = arith.constant 0 : i32
    %dma_wait3A_835 = tpu.memref_slice %arg6[%dma_wait3A_824, %dma_wait3A_833, %dma_wait3A_834] : memref<3x64x512xf32, #tpu.memory_space<vmem>> -> memref<1x64x512xf32, #tpu.memory_space<vmem>>
    %dma_wait3A_836 = tpu.memref_squeeze %dma_wait3A_835 : memref<1x64x512xf32, #tpu.memory_space<vmem>> -> memref<64x512xf32, #tpu.memory_space<vmem>>
    tpu.wait_dma2 semaphore(%arg12 : memref<!tpu.dma_semaphore, #tpu.memory_space<semaphore_mem>>) src(%dma_wait3A_836 : memref<64x512xf32, #tpu.memory_space<vmem>>) dst(%dma_wait3A_832 : memref<64x512xf32, #tpu.memory_space<hbm>>)
    %dma_start3A_837 = arith.constant 17 : i32
    %dma_start3A_838 = arith.constant 2 : i32
    %dma_start3A_839 = arith.constant 0 : i32
    %dma_start3A_840 = arith.constant 0 : i32
    %dma_start3A_841 = tpu.memref_slice %arg6[%dma_start3A_838, %dma_start3A_839, %dma_start3A_840] : memref<3x64x512xf32, #tpu.memory_space<vmem>> -> memref<1x64x512xf32, #tpu.memory_space<vmem>>
    %dma_start3A_842 = tpu.memref_squeeze %dma_start3A_841 : memref<1x64x512xf32, #tpu.memory_space<vmem>> -> memref<64x512xf32, #tpu.memory_space<vmem>>
    %dma_start3A_843 = tpu.memref_slice %arg5[%dma_start3A_837, %mul3A_36] : memref<20x128xi32, #tpu.memory_space<vmem>> -> memref<1x64xi32, #tpu.memory_space<vmem>>
    %dma_start3A_844 = tpu.memref_squeeze %dma_start3A_843 : memref<1x64xi32, #tpu.memory_space<vmem>> -> memref<64xi32, #tpu.memory_space<vmem>>
    %dma_start3A_845 = arith.constant 0 : i32
    %dma_start3A_846 = arith.constant 0 : i32
    %dma_start3A_847 = tpu.memref_slice %arg2[%dma_start3A_845, %dma_start3A_846] : memref<81920x512xf32, #tpu.memory_space<hbm>> -> memref<81920x512xf32, #tpu.memory_space<hbm>>
    tpu.enqueue_indirect_dma source(%dma_start3A_847 : memref<81920x512xf32, #tpu.memory_space<hbm>>) target(%dma_start3A_842 : memref<64x512xf32, #tpu.memory_space<vmem>>) offsets(%dma_start3A_844 : memref<64xi32, #tpu.memory_space<vmem>>) semaphore(%arg9 : memref<!tpu.dma_semaphore, #tpu.memory_space<semaphore_mem>>)
    %dma_wait3A_848 = arith.constant 15 : i32
    %dma_wait3A_849 = arith.constant 0 : i32
    %dma_wait3A_850 = arith.constant 0 : i32
    %dma_wait3A_851 = arith.constant 0 : i32
    %dma_wait3A_852 = tpu.memref_slice %arg6[%dma_wait3A_849, %dma_wait3A_850, %dma_wait3A_851] : memref<3x64x512xf32, #tpu.memory_space<vmem>> -> memref<1x64x512xf32, #tpu.memory_space<vmem>>
    %dma_wait3A_853 = tpu.memref_squeeze %dma_wait3A_852 : memref<1x64x512xf32, #tpu.memory_space<vmem>> -> memref<64x512xf32, #tpu.memory_space<vmem>>
    %dma_wait3A_854 = tpu.memref_slice %arg5[%dma_wait3A_848, %mul3A_36] : memref<20x128xi32, #tpu.memory_space<vmem>> -> memref<1x64xi32, #tpu.memory_space<vmem>>
    %dma_wait3A_855 = tpu.memref_squeeze %dma_wait3A_854 : memref<1x64xi32, #tpu.memory_space<vmem>> -> memref<64xi32, #tpu.memory_space<vmem>>
    %dma_wait3A_856 = arith.constant 0 : i32
    %dma_wait3A_857 = arith.constant 0 : i32
    %dma_wait3A_858 = tpu.memref_slice %arg2[%dma_wait3A_856, %dma_wait3A_857] : memref<81920x512xf32, #tpu.memory_space<hbm>> -> memref<81920x512xf32, #tpu.memory_space<hbm>>
    tpu.wait_indirect_dma semaphore(%arg7 : memref<!tpu.dma_semaphore, #tpu.memory_space<semaphore_mem>>) src(%dma_wait3A_858 : memref<81920x512xf32, #tpu.memory_space<hbm>>) dst(%dma_wait3A_853 : memref<64x512xf32, #tpu.memory_space<vmem>>)
    %mul3A_859 = arith.constant 64 : i32
    %mul3A_860 = arith.muli %add3A, %mul3A_859 : i32
    %add3A_861 = arith.constant 30720 : i32
    %add3A_862 = arith.addi %add3A_861, %mul3A_860 : i32
    %dma_start3A_863 = arith.constant 0 : i32
    %dma_start3A_864 = arith.constant 0 : i32
    %dma_start3A_865 = arith.constant 0 : i32
    %dma_start3A_866 = tpu.memref_slice %arg6[%dma_start3A_863, %dma_start3A_864, %dma_start3A_865] : memref<3x64x512xf32, #tpu.memory_space<vmem>> -> memref<1x64x512xf32, #tpu.memory_space<vmem>>
    %dma_start3A_867 = tpu.memref_squeeze %dma_start3A_866 : memref<1x64x512xf32, #tpu.memory_space<vmem>> -> memref<64x512xf32, #tpu.memory_space<vmem>>
    %dma_start3A_868 = arith.constant 0 : i32
    %dma_start3A_869 = tpu.memref_slice %arg4[%add3A_862, %dma_start3A_868] : memref<40960x512xf32, #tpu.memory_space<hbm>> -> memref<64x512xf32, #tpu.memory_space<hbm>>
    %dma_start3A_870 = arith.constant 0 : i32
    %dma_start3A_871 = tpu.memref_slice %arg4[%add3A_862, %dma_start3A_870] : memref<40960x512xf32, #tpu.memory_space<hbm>> -> memref<64x512xf32, #tpu.memory_space<hbm>>
    %dma_start3A_872 = arith.constant 0 : i32
    %dma_start3A_873 = arith.constant 0 : i32
    %dma_start3A_874 = tpu.memref_slice %arg6[%dma_start3A_863, %dma_start3A_872, %dma_start3A_873] : memref<3x64x512xf32, #tpu.memory_space<vmem>> -> memref<1x64x512xf32, #tpu.memory_space<vmem>>
    %dma_start3A_875 = tpu.memref_squeeze %dma_start3A_874 : memref<1x64x512xf32, #tpu.memory_space<vmem>> -> memref<64x512xf32, #tpu.memory_space<vmem>>
    tpu.enqueue_dma source(%dma_start3A_875 : memref<64x512xf32, #tpu.memory_space<vmem>>) target(%dma_start3A_871 : memref<64x512xf32, #tpu.memory_space<hbm>>) target_semaphore(%arg10 : memref<!tpu.dma_semaphore, #tpu.memory_space<semaphore_mem>>)
    %dma_wait3A_876 = arith.constant 0 : i32
    %dma_wait3A_877 = arith.constant 0 : i32
    %dma_wait3A_878 = arith.constant 0 : i32
    %dma_wait3A_879 = tpu.memref_slice %arg6[%dma_wait3A_876, %dma_wait3A_877, %dma_wait3A_878] : memref<3x64x512xf32, #tpu.memory_space<vmem>> -> memref<1x64x512xf32, #tpu.memory_space<vmem>>
    %dma_wait3A_880 = tpu.memref_squeeze %dma_wait3A_879 : memref<1x64x512xf32, #tpu.memory_space<vmem>> -> memref<64x512xf32, #tpu.memory_space<vmem>>
    %dma_wait3A_881 = arith.constant 0 : i32
    %dma_wait3A_882 = tpu.memref_slice %arg4[%add3A_862, %dma_wait3A_881] : memref<40960x512xf32, #tpu.memory_space<hbm>> -> memref<64x512xf32, #tpu.memory_space<hbm>>
    %dma_wait3A_883 = arith.constant 0 : i32
    %dma_wait3A_884 = tpu.memref_slice %arg4[%add3A_862, %dma_wait3A_883] : memref<40960x512xf32, #tpu.memory_space<hbm>> -> memref<64x512xf32, #tpu.memory_space<hbm>>
    %dma_wait3A_885 = arith.constant 0 : i32
    %dma_wait3A_886 = arith.constant 0 : i32
    %dma_wait3A_887 = tpu.memref_slice %arg6[%dma_wait3A_876, %dma_wait3A_885, %dma_wait3A_886] : memref<3x64x512xf32, #tpu.memory_space<vmem>> -> memref<1x64x512xf32, #tpu.memory_space<vmem>>
    %dma_wait3A_888 = tpu.memref_squeeze %dma_wait3A_887 : memref<1x64x512xf32, #tpu.memory_space<vmem>> -> memref<64x512xf32, #tpu.memory_space<vmem>>
    tpu.wait_dma2 semaphore(%arg10 : memref<!tpu.dma_semaphore, #tpu.memory_space<semaphore_mem>>) src(%dma_wait3A_888 : memref<64x512xf32, #tpu.memory_space<vmem>>) dst(%dma_wait3A_884 : memref<64x512xf32, #tpu.memory_space<hbm>>)
    %dma_start3A_889 = arith.constant 18 : i32
    %dma_start3A_890 = arith.constant 0 : i32
    %dma_start3A_891 = arith.constant 0 : i32
    %dma_start3A_892 = arith.constant 0 : i32
    %dma_start3A_893 = tpu.memref_slice %arg6[%dma_start3A_890, %dma_start3A_891, %dma_start3A_892] : memref<3x64x512xf32, #tpu.memory_space<vmem>> -> memref<1x64x512xf32, #tpu.memory_space<vmem>>
    %dma_start3A_894 = tpu.memref_squeeze %dma_start3A_893 : memref<1x64x512xf32, #tpu.memory_space<vmem>> -> memref<64x512xf32, #tpu.memory_space<vmem>>
    %dma_start3A_895 = tpu.memref_slice %arg5[%dma_start3A_889, %mul3A_36] : memref<20x128xi32, #tpu.memory_space<vmem>> -> memref<1x64xi32, #tpu.memory_space<vmem>>
    %dma_start3A_896 = tpu.memref_squeeze %dma_start3A_895 : memref<1x64xi32, #tpu.memory_space<vmem>> -> memref<64xi32, #tpu.memory_space<vmem>>
    %dma_start3A_897 = arith.constant 0 : i32
    %dma_start3A_898 = arith.constant 0 : i32
    %dma_start3A_899 = tpu.memref_slice %arg2[%dma_start3A_897, %dma_start3A_898] : memref<81920x512xf32, #tpu.memory_space<hbm>> -> memref<81920x512xf32, #tpu.memory_space<hbm>>
    tpu.enqueue_indirect_dma source(%dma_start3A_899 : memref<81920x512xf32, #tpu.memory_space<hbm>>) target(%dma_start3A_894 : memref<64x512xf32, #tpu.memory_space<vmem>>) offsets(%dma_start3A_896 : memref<64xi32, #tpu.memory_space<vmem>>) semaphore(%arg7 : memref<!tpu.dma_semaphore, #tpu.memory_space<semaphore_mem>>)
    %dma_wait3A_900 = arith.constant 16 : i32
    %dma_wait3A_901 = arith.constant 1 : i32
    %dma_wait3A_902 = arith.constant 0 : i32
    %dma_wait3A_903 = arith.constant 0 : i32
    %dma_wait3A_904 = tpu.memref_slice %arg6[%dma_wait3A_901, %dma_wait3A_902, %dma_wait3A_903] : memref<3x64x512xf32, #tpu.memory_space<vmem>> -> memref<1x64x512xf32, #tpu.memory_space<vmem>>
    %dma_wait3A_905 = tpu.memref_squeeze %dma_wait3A_904 : memref<1x64x512xf32, #tpu.memory_space<vmem>> -> memref<64x512xf32, #tpu.memory_space<vmem>>
    %dma_wait3A_906 = tpu.memref_slice %arg5[%dma_wait3A_900, %mul3A_36] : memref<20x128xi32, #tpu.memory_space<vmem>> -> memref<1x64xi32, #tpu.memory_space<vmem>>
    %dma_wait3A_907 = tpu.memref_squeeze %dma_wait3A_906 : memref<1x64xi32, #tpu.memory_space<vmem>> -> memref<64xi32, #tpu.memory_space<vmem>>
    %dma_wait3A_908 = arith.constant 0 : i32
    %dma_wait3A_909 = arith.constant 0 : i32
    %dma_wait3A_910 = tpu.memref_slice %arg2[%dma_wait3A_908, %dma_wait3A_909] : memref<81920x512xf32, #tpu.memory_space<hbm>> -> memref<81920x512xf32, #tpu.memory_space<hbm>>
    tpu.wait_indirect_dma semaphore(%arg8 : memref<!tpu.dma_semaphore, #tpu.memory_space<semaphore_mem>>) src(%dma_wait3A_910 : memref<81920x512xf32, #tpu.memory_space<hbm>>) dst(%dma_wait3A_905 : memref<64x512xf32, #tpu.memory_space<vmem>>)
    %mul3A_911 = arith.constant 64 : i32
    %mul3A_912 = arith.muli %add3A, %mul3A_911 : i32
    %add3A_913 = arith.constant 32768 : i32
    %add3A_914 = arith.addi %add3A_913, %mul3A_912 : i32
    %dma_start3A_915 = arith.constant 1 : i32
    %dma_start3A_916 = arith.constant 0 : i32
    %dma_start3A_917 = arith.constant 0 : i32
    %dma_start3A_918 = tpu.memref_slice %arg6[%dma_start3A_915, %dma_start3A_916, %dma_start3A_917] : memref<3x64x512xf32, #tpu.memory_space<vmem>> -> memref<1x64x512xf32, #tpu.memory_space<vmem>>
    %dma_start3A_919 = tpu.memref_squeeze %dma_start3A_918 : memref<1x64x512xf32, #tpu.memory_space<vmem>> -> memref<64x512xf32, #tpu.memory_space<vmem>>
    %dma_start3A_920 = arith.constant 0 : i32
    %dma_start3A_921 = tpu.memref_slice %arg4[%add3A_914, %dma_start3A_920] : memref<40960x512xf32, #tpu.memory_space<hbm>> -> memref<64x512xf32, #tpu.memory_space<hbm>>
    %dma_start3A_922 = arith.constant 0 : i32
    %dma_start3A_923 = tpu.memref_slice %arg4[%add3A_914, %dma_start3A_922] : memref<40960x512xf32, #tpu.memory_space<hbm>> -> memref<64x512xf32, #tpu.memory_space<hbm>>
    %dma_start3A_924 = arith.constant 0 : i32
    %dma_start3A_925 = arith.constant 0 : i32
    %dma_start3A_926 = tpu.memref_slice %arg6[%dma_start3A_915, %dma_start3A_924, %dma_start3A_925] : memref<3x64x512xf32, #tpu.memory_space<vmem>> -> memref<1x64x512xf32, #tpu.memory_space<vmem>>
    %dma_start3A_927 = tpu.memref_squeeze %dma_start3A_926 : memref<1x64x512xf32, #tpu.memory_space<vmem>> -> memref<64x512xf32, #tpu.memory_space<vmem>>
    tpu.enqueue_dma source(%dma_start3A_927 : memref<64x512xf32, #tpu.memory_space<vmem>>) target(%dma_start3A_923 : memref<64x512xf32, #tpu.memory_space<hbm>>) target_semaphore(%arg11 : memref<!tpu.dma_semaphore, #tpu.memory_space<semaphore_mem>>)
    %dma_wait3A_928 = arith.constant 1 : i32
    %dma_wait3A_929 = arith.constant 0 : i32
    %dma_wait3A_930 = arith.constant 0 : i32
    %dma_wait3A_931 = tpu.memref_slice %arg6[%dma_wait3A_928, %dma_wait3A_929, %dma_wait3A_930] : memref<3x64x512xf32, #tpu.memory_space<vmem>> -> memref<1x64x512xf32, #tpu.memory_space<vmem>>
    %dma_wait3A_932 = tpu.memref_squeeze %dma_wait3A_931 : memref<1x64x512xf32, #tpu.memory_space<vmem>> -> memref<64x512xf32, #tpu.memory_space<vmem>>
    %dma_wait3A_933 = arith.constant 0 : i32
    %dma_wait3A_934 = tpu.memref_slice %arg4[%add3A_914, %dma_wait3A_933] : memref<40960x512xf32, #tpu.memory_space<hbm>> -> memref<64x512xf32, #tpu.memory_space<hbm>>
    %dma_wait3A_935 = arith.constant 0 : i32
    %dma_wait3A_936 = tpu.memref_slice %arg4[%add3A_914, %dma_wait3A_935] : memref<40960x512xf32, #tpu.memory_space<hbm>> -> memref<64x512xf32, #tpu.memory_space<hbm>>
    %dma_wait3A_937 = arith.constant 0 : i32
    %dma_wait3A_938 = arith.constant 0 : i32
    %dma_wait3A_939 = tpu.memref_slice %arg6[%dma_wait3A_928, %dma_wait3A_937, %dma_wait3A_938] : memref<3x64x512xf32, #tpu.memory_space<vmem>> -> memref<1x64x512xf32, #tpu.memory_space<vmem>>
    %dma_wait3A_940 = tpu.memref_squeeze %dma_wait3A_939 : memref<1x64x512xf32, #tpu.memory_space<vmem>> -> memref<64x512xf32, #tpu.memory_space<vmem>>
    tpu.wait_dma2 semaphore(%arg11 : memref<!tpu.dma_semaphore, #tpu.memory_space<semaphore_mem>>) src(%dma_wait3A_940 : memref<64x512xf32, #tpu.memory_space<vmem>>) dst(%dma_wait3A_936 : memref<64x512xf32, #tpu.memory_space<hbm>>)
    %dma_start3A_941 = arith.constant 19 : i32
    %dma_start3A_942 = arith.constant 1 : i32
    %dma_start3A_943 = arith.constant 0 : i32
    %dma_start3A_944 = arith.constant 0 : i32
    %dma_start3A_945 = tpu.memref_slice %arg6[%dma_start3A_942, %dma_start3A_943, %dma_start3A_944] : memref<3x64x512xf32, #tpu.memory_space<vmem>> -> memref<1x64x512xf32, #tpu.memory_space<vmem>>
    %dma_start3A_946 = tpu.memref_squeeze %dma_start3A_945 : memref<1x64x512xf32, #tpu.memory_space<vmem>> -> memref<64x512xf32, #tpu.memory_space<vmem>>
    %dma_start3A_947 = tpu.memref_slice %arg5[%dma_start3A_941, %mul3A_36] : memref<20x128xi32, #tpu.memory_space<vmem>> -> memref<1x64xi32, #tpu.memory_space<vmem>>
    %dma_start3A_948 = tpu.memref_squeeze %dma_start3A_947 : memref<1x64xi32, #tpu.memory_space<vmem>> -> memref<64xi32, #tpu.memory_space<vmem>>
    %dma_start3A_949 = arith.constant 0 : i32
    %dma_start3A_950 = arith.constant 0 : i32
    %dma_start3A_951 = tpu.memref_slice %arg2[%dma_start3A_949, %dma_start3A_950] : memref<81920x512xf32, #tpu.memory_space<hbm>> -> memref<81920x512xf32, #tpu.memory_space<hbm>>
    tpu.enqueue_indirect_dma source(%dma_start3A_951 : memref<81920x512xf32, #tpu.memory_space<hbm>>) target(%dma_start3A_946 : memref<64x512xf32, #tpu.memory_space<vmem>>) offsets(%dma_start3A_948 : memref<64xi32, #tpu.memory_space<vmem>>) semaphore(%arg8 : memref<!tpu.dma_semaphore, #tpu.memory_space<semaphore_mem>>)
    %dma_wait3A_952 = arith.constant 17 : i32
    %dma_wait3A_953 = arith.constant 2 : i32
    %dma_wait3A_954 = arith.constant 0 : i32
    %dma_wait3A_955 = arith.constant 0 : i32
    %dma_wait3A_956 = tpu.memref_slice %arg6[%dma_wait3A_953, %dma_wait3A_954, %dma_wait3A_955] : memref<3x64x512xf32, #tpu.memory_space<vmem>> -> memref<1x64x512xf32, #tpu.memory_space<vmem>>
    %dma_wait3A_957 = tpu.memref_squeeze %dma_wait3A_956 : memref<1x64x512xf32, #tpu.memory_space<vmem>> -> memref<64x512xf32, #tpu.memory_space<vmem>>
    %dma_wait3A_958 = tpu.memref_slice %arg5[%dma_wait3A_952, %mul3A_36] : memref<20x128xi32, #tpu.memory_space<vmem>> -> memref<1x64xi32, #tpu.memory_space<vmem>>
    %dma_wait3A_959 = tpu.memref_squeeze %dma_wait3A_958 : memref<1x64xi32, #tpu.memory_space<vmem>> -> memref<64xi32, #tpu.memory_space<vmem>>
    %dma_wait3A_960 = arith.constant 0 : i32
    %dma_wait3A_961 = arith.constant 0 : i32
    %dma_wait3A_962 = tpu.memref_slice %arg2[%dma_wait3A_960, %dma_wait3A_961] : memref<81920x512xf32, #tpu.memory_space<hbm>> -> memref<81920x512xf32, #tpu.memory_space<hbm>>
    tpu.wait_indirect_dma semaphore(%arg9 : memref<!tpu.dma_semaphore, #tpu.memory_space<semaphore_mem>>) src(%dma_wait3A_962 : memref<81920x512xf32, #tpu.memory_space<hbm>>) dst(%dma_wait3A_957 : memref<64x512xf32, #tpu.memory_space<vmem>>)
    %mul3A_963 = arith.constant 64 : i32
    %mul3A_964 = arith.muli %add3A, %mul3A_963 : i32
    %add3A_965 = arith.constant 34816 : i32
    %add3A_966 = arith.addi %add3A_965, %mul3A_964 : i32
    %dma_start3A_967 = arith.constant 2 : i32
    %dma_start3A_968 = arith.constant 0 : i32
    %dma_start3A_969 = arith.constant 0 : i32
    %dma_start3A_970 = tpu.memref_slice %arg6[%dma_start3A_967, %dma_start3A_968, %dma_start3A_969] : memref<3x64x512xf32, #tpu.memory_space<vmem>> -> memref<1x64x512xf32, #tpu.memory_space<vmem>>
    %dma_start3A_971 = tpu.memref_squeeze %dma_start3A_970 : memref<1x64x512xf32, #tpu.memory_space<vmem>> -> memref<64x512xf32, #tpu.memory_space<vmem>>
    %dma_start3A_972 = arith.constant 0 : i32
    %dma_start3A_973 = tpu.memref_slice %arg4[%add3A_966, %dma_start3A_972] : memref<40960x512xf32, #tpu.memory_space<hbm>> -> memref<64x512xf32, #tpu.memory_space<hbm>>
    %dma_start3A_974 = arith.constant 0 : i32
    %dma_start3A_975 = tpu.memref_slice %arg4[%add3A_966, %dma_start3A_974] : memref<40960x512xf32, #tpu.memory_space<hbm>> -> memref<64x512xf32, #tpu.memory_space<hbm>>
    %dma_start3A_976 = arith.constant 0 : i32
    %dma_start3A_977 = arith.constant 0 : i32
    %dma_start3A_978 = tpu.memref_slice %arg6[%dma_start3A_967, %dma_start3A_976, %dma_start3A_977] : memref<3x64x512xf32, #tpu.memory_space<vmem>> -> memref<1x64x512xf32, #tpu.memory_space<vmem>>
    %dma_start3A_979 = tpu.memref_squeeze %dma_start3A_978 : memref<1x64x512xf32, #tpu.memory_space<vmem>> -> memref<64x512xf32, #tpu.memory_space<vmem>>
    tpu.enqueue_dma source(%dma_start3A_979 : memref<64x512xf32, #tpu.memory_space<vmem>>) target(%dma_start3A_975 : memref<64x512xf32, #tpu.memory_space<hbm>>) target_semaphore(%arg12 : memref<!tpu.dma_semaphore, #tpu.memory_space<semaphore_mem>>)
    %dma_wait3A_980 = arith.constant 18 : i32
    %dma_wait3A_981 = arith.constant 0 : i32
    %dma_wait3A_982 = arith.constant 0 : i32
    %dma_wait3A_983 = arith.constant 0 : i32
    %dma_wait3A_984 = tpu.memref_slice %arg6[%dma_wait3A_981, %dma_wait3A_982, %dma_wait3A_983] : memref<3x64x512xf32, #tpu.memory_space<vmem>> -> memref<1x64x512xf32, #tpu.memory_space<vmem>>
    %dma_wait3A_985 = tpu.memref_squeeze %dma_wait3A_984 : memref<1x64x512xf32, #tpu.memory_space<vmem>> -> memref<64x512xf32, #tpu.memory_space<vmem>>
    %dma_wait3A_986 = tpu.memref_slice %arg5[%dma_wait3A_980, %mul3A_36] : memref<20x128xi32, #tpu.memory_space<vmem>> -> memref<1x64xi32, #tpu.memory_space<vmem>>
    %dma_wait3A_987 = tpu.memref_squeeze %dma_wait3A_986 : memref<1x64xi32, #tpu.memory_space<vmem>> -> memref<64xi32, #tpu.memory_space<vmem>>
    %dma_wait3A_988 = arith.constant 0 : i32
    %dma_wait3A_989 = arith.constant 0 : i32
    %dma_wait3A_990 = tpu.memref_slice %arg2[%dma_wait3A_988, %dma_wait3A_989] : memref<81920x512xf32, #tpu.memory_space<hbm>> -> memref<81920x512xf32, #tpu.memory_space<hbm>>
    tpu.wait_indirect_dma semaphore(%arg7 : memref<!tpu.dma_semaphore, #tpu.memory_space<semaphore_mem>>) src(%dma_wait3A_990 : memref<81920x512xf32, #tpu.memory_space<hbm>>) dst(%dma_wait3A_985 : memref<64x512xf32, #tpu.memory_space<vmem>>)
    %mul3A_991 = arith.constant 64 : i32
    %mul3A_992 = arith.muli %add3A, %mul3A_991 : i32
    %add3A_993 = arith.constant 36864 : i32
    %add3A_994 = arith.addi %add3A_993, %mul3A_992 : i32
    %dma_start3A_995 = arith.constant 0 : i32
    %dma_start3A_996 = arith.constant 0 : i32
    %dma_start3A_997 = arith.constant 0 : i32
    %dma_start3A_998 = tpu.memref_slice %arg6[%dma_start3A_995, %dma_start3A_996, %dma_start3A_997] : memref<3x64x512xf32, #tpu.memory_space<vmem>> -> memref<1x64x512xf32, #tpu.memory_space<vmem>>
    %dma_start3A_999 = tpu.memref_squeeze %dma_start3A_998 : memref<1x64x512xf32, #tpu.memory_space<vmem>> -> memref<64x512xf32, #tpu.memory_space<vmem>>
    %dma_start3A_1000 = arith.constant 0 : i32
    %dma_start3A_1001 = tpu.memref_slice %arg4[%add3A_994, %dma_start3A_1000] : memref<40960x512xf32, #tpu.memory_space<hbm>> -> memref<64x512xf32, #tpu.memory_space<hbm>>
    %dma_start3A_1002 = arith.constant 0 : i32
    %dma_start3A_1003 = tpu.memref_slice %arg4[%add3A_994, %dma_start3A_1002] : memref<40960x512xf32, #tpu.memory_space<hbm>> -> memref<64x512xf32, #tpu.memory_space<hbm>>
    %dma_start3A_1004 = arith.constant 0 : i32
    %dma_start3A_1005 = arith.constant 0 : i32
    %dma_start3A_1006 = tpu.memref_slice %arg6[%dma_start3A_995, %dma_start3A_1004, %dma_start3A_1005] : memref<3x64x512xf32, #tpu.memory_space<vmem>> -> memref<1x64x512xf32, #tpu.memory_space<vmem>>
    %dma_start3A_1007 = tpu.memref_squeeze %dma_start3A_1006 : memref<1x64x512xf32, #tpu.memory_space<vmem>> -> memref<64x512xf32, #tpu.memory_space<vmem>>
    tpu.enqueue_dma source(%dma_start3A_1007 : memref<64x512xf32, #tpu.memory_space<vmem>>) target(%dma_start3A_1003 : memref<64x512xf32, #tpu.memory_space<hbm>>) target_semaphore(%arg10 : memref<!tpu.dma_semaphore, #tpu.memory_space<semaphore_mem>>)
    %dma_wait3A_1008 = arith.constant 19 : i32
    %dma_wait3A_1009 = arith.constant 1 : i32
    %dma_wait3A_1010 = arith.constant 0 : i32
    %dma_wait3A_1011 = arith.constant 0 : i32
    %dma_wait3A_1012 = tpu.memref_slice %arg6[%dma_wait3A_1009, %dma_wait3A_1010, %dma_wait3A_1011] : memref<3x64x512xf32, #tpu.memory_space<vmem>> -> memref<1x64x512xf32, #tpu.memory_space<vmem>>
    %dma_wait3A_1013 = tpu.memref_squeeze %dma_wait3A_1012 : memref<1x64x512xf32, #tpu.memory_space<vmem>> -> memref<64x512xf32, #tpu.memory_space<vmem>>
    %dma_wait3A_1014 = tpu.memref_slice %arg5[%dma_wait3A_1008, %mul3A_36] : memref<20x128xi32, #tpu.memory_space<vmem>> -> memref<1x64xi32, #tpu.memory_space<vmem>>
    %dma_wait3A_1015 = tpu.memref_squeeze %dma_wait3A_1014 : memref<1x64xi32, #tpu.memory_space<vmem>> -> memref<64xi32, #tpu.memory_space<vmem>>
    %dma_wait3A_1016 = arith.constant 0 : i32
    %dma_wait3A_1017 = arith.constant 0 : i32
    %dma_wait3A_1018 = tpu.memref_slice %arg2[%dma_wait3A_1016, %dma_wait3A_1017] : memref<81920x512xf32, #tpu.memory_space<hbm>> -> memref<81920x512xf32, #tpu.memory_space<hbm>>
    tpu.wait_indirect_dma semaphore(%arg8 : memref<!tpu.dma_semaphore, #tpu.memory_space<semaphore_mem>>) src(%dma_wait3A_1018 : memref<81920x512xf32, #tpu.memory_space<hbm>>) dst(%dma_wait3A_1013 : memref<64x512xf32, #tpu.memory_space<vmem>>)
    %mul3A_1019 = arith.constant 64 : i32
    %mul3A_1020 = arith.muli %add3A, %mul3A_1019 : i32
    %add3A_1021 = arith.constant 38912 : i32
    %add3A_1022 = arith.addi %add3A_1021, %mul3A_1020 : i32
    %dma_start3A_1023 = arith.constant 1 : i32
    %dma_start3A_1024 = arith.constant 0 : i32
    %dma_start3A_1025 = arith.constant 0 : i32
    %dma_start3A_1026 = tpu.memref_slice %arg6[%dma_start3A_1023, %dma_start3A_1024, %dma_start3A_1025] : memref<3x64x512xf32, #tpu.memory_space<vmem>> -> memref<1x64x512xf32, #tpu.memory_space<vmem>>
    %dma_start3A_1027 = tpu.memref_squeeze %dma_start3A_1026 : memref<1x64x512xf32, #tpu.memory_space<vmem>> -> memref<64x512xf32, #tpu.memory_space<vmem>>
    %dma_start3A_1028 = arith.constant 0 : i32
    %dma_start3A_1029 = tpu.memref_slice %arg4[%add3A_1022, %dma_start3A_1028] : memref<40960x512xf32, #tpu.memory_space<hbm>> -> memref<64x512xf32, #tpu.memory_space<hbm>>
    %dma_start3A_1030 = arith.constant 0 : i32
    %dma_start3A_1031 = tpu.memref_slice %arg4[%add3A_1022, %dma_start3A_1030] : memref<40960x512xf32, #tpu.memory_space<hbm>> -> memref<64x512xf32, #tpu.memory_space<hbm>>
    %dma_start3A_1032 = arith.constant 0 : i32
    %dma_start3A_1033 = arith.constant 0 : i32
    %dma_start3A_1034 = tpu.memref_slice %arg6[%dma_start3A_1023, %dma_start3A_1032, %dma_start3A_1033] : memref<3x64x512xf32, #tpu.memory_space<vmem>> -> memref<1x64x512xf32, #tpu.memory_space<vmem>>
    %dma_start3A_1035 = tpu.memref_squeeze %dma_start3A_1034 : memref<1x64x512xf32, #tpu.memory_space<vmem>> -> memref<64x512xf32, #tpu.memory_space<vmem>>
    tpu.enqueue_dma source(%dma_start3A_1035 : memref<64x512xf32, #tpu.memory_space<vmem>>) target(%dma_start3A_1031 : memref<64x512xf32, #tpu.memory_space<hbm>>) target_semaphore(%arg11 : memref<!tpu.dma_semaphore, #tpu.memory_space<semaphore_mem>>)
    %dma_wait3A_1036 = arith.constant 0 : i32
    %dma_wait3A_1037 = arith.constant 0 : i32
    %dma_wait3A_1038 = arith.constant 0 : i32
    %dma_wait3A_1039 = tpu.memref_slice %arg6[%dma_wait3A_1036, %dma_wait3A_1037, %dma_wait3A_1038] : memref<3x64x512xf32, #tpu.memory_space<vmem>> -> memref<1x64x512xf32, #tpu.memory_space<vmem>>
    %dma_wait3A_1040 = tpu.memref_squeeze %dma_wait3A_1039 : memref<1x64x512xf32, #tpu.memory_space<vmem>> -> memref<64x512xf32, #tpu.memory_space<vmem>>
    %dma_wait3A_1041 = arith.constant 0 : i32
    %dma_wait3A_1042 = tpu.memref_slice %arg4[%add3A_994, %dma_wait3A_1041] : memref<40960x512xf32, #tpu.memory_space<hbm>> -> memref<64x512xf32, #tpu.memory_space<hbm>>
    %dma_wait3A_1043 = arith.constant 0 : i32
    %dma_wait3A_1044 = tpu.memref_slice %arg4[%add3A_994, %dma_wait3A_1043] : memref<40960x512xf32, #tpu.memory_space<hbm>> -> memref<64x512xf32, #tpu.memory_space<hbm>>
    %dma_wait3A_1045 = arith.constant 0 : i32
    %dma_wait3A_1046 = arith.constant 0 : i32
    %dma_wait3A_1047 = tpu.memref_slice %arg6[%dma_wait3A_1036, %dma_wait3A_1045, %dma_wait3A_1046] : memref<3x64x512xf32, #tpu.memory_space<vmem>> -> memref<1x64x512xf32, #tpu.memory_space<vmem>>
    %dma_wait3A_1048 = tpu.memref_squeeze %dma_wait3A_1047 : memref<1x64x512xf32, #tpu.memory_space<vmem>> -> memref<64x512xf32, #tpu.memory_space<vmem>>
    tpu.wait_dma2 semaphore(%arg10 : memref<!tpu.dma_semaphore, #tpu.memory_space<semaphore_mem>>) src(%dma_wait3A_1048 : memref<64x512xf32, #tpu.memory_space<vmem>>) dst(%dma_wait3A_1044 : memref<64x512xf32, #tpu.memory_space<hbm>>)
    %dma_wait3A_1049 = arith.constant 1 : i32
    %dma_wait3A_1050 = arith.constant 0 : i32
    %dma_wait3A_1051 = arith.constant 0 : i32
    %dma_wait3A_1052 = tpu.memref_slice %arg6[%dma_wait3A_1049, %dma_wait3A_1050, %dma_wait3A_1051] : memref<3x64x512xf32, #tpu.memory_space<vmem>> -> memref<1x64x512xf32, #tpu.memory_space<vmem>>
    %dma_wait3A_1053 = tpu.memref_squeeze %dma_wait3A_1052 : memref<1x64x512xf32, #tpu.memory_space<vmem>> -> memref<64x512xf32, #tpu.memory_space<vmem>>
    %dma_wait3A_1054 = arith.constant 0 : i32
    %dma_wait3A_1055 = tpu.memref_slice %arg4[%add3A_1022, %dma_wait3A_1054] : memref<40960x512xf32, #tpu.memory_space<hbm>> -> memref<64x512xf32, #tpu.memory_space<hbm>>
    %dma_wait3A_1056 = arith.constant 0 : i32
    %dma_wait3A_1057 = tpu.memref_slice %arg4[%add3A_1022, %dma_wait3A_1056] : memref<40960x512xf32, #tpu.memory_space<hbm>> -> memref<64x512xf32, #tpu.memory_space<hbm>>
    %dma_wait3A_1058 = arith.constant 0 : i32
    %dma_wait3A_1059 = arith.constant 0 : i32
    %dma_wait3A_1060 = tpu.memref_slice %arg6[%dma_wait3A_1049, %dma_wait3A_1058, %dma_wait3A_1059] : memref<3x64x512xf32, #tpu.memory_space<vmem>> -> memref<1x64x512xf32, #tpu.memory_space<vmem>>
    %dma_wait3A_1061 = tpu.memref_squeeze %dma_wait3A_1060 : memref<1x64x512xf32, #tpu.memory_space<vmem>> -> memref<64x512xf32, #tpu.memory_space<vmem>>
    tpu.wait_dma2 semaphore(%arg11 : memref<!tpu.dma_semaphore, #tpu.memory_space<semaphore_mem>>) src(%dma_wait3A_1061 : memref<64x512xf32, #tpu.memory_space<vmem>>) dst(%dma_wait3A_1057 : memref<64x512xf32, #tpu.memory_space<hbm>>)
    return
  }
}

module attributes {stable_mosaic.version = 14 : i64} {
  func.func @_tc_body(%arg0: i32, %arg1: memref<128x40x512xf32, #tpu.memory_space<vmem>>, %arg2: memref<3x40x128xf32, #tpu.memory_space<vmem>>, %arg3: memref<512x256xf32, #tpu.memory_space<vmem>>, %arg4: memref<1x256xf32, #tpu.memory_space<vmem>>, %arg5: memref<256x40xf32, #tpu.memory_space<vmem>>, %arg6: memref<1x40xf32, #tpu.memory_space<vmem>>, %arg7: memref<128x40x40xf32, #tpu.memory_space<vmem>>, %arg8: memref<20x128xi32, #tpu.memory_space<vmem>>, %arg9: memref<3x20x128xf32, #tpu.memory_space<vmem>>) attributes {dimension_semantics = [#tpu.dimension_semantics<parallel>], iteration_bounds = array<i64: 16>, scalar_prefetch = 0 : i64, scratch_operands = 0 : i64, tpu.core_type = #tpu.core_type<tc>, window_params = [{transform_indices = @transform_0, window_bounds = array<i64: 128, 40, 512>}, {transform_indices = @transform_1, window_bounds = array<i64: 3, 40, 128>}, {pipeline_mode = #tpu.pipeline_mode<synchronous>, transform_indices = @transform_2, window_bounds = array<i64: 512, 256>}, {pipeline_mode = #tpu.pipeline_mode<synchronous>, transform_indices = @transform_3, window_bounds = array<i64: 1, 256>}, {pipeline_mode = #tpu.pipeline_mode<synchronous>, transform_indices = @transform_4, window_bounds = array<i64: 256, 40>}, {pipeline_mode = #tpu.pipeline_mode<synchronous>, transform_indices = @transform_5, window_bounds = array<i64: 1, 40>}, {transform_indices = @transform_6, window_bounds = array<i64: 128, 40, 40>}, {transform_indices = @transform_7, window_bounds = array<i64: 20, 128>}, {transform_indices = @transform_8, window_bounds = array<i64: 3, 20, 128>}]} {
    %get3A = arith.constant 0 : index
    %get3A_0 = arith.constant 0 : index
    %get3A_1 = arith.constant 0 : index
    %get3A_2 = vector.load %arg1[%get3A, %get3A_0, %get3A_1] : memref<128x40x512xf32, #tpu.memory_space<vmem>>, vector<128x40x512xf32>
    %reshape3A = vector.shape_cast %get3A_2 : vector<128x40x512xf32> to vector<5120x512xf32>
    %get3A_3 = arith.constant 0 : index
    %get3A_4 = arith.constant 0 : index
    %get3A_5 = vector.load %arg3[%get3A_3, %get3A_4] : memref<512x256xf32, #tpu.memory_space<vmem>>, vector<512x256xf32>
    %dot_general3A = arith.constant dense<0.000000e+00> : vector<5120x256xf32>
    %dot_general3A_6 = tpu.matmul %reshape3A, %get3A_5, %dot_general3A {dimension_numbers = #tpu.dot_dimension_numbers<[1], [0], [0], [1], [0, 0, 1, 1], [], []>, transpose_lhs_hint = false} : vector<5120x512xf32>, vector<512x256xf32>, vector<5120x256xf32> -> vector<5120x256xf32>
    %get3A_7 = arith.constant 0 : index
    %get3A_8 = arith.constant 0 : index
    %get3A_9 = vector.load %arg4[%get3A_7, %get3A_8] : memref<1x256xf32, #tpu.memory_space<vmem>>, vector<1x256xf32>
    %add3A = vector.broadcast %get3A_9 : vector<1x256xf32> to vector<5120x256xf32>
    %add3A_10 = arith.addf %dot_general3A_6, %add3A : vector<5120x256xf32>
    %ge3A = arith.constant 0.000000e+00 : f32
    %ge3A_11 = vector.broadcast %ge3A : f32 to vector<5120x256xf32>
    %ge3A_12 = arith.cmpf oge, %add3A_10, %ge3A_11 : vector<5120x256xf32>
    %mul3A = arith.constant 2.000000e-01 : f32
    %mul3A_13 = vector.broadcast %mul3A : f32 to vector<5120x256xf32>
    %mul3A_14 = arith.mulf %mul3A_13, %add3A_10 : vector<5120x256xf32>
    %select_n3A = arith.select %ge3A_12, %add3A_10, %mul3A_14 : vector<5120x256xi1>, vector<5120x256xf32>
    %get3A_15 = arith.constant 0 : index
    %get3A_16 = arith.constant 0 : index
    %get3A_17 = vector.load %arg5[%get3A_15, %get3A_16] : memref<256x40xf32, #tpu.memory_space<vmem>>, vector<256x40xf32>
    %dot_general3A_18 = arith.constant dense<0.000000e+00> : vector<5120x40xf32>
    %dot_general3A_19 = tpu.matmul %select_n3A, %get3A_17, %dot_general3A_18 {dimension_numbers = #tpu.dot_dimension_numbers<[1], [0], [0], [1], [0, 0, 1, 1], [], []>, transpose_lhs_hint = false} : vector<5120x256xf32>, vector<256x40xf32>, vector<5120x40xf32> -> vector<5120x40xf32>
    %get3A_20 = arith.constant 0 : index
    %get3A_21 = arith.constant 0 : index
    %get3A_22 = vector.load %arg6[%get3A_20, %get3A_21] : memref<1x40xf32, #tpu.memory_space<vmem>>, vector<1x40xf32>
    %add3A_23 = vector.broadcast %get3A_22 : vector<1x40xf32> to vector<5120x40xf32>
    %add3A_24 = arith.addf %dot_general3A_19, %add3A_23 : vector<5120x40xf32>
    %reshape3A_25 = vector.shape_cast %add3A_24 : vector<5120x40xf32> to vector<128x40x40xf32>
    %swap3A = arith.constant 0 : index
    %swap3A_26 = arith.constant 0 : index
    %swap3A_27 = arith.constant 0 : index
    %swap3A_28 = vector.load %arg7[%swap3A, %swap3A_26, %swap3A_27] : memref<128x40x40xf32, #tpu.memory_space<vmem>>, vector<128x40x40xf32>
    tpu.vector_store %arg7[%swap3A, %swap3A_26, %swap3A_27], %reshape3A_25 {strides = array<i32>} : memref<128x40x40xf32, #tpu.memory_space<vmem>>, vector<128x40x40xf32>,
    %reduce_sum3A = arith.constant dense<0.000000e+00> : vector<128x512xf32>
    %reduce_sum3A_29 = vector.multi_reduction <add>, %get3A_2, %reduce_sum3A [1] : vector<128x40x512xf32> to vector<128x512xf32>
    %mul3A_30 = arith.constant 2.500000e-02 : f32
    %mul3A_31 = vector.broadcast %mul3A_30 : f32 to vector<128x512xf32>
    %mul3A_32 = arith.mulf %reduce_sum3A_29, %mul3A_31 : vector<128x512xf32>
    %get3A_33 = arith.constant 0 : index
    %get3A_34 = arith.constant 0 : index
    %get3A_35 = vector.load %arg3[%get3A_33, %get3A_34] : memref<512x256xf32, #tpu.memory_space<vmem>>, vector<512x256xf32>
    %dot_general3A_36 = arith.constant dense<0.000000e+00> : vector<128x256xf32>
    %dot_general3A_37 = tpu.matmul %mul3A_32, %get3A_35, %dot_general3A_36 {dimension_numbers = #tpu.dot_dimension_numbers<[1], [0], [0], [1], [0, 0, 1, 1], [], []>, transpose_lhs_hint = false} : vector<128x512xf32>, vector<512x256xf32>, vector<128x256xf32> -> vector<128x256xf32>
    %get3A_38 = arith.constant 0 : index
    %get3A_39 = arith.constant 0 : index
    %get3A_40 = vector.load %arg4[%get3A_38, %get3A_39] : memref<1x256xf32, #tpu.memory_space<vmem>>, vector<1x256xf32>
    %add3A_41 = vector.broadcast %get3A_40 : vector<1x256xf32> to vector<128x256xf32>
    %add3A_42 = arith.addf %dot_general3A_37, %add3A_41 : vector<128x256xf32>
    %ge3A_43 = arith.constant 0.000000e+00 : f32
    %ge3A_44 = vector.broadcast %ge3A_43 : f32 to vector<128x256xf32>
    %ge3A_45 = arith.cmpf oge, %add3A_42, %ge3A_44 : vector<128x256xf32>
    %mul3A_46 = arith.constant 2.000000e-01 : f32
    %mul3A_47 = vector.broadcast %mul3A_46 : f32 to vector<128x256xf32>
    %mul3A_48 = arith.mulf %mul3A_47, %add3A_42 : vector<128x256xf32>
    %select_n3A_49 = arith.select %ge3A_45, %add3A_42, %mul3A_48 : vector<128x256xi1>, vector<128x256xf32>
    %get3A_50 = arith.constant 0 : index
    %get3A_51 = arith.constant 0 : index
    %get3A_52 = vector.load %arg5[%get3A_50, %get3A_51] : memref<256x40xf32, #tpu.memory_space<vmem>>, vector<256x40xf32>
    %dot_general3A_53 = arith.constant dense<0.000000e+00> : vector<128x40xf32>
    %dot_general3A_54 = tpu.matmul %select_n3A_49, %get3A_52, %dot_general3A_53 {dimension_numbers = #tpu.dot_dimension_numbers<[1], [0], [0], [1], [0, 0, 1, 1], [], []>, transpose_lhs_hint = false} : vector<128x256xf32>, vector<256x40xf32>, vector<128x40xf32> -> vector<128x40xf32>
    %get3A_55 = arith.constant 0 : index
    %get3A_56 = arith.constant 0 : index
    %get3A_57 = vector.load %arg6[%get3A_55, %get3A_56] : memref<1x40xf32, #tpu.memory_space<vmem>>, vector<1x40xf32>
    %add3A_58 = vector.broadcast %get3A_57 : vector<1x40xf32> to vector<128x40xf32>
    %add3A_59 = arith.addf %dot_general3A_54, %add3A_58 : vector<128x40xf32>
    %iota3A = tpu.iota {dimensions = array<i32: 1>} : vector<128x40xi32>
    %reduce_max3A = arith.constant dense<0xFF800000> : vector<128xf32>
    %reduce_max3A_60 = vector.multi_reduction <maximumf>, %add3A_59, %reduce_max3A [1] : vector<128x40xf32> to vector<128xf32>
    %broadcast_in_dim3A = vector.shape_cast %reduce_max3A_60 : vector<128xf32> to vector<128x1xf32>
    %eq3A = vector.broadcast %broadcast_in_dim3A : vector<128x1xf32> to vector<128x40xf32>
    %eq3A_61 = arith.cmpf oeq, %add3A_59, %eq3A : vector<128x40xf32>
    %jit3A = arith.constant 40 : i32
    %broadcast_in_dim3A_62 = vector.broadcast %jit3A : i32 to vector<128x40xi32>
    %select_n3A_63 = arith.select %eq3A_61, %iota3A, %broadcast_in_dim3A_62 : vector<128x40xi1>, vector<128x40xi32>
    %reduce_min3A = arith.constant dense<2147483647> : vector<128xi32>
    %reduce_min3A_64 = vector.multi_reduction <minsi>, %select_n3A_63, %reduce_min3A [1] : vector<128x40xi32> to vector<128xi32>
    %broadcast_in_dim3A_65 = vector.shape_cast %reduce_min3A_64 : vector<128xi32> to vector<128x1xi32>
    %eq3A_66 = vector.broadcast %broadcast_in_dim3A_65 : vector<128x1xi32> to vector<128x40xi32>
    %eq3A_67 = arith.cmpi eq, %iota3A, %eq3A_66 : vector<128x40xi32>
    %convert_element_type3A = arith.extui %eq3A_67 : vector<128x40xi1> to vector<128x40xi32>
    %convert_element_type3A_68 = arith.sitofp %convert_element_type3A : vector<128x40xi32> to vector<128x40xf32>
    %broadcast_in_dim3A_69 = vector.shape_cast %convert_element_type3A_68 : vector<128x40xf32> to vector<128x1x40xf32>
    %mul3A_70 = vector.broadcast %broadcast_in_dim3A_69 : vector<128x1x40xf32> to vector<128x40x40xf32>
    %mul3A_71 = arith.mulf %reshape3A_25, %mul3A_70 : vector<128x40x40xf32>
    %reduce_sum3A_72 = arith.constant dense<0.000000e+00> : vector<128x40xf32>
    %reduce_sum3A_73 = vector.multi_reduction <add>, %mul3A_71, %reduce_sum3A_72 [2] : vector<128x40x40xf32> to vector<128x40xf32>
    %transpose3A = tpu.transpose %reduce_sum3A_73, [1, 0] : vector<128x40xf32> -> vector<40x128xf32>
    %get3A_74 = arith.constant 0 : index
    %get3A_75 = arith.constant 0 : index
    %get3A_76 = arith.constant 0 : index
    %get3A_77 = vector.load %arg2[%get3A_74, %get3A_75, %get3A_76] : memref<3x40x128xf32, #tpu.memory_space<vmem>>, vector<3x40x128xf32>
    %iota3A_78 = tpu.iota {dimensions = array<i32: 0>} : vector<40x128xi32>
    %broadcast_in_dim3A_79 = arith.constant 0 : i32
    %broadcast_in_dim3A_80 = vector.broadcast %broadcast_in_dim3A_79 : i32 to vector<40x128xi32>
    %slice3A = vector.extract_strided_slice %transpose3A {offsets = [0, 0], sizes = [1, 128], strides = [1, 1]} : vector<40x128xf32> to vector<1x128xf32>
    %gt3A = vector.broadcast %slice3A : vector<1x128xf32> to vector<40x128xf32>
    %gt3A_81 = arith.cmpf ogt, %gt3A, %transpose3A : vector<40x128xf32>
    %eq3A_82 = vector.broadcast %slice3A : vector<1x128xf32> to vector<40x128xf32>
    %eq3A_83 = arith.cmpf oeq, %eq3A_82, %transpose3A : vector<40x128xf32>
    %gt3A_84 = arith.constant 0 : i32
    %gt3A_85 = vector.broadcast %gt3A_84 : i32 to vector<40x128xi32>
    %gt3A_86 = arith.cmpi sgt, %iota3A_78, %gt3A_85 : vector<40x128xi32>
    %and3A = arith.andi %eq3A_83, %gt3A_86 : vector<40x128xi1>
    %or3A = arith.ori %gt3A_81, %and3A : vector<40x128xi1>
    %jit3A_87 = arith.constant 1 : i32
    %jit3A_88 = arith.constant 0 : i32
    %broadcast_in_dim3A_89 = vector.broadcast %jit3A_87 : i32 to vector<40x128xi32>
    %broadcast_in_dim3A_90 = vector.broadcast %jit3A_88 : i32 to vector<40x128xi32>
    %select_n3A_91 = arith.select %or3A, %broadcast_in_dim3A_89, %broadcast_in_dim3A_90 : vector<40x128xi1>, vector<40x128xi32>
    %add3A_92 = arith.addi %broadcast_in_dim3A_80, %select_n3A_91 : vector<40x128xi32>
    %slice3A_93 = vector.extract_strided_slice %transpose3A {offsets = [1, 0], sizes = [1, 128], strides = [1, 1]} : vector<40x128xf32> to vector<1x128xf32>
    %gt3A_94 = vector.broadcast %slice3A_93 : vector<1x128xf32> to vector<40x128xf32>
    %gt3A_95 = arith.cmpf ogt, %gt3A_94, %transpose3A : vector<40x128xf32>
    %eq3A_96 = vector.broadcast %slice3A_93 : vector<1x128xf32> to vector<40x128xf32>
    %eq3A_97 = arith.cmpf oeq, %eq3A_96, %transpose3A : vector<40x128xf32>
    %gt3A_98 = arith.constant 1 : i32
    %gt3A_99 = vector.broadcast %gt3A_98 : i32 to vector<40x128xi32>
    %gt3A_100 = arith.cmpi sgt, %iota3A_78, %gt3A_99 : vector<40x128xi32>
    %and3A_101 = arith.andi %eq3A_97, %gt3A_100 : vector<40x128xi1>
    %or3A_102 = arith.ori %gt3A_95, %and3A_101 : vector<40x128xi1>
    %jit3A_103 = arith.constant 1 : i32
    %jit3A_104 = arith.constant 0 : i32
    %broadcast_in_dim3A_105 = vector.broadcast %jit3A_103 : i32 to vector<40x128xi32>
    %broadcast_in_dim3A_106 = vector.broadcast %jit3A_104 : i32 to vector<40x128xi32>
    %select_n3A_107 = arith.select %or3A_102, %broadcast_in_dim3A_105, %broadcast_in_dim3A_106 : vector<40x128xi1>, vector<40x128xi32>
    %add3A_108 = arith.addi %add3A_92, %select_n3A_107 : vector<40x128xi32>
    %slice3A_109 = vector.extract_strided_slice %transpose3A {offsets = [2, 0], sizes = [1, 128], strides = [1, 1]} : vector<40x128xf32> to vector<1x128xf32>
    %gt3A_110 = vector.broadcast %slice3A_109 : vector<1x128xf32> to vector<40x128xf32>
    %gt3A_111 = arith.cmpf ogt, %gt3A_110, %transpose3A : vector<40x128xf32>
    %eq3A_112 = vector.broadcast %slice3A_109 : vector<1x128xf32> to vector<40x128xf32>
    %eq3A_113 = arith.cmpf oeq, %eq3A_112, %transpose3A : vector<40x128xf32>
    %gt3A_114 = arith.constant 2 : i32
    %gt3A_115 = vector.broadcast %gt3A_114 : i32 to vector<40x128xi32>
    %gt3A_116 = arith.cmpi sgt, %iota3A_78, %gt3A_115 : vector<40x128xi32>
    %and3A_117 = arith.andi %eq3A_113, %gt3A_116 : vector<40x128xi1>
    %or3A_118 = arith.ori %gt3A_111, %and3A_117 : vector<40x128xi1>
    %jit3A_119 = arith.constant 1 : i32
    %jit3A_120 = arith.constant 0 : i32
    %broadcast_in_dim3A_121 = vector.broadcast %jit3A_119 : i32 to vector<40x128xi32>
    %broadcast_in_dim3A_122 = vector.broadcast %jit3A_120 : i32 to vector<40x128xi32>
    %select_n3A_123 = arith.select %or3A_118, %broadcast_in_dim3A_121, %broadcast_in_dim3A_122 : vector<40x128xi1>, vector<40x128xi32>
    %add3A_124 = arith.addi %add3A_108, %select_n3A_123 : vector<40x128xi32>
    %slice3A_125 = vector.extract_strided_slice %transpose3A {offsets = [3, 0], sizes = [1, 128], strides = [1, 1]} : vector<40x128xf32> to vector<1x128xf32>
    %gt3A_126 = vector.broadcast %slice3A_125 : vector<1x128xf32> to vector<40x128xf32>
    %gt3A_127 = arith.cmpf ogt, %gt3A_126, %transpose3A : vector<40x128xf32>
    %eq3A_128 = vector.broadcast %slice3A_125 : vector<1x128xf32> to vector<40x128xf32>
    %eq3A_129 = arith.cmpf oeq, %eq3A_128, %transpose3A : vector<40x128xf32>
    %gt3A_130 = arith.constant 3 : i32
    %gt3A_131 = vector.broadcast %gt3A_130 : i32 to vector<40x128xi32>
    %gt3A_132 = arith.cmpi sgt, %iota3A_78, %gt3A_131 : vector<40x128xi32>
    %and3A_133 = arith.andi %eq3A_129, %gt3A_132 : vector<40x128xi1>
    %or3A_134 = arith.ori %gt3A_127, %and3A_133 : vector<40x128xi1>
    %jit3A_135 = arith.constant 1 : i32
    %jit3A_136 = arith.constant 0 : i32
    %broadcast_in_dim3A_137 = vector.broadcast %jit3A_135 : i32 to vector<40x128xi32>
    %broadcast_in_dim3A_138 = vector.broadcast %jit3A_136 : i32 to vector<40x128xi32>
    %select_n3A_139 = arith.select %or3A_134, %broadcast_in_dim3A_137, %broadcast_in_dim3A_138 : vector<40x128xi1>, vector<40x128xi32>
    %add3A_140 = arith.addi %add3A_124, %select_n3A_139 : vector<40x128xi32>
    %slice3A_141 = vector.extract_strided_slice %transpose3A {offsets = [4, 0], sizes = [1, 128], strides = [1, 1]} : vector<40x128xf32> to vector<1x128xf32>
    %gt3A_142 = vector.broadcast %slice3A_141 : vector<1x128xf32> to vector<40x128xf32>
    %gt3A_143 = arith.cmpf ogt, %gt3A_142, %transpose3A : vector<40x128xf32>
    %eq3A_144 = vector.broadcast %slice3A_141 : vector<1x128xf32> to vector<40x128xf32>
    %eq3A_145 = arith.cmpf oeq, %eq3A_144, %transpose3A : vector<40x128xf32>
    %gt3A_146 = arith.constant 4 : i32
    %gt3A_147 = vector.broadcast %gt3A_146 : i32 to vector<40x128xi32>
    %gt3A_148 = arith.cmpi sgt, %iota3A_78, %gt3A_147 : vector<40x128xi32>
    %and3A_149 = arith.andi %eq3A_145, %gt3A_148 : vector<40x128xi1>
    %or3A_150 = arith.ori %gt3A_143, %and3A_149 : vector<40x128xi1>
    %jit3A_151 = arith.constant 1 : i32
    %jit3A_152 = arith.constant 0 : i32
    %broadcast_in_dim3A_153 = vector.broadcast %jit3A_151 : i32 to vector<40x128xi32>
    %broadcast_in_dim3A_154 = vector.broadcast %jit3A_152 : i32 to vector<40x128xi32>
    %select_n3A_155 = arith.select %or3A_150, %broadcast_in_dim3A_153, %broadcast_in_dim3A_154 : vector<40x128xi1>, vector<40x128xi32>
    %add3A_156 = arith.addi %add3A_140, %select_n3A_155 : vector<40x128xi32>
    %slice3A_157 = vector.extract_strided_slice %transpose3A {offsets = [5, 0], sizes = [1, 128], strides = [1, 1]} : vector<40x128xf32> to vector<1x128xf32>
    %gt3A_158 = vector.broadcast %slice3A_157 : vector<1x128xf32> to vector<40x128xf32>
    %gt3A_159 = arith.cmpf ogt, %gt3A_158, %transpose3A : vector<40x128xf32>
    %eq3A_160 = vector.broadcast %slice3A_157 : vector<1x128xf32> to vector<40x128xf32>
    %eq3A_161 = arith.cmpf oeq, %eq3A_160, %transpose3A : vector<40x128xf32>
    %gt3A_162 = arith.constant 5 : i32
    %gt3A_163 = vector.broadcast %gt3A_162 : i32 to vector<40x128xi32>
    %gt3A_164 = arith.cmpi sgt, %iota3A_78, %gt3A_163 : vector<40x128xi32>
    %and3A_165 = arith.andi %eq3A_161, %gt3A_164 : vector<40x128xi1>
    %or3A_166 = arith.ori %gt3A_159, %and3A_165 : vector<40x128xi1>
    %jit3A_167 = arith.constant 1 : i32
    %jit3A_168 = arith.constant 0 : i32
    %broadcast_in_dim3A_169 = vector.broadcast %jit3A_167 : i32 to vector<40x128xi32>
    %broadcast_in_dim3A_170 = vector.broadcast %jit3A_168 : i32 to vector<40x128xi32>
    %select_n3A_171 = arith.select %or3A_166, %broadcast_in_dim3A_169, %broadcast_in_dim3A_170 : vector<40x128xi1>, vector<40x128xi32>
    %add3A_172 = arith.addi %add3A_156, %select_n3A_171 : vector<40x128xi32>
    %slice3A_173 = vector.extract_strided_slice %transpose3A {offsets = [6, 0], sizes = [1, 128], strides = [1, 1]} : vector<40x128xf32> to vector<1x128xf32>
    %gt3A_174 = vector.broadcast %slice3A_173 : vector<1x128xf32> to vector<40x128xf32>
    %gt3A_175 = arith.cmpf ogt, %gt3A_174, %transpose3A : vector<40x128xf32>
    %eq3A_176 = vector.broadcast %slice3A_173 : vector<1x128xf32> to vector<40x128xf32>
    %eq3A_177 = arith.cmpf oeq, %eq3A_176, %transpose3A : vector<40x128xf32>
    %gt3A_178 = arith.constant 6 : i32
    %gt3A_179 = vector.broadcast %gt3A_178 : i32 to vector<40x128xi32>
    %gt3A_180 = arith.cmpi sgt, %iota3A_78, %gt3A_179 : vector<40x128xi32>
    %and3A_181 = arith.andi %eq3A_177, %gt3A_180 : vector<40x128xi1>
    %or3A_182 = arith.ori %gt3A_175, %and3A_181 : vector<40x128xi1>
    %jit3A_183 = arith.constant 1 : i32
    %jit3A_184 = arith.constant 0 : i32
    %broadcast_in_dim3A_185 = vector.broadcast %jit3A_183 : i32 to vector<40x128xi32>
    %broadcast_in_dim3A_186 = vector.broadcast %jit3A_184 : i32 to vector<40x128xi32>
    %select_n3A_187 = arith.select %or3A_182, %broadcast_in_dim3A_185, %broadcast_in_dim3A_186 : vector<40x128xi1>, vector<40x128xi32>
    %add3A_188 = arith.addi %add3A_172, %select_n3A_187 : vector<40x128xi32>
    %slice3A_189 = vector.extract_strided_slice %transpose3A {offsets = [7, 0], sizes = [1, 128], strides = [1, 1]} : vector<40x128xf32> to vector<1x128xf32>
    %gt3A_190 = vector.broadcast %slice3A_189 : vector<1x128xf32> to vector<40x128xf32>
    %gt3A_191 = arith.cmpf ogt, %gt3A_190, %transpose3A : vector<40x128xf32>
    %eq3A_192 = vector.broadcast %slice3A_189 : vector<1x128xf32> to vector<40x128xf32>
    %eq3A_193 = arith.cmpf oeq, %eq3A_192, %transpose3A : vector<40x128xf32>
    %gt3A_194 = arith.constant 7 : i32
    %gt3A_195 = vector.broadcast %gt3A_194 : i32 to vector<40x128xi32>
    %gt3A_196 = arith.cmpi sgt, %iota3A_78, %gt3A_195 : vector<40x128xi32>
    %and3A_197 = arith.andi %eq3A_193, %gt3A_196 : vector<40x128xi1>
    %or3A_198 = arith.ori %gt3A_191, %and3A_197 : vector<40x128xi1>
    %jit3A_199 = arith.constant 1 : i32
    %jit3A_200 = arith.constant 0 : i32
    %broadcast_in_dim3A_201 = vector.broadcast %jit3A_199 : i32 to vector<40x128xi32>
    %broadcast_in_dim3A_202 = vector.broadcast %jit3A_200 : i32 to vector<40x128xi32>
    %select_n3A_203 = arith.select %or3A_198, %broadcast_in_dim3A_201, %broadcast_in_dim3A_202 : vector<40x128xi1>, vector<40x128xi32>
    %add3A_204 = arith.addi %add3A_188, %select_n3A_203 : vector<40x128xi32>
    %slice3A_205 = vector.extract_strided_slice %transpose3A {offsets = [8, 0], sizes = [1, 128], strides = [1, 1]} : vector<40x128xf32> to vector<1x128xf32>
    %gt3A_206 = vector.broadcast %slice3A_205 : vector<1x128xf32> to vector<40x128xf32>
    %gt3A_207 = arith.cmpf ogt, %gt3A_206, %transpose3A : vector<40x128xf32>
    %eq3A_208 = vector.broadcast %slice3A_205 : vector<1x128xf32> to vector<40x128xf32>
    %eq3A_209 = arith.cmpf oeq, %eq3A_208, %transpose3A : vector<40x128xf32>
    %gt3A_210 = arith.constant 8 : i32
    %gt3A_211 = vector.broadcast %gt3A_210 : i32 to vector<40x128xi32>
    %gt3A_212 = arith.cmpi sgt, %iota3A_78, %gt3A_211 : vector<40x128xi32>
    %and3A_213 = arith.andi %eq3A_209, %gt3A_212 : vector<40x128xi1>
    %or3A_214 = arith.ori %gt3A_207, %and3A_213 : vector<40x128xi1>
    %jit3A_215 = arith.constant 1 : i32
    %jit3A_216 = arith.constant 0 : i32
    %broadcast_in_dim3A_217 = vector.broadcast %jit3A_215 : i32 to vector<40x128xi32>
    %broadcast_in_dim3A_218 = vector.broadcast %jit3A_216 : i32 to vector<40x128xi32>
    %select_n3A_219 = arith.select %or3A_214, %broadcast_in_dim3A_217, %broadcast_in_dim3A_218 : vector<40x128xi1>, vector<40x128xi32>
    %add3A_220 = arith.addi %add3A_204, %select_n3A_219 : vector<40x128xi32>
    %slice3A_221 = vector.extract_strided_slice %transpose3A {offsets = [9, 0], sizes = [1, 128], strides = [1, 1]} : vector<40x128xf32> to vector<1x128xf32>
    %gt3A_222 = vector.broadcast %slice3A_221 : vector<1x128xf32> to vector<40x128xf32>
    %gt3A_223 = arith.cmpf ogt, %gt3A_222, %transpose3A : vector<40x128xf32>
    %eq3A_224 = vector.broadcast %slice3A_221 : vector<1x128xf32> to vector<40x128xf32>
    %eq3A_225 = arith.cmpf oeq, %eq3A_224, %transpose3A : vector<40x128xf32>
    %gt3A_226 = arith.constant 9 : i32
    %gt3A_227 = vector.broadcast %gt3A_226 : i32 to vector<40x128xi32>
    %gt3A_228 = arith.cmpi sgt, %iota3A_78, %gt3A_227 : vector<40x128xi32>
    %and3A_229 = arith.andi %eq3A_225, %gt3A_228 : vector<40x128xi1>
    %or3A_230 = arith.ori %gt3A_223, %and3A_229 : vector<40x128xi1>
    %jit3A_231 = arith.constant 1 : i32
    %jit3A_232 = arith.constant 0 : i32
    %broadcast_in_dim3A_233 = vector.broadcast %jit3A_231 : i32 to vector<40x128xi32>
    %broadcast_in_dim3A_234 = vector.broadcast %jit3A_232 : i32 to vector<40x128xi32>
    %select_n3A_235 = arith.select %or3A_230, %broadcast_in_dim3A_233, %broadcast_in_dim3A_234 : vector<40x128xi1>, vector<40x128xi32>
    %add3A_236 = arith.addi %add3A_220, %select_n3A_235 : vector<40x128xi32>
    %slice3A_237 = vector.extract_strided_slice %transpose3A {offsets = [10, 0], sizes = [1, 128], strides = [1, 1]} : vector<40x128xf32> to vector<1x128xf32>
    %gt3A_238 = vector.broadcast %slice3A_237 : vector<1x128xf32> to vector<40x128xf32>
    %gt3A_239 = arith.cmpf ogt, %gt3A_238, %transpose3A : vector<40x128xf32>
    %eq3A_240 = vector.broadcast %slice3A_237 : vector<1x128xf32> to vector<40x128xf32>
    %eq3A_241 = arith.cmpf oeq, %eq3A_240, %transpose3A : vector<40x128xf32>
    %gt3A_242 = arith.constant 10 : i32
    %gt3A_243 = vector.broadcast %gt3A_242 : i32 to vector<40x128xi32>
    %gt3A_244 = arith.cmpi sgt, %iota3A_78, %gt3A_243 : vector<40x128xi32>
    %and3A_245 = arith.andi %eq3A_241, %gt3A_244 : vector<40x128xi1>
    %or3A_246 = arith.ori %gt3A_239, %and3A_245 : vector<40x128xi1>
    %jit3A_247 = arith.constant 1 : i32
    %jit3A_248 = arith.constant 0 : i32
    %broadcast_in_dim3A_249 = vector.broadcast %jit3A_247 : i32 to vector<40x128xi32>
    %broadcast_in_dim3A_250 = vector.broadcast %jit3A_248 : i32 to vector<40x128xi32>
    %select_n3A_251 = arith.select %or3A_246, %broadcast_in_dim3A_249, %broadcast_in_dim3A_250 : vector<40x128xi1>, vector<40x128xi32>
    %add3A_252 = arith.addi %add3A_236, %select_n3A_251 : vector<40x128xi32>
    %slice3A_253 = vector.extract_strided_slice %transpose3A {offsets = [11, 0], sizes = [1, 128], strides = [1, 1]} : vector<40x128xf32> to vector<1x128xf32>
    %gt3A_254 = vector.broadcast %slice3A_253 : vector<1x128xf32> to vector<40x128xf32>
    %gt3A_255 = arith.cmpf ogt, %gt3A_254, %transpose3A : vector<40x128xf32>
    %eq3A_256 = vector.broadcast %slice3A_253 : vector<1x128xf32> to vector<40x128xf32>
    %eq3A_257 = arith.cmpf oeq, %eq3A_256, %transpose3A : vector<40x128xf32>
    %gt3A_258 = arith.constant 11 : i32
    %gt3A_259 = vector.broadcast %gt3A_258 : i32 to vector<40x128xi32>
    %gt3A_260 = arith.cmpi sgt, %iota3A_78, %gt3A_259 : vector<40x128xi32>
    %and3A_261 = arith.andi %eq3A_257, %gt3A_260 : vector<40x128xi1>
    %or3A_262 = arith.ori %gt3A_255, %and3A_261 : vector<40x128xi1>
    %jit3A_263 = arith.constant 1 : i32
    %jit3A_264 = arith.constant 0 : i32
    %broadcast_in_dim3A_265 = vector.broadcast %jit3A_263 : i32 to vector<40x128xi32>
    %broadcast_in_dim3A_266 = vector.broadcast %jit3A_264 : i32 to vector<40x128xi32>
    %select_n3A_267 = arith.select %or3A_262, %broadcast_in_dim3A_265, %broadcast_in_dim3A_266 : vector<40x128xi1>, vector<40x128xi32>
    %add3A_268 = arith.addi %add3A_252, %select_n3A_267 : vector<40x128xi32>
    %slice3A_269 = vector.extract_strided_slice %transpose3A {offsets = [12, 0], sizes = [1, 128], strides = [1, 1]} : vector<40x128xf32> to vector<1x128xf32>
    %gt3A_270 = vector.broadcast %slice3A_269 : vector<1x128xf32> to vector<40x128xf32>
    %gt3A_271 = arith.cmpf ogt, %gt3A_270, %transpose3A : vector<40x128xf32>
    %eq3A_272 = vector.broadcast %slice3A_269 : vector<1x128xf32> to vector<40x128xf32>
    %eq3A_273 = arith.cmpf oeq, %eq3A_272, %transpose3A : vector<40x128xf32>
    %gt3A_274 = arith.constant 12 : i32
    %gt3A_275 = vector.broadcast %gt3A_274 : i32 to vector<40x128xi32>
    %gt3A_276 = arith.cmpi sgt, %iota3A_78, %gt3A_275 : vector<40x128xi32>
    %and3A_277 = arith.andi %eq3A_273, %gt3A_276 : vector<40x128xi1>
    %or3A_278 = arith.ori %gt3A_271, %and3A_277 : vector<40x128xi1>
    %jit3A_279 = arith.constant 1 : i32
    %jit3A_280 = arith.constant 0 : i32
    %broadcast_in_dim3A_281 = vector.broadcast %jit3A_279 : i32 to vector<40x128xi32>
    %broadcast_in_dim3A_282 = vector.broadcast %jit3A_280 : i32 to vector<40x128xi32>
    %select_n3A_283 = arith.select %or3A_278, %broadcast_in_dim3A_281, %broadcast_in_dim3A_282 : vector<40x128xi1>, vector<40x128xi32>
    %add3A_284 = arith.addi %add3A_268, %select_n3A_283 : vector<40x128xi32>
    %slice3A_285 = vector.extract_strided_slice %transpose3A {offsets = [13, 0], sizes = [1, 128], strides = [1, 1]} : vector<40x128xf32> to vector<1x128xf32>
    %gt3A_286 = vector.broadcast %slice3A_285 : vector<1x128xf32> to vector<40x128xf32>
    %gt3A_287 = arith.cmpf ogt, %gt3A_286, %transpose3A : vector<40x128xf32>
    %eq3A_288 = vector.broadcast %slice3A_285 : vector<1x128xf32> to vector<40x128xf32>
    %eq3A_289 = arith.cmpf oeq, %eq3A_288, %transpose3A : vector<40x128xf32>
    %gt3A_290 = arith.constant 13 : i32
    %gt3A_291 = vector.broadcast %gt3A_290 : i32 to vector<40x128xi32>
    %gt3A_292 = arith.cmpi sgt, %iota3A_78, %gt3A_291 : vector<40x128xi32>
    %and3A_293 = arith.andi %eq3A_289, %gt3A_292 : vector<40x128xi1>
    %or3A_294 = arith.ori %gt3A_287, %and3A_293 : vector<40x128xi1>
    %jit3A_295 = arith.constant 1 : i32
    %jit3A_296 = arith.constant 0 : i32
    %broadcast_in_dim3A_297 = vector.broadcast %jit3A_295 : i32 to vector<40x128xi32>
    %broadcast_in_dim3A_298 = vector.broadcast %jit3A_296 : i32 to vector<40x128xi32>
    %select_n3A_299 = arith.select %or3A_294, %broadcast_in_dim3A_297, %broadcast_in_dim3A_298 : vector<40x128xi1>, vector<40x128xi32>
    %add3A_300 = arith.addi %add3A_284, %select_n3A_299 : vector<40x128xi32>
    %slice3A_301 = vector.extract_strided_slice %transpose3A {offsets = [14, 0], sizes = [1, 128], strides = [1, 1]} : vector<40x128xf32> to vector<1x128xf32>
    %gt3A_302 = vector.broadcast %slice3A_301 : vector<1x128xf32> to vector<40x128xf32>
    %gt3A_303 = arith.cmpf ogt, %gt3A_302, %transpose3A : vector<40x128xf32>
    %eq3A_304 = vector.broadcast %slice3A_301 : vector<1x128xf32> to vector<40x128xf32>
    %eq3A_305 = arith.cmpf oeq, %eq3A_304, %transpose3A : vector<40x128xf32>
    %gt3A_306 = arith.constant 14 : i32
    %gt3A_307 = vector.broadcast %gt3A_306 : i32 to vector<40x128xi32>
    %gt3A_308 = arith.cmpi sgt, %iota3A_78, %gt3A_307 : vector<40x128xi32>
    %and3A_309 = arith.andi %eq3A_305, %gt3A_308 : vector<40x128xi1>
    %or3A_310 = arith.ori %gt3A_303, %and3A_309 : vector<40x128xi1>
    %jit3A_311 = arith.constant 1 : i32
    %jit3A_312 = arith.constant 0 : i32
    %broadcast_in_dim3A_313 = vector.broadcast %jit3A_311 : i32 to vector<40x128xi32>
    %broadcast_in_dim3A_314 = vector.broadcast %jit3A_312 : i32 to vector<40x128xi32>
    %select_n3A_315 = arith.select %or3A_310, %broadcast_in_dim3A_313, %broadcast_in_dim3A_314 : vector<40x128xi1>, vector<40x128xi32>
    %add3A_316 = arith.addi %add3A_300, %select_n3A_315 : vector<40x128xi32>
    %slice3A_317 = vector.extract_strided_slice %transpose3A {offsets = [15, 0], sizes = [1, 128], strides = [1, 1]} : vector<40x128xf32> to vector<1x128xf32>
    %gt3A_318 = vector.broadcast %slice3A_317 : vector<1x128xf32> to vector<40x128xf32>
    %gt3A_319 = arith.cmpf ogt, %gt3A_318, %transpose3A : vector<40x128xf32>
    %eq3A_320 = vector.broadcast %slice3A_317 : vector<1x128xf32> to vector<40x128xf32>
    %eq3A_321 = arith.cmpf oeq, %eq3A_320, %transpose3A : vector<40x128xf32>
    %gt3A_322 = arith.constant 15 : i32
    %gt3A_323 = vector.broadcast %gt3A_322 : i32 to vector<40x128xi32>
    %gt3A_324 = arith.cmpi sgt, %iota3A_78, %gt3A_323 : vector<40x128xi32>
    %and3A_325 = arith.andi %eq3A_321, %gt3A_324 : vector<40x128xi1>
    %or3A_326 = arith.ori %gt3A_319, %and3A_325 : vector<40x128xi1>
    %jit3A_327 = arith.constant 1 : i32
    %jit3A_328 = arith.constant 0 : i32
    %broadcast_in_dim3A_329 = vector.broadcast %jit3A_327 : i32 to vector<40x128xi32>
    %broadcast_in_dim3A_330 = vector.broadcast %jit3A_328 : i32 to vector<40x128xi32>
    %select_n3A_331 = arith.select %or3A_326, %broadcast_in_dim3A_329, %broadcast_in_dim3A_330 : vector<40x128xi1>, vector<40x128xi32>
    %add3A_332 = arith.addi %add3A_316, %select_n3A_331 : vector<40x128xi32>
    %slice3A_333 = vector.extract_strided_slice %transpose3A {offsets = [16, 0], sizes = [1, 128], strides = [1, 1]} : vector<40x128xf32> to vector<1x128xf32>
    %gt3A_334 = vector.broadcast %slice3A_333 : vector<1x128xf32> to vector<40x128xf32>
    %gt3A_335 = arith.cmpf ogt, %gt3A_334, %transpose3A : vector<40x128xf32>
    %eq3A_336 = vector.broadcast %slice3A_333 : vector<1x128xf32> to vector<40x128xf32>
    %eq3A_337 = arith.cmpf oeq, %eq3A_336, %transpose3A : vector<40x128xf32>
    %gt3A_338 = arith.constant 16 : i32
    %gt3A_339 = vector.broadcast %gt3A_338 : i32 to vector<40x128xi32>
    %gt3A_340 = arith.cmpi sgt, %iota3A_78, %gt3A_339 : vector<40x128xi32>
    %and3A_341 = arith.andi %eq3A_337, %gt3A_340 : vector<40x128xi1>
    %or3A_342 = arith.ori %gt3A_335, %and3A_341 : vector<40x128xi1>
    %jit3A_343 = arith.constant 1 : i32
    %jit3A_344 = arith.constant 0 : i32
    %broadcast_in_dim3A_345 = vector.broadcast %jit3A_343 : i32 to vector<40x128xi32>
    %broadcast_in_dim3A_346 = vector.broadcast %jit3A_344 : i32 to vector<40x128xi32>
    %select_n3A_347 = arith.select %or3A_342, %broadcast_in_dim3A_345, %broadcast_in_dim3A_346 : vector<40x128xi1>, vector<40x128xi32>
    %add3A_348 = arith.addi %add3A_332, %select_n3A_347 : vector<40x128xi32>
    %slice3A_349 = vector.extract_strided_slice %transpose3A {offsets = [17, 0], sizes = [1, 128], strides = [1, 1]} : vector<40x128xf32> to vector<1x128xf32>
    %gt3A_350 = vector.broadcast %slice3A_349 : vector<1x128xf32> to vector<40x128xf32>
    %gt3A_351 = arith.cmpf ogt, %gt3A_350, %transpose3A : vector<40x128xf32>
    %eq3A_352 = vector.broadcast %slice3A_349 : vector<1x128xf32> to vector<40x128xf32>
    %eq3A_353 = arith.cmpf oeq, %eq3A_352, %transpose3A : vector<40x128xf32>
    %gt3A_354 = arith.constant 17 : i32
    %gt3A_355 = vector.broadcast %gt3A_354 : i32 to vector<40x128xi32>
    %gt3A_356 = arith.cmpi sgt, %iota3A_78, %gt3A_355 : vector<40x128xi32>
    %and3A_357 = arith.andi %eq3A_353, %gt3A_356 : vector<40x128xi1>
    %or3A_358 = arith.ori %gt3A_351, %and3A_357 : vector<40x128xi1>
    %jit3A_359 = arith.constant 1 : i32
    %jit3A_360 = arith.constant 0 : i32
    %broadcast_in_dim3A_361 = vector.broadcast %jit3A_359 : i32 to vector<40x128xi32>
    %broadcast_in_dim3A_362 = vector.broadcast %jit3A_360 : i32 to vector<40x128xi32>
    %select_n3A_363 = arith.select %or3A_358, %broadcast_in_dim3A_361, %broadcast_in_dim3A_362 : vector<40x128xi1>, vector<40x128xi32>
    %add3A_364 = arith.addi %add3A_348, %select_n3A_363 : vector<40x128xi32>
    %slice3A_365 = vector.extract_strided_slice %transpose3A {offsets = [18, 0], sizes = [1, 128], strides = [1, 1]} : vector<40x128xf32> to vector<1x128xf32>
    %gt3A_366 = vector.broadcast %slice3A_365 : vector<1x128xf32> to vector<40x128xf32>
    %gt3A_367 = arith.cmpf ogt, %gt3A_366, %transpose3A : vector<40x128xf32>
    %eq3A_368 = vector.broadcast %slice3A_365 : vector<1x128xf32> to vector<40x128xf32>
    %eq3A_369 = arith.cmpf oeq, %eq3A_368, %transpose3A : vector<40x128xf32>
    %gt3A_370 = arith.constant 18 : i32
    %gt3A_371 = vector.broadcast %gt3A_370 : i32 to vector<40x128xi32>
    %gt3A_372 = arith.cmpi sgt, %iota3A_78, %gt3A_371 : vector<40x128xi32>
    %and3A_373 = arith.andi %eq3A_369, %gt3A_372 : vector<40x128xi1>
    %or3A_374 = arith.ori %gt3A_367, %and3A_373 : vector<40x128xi1>
    %jit3A_375 = arith.constant 1 : i32
    %jit3A_376 = arith.constant 0 : i32
    %broadcast_in_dim3A_377 = vector.broadcast %jit3A_375 : i32 to vector<40x128xi32>
    %broadcast_in_dim3A_378 = vector.broadcast %jit3A_376 : i32 to vector<40x128xi32>
    %select_n3A_379 = arith.select %or3A_374, %broadcast_in_dim3A_377, %broadcast_in_dim3A_378 : vector<40x128xi1>, vector<40x128xi32>
    %add3A_380 = arith.addi %add3A_364, %select_n3A_379 : vector<40x128xi32>
    %slice3A_381 = vector.extract_strided_slice %transpose3A {offsets = [19, 0], sizes = [1, 128], strides = [1, 1]} : vector<40x128xf32> to vector<1x128xf32>
    %gt3A_382 = vector.broadcast %slice3A_381 : vector<1x128xf32> to vector<40x128xf32>
    %gt3A_383 = arith.cmpf ogt, %gt3A_382, %transpose3A : vector<40x128xf32>
    %eq3A_384 = vector.broadcast %slice3A_381 : vector<1x128xf32> to vector<40x128xf32>
    %eq3A_385 = arith.cmpf oeq, %eq3A_384, %transpose3A : vector<40x128xf32>
    %gt3A_386 = arith.constant 19 : i32
    %gt3A_387 = vector.broadcast %gt3A_386 : i32 to vector<40x128xi32>
    %gt3A_388 = arith.cmpi sgt, %iota3A_78, %gt3A_387 : vector<40x128xi32>
    %and3A_389 = arith.andi %eq3A_385, %gt3A_388 : vector<40x128xi1>
    %or3A_390 = arith.ori %gt3A_383, %and3A_389 : vector<40x128xi1>
    %jit3A_391 = arith.constant 1 : i32
    %jit3A_392 = arith.constant 0 : i32
    %broadcast_in_dim3A_393 = vector.broadcast %jit3A_391 : i32 to vector<40x128xi32>
    %broadcast_in_dim3A_394 = vector.broadcast %jit3A_392 : i32 to vector<40x128xi32>
    %select_n3A_395 = arith.select %or3A_390, %broadcast_in_dim3A_393, %broadcast_in_dim3A_394 : vector<40x128xi1>, vector<40x128xi32>
    %add3A_396 = arith.addi %add3A_380, %select_n3A_395 : vector<40x128xi32>
    %slice3A_397 = vector.extract_strided_slice %transpose3A {offsets = [20, 0], sizes = [1, 128], strides = [1, 1]} : vector<40x128xf32> to vector<1x128xf32>
    %gt3A_398 = vector.broadcast %slice3A_397 : vector<1x128xf32> to vector<40x128xf32>
    %gt3A_399 = arith.cmpf ogt, %gt3A_398, %transpose3A : vector<40x128xf32>
    %eq3A_400 = vector.broadcast %slice3A_397 : vector<1x128xf32> to vector<40x128xf32>
    %eq3A_401 = arith.cmpf oeq, %eq3A_400, %transpose3A : vector<40x128xf32>
    %gt3A_402 = arith.constant 20 : i32
    %gt3A_403 = vector.broadcast %gt3A_402 : i32 to vector<40x128xi32>
    %gt3A_404 = arith.cmpi sgt, %iota3A_78, %gt3A_403 : vector<40x128xi32>
    %and3A_405 = arith.andi %eq3A_401, %gt3A_404 : vector<40x128xi1>
    %or3A_406 = arith.ori %gt3A_399, %and3A_405 : vector<40x128xi1>
    %jit3A_407 = arith.constant 1 : i32
    %jit3A_408 = arith.constant 0 : i32
    %broadcast_in_dim3A_409 = vector.broadcast %jit3A_407 : i32 to vector<40x128xi32>
    %broadcast_in_dim3A_410 = vector.broadcast %jit3A_408 : i32 to vector<40x128xi32>
    %select_n3A_411 = arith.select %or3A_406, %broadcast_in_dim3A_409, %broadcast_in_dim3A_410 : vector<40x128xi1>, vector<40x128xi32>
    %add3A_412 = arith.addi %add3A_396, %select_n3A_411 : vector<40x128xi32>
    %slice3A_413 = vector.extract_strided_slice %transpose3A {offsets = [21, 0], sizes = [1, 128], strides = [1, 1]} : vector<40x128xf32> to vector<1x128xf32>
    %gt3A_414 = vector.broadcast %slice3A_413 : vector<1x128xf32> to vector<40x128xf32>
    %gt3A_415 = arith.cmpf ogt, %gt3A_414, %transpose3A : vector<40x128xf32>
    %eq3A_416 = vector.broadcast %slice3A_413 : vector<1x128xf32> to vector<40x128xf32>
    %eq3A_417 = arith.cmpf oeq, %eq3A_416, %transpose3A : vector<40x128xf32>
    %gt3A_418 = arith.constant 21 : i32
    %gt3A_419 = vector.broadcast %gt3A_418 : i32 to vector<40x128xi32>
    %gt3A_420 = arith.cmpi sgt, %iota3A_78, %gt3A_419 : vector<40x128xi32>
    %and3A_421 = arith.andi %eq3A_417, %gt3A_420 : vector<40x128xi1>
    %or3A_422 = arith.ori %gt3A_415, %and3A_421 : vector<40x128xi1>
    %jit3A_423 = arith.constant 1 : i32
    %jit3A_424 = arith.constant 0 : i32
    %broadcast_in_dim3A_425 = vector.broadcast %jit3A_423 : i32 to vector<40x128xi32>
    %broadcast_in_dim3A_426 = vector.broadcast %jit3A_424 : i32 to vector<40x128xi32>
    %select_n3A_427 = arith.select %or3A_422, %broadcast_in_dim3A_425, %broadcast_in_dim3A_426 : vector<40x128xi1>, vector<40x128xi32>
    %add3A_428 = arith.addi %add3A_412, %select_n3A_427 : vector<40x128xi32>
    %slice3A_429 = vector.extract_strided_slice %transpose3A {offsets = [22, 0], sizes = [1, 128], strides = [1, 1]} : vector<40x128xf32> to vector<1x128xf32>
    %gt3A_430 = vector.broadcast %slice3A_429 : vector<1x128xf32> to vector<40x128xf32>
    %gt3A_431 = arith.cmpf ogt, %gt3A_430, %transpose3A : vector<40x128xf32>
    %eq3A_432 = vector.broadcast %slice3A_429 : vector<1x128xf32> to vector<40x128xf32>
    %eq3A_433 = arith.cmpf oeq, %eq3A_432, %transpose3A : vector<40x128xf32>
    %gt3A_434 = arith.constant 22 : i32
    %gt3A_435 = vector.broadcast %gt3A_434 : i32 to vector<40x128xi32>
    %gt3A_436 = arith.cmpi sgt, %iota3A_78, %gt3A_435 : vector<40x128xi32>
    %and3A_437 = arith.andi %eq3A_433, %gt3A_436 : vector<40x128xi1>
    %or3A_438 = arith.ori %gt3A_431, %and3A_437 : vector<40x128xi1>
    %jit3A_439 = arith.constant 1 : i32
    %jit3A_440 = arith.constant 0 : i32
    %broadcast_in_dim3A_441 = vector.broadcast %jit3A_439 : i32 to vector<40x128xi32>
    %broadcast_in_dim3A_442 = vector.broadcast %jit3A_440 : i32 to vector<40x128xi32>
    %select_n3A_443 = arith.select %or3A_438, %broadcast_in_dim3A_441, %broadcast_in_dim3A_442 : vector<40x128xi1>, vector<40x128xi32>
    %add3A_444 = arith.addi %add3A_428, %select_n3A_443 : vector<40x128xi32>
    %slice3A_445 = vector.extract_strided_slice %transpose3A {offsets = [23, 0], sizes = [1, 128], strides = [1, 1]} : vector<40x128xf32> to vector<1x128xf32>
    %gt3A_446 = vector.broadcast %slice3A_445 : vector<1x128xf32> to vector<40x128xf32>
    %gt3A_447 = arith.cmpf ogt, %gt3A_446, %transpose3A : vector<40x128xf32>
    %eq3A_448 = vector.broadcast %slice3A_445 : vector<1x128xf32> to vector<40x128xf32>
    %eq3A_449 = arith.cmpf oeq, %eq3A_448, %transpose3A : vector<40x128xf32>
    %gt3A_450 = arith.constant 23 : i32
    %gt3A_451 = vector.broadcast %gt3A_450 : i32 to vector<40x128xi32>
    %gt3A_452 = arith.cmpi sgt, %iota3A_78, %gt3A_451 : vector<40x128xi32>
    %and3A_453 = arith.andi %eq3A_449, %gt3A_452 : vector<40x128xi1>
    %or3A_454 = arith.ori %gt3A_447, %and3A_453 : vector<40x128xi1>
    %jit3A_455 = arith.constant 1 : i32
    %jit3A_456 = arith.constant 0 : i32
    %broadcast_in_dim3A_457 = vector.broadcast %jit3A_455 : i32 to vector<40x128xi32>
    %broadcast_in_dim3A_458 = vector.broadcast %jit3A_456 : i32 to vector<40x128xi32>
    %select_n3A_459 = arith.select %or3A_454, %broadcast_in_dim3A_457, %broadcast_in_dim3A_458 : vector<40x128xi1>, vector<40x128xi32>
    %add3A_460 = arith.addi %add3A_444, %select_n3A_459 : vector<40x128xi32>
    %slice3A_461 = vector.extract_strided_slice %transpose3A {offsets = [24, 0], sizes = [1, 128], strides = [1, 1]} : vector<40x128xf32> to vector<1x128xf32>
    %gt3A_462 = vector.broadcast %slice3A_461 : vector<1x128xf32> to vector<40x128xf32>
    %gt3A_463 = arith.cmpf ogt, %gt3A_462, %transpose3A : vector<40x128xf32>
    %eq3A_464 = vector.broadcast %slice3A_461 : vector<1x128xf32> to vector<40x128xf32>
    %eq3A_465 = arith.cmpf oeq, %eq3A_464, %transpose3A : vector<40x128xf32>
    %gt3A_466 = arith.constant 24 : i32
    %gt3A_467 = vector.broadcast %gt3A_466 : i32 to vector<40x128xi32>
    %gt3A_468 = arith.cmpi sgt, %iota3A_78, %gt3A_467 : vector<40x128xi32>
    %and3A_469 = arith.andi %eq3A_465, %gt3A_468 : vector<40x128xi1>
    %or3A_470 = arith.ori %gt3A_463, %and3A_469 : vector<40x128xi1>
    %jit3A_471 = arith.constant 1 : i32
    %jit3A_472 = arith.constant 0 : i32
    %broadcast_in_dim3A_473 = vector.broadcast %jit3A_471 : i32 to vector<40x128xi32>
    %broadcast_in_dim3A_474 = vector.broadcast %jit3A_472 : i32 to vector<40x128xi32>
    %select_n3A_475 = arith.select %or3A_470, %broadcast_in_dim3A_473, %broadcast_in_dim3A_474 : vector<40x128xi1>, vector<40x128xi32>
    %add3A_476 = arith.addi %add3A_460, %select_n3A_475 : vector<40x128xi32>
    %slice3A_477 = vector.extract_strided_slice %transpose3A {offsets = [25, 0], sizes = [1, 128], strides = [1, 1]} : vector<40x128xf32> to vector<1x128xf32>
    %gt3A_478 = vector.broadcast %slice3A_477 : vector<1x128xf32> to vector<40x128xf32>
    %gt3A_479 = arith.cmpf ogt, %gt3A_478, %transpose3A : vector<40x128xf32>
    %eq3A_480 = vector.broadcast %slice3A_477 : vector<1x128xf32> to vector<40x128xf32>
    %eq3A_481 = arith.cmpf oeq, %eq3A_480, %transpose3A : vector<40x128xf32>
    %gt3A_482 = arith.constant 25 : i32
    %gt3A_483 = vector.broadcast %gt3A_482 : i32 to vector<40x128xi32>
    %gt3A_484 = arith.cmpi sgt, %iota3A_78, %gt3A_483 : vector<40x128xi32>
    %and3A_485 = arith.andi %eq3A_481, %gt3A_484 : vector<40x128xi1>
    %or3A_486 = arith.ori %gt3A_479, %and3A_485 : vector<40x128xi1>
    %jit3A_487 = arith.constant 1 : i32
    %jit3A_488 = arith.constant 0 : i32
    %broadcast_in_dim3A_489 = vector.broadcast %jit3A_487 : i32 to vector<40x128xi32>
    %broadcast_in_dim3A_490 = vector.broadcast %jit3A_488 : i32 to vector<40x128xi32>
    %select_n3A_491 = arith.select %or3A_486, %broadcast_in_dim3A_489, %broadcast_in_dim3A_490 : vector<40x128xi1>, vector<40x128xi32>
    %add3A_492 = arith.addi %add3A_476, %select_n3A_491 : vector<40x128xi32>
    %slice3A_493 = vector.extract_strided_slice %transpose3A {offsets = [26, 0], sizes = [1, 128], strides = [1, 1]} : vector<40x128xf32> to vector<1x128xf32>
    %gt3A_494 = vector.broadcast %slice3A_493 : vector<1x128xf32> to vector<40x128xf32>
    %gt3A_495 = arith.cmpf ogt, %gt3A_494, %transpose3A : vector<40x128xf32>
    %eq3A_496 = vector.broadcast %slice3A_493 : vector<1x128xf32> to vector<40x128xf32>
    %eq3A_497 = arith.cmpf oeq, %eq3A_496, %transpose3A : vector<40x128xf32>
    %gt3A_498 = arith.constant 26 : i32
    %gt3A_499 = vector.broadcast %gt3A_498 : i32 to vector<40x128xi32>
    %gt3A_500 = arith.cmpi sgt, %iota3A_78, %gt3A_499 : vector<40x128xi32>
    %and3A_501 = arith.andi %eq3A_497, %gt3A_500 : vector<40x128xi1>
    %or3A_502 = arith.ori %gt3A_495, %and3A_501 : vector<40x128xi1>
    %jit3A_503 = arith.constant 1 : i32
    %jit3A_504 = arith.constant 0 : i32
    %broadcast_in_dim3A_505 = vector.broadcast %jit3A_503 : i32 to vector<40x128xi32>
    %broadcast_in_dim3A_506 = vector.broadcast %jit3A_504 : i32 to vector<40x128xi32>
    %select_n3A_507 = arith.select %or3A_502, %broadcast_in_dim3A_505, %broadcast_in_dim3A_506 : vector<40x128xi1>, vector<40x128xi32>
    %add3A_508 = arith.addi %add3A_492, %select_n3A_507 : vector<40x128xi32>
    %slice3A_509 = vector.extract_strided_slice %transpose3A {offsets = [27, 0], sizes = [1, 128], strides = [1, 1]} : vector<40x128xf32> to vector<1x128xf32>
    %gt3A_510 = vector.broadcast %slice3A_509 : vector<1x128xf32> to vector<40x128xf32>
    %gt3A_511 = arith.cmpf ogt, %gt3A_510, %transpose3A : vector<40x128xf32>
    %eq3A_512 = vector.broadcast %slice3A_509 : vector<1x128xf32> to vector<40x128xf32>
    %eq3A_513 = arith.cmpf oeq, %eq3A_512, %transpose3A : vector<40x128xf32>
    %gt3A_514 = arith.constant 27 : i32
    %gt3A_515 = vector.broadcast %gt3A_514 : i32 to vector<40x128xi32>
    %gt3A_516 = arith.cmpi sgt, %iota3A_78, %gt3A_515 : vector<40x128xi32>
    %and3A_517 = arith.andi %eq3A_513, %gt3A_516 : vector<40x128xi1>
    %or3A_518 = arith.ori %gt3A_511, %and3A_517 : vector<40x128xi1>
    %jit3A_519 = arith.constant 1 : i32
    %jit3A_520 = arith.constant 0 : i32
    %broadcast_in_dim3A_521 = vector.broadcast %jit3A_519 : i32 to vector<40x128xi32>
    %broadcast_in_dim3A_522 = vector.broadcast %jit3A_520 : i32 to vector<40x128xi32>
    %select_n3A_523 = arith.select %or3A_518, %broadcast_in_dim3A_521, %broadcast_in_dim3A_522 : vector<40x128xi1>, vector<40x128xi32>
    %add3A_524 = arith.addi %add3A_508, %select_n3A_523 : vector<40x128xi32>
    %slice3A_525 = vector.extract_strided_slice %transpose3A {offsets = [28, 0], sizes = [1, 128], strides = [1, 1]} : vector<40x128xf32> to vector<1x128xf32>
    %gt3A_526 = vector.broadcast %slice3A_525 : vector<1x128xf32> to vector<40x128xf32>
    %gt3A_527 = arith.cmpf ogt, %gt3A_526, %transpose3A : vector<40x128xf32>
    %eq3A_528 = vector.broadcast %slice3A_525 : vector<1x128xf32> to vector<40x128xf32>
    %eq3A_529 = arith.cmpf oeq, %eq3A_528, %transpose3A : vector<40x128xf32>
    %gt3A_530 = arith.constant 28 : i32
    %gt3A_531 = vector.broadcast %gt3A_530 : i32 to vector<40x128xi32>
    %gt3A_532 = arith.cmpi sgt, %iota3A_78, %gt3A_531 : vector<40x128xi32>
    %and3A_533 = arith.andi %eq3A_529, %gt3A_532 : vector<40x128xi1>
    %or3A_534 = arith.ori %gt3A_527, %and3A_533 : vector<40x128xi1>
    %jit3A_535 = arith.constant 1 : i32
    %jit3A_536 = arith.constant 0 : i32
    %broadcast_in_dim3A_537 = vector.broadcast %jit3A_535 : i32 to vector<40x128xi32>
    %broadcast_in_dim3A_538 = vector.broadcast %jit3A_536 : i32 to vector<40x128xi32>
    %select_n3A_539 = arith.select %or3A_534, %broadcast_in_dim3A_537, %broadcast_in_dim3A_538 : vector<40x128xi1>, vector<40x128xi32>
    %add3A_540 = arith.addi %add3A_524, %select_n3A_539 : vector<40x128xi32>
    %slice3A_541 = vector.extract_strided_slice %transpose3A {offsets = [29, 0], sizes = [1, 128], strides = [1, 1]} : vector<40x128xf32> to vector<1x128xf32>
    %gt3A_542 = vector.broadcast %slice3A_541 : vector<1x128xf32> to vector<40x128xf32>
    %gt3A_543 = arith.cmpf ogt, %gt3A_542, %transpose3A : vector<40x128xf32>
    %eq3A_544 = vector.broadcast %slice3A_541 : vector<1x128xf32> to vector<40x128xf32>
    %eq3A_545 = arith.cmpf oeq, %eq3A_544, %transpose3A : vector<40x128xf32>
    %gt3A_546 = arith.constant 29 : i32
    %gt3A_547 = vector.broadcast %gt3A_546 : i32 to vector<40x128xi32>
    %gt3A_548 = arith.cmpi sgt, %iota3A_78, %gt3A_547 : vector<40x128xi32>
    %and3A_549 = arith.andi %eq3A_545, %gt3A_548 : vector<40x128xi1>
    %or3A_550 = arith.ori %gt3A_543, %and3A_549 : vector<40x128xi1>
    %jit3A_551 = arith.constant 1 : i32
    %jit3A_552 = arith.constant 0 : i32
    %broadcast_in_dim3A_553 = vector.broadcast %jit3A_551 : i32 to vector<40x128xi32>
    %broadcast_in_dim3A_554 = vector.broadcast %jit3A_552 : i32 to vector<40x128xi32>
    %select_n3A_555 = arith.select %or3A_550, %broadcast_in_dim3A_553, %broadcast_in_dim3A_554 : vector<40x128xi1>, vector<40x128xi32>
    %add3A_556 = arith.addi %add3A_540, %select_n3A_555 : vector<40x128xi32>
    %slice3A_557 = vector.extract_strided_slice %transpose3A {offsets = [30, 0], sizes = [1, 128], strides = [1, 1]} : vector<40x128xf32> to vector<1x128xf32>
    %gt3A_558 = vector.broadcast %slice3A_557 : vector<1x128xf32> to vector<40x128xf32>
    %gt3A_559 = arith.cmpf ogt, %gt3A_558, %transpose3A : vector<40x128xf32>
    %eq3A_560 = vector.broadcast %slice3A_557 : vector<1x128xf32> to vector<40x128xf32>
    %eq3A_561 = arith.cmpf oeq, %eq3A_560, %transpose3A : vector<40x128xf32>
    %gt3A_562 = arith.constant 30 : i32
    %gt3A_563 = vector.broadcast %gt3A_562 : i32 to vector<40x128xi32>
    %gt3A_564 = arith.cmpi sgt, %iota3A_78, %gt3A_563 : vector<40x128xi32>
    %and3A_565 = arith.andi %eq3A_561, %gt3A_564 : vector<40x128xi1>
    %or3A_566 = arith.ori %gt3A_559, %and3A_565 : vector<40x128xi1>
    %jit3A_567 = arith.constant 1 : i32
    %jit3A_568 = arith.constant 0 : i32
    %broadcast_in_dim3A_569 = vector.broadcast %jit3A_567 : i32 to vector<40x128xi32>
    %broadcast_in_dim3A_570 = vector.broadcast %jit3A_568 : i32 to vector<40x128xi32>
    %select_n3A_571 = arith.select %or3A_566, %broadcast_in_dim3A_569, %broadcast_in_dim3A_570 : vector<40x128xi1>, vector<40x128xi32>
    %add3A_572 = arith.addi %add3A_556, %select_n3A_571 : vector<40x128xi32>
    %slice3A_573 = vector.extract_strided_slice %transpose3A {offsets = [31, 0], sizes = [1, 128], strides = [1, 1]} : vector<40x128xf32> to vector<1x128xf32>
    %gt3A_574 = vector.broadcast %slice3A_573 : vector<1x128xf32> to vector<40x128xf32>
    %gt3A_575 = arith.cmpf ogt, %gt3A_574, %transpose3A : vector<40x128xf32>
    %eq3A_576 = vector.broadcast %slice3A_573 : vector<1x128xf32> to vector<40x128xf32>
    %eq3A_577 = arith.cmpf oeq, %eq3A_576, %transpose3A : vector<40x128xf32>
    %gt3A_578 = arith.constant 31 : i32
    %gt3A_579 = vector.broadcast %gt3A_578 : i32 to vector<40x128xi32>
    %gt3A_580 = arith.cmpi sgt, %iota3A_78, %gt3A_579 : vector<40x128xi32>
    %and3A_581 = arith.andi %eq3A_577, %gt3A_580 : vector<40x128xi1>
    %or3A_582 = arith.ori %gt3A_575, %and3A_581 : vector<40x128xi1>
    %jit3A_583 = arith.constant 1 : i32
    %jit3A_584 = arith.constant 0 : i32
    %broadcast_in_dim3A_585 = vector.broadcast %jit3A_583 : i32 to vector<40x128xi32>
    %broadcast_in_dim3A_586 = vector.broadcast %jit3A_584 : i32 to vector<40x128xi32>
    %select_n3A_587 = arith.select %or3A_582, %broadcast_in_dim3A_585, %broadcast_in_dim3A_586 : vector<40x128xi1>, vector<40x128xi32>
    %add3A_588 = arith.addi %add3A_572, %select_n3A_587 : vector<40x128xi32>
    %slice3A_589 = vector.extract_strided_slice %transpose3A {offsets = [32, 0], sizes = [1, 128], strides = [1, 1]} : vector<40x128xf32> to vector<1x128xf32>
    %gt3A_590 = vector.broadcast %slice3A_589 : vector<1x128xf32> to vector<40x128xf32>
    %gt3A_591 = arith.cmpf ogt, %gt3A_590, %transpose3A : vector<40x128xf32>
    %eq3A_592 = vector.broadcast %slice3A_589 : vector<1x128xf32> to vector<40x128xf32>
    %eq3A_593 = arith.cmpf oeq, %eq3A_592, %transpose3A : vector<40x128xf32>
    %gt3A_594 = arith.constant 32 : i32
    %gt3A_595 = vector.broadcast %gt3A_594 : i32 to vector<40x128xi32>
    %gt3A_596 = arith.cmpi sgt, %iota3A_78, %gt3A_595 : vector<40x128xi32>
    %and3A_597 = arith.andi %eq3A_593, %gt3A_596 : vector<40x128xi1>
    %or3A_598 = arith.ori %gt3A_591, %and3A_597 : vector<40x128xi1>
    %jit3A_599 = arith.constant 1 : i32
    %jit3A_600 = arith.constant 0 : i32
    %broadcast_in_dim3A_601 = vector.broadcast %jit3A_599 : i32 to vector<40x128xi32>
    %broadcast_in_dim3A_602 = vector.broadcast %jit3A_600 : i32 to vector<40x128xi32>
    %select_n3A_603 = arith.select %or3A_598, %broadcast_in_dim3A_601, %broadcast_in_dim3A_602 : vector<40x128xi1>, vector<40x128xi32>
    %add3A_604 = arith.addi %add3A_588, %select_n3A_603 : vector<40x128xi32>
    %slice3A_605 = vector.extract_strided_slice %transpose3A {offsets = [33, 0], sizes = [1, 128], strides = [1, 1]} : vector<40x128xf32> to vector<1x128xf32>
    %gt3A_606 = vector.broadcast %slice3A_605 : vector<1x128xf32> to vector<40x128xf32>
    %gt3A_607 = arith.cmpf ogt, %gt3A_606, %transpose3A : vector<40x128xf32>
    %eq3A_608 = vector.broadcast %slice3A_605 : vector<1x128xf32> to vector<40x128xf32>
    %eq3A_609 = arith.cmpf oeq, %eq3A_608, %transpose3A : vector<40x128xf32>
    %gt3A_610 = arith.constant 33 : i32
    %gt3A_611 = vector.broadcast %gt3A_610 : i32 to vector<40x128xi32>
    %gt3A_612 = arith.cmpi sgt, %iota3A_78, %gt3A_611 : vector<40x128xi32>
    %and3A_613 = arith.andi %eq3A_609, %gt3A_612 : vector<40x128xi1>
    %or3A_614 = arith.ori %gt3A_607, %and3A_613 : vector<40x128xi1>
    %jit3A_615 = arith.constant 1 : i32
    %jit3A_616 = arith.constant 0 : i32
    %broadcast_in_dim3A_617 = vector.broadcast %jit3A_615 : i32 to vector<40x128xi32>
    %broadcast_in_dim3A_618 = vector.broadcast %jit3A_616 : i32 to vector<40x128xi32>
    %select_n3A_619 = arith.select %or3A_614, %broadcast_in_dim3A_617, %broadcast_in_dim3A_618 : vector<40x128xi1>, vector<40x128xi32>
    %add3A_620 = arith.addi %add3A_604, %select_n3A_619 : vector<40x128xi32>
    %slice3A_621 = vector.extract_strided_slice %transpose3A {offsets = [34, 0], sizes = [1, 128], strides = [1, 1]} : vector<40x128xf32> to vector<1x128xf32>
    %gt3A_622 = vector.broadcast %slice3A_621 : vector<1x128xf32> to vector<40x128xf32>
    %gt3A_623 = arith.cmpf ogt, %gt3A_622, %transpose3A : vector<40x128xf32>
    %eq3A_624 = vector.broadcast %slice3A_621 : vector<1x128xf32> to vector<40x128xf32>
    %eq3A_625 = arith.cmpf oeq, %eq3A_624, %transpose3A : vector<40x128xf32>
    %gt3A_626 = arith.constant 34 : i32
    %gt3A_627 = vector.broadcast %gt3A_626 : i32 to vector<40x128xi32>
    %gt3A_628 = arith.cmpi sgt, %iota3A_78, %gt3A_627 : vector<40x128xi32>
    %and3A_629 = arith.andi %eq3A_625, %gt3A_628 : vector<40x128xi1>
    %or3A_630 = arith.ori %gt3A_623, %and3A_629 : vector<40x128xi1>
    %jit3A_631 = arith.constant 1 : i32
    %jit3A_632 = arith.constant 0 : i32
    %broadcast_in_dim3A_633 = vector.broadcast %jit3A_631 : i32 to vector<40x128xi32>
    %broadcast_in_dim3A_634 = vector.broadcast %jit3A_632 : i32 to vector<40x128xi32>
    %select_n3A_635 = arith.select %or3A_630, %broadcast_in_dim3A_633, %broadcast_in_dim3A_634 : vector<40x128xi1>, vector<40x128xi32>
    %add3A_636 = arith.addi %add3A_620, %select_n3A_635 : vector<40x128xi32>
    %slice3A_637 = vector.extract_strided_slice %transpose3A {offsets = [35, 0], sizes = [1, 128], strides = [1, 1]} : vector<40x128xf32> to vector<1x128xf32>
    %gt3A_638 = vector.broadcast %slice3A_637 : vector<1x128xf32> to vector<40x128xf32>
    %gt3A_639 = arith.cmpf ogt, %gt3A_638, %transpose3A : vector<40x128xf32>
    %eq3A_640 = vector.broadcast %slice3A_637 : vector<1x128xf32> to vector<40x128xf32>
    %eq3A_641 = arith.cmpf oeq, %eq3A_640, %transpose3A : vector<40x128xf32>
    %gt3A_642 = arith.constant 35 : i32
    %gt3A_643 = vector.broadcast %gt3A_642 : i32 to vector<40x128xi32>
    %gt3A_644 = arith.cmpi sgt, %iota3A_78, %gt3A_643 : vector<40x128xi32>
    %and3A_645 = arith.andi %eq3A_641, %gt3A_644 : vector<40x128xi1>
    %or3A_646 = arith.ori %gt3A_639, %and3A_645 : vector<40x128xi1>
    %jit3A_647 = arith.constant 1 : i32
    %jit3A_648 = arith.constant 0 : i32
    %broadcast_in_dim3A_649 = vector.broadcast %jit3A_647 : i32 to vector<40x128xi32>
    %broadcast_in_dim3A_650 = vector.broadcast %jit3A_648 : i32 to vector<40x128xi32>
    %select_n3A_651 = arith.select %or3A_646, %broadcast_in_dim3A_649, %broadcast_in_dim3A_650 : vector<40x128xi1>, vector<40x128xi32>
    %add3A_652 = arith.addi %add3A_636, %select_n3A_651 : vector<40x128xi32>
    %slice3A_653 = vector.extract_strided_slice %transpose3A {offsets = [36, 0], sizes = [1, 128], strides = [1, 1]} : vector<40x128xf32> to vector<1x128xf32>
    %gt3A_654 = vector.broadcast %slice3A_653 : vector<1x128xf32> to vector<40x128xf32>
    %gt3A_655 = arith.cmpf ogt, %gt3A_654, %transpose3A : vector<40x128xf32>
    %eq3A_656 = vector.broadcast %slice3A_653 : vector<1x128xf32> to vector<40x128xf32>
    %eq3A_657 = arith.cmpf oeq, %eq3A_656, %transpose3A : vector<40x128xf32>
    %gt3A_658 = arith.constant 36 : i32
    %gt3A_659 = vector.broadcast %gt3A_658 : i32 to vector<40x128xi32>
    %gt3A_660 = arith.cmpi sgt, %iota3A_78, %gt3A_659 : vector<40x128xi32>
    %and3A_661 = arith.andi %eq3A_657, %gt3A_660 : vector<40x128xi1>
    %or3A_662 = arith.ori %gt3A_655, %and3A_661 : vector<40x128xi1>
    %jit3A_663 = arith.constant 1 : i32
    %jit3A_664 = arith.constant 0 : i32
    %broadcast_in_dim3A_665 = vector.broadcast %jit3A_663 : i32 to vector<40x128xi32>
    %broadcast_in_dim3A_666 = vector.broadcast %jit3A_664 : i32 to vector<40x128xi32>
    %select_n3A_667 = arith.select %or3A_662, %broadcast_in_dim3A_665, %broadcast_in_dim3A_666 : vector<40x128xi1>, vector<40x128xi32>
    %add3A_668 = arith.addi %add3A_652, %select_n3A_667 : vector<40x128xi32>
    %slice3A_669 = vector.extract_strided_slice %transpose3A {offsets = [37, 0], sizes = [1, 128], strides = [1, 1]} : vector<40x128xf32> to vector<1x128xf32>
    %gt3A_670 = vector.broadcast %slice3A_669 : vector<1x128xf32> to vector<40x128xf32>
    %gt3A_671 = arith.cmpf ogt, %gt3A_670, %transpose3A : vector<40x128xf32>
    %eq3A_672 = vector.broadcast %slice3A_669 : vector<1x128xf32> to vector<40x128xf32>
    %eq3A_673 = arith.cmpf oeq, %eq3A_672, %transpose3A : vector<40x128xf32>
    %gt3A_674 = arith.constant 37 : i32
    %gt3A_675 = vector.broadcast %gt3A_674 : i32 to vector<40x128xi32>
    %gt3A_676 = arith.cmpi sgt, %iota3A_78, %gt3A_675 : vector<40x128xi32>
    %and3A_677 = arith.andi %eq3A_673, %gt3A_676 : vector<40x128xi1>
    %or3A_678 = arith.ori %gt3A_671, %and3A_677 : vector<40x128xi1>
    %jit3A_679 = arith.constant 1 : i32
    %jit3A_680 = arith.constant 0 : i32
    %broadcast_in_dim3A_681 = vector.broadcast %jit3A_679 : i32 to vector<40x128xi32>
    %broadcast_in_dim3A_682 = vector.broadcast %jit3A_680 : i32 to vector<40x128xi32>
    %select_n3A_683 = arith.select %or3A_678, %broadcast_in_dim3A_681, %broadcast_in_dim3A_682 : vector<40x128xi1>, vector<40x128xi32>
    %add3A_684 = arith.addi %add3A_668, %select_n3A_683 : vector<40x128xi32>
    %slice3A_685 = vector.extract_strided_slice %transpose3A {offsets = [38, 0], sizes = [1, 128], strides = [1, 1]} : vector<40x128xf32> to vector<1x128xf32>
    %gt3A_686 = vector.broadcast %slice3A_685 : vector<1x128xf32> to vector<40x128xf32>
    %gt3A_687 = arith.cmpf ogt, %gt3A_686, %transpose3A : vector<40x128xf32>
    %eq3A_688 = vector.broadcast %slice3A_685 : vector<1x128xf32> to vector<40x128xf32>
    %eq3A_689 = arith.cmpf oeq, %eq3A_688, %transpose3A : vector<40x128xf32>
    %gt3A_690 = arith.constant 38 : i32
    %gt3A_691 = vector.broadcast %gt3A_690 : i32 to vector<40x128xi32>
    %gt3A_692 = arith.cmpi sgt, %iota3A_78, %gt3A_691 : vector<40x128xi32>
    %and3A_693 = arith.andi %eq3A_689, %gt3A_692 : vector<40x128xi1>
    %or3A_694 = arith.ori %gt3A_687, %and3A_693 : vector<40x128xi1>
    %jit3A_695 = arith.constant 1 : i32
    %jit3A_696 = arith.constant 0 : i32
    %broadcast_in_dim3A_697 = vector.broadcast %jit3A_695 : i32 to vector<40x128xi32>
    %broadcast_in_dim3A_698 = vector.broadcast %jit3A_696 : i32 to vector<40x128xi32>
    %select_n3A_699 = arith.select %or3A_694, %broadcast_in_dim3A_697, %broadcast_in_dim3A_698 : vector<40x128xi1>, vector<40x128xi32>
    %add3A_700 = arith.addi %add3A_684, %select_n3A_699 : vector<40x128xi32>
    %slice3A_701 = vector.extract_strided_slice %transpose3A {offsets = [39, 0], sizes = [1, 128], strides = [1, 1]} : vector<40x128xf32> to vector<1x128xf32>
    %gt3A_702 = vector.broadcast %slice3A_701 : vector<1x128xf32> to vector<40x128xf32>
    %gt3A_703 = arith.cmpf ogt, %gt3A_702, %transpose3A : vector<40x128xf32>
    %eq3A_704 = vector.broadcast %slice3A_701 : vector<1x128xf32> to vector<40x128xf32>
    %eq3A_705 = arith.cmpf oeq, %eq3A_704, %transpose3A : vector<40x128xf32>
    %gt3A_706 = arith.constant 39 : i32
    %gt3A_707 = vector.broadcast %gt3A_706 : i32 to vector<40x128xi32>
    %gt3A_708 = arith.cmpi sgt, %iota3A_78, %gt3A_707 : vector<40x128xi32>
    %and3A_709 = arith.andi %eq3A_705, %gt3A_708 : vector<40x128xi1>
    %or3A_710 = arith.ori %gt3A_703, %and3A_709 : vector<40x128xi1>
    %jit3A_711 = arith.constant 1 : i32
    %jit3A_712 = arith.constant 0 : i32
    %broadcast_in_dim3A_713 = vector.broadcast %jit3A_711 : i32 to vector<40x128xi32>
    %broadcast_in_dim3A_714 = vector.broadcast %jit3A_712 : i32 to vector<40x128xi32>
    %select_n3A_715 = arith.select %or3A_710, %broadcast_in_dim3A_713, %broadcast_in_dim3A_714 : vector<40x128xi1>, vector<40x128xi32>
    %add3A_716 = arith.addi %add3A_700, %select_n3A_715 : vector<40x128xi32>
    %eq3A_717 = arith.constant 0 : i32
    %eq3A_718 = vector.broadcast %eq3A_717 : i32 to vector<40x128xi32>
    %eq3A_719 = arith.cmpi eq, %add3A_716, %eq3A_718 : vector<40x128xi32>
    %jit3A_720 = arith.constant 0 : i32
    %broadcast_in_dim3A_721 = vector.broadcast %jit3A_720 : i32 to vector<40x128xi32>
    %select_n3A_722 = arith.select %eq3A_719, %iota3A_78, %broadcast_in_dim3A_721 : vector<40x128xi1>, vector<40x128xi32>
    %reduce_max3A_723 = arith.constant dense<-2147483648> : vector<128xi32>
    %reduce_max3A_724 = vector.multi_reduction <maxsi>, %select_n3A_722, %reduce_max3A_723 [0] : vector<40x128xi32> to vector<128xi32>
    %broadcast_in_dim3A_725 = vector.shape_cast %reduce_max3A_724 : vector<128xi32> to vector<1x128xi32>
    %convert_element_type3A_726 = arith.extui %eq3A_719 : vector<40x128xi1> to vector<40x128xi32>
    %convert_element_type3A_727 = arith.sitofp %convert_element_type3A_726 : vector<40x128xi32> to vector<40x128xf32>
    %slice3A_728 = vector.extract_strided_slice %get3A_77 {offsets = [0, 0, 0], sizes = [1, 40, 128], strides = [1, 1, 1]} : vector<3x40x128xf32> to vector<1x40x128xf32>
    %squeeze3A = vector.shape_cast %slice3A_728 : vector<1x40x128xf32> to vector<40x128xf32>
    %mul3A_729 = arith.mulf %convert_element_type3A_727, %squeeze3A : vector<40x128xf32>
    %reduce_sum3A_730 = arith.constant dense<0.000000e+00> : vector<128xf32>
    %reduce_sum3A_731 = vector.multi_reduction <add>, %mul3A_729, %reduce_sum3A_730 [0] : vector<40x128xf32> to vector<128xf32>
    %broadcast_in_dim3A_732 = vector.shape_cast %reduce_sum3A_731 : vector<128xf32> to vector<1x128xf32>
    %slice3A_733 = vector.extract_strided_slice %get3A_77 {offsets = [1, 0, 0], sizes = [1, 40, 128], strides = [1, 1, 1]} : vector<3x40x128xf32> to vector<1x40x128xf32>
    %squeeze3A_734 = vector.shape_cast %slice3A_733 : vector<1x40x128xf32> to vector<40x128xf32>
    %mul3A_735 = arith.mulf %convert_element_type3A_727, %squeeze3A_734 : vector<40x128xf32>
    %reduce_sum3A_736 = arith.constant dense<0.000000e+00> : vector<128xf32>
    %reduce_sum3A_737 = vector.multi_reduction <add>, %mul3A_735, %reduce_sum3A_736 [0] : vector<40x128xf32> to vector<128xf32>
    %broadcast_in_dim3A_738 = vector.shape_cast %reduce_sum3A_737 : vector<128xf32> to vector<1x128xf32>
    %slice3A_739 = vector.extract_strided_slice %get3A_77 {offsets = [2, 0, 0], sizes = [1, 40, 128], strides = [1, 1, 1]} : vector<3x40x128xf32> to vector<1x40x128xf32>
    %squeeze3A_740 = vector.shape_cast %slice3A_739 : vector<1x40x128xf32> to vector<40x128xf32>
    %mul3A_741 = arith.mulf %convert_element_type3A_727, %squeeze3A_740 : vector<40x128xf32>
    %reduce_sum3A_742 = arith.constant dense<0.000000e+00> : vector<128xf32>
    %reduce_sum3A_743 = vector.multi_reduction <add>, %mul3A_741, %reduce_sum3A_742 [0] : vector<40x128xf32> to vector<128xf32>
    %broadcast_in_dim3A_744 = vector.shape_cast %reduce_sum3A_743 : vector<128xf32> to vector<1x128xf32>
    %eq3A_745 = arith.constant 1 : i32
    %eq3A_746 = vector.broadcast %eq3A_745 : i32 to vector<40x128xi32>
    %eq3A_747 = arith.cmpi eq, %add3A_716, %eq3A_746 : vector<40x128xi32>
    %jit3A_748 = arith.constant 0 : i32
    %broadcast_in_dim3A_749 = vector.broadcast %jit3A_748 : i32 to vector<40x128xi32>
    %select_n3A_750 = arith.select %eq3A_747, %iota3A_78, %broadcast_in_dim3A_749 : vector<40x128xi1>, vector<40x128xi32>
    %reduce_max3A_751 = arith.constant dense<-2147483648> : vector<128xi32>
    %reduce_max3A_752 = vector.multi_reduction <maxsi>, %select_n3A_750, %reduce_max3A_751 [0] : vector<40x128xi32> to vector<128xi32>
    %broadcast_in_dim3A_753 = vector.shape_cast %reduce_max3A_752 : vector<128xi32> to vector<1x128xi32>
    %convert_element_type3A_754 = arith.extui %eq3A_747 : vector<40x128xi1> to vector<40x128xi32>
    %convert_element_type3A_755 = arith.sitofp %convert_element_type3A_754 : vector<40x128xi32> to vector<40x128xf32>
    %slice3A_756 = vector.extract_strided_slice %get3A_77 {offsets = [0, 0, 0], sizes = [1, 40, 128], strides = [1, 1, 1]} : vector<3x40x128xf32> to vector<1x40x128xf32>
    %squeeze3A_757 = vector.shape_cast %slice3A_756 : vector<1x40x128xf32> to vector<40x128xf32>
    %mul3A_758 = arith.mulf %convert_element_type3A_755, %squeeze3A_757 : vector<40x128xf32>
    %reduce_sum3A_759 = arith.constant dense<0.000000e+00> : vector<128xf32>
    %reduce_sum3A_760 = vector.multi_reduction <add>, %mul3A_758, %reduce_sum3A_759 [0] : vector<40x128xf32> to vector<128xf32>
    %broadcast_in_dim3A_761 = vector.shape_cast %reduce_sum3A_760 : vector<128xf32> to vector<1x128xf32>
    %slice3A_762 = vector.extract_strided_slice %get3A_77 {offsets = [1, 0, 0], sizes = [1, 40, 128], strides = [1, 1, 1]} : vector<3x40x128xf32> to vector<1x40x128xf32>
    %squeeze3A_763 = vector.shape_cast %slice3A_762 : vector<1x40x128xf32> to vector<40x128xf32>
    %mul3A_764 = arith.mulf %convert_element_type3A_755, %squeeze3A_763 : vector<40x128xf32>
    %reduce_sum3A_765 = arith.constant dense<0.000000e+00> : vector<128xf32>
    %reduce_sum3A_766 = vector.multi_reduction <add>, %mul3A_764, %reduce_sum3A_765 [0] : vector<40x128xf32> to vector<128xf32>
    %broadcast_in_dim3A_767 = vector.shape_cast %reduce_sum3A_766 : vector<128xf32> to vector<1x128xf32>
    %slice3A_768 = vector.extract_strided_slice %get3A_77 {offsets = [2, 0, 0], sizes = [1, 40, 128], strides = [1, 1, 1]} : vector<3x40x128xf32> to vector<1x40x128xf32>
    %squeeze3A_769 = vector.shape_cast %slice3A_768 : vector<1x40x128xf32> to vector<40x128xf32>
    %mul3A_770 = arith.mulf %convert_element_type3A_755, %squeeze3A_769 : vector<40x128xf32>
    %reduce_sum3A_771 = arith.constant dense<0.000000e+00> : vector<128xf32>
    %reduce_sum3A_772 = vector.multi_reduction <add>, %mul3A_770, %reduce_sum3A_771 [0] : vector<40x128xf32> to vector<128xf32>
    %broadcast_in_dim3A_773 = vector.shape_cast %reduce_sum3A_772 : vector<128xf32> to vector<1x128xf32>
    %eq3A_774 = arith.constant 2 : i32
    %eq3A_775 = vector.broadcast %eq3A_774 : i32 to vector<40x128xi32>
    %eq3A_776 = arith.cmpi eq, %add3A_716, %eq3A_775 : vector<40x128xi32>
    %jit3A_777 = arith.constant 0 : i32
    %broadcast_in_dim3A_778 = vector.broadcast %jit3A_777 : i32 to vector<40x128xi32>
    %select_n3A_779 = arith.select %eq3A_776, %iota3A_78, %broadcast_in_dim3A_778 : vector<40x128xi1>, vector<40x128xi32>
    %reduce_max3A_780 = arith.constant dense<-2147483648> : vector<128xi32>
    %reduce_max3A_781 = vector.multi_reduction <maxsi>, %select_n3A_779, %reduce_max3A_780 [0] : vector<40x128xi32> to vector<128xi32>
    %broadcast_in_dim3A_782 = vector.shape_cast %reduce_max3A_781 : vector<128xi32> to vector<1x128xi32>
    %convert_element_type3A_783 = arith.extui %eq3A_776 : vector<40x128xi1> to vector<40x128xi32>
    %convert_element_type3A_784 = arith.sitofp %convert_element_type3A_783 : vector<40x128xi32> to vector<40x128xf32>
    %slice3A_785 = vector.extract_strided_slice %get3A_77 {offsets = [0, 0, 0], sizes = [1, 40, 128], strides = [1, 1, 1]} : vector<3x40x128xf32> to vector<1x40x128xf32>
    %squeeze3A_786 = vector.shape_cast %slice3A_785 : vector<1x40x128xf32> to vector<40x128xf32>
    %mul3A_787 = arith.mulf %convert_element_type3A_784, %squeeze3A_786 : vector<40x128xf32>
    %reduce_sum3A_788 = arith.constant dense<0.000000e+00> : vector<128xf32>
    %reduce_sum3A_789 = vector.multi_reduction <add>, %mul3A_787, %reduce_sum3A_788 [0] : vector<40x128xf32> to vector<128xf32>
    %broadcast_in_dim3A_790 = vector.shape_cast %reduce_sum3A_789 : vector<128xf32> to vector<1x128xf32>
    %slice3A_791 = vector.extract_strided_slice %get3A_77 {offsets = [1, 0, 0], sizes = [1, 40, 128], strides = [1, 1, 1]} : vector<3x40x128xf32> to vector<1x40x128xf32>
    %squeeze3A_792 = vector.shape_cast %slice3A_791 : vector<1x40x128xf32> to vector<40x128xf32>
    %mul3A_793 = arith.mulf %convert_element_type3A_784, %squeeze3A_792 : vector<40x128xf32>
    %reduce_sum3A_794 = arith.constant dense<0.000000e+00> : vector<128xf32>
    %reduce_sum3A_795 = vector.multi_reduction <add>, %mul3A_793, %reduce_sum3A_794 [0] : vector<40x128xf32> to vector<128xf32>
    %broadcast_in_dim3A_796 = vector.shape_cast %reduce_sum3A_795 : vector<128xf32> to vector<1x128xf32>
    %slice3A_797 = vector.extract_strided_slice %get3A_77 {offsets = [2, 0, 0], sizes = [1, 40, 128], strides = [1, 1, 1]} : vector<3x40x128xf32> to vector<1x40x128xf32>
    %squeeze3A_798 = vector.shape_cast %slice3A_797 : vector<1x40x128xf32> to vector<40x128xf32>
    %mul3A_799 = arith.mulf %convert_element_type3A_784, %squeeze3A_798 : vector<40x128xf32>
    %reduce_sum3A_800 = arith.constant dense<0.000000e+00> : vector<128xf32>
    %reduce_sum3A_801 = vector.multi_reduction <add>, %mul3A_799, %reduce_sum3A_800 [0] : vector<40x128xf32> to vector<128xf32>
    %broadcast_in_dim3A_802 = vector.shape_cast %reduce_sum3A_801 : vector<128xf32> to vector<1x128xf32>
    %eq3A_803 = arith.constant 3 : i32
    %eq3A_804 = vector.broadcast %eq3A_803 : i32 to vector<40x128xi32>
    %eq3A_805 = arith.cmpi eq, %add3A_716, %eq3A_804 : vector<40x128xi32>
    %jit3A_806 = arith.constant 0 : i32
    %broadcast_in_dim3A_807 = vector.broadcast %jit3A_806 : i32 to vector<40x128xi32>
    %select_n3A_808 = arith.select %eq3A_805, %iota3A_78, %broadcast_in_dim3A_807 : vector<40x128xi1>, vector<40x128xi32>
    %reduce_max3A_809 = arith.constant dense<-2147483648> : vector<128xi32>
    %reduce_max3A_810 = vector.multi_reduction <maxsi>, %select_n3A_808, %reduce_max3A_809 [0] : vector<40x128xi32> to vector<128xi32>
    %broadcast_in_dim3A_811 = vector.shape_cast %reduce_max3A_810 : vector<128xi32> to vector<1x128xi32>
    %convert_element_type3A_812 = arith.extui %eq3A_805 : vector<40x128xi1> to vector<40x128xi32>
    %convert_element_type3A_813 = arith.sitofp %convert_element_type3A_812 : vector<40x128xi32> to vector<40x128xf32>
    %slice3A_814 = vector.extract_strided_slice %get3A_77 {offsets = [0, 0, 0], sizes = [1, 40, 128], strides = [1, 1, 1]} : vector<3x40x128xf32> to vector<1x40x128xf32>
    %squeeze3A_815 = vector.shape_cast %slice3A_814 : vector<1x40x128xf32> to vector<40x128xf32>
    %mul3A_816 = arith.mulf %convert_element_type3A_813, %squeeze3A_815 : vector<40x128xf32>
    %reduce_sum3A_817 = arith.constant dense<0.000000e+00> : vector<128xf32>
    %reduce_sum3A_818 = vector.multi_reduction <add>, %mul3A_816, %reduce_sum3A_817 [0] : vector<40x128xf32> to vector<128xf32>
    %broadcast_in_dim3A_819 = vector.shape_cast %reduce_sum3A_818 : vector<128xf32> to vector<1x128xf32>
    %slice3A_820 = vector.extract_strided_slice %get3A_77 {offsets = [1, 0, 0], sizes = [1, 40, 128], strides = [1, 1, 1]} : vector<3x40x128xf32> to vector<1x40x128xf32>
    %squeeze3A_821 = vector.shape_cast %slice3A_820 : vector<1x40x128xf32> to vector<40x128xf32>
    %mul3A_822 = arith.mulf %convert_element_type3A_813, %squeeze3A_821 : vector<40x128xf32>
    %reduce_sum3A_823 = arith.constant dense<0.000000e+00> : vector<128xf32>
    %reduce_sum3A_824 = vector.multi_reduction <add>, %mul3A_822, %reduce_sum3A_823 [0] : vector<40x128xf32> to vector<128xf32>
    %broadcast_in_dim3A_825 = vector.shape_cast %reduce_sum3A_824 : vector<128xf32> to vector<1x128xf32>
    %slice3A_826 = vector.extract_strided_slice %get3A_77 {offsets = [2, 0, 0], sizes = [1, 40, 128], strides = [1, 1, 1]} : vector<3x40x128xf32> to vector<1x40x128xf32>
    %squeeze3A_827 = vector.shape_cast %slice3A_826 : vector<1x40x128xf32> to vector<40x128xf32>
    %mul3A_828 = arith.mulf %convert_element_type3A_813, %squeeze3A_827 : vector<40x128xf32>
    %reduce_sum3A_829 = arith.constant dense<0.000000e+00> : vector<128xf32>
    %reduce_sum3A_830 = vector.multi_reduction <add>, %mul3A_828, %reduce_sum3A_829 [0] : vector<40x128xf32> to vector<128xf32>
    %broadcast_in_dim3A_831 = vector.shape_cast %reduce_sum3A_830 : vector<128xf32> to vector<1x128xf32>
    %eq3A_832 = arith.constant 4 : i32
    %eq3A_833 = vector.broadcast %eq3A_832 : i32 to vector<40x128xi32>
    %eq3A_834 = arith.cmpi eq, %add3A_716, %eq3A_833 : vector<40x128xi32>
    %jit3A_835 = arith.constant 0 : i32
    %broadcast_in_dim3A_836 = vector.broadcast %jit3A_835 : i32 to vector<40x128xi32>
    %select_n3A_837 = arith.select %eq3A_834, %iota3A_78, %broadcast_in_dim3A_836 : vector<40x128xi1>, vector<40x128xi32>
    %reduce_max3A_838 = arith.constant dense<-2147483648> : vector<128xi32>
    %reduce_max3A_839 = vector.multi_reduction <maxsi>, %select_n3A_837, %reduce_max3A_838 [0] : vector<40x128xi32> to vector<128xi32>
    %broadcast_in_dim3A_840 = vector.shape_cast %reduce_max3A_839 : vector<128xi32> to vector<1x128xi32>
    %convert_element_type3A_841 = arith.extui %eq3A_834 : vector<40x128xi1> to vector<40x128xi32>
    %convert_element_type3A_842 = arith.sitofp %convert_element_type3A_841 : vector<40x128xi32> to vector<40x128xf32>
    %slice3A_843 = vector.extract_strided_slice %get3A_77 {offsets = [0, 0, 0], sizes = [1, 40, 128], strides = [1, 1, 1]} : vector<3x40x128xf32> to vector<1x40x128xf32>
    %squeeze3A_844 = vector.shape_cast %slice3A_843 : vector<1x40x128xf32> to vector<40x128xf32>
    %mul3A_845 = arith.mulf %convert_element_type3A_842, %squeeze3A_844 : vector<40x128xf32>
    %reduce_sum3A_846 = arith.constant dense<0.000000e+00> : vector<128xf32>
    %reduce_sum3A_847 = vector.multi_reduction <add>, %mul3A_845, %reduce_sum3A_846 [0] : vector<40x128xf32> to vector<128xf32>
    %broadcast_in_dim3A_848 = vector.shape_cast %reduce_sum3A_847 : vector<128xf32> to vector<1x128xf32>
    %slice3A_849 = vector.extract_strided_slice %get3A_77 {offsets = [1, 0, 0], sizes = [1, 40, 128], strides = [1, 1, 1]} : vector<3x40x128xf32> to vector<1x40x128xf32>
    %squeeze3A_850 = vector.shape_cast %slice3A_849 : vector<1x40x128xf32> to vector<40x128xf32>
    %mul3A_851 = arith.mulf %convert_element_type3A_842, %squeeze3A_850 : vector<40x128xf32>
    %reduce_sum3A_852 = arith.constant dense<0.000000e+00> : vector<128xf32>
    %reduce_sum3A_853 = vector.multi_reduction <add>, %mul3A_851, %reduce_sum3A_852 [0] : vector<40x128xf32> to vector<128xf32>
    %broadcast_in_dim3A_854 = vector.shape_cast %reduce_sum3A_853 : vector<128xf32> to vector<1x128xf32>
    %slice3A_855 = vector.extract_strided_slice %get3A_77 {offsets = [2, 0, 0], sizes = [1, 40, 128], strides = [1, 1, 1]} : vector<3x40x128xf32> to vector<1x40x128xf32>
    %squeeze3A_856 = vector.shape_cast %slice3A_855 : vector<1x40x128xf32> to vector<40x128xf32>
    %mul3A_857 = arith.mulf %convert_element_type3A_842, %squeeze3A_856 : vector<40x128xf32>
    %reduce_sum3A_858 = arith.constant dense<0.000000e+00> : vector<128xf32>
    %reduce_sum3A_859 = vector.multi_reduction <add>, %mul3A_857, %reduce_sum3A_858 [0] : vector<40x128xf32> to vector<128xf32>
    %broadcast_in_dim3A_860 = vector.shape_cast %reduce_sum3A_859 : vector<128xf32> to vector<1x128xf32>
    %eq3A_861 = arith.constant 5 : i32
    %eq3A_862 = vector.broadcast %eq3A_861 : i32 to vector<40x128xi32>
    %eq3A_863 = arith.cmpi eq, %add3A_716, %eq3A_862 : vector<40x128xi32>
    %jit3A_864 = arith.constant 0 : i32
    %broadcast_in_dim3A_865 = vector.broadcast %jit3A_864 : i32 to vector<40x128xi32>
    %select_n3A_866 = arith.select %eq3A_863, %iota3A_78, %broadcast_in_dim3A_865 : vector<40x128xi1>, vector<40x128xi32>
    %reduce_max3A_867 = arith.constant dense<-2147483648> : vector<128xi32>
    %reduce_max3A_868 = vector.multi_reduction <maxsi>, %select_n3A_866, %reduce_max3A_867 [0] : vector<40x128xi32> to vector<128xi32>
    %broadcast_in_dim3A_869 = vector.shape_cast %reduce_max3A_868 : vector<128xi32> to vector<1x128xi32>
    %convert_element_type3A_870 = arith.extui %eq3A_863 : vector<40x128xi1> to vector<40x128xi32>
    %convert_element_type3A_871 = arith.sitofp %convert_element_type3A_870 : vector<40x128xi32> to vector<40x128xf32>
    %slice3A_872 = vector.extract_strided_slice %get3A_77 {offsets = [0, 0, 0], sizes = [1, 40, 128], strides = [1, 1, 1]} : vector<3x40x128xf32> to vector<1x40x128xf32>
    %squeeze3A_873 = vector.shape_cast %slice3A_872 : vector<1x40x128xf32> to vector<40x128xf32>
    %mul3A_874 = arith.mulf %convert_element_type3A_871, %squeeze3A_873 : vector<40x128xf32>
    %reduce_sum3A_875 = arith.constant dense<0.000000e+00> : vector<128xf32>
    %reduce_sum3A_876 = vector.multi_reduction <add>, %mul3A_874, %reduce_sum3A_875 [0] : vector<40x128xf32> to vector<128xf32>
    %broadcast_in_dim3A_877 = vector.shape_cast %reduce_sum3A_876 : vector<128xf32> to vector<1x128xf32>
    %slice3A_878 = vector.extract_strided_slice %get3A_77 {offsets = [1, 0, 0], sizes = [1, 40, 128], strides = [1, 1, 1]} : vector<3x40x128xf32> to vector<1x40x128xf32>
    %squeeze3A_879 = vector.shape_cast %slice3A_878 : vector<1x40x128xf32> to vector<40x128xf32>
    %mul3A_880 = arith.mulf %convert_element_type3A_871, %squeeze3A_879 : vector<40x128xf32>
    %reduce_sum3A_881 = arith.constant dense<0.000000e+00> : vector<128xf32>
    %reduce_sum3A_882 = vector.multi_reduction <add>, %mul3A_880, %reduce_sum3A_881 [0] : vector<40x128xf32> to vector<128xf32>
    %broadcast_in_dim3A_883 = vector.shape_cast %reduce_sum3A_882 : vector<128xf32> to vector<1x128xf32>
    %slice3A_884 = vector.extract_strided_slice %get3A_77 {offsets = [2, 0, 0], sizes = [1, 40, 128], strides = [1, 1, 1]} : vector<3x40x128xf32> to vector<1x40x128xf32>
    %squeeze3A_885 = vector.shape_cast %slice3A_884 : vector<1x40x128xf32> to vector<40x128xf32>
    %mul3A_886 = arith.mulf %convert_element_type3A_871, %squeeze3A_885 : vector<40x128xf32>
    %reduce_sum3A_887 = arith.constant dense<0.000000e+00> : vector<128xf32>
    %reduce_sum3A_888 = vector.multi_reduction <add>, %mul3A_886, %reduce_sum3A_887 [0] : vector<40x128xf32> to vector<128xf32>
    %broadcast_in_dim3A_889 = vector.shape_cast %reduce_sum3A_888 : vector<128xf32> to vector<1x128xf32>
    %eq3A_890 = arith.constant 6 : i32
    %eq3A_891 = vector.broadcast %eq3A_890 : i32 to vector<40x128xi32>
    %eq3A_892 = arith.cmpi eq, %add3A_716, %eq3A_891 : vector<40x128xi32>
    %jit3A_893 = arith.constant 0 : i32
    %broadcast_in_dim3A_894 = vector.broadcast %jit3A_893 : i32 to vector<40x128xi32>
    %select_n3A_895 = arith.select %eq3A_892, %iota3A_78, %broadcast_in_dim3A_894 : vector<40x128xi1>, vector<40x128xi32>
    %reduce_max3A_896 = arith.constant dense<-2147483648> : vector<128xi32>
    %reduce_max3A_897 = vector.multi_reduction <maxsi>, %select_n3A_895, %reduce_max3A_896 [0] : vector<40x128xi32> to vector<128xi32>
    %broadcast_in_dim3A_898 = vector.shape_cast %reduce_max3A_897 : vector<128xi32> to vector<1x128xi32>
    %convert_element_type3A_899 = arith.extui %eq3A_892 : vector<40x128xi1> to vector<40x128xi32>
    %convert_element_type3A_900 = arith.sitofp %convert_element_type3A_899 : vector<40x128xi32> to vector<40x128xf32>
    %slice3A_901 = vector.extract_strided_slice %get3A_77 {offsets = [0, 0, 0], sizes = [1, 40, 128], strides = [1, 1, 1]} : vector<3x40x128xf32> to vector<1x40x128xf32>
    %squeeze3A_902 = vector.shape_cast %slice3A_901 : vector<1x40x128xf32> to vector<40x128xf32>
    %mul3A_903 = arith.mulf %convert_element_type3A_900, %squeeze3A_902 : vector<40x128xf32>
    %reduce_sum3A_904 = arith.constant dense<0.000000e+00> : vector<128xf32>
    %reduce_sum3A_905 = vector.multi_reduction <add>, %mul3A_903, %reduce_sum3A_904 [0] : vector<40x128xf32> to vector<128xf32>
    %broadcast_in_dim3A_906 = vector.shape_cast %reduce_sum3A_905 : vector<128xf32> to vector<1x128xf32>
    %slice3A_907 = vector.extract_strided_slice %get3A_77 {offsets = [1, 0, 0], sizes = [1, 40, 128], strides = [1, 1, 1]} : vector<3x40x128xf32> to vector<1x40x128xf32>
    %squeeze3A_908 = vector.shape_cast %slice3A_907 : vector<1x40x128xf32> to vector<40x128xf32>
    %mul3A_909 = arith.mulf %convert_element_type3A_900, %squeeze3A_908 : vector<40x128xf32>
    %reduce_sum3A_910 = arith.constant dense<0.000000e+00> : vector<128xf32>
    %reduce_sum3A_911 = vector.multi_reduction <add>, %mul3A_909, %reduce_sum3A_910 [0] : vector<40x128xf32> to vector<128xf32>
    %broadcast_in_dim3A_912 = vector.shape_cast %reduce_sum3A_911 : vector<128xf32> to vector<1x128xf32>
    %slice3A_913 = vector.extract_strided_slice %get3A_77 {offsets = [2, 0, 0], sizes = [1, 40, 128], strides = [1, 1, 1]} : vector<3x40x128xf32> to vector<1x40x128xf32>
    %squeeze3A_914 = vector.shape_cast %slice3A_913 : vector<1x40x128xf32> to vector<40x128xf32>
    %mul3A_915 = arith.mulf %convert_element_type3A_900, %squeeze3A_914 : vector<40x128xf32>
    %reduce_sum3A_916 = arith.constant dense<0.000000e+00> : vector<128xf32>
    %reduce_sum3A_917 = vector.multi_reduction <add>, %mul3A_915, %reduce_sum3A_916 [0] : vector<40x128xf32> to vector<128xf32>
    %broadcast_in_dim3A_918 = vector.shape_cast %reduce_sum3A_917 : vector<128xf32> to vector<1x128xf32>
    %eq3A_919 = arith.constant 7 : i32
    %eq3A_920 = vector.broadcast %eq3A_919 : i32 to vector<40x128xi32>
    %eq3A_921 = arith.cmpi eq, %add3A_716, %eq3A_920 : vector<40x128xi32>
    %jit3A_922 = arith.constant 0 : i32
    %broadcast_in_dim3A_923 = vector.broadcast %jit3A_922 : i32 to vector<40x128xi32>
    %select_n3A_924 = arith.select %eq3A_921, %iota3A_78, %broadcast_in_dim3A_923 : vector<40x128xi1>, vector<40x128xi32>
    %reduce_max3A_925 = arith.constant dense<-2147483648> : vector<128xi32>
    %reduce_max3A_926 = vector.multi_reduction <maxsi>, %select_n3A_924, %reduce_max3A_925 [0] : vector<40x128xi32> to vector<128xi32>
    %broadcast_in_dim3A_927 = vector.shape_cast %reduce_max3A_926 : vector<128xi32> to vector<1x128xi32>
    %convert_element_type3A_928 = arith.extui %eq3A_921 : vector<40x128xi1> to vector<40x128xi32>
    %convert_element_type3A_929 = arith.sitofp %convert_element_type3A_928 : vector<40x128xi32> to vector<40x128xf32>
    %slice3A_930 = vector.extract_strided_slice %get3A_77 {offsets = [0, 0, 0], sizes = [1, 40, 128], strides = [1, 1, 1]} : vector<3x40x128xf32> to vector<1x40x128xf32>
    %squeeze3A_931 = vector.shape_cast %slice3A_930 : vector<1x40x128xf32> to vector<40x128xf32>
    %mul3A_932 = arith.mulf %convert_element_type3A_929, %squeeze3A_931 : vector<40x128xf32>
    %reduce_sum3A_933 = arith.constant dense<0.000000e+00> : vector<128xf32>
    %reduce_sum3A_934 = vector.multi_reduction <add>, %mul3A_932, %reduce_sum3A_933 [0] : vector<40x128xf32> to vector<128xf32>
    %broadcast_in_dim3A_935 = vector.shape_cast %reduce_sum3A_934 : vector<128xf32> to vector<1x128xf32>
    %slice3A_936 = vector.extract_strided_slice %get3A_77 {offsets = [1, 0, 0], sizes = [1, 40, 128], strides = [1, 1, 1]} : vector<3x40x128xf32> to vector<1x40x128xf32>
    %squeeze3A_937 = vector.shape_cast %slice3A_936 : vector<1x40x128xf32> to vector<40x128xf32>
    %mul3A_938 = arith.mulf %convert_element_type3A_929, %squeeze3A_937 : vector<40x128xf32>
    %reduce_sum3A_939 = arith.constant dense<0.000000e+00> : vector<128xf32>
    %reduce_sum3A_940 = vector.multi_reduction <add>, %mul3A_938, %reduce_sum3A_939 [0] : vector<40x128xf32> to vector<128xf32>
    %broadcast_in_dim3A_941 = vector.shape_cast %reduce_sum3A_940 : vector<128xf32> to vector<1x128xf32>
    %slice3A_942 = vector.extract_strided_slice %get3A_77 {offsets = [2, 0, 0], sizes = [1, 40, 128], strides = [1, 1, 1]} : vector<3x40x128xf32> to vector<1x40x128xf32>
    %squeeze3A_943 = vector.shape_cast %slice3A_942 : vector<1x40x128xf32> to vector<40x128xf32>
    %mul3A_944 = arith.mulf %convert_element_type3A_929, %squeeze3A_943 : vector<40x128xf32>
    %reduce_sum3A_945 = arith.constant dense<0.000000e+00> : vector<128xf32>
    %reduce_sum3A_946 = vector.multi_reduction <add>, %mul3A_944, %reduce_sum3A_945 [0] : vector<40x128xf32> to vector<128xf32>
    %broadcast_in_dim3A_947 = vector.shape_cast %reduce_sum3A_946 : vector<128xf32> to vector<1x128xf32>
    %eq3A_948 = arith.constant 8 : i32
    %eq3A_949 = vector.broadcast %eq3A_948 : i32 to vector<40x128xi32>
    %eq3A_950 = arith.cmpi eq, %add3A_716, %eq3A_949 : vector<40x128xi32>
    %jit3A_951 = arith.constant 0 : i32
    %broadcast_in_dim3A_952 = vector.broadcast %jit3A_951 : i32 to vector<40x128xi32>
    %select_n3A_953 = arith.select %eq3A_950, %iota3A_78, %broadcast_in_dim3A_952 : vector<40x128xi1>, vector<40x128xi32>
    %reduce_max3A_954 = arith.constant dense<-2147483648> : vector<128xi32>
    %reduce_max3A_955 = vector.multi_reduction <maxsi>, %select_n3A_953, %reduce_max3A_954 [0] : vector<40x128xi32> to vector<128xi32>
    %broadcast_in_dim3A_956 = vector.shape_cast %reduce_max3A_955 : vector<128xi32> to vector<1x128xi32>
    %convert_element_type3A_957 = arith.extui %eq3A_950 : vector<40x128xi1> to vector<40x128xi32>
    %convert_element_type3A_958 = arith.sitofp %convert_element_type3A_957 : vector<40x128xi32> to vector<40x128xf32>
    %slice3A_959 = vector.extract_strided_slice %get3A_77 {offsets = [0, 0, 0], sizes = [1, 40, 128], strides = [1, 1, 1]} : vector<3x40x128xf32> to vector<1x40x128xf32>
    %squeeze3A_960 = vector.shape_cast %slice3A_959 : vector<1x40x128xf32> to vector<40x128xf32>
    %mul3A_961 = arith.mulf %convert_element_type3A_958, %squeeze3A_960 : vector<40x128xf32>
    %reduce_sum3A_962 = arith.constant dense<0.000000e+00> : vector<128xf32>
    %reduce_sum3A_963 = vector.multi_reduction <add>, %mul3A_961, %reduce_sum3A_962 [0] : vector<40x128xf32> to vector<128xf32>
    %broadcast_in_dim3A_964 = vector.shape_cast %reduce_sum3A_963 : vector<128xf32> to vector<1x128xf32>
    %slice3A_965 = vector.extract_strided_slice %get3A_77 {offsets = [1, 0, 0], sizes = [1, 40, 128], strides = [1, 1, 1]} : vector<3x40x128xf32> to vector<1x40x128xf32>
    %squeeze3A_966 = vector.shape_cast %slice3A_965 : vector<1x40x128xf32> to vector<40x128xf32>
    %mul3A_967 = arith.mulf %convert_element_type3A_958, %squeeze3A_966 : vector<40x128xf32>
    %reduce_sum3A_968 = arith.constant dense<0.000000e+00> : vector<128xf32>
    %reduce_sum3A_969 = vector.multi_reduction <add>, %mul3A_967, %reduce_sum3A_968 [0] : vector<40x128xf32> to vector<128xf32>
    %broadcast_in_dim3A_970 = vector.shape_cast %reduce_sum3A_969 : vector<128xf32> to vector<1x128xf32>
    %slice3A_971 = vector.extract_strided_slice %get3A_77 {offsets = [2, 0, 0], sizes = [1, 40, 128], strides = [1, 1, 1]} : vector<3x40x128xf32> to vector<1x40x128xf32>
    %squeeze3A_972 = vector.shape_cast %slice3A_971 : vector<1x40x128xf32> to vector<40x128xf32>
    %mul3A_973 = arith.mulf %convert_element_type3A_958, %squeeze3A_972 : vector<40x128xf32>
    %reduce_sum3A_974 = arith.constant dense<0.000000e+00> : vector<128xf32>
    %reduce_sum3A_975 = vector.multi_reduction <add>, %mul3A_973, %reduce_sum3A_974 [0] : vector<40x128xf32> to vector<128xf32>
    %broadcast_in_dim3A_976 = vector.shape_cast %reduce_sum3A_975 : vector<128xf32> to vector<1x128xf32>
    %eq3A_977 = arith.constant 9 : i32
    %eq3A_978 = vector.broadcast %eq3A_977 : i32 to vector<40x128xi32>
    %eq3A_979 = arith.cmpi eq, %add3A_716, %eq3A_978 : vector<40x128xi32>
    %jit3A_980 = arith.constant 0 : i32
    %broadcast_in_dim3A_981 = vector.broadcast %jit3A_980 : i32 to vector<40x128xi32>
    %select_n3A_982 = arith.select %eq3A_979, %iota3A_78, %broadcast_in_dim3A_981 : vector<40x128xi1>, vector<40x128xi32>
    %reduce_max3A_983 = arith.constant dense<-2147483648> : vector<128xi32>
    %reduce_max3A_984 = vector.multi_reduction <maxsi>, %select_n3A_982, %reduce_max3A_983 [0] : vector<40x128xi32> to vector<128xi32>
    %broadcast_in_dim3A_985 = vector.shape_cast %reduce_max3A_984 : vector<128xi32> to vector<1x128xi32>
    %convert_element_type3A_986 = arith.extui %eq3A_979 : vector<40x128xi1> to vector<40x128xi32>
    %convert_element_type3A_987 = arith.sitofp %convert_element_type3A_986 : vector<40x128xi32> to vector<40x128xf32>
    %slice3A_988 = vector.extract_strided_slice %get3A_77 {offsets = [0, 0, 0], sizes = [1, 40, 128], strides = [1, 1, 1]} : vector<3x40x128xf32> to vector<1x40x128xf32>
    %squeeze3A_989 = vector.shape_cast %slice3A_988 : vector<1x40x128xf32> to vector<40x128xf32>
    %mul3A_990 = arith.mulf %convert_element_type3A_987, %squeeze3A_989 : vector<40x128xf32>
    %reduce_sum3A_991 = arith.constant dense<0.000000e+00> : vector<128xf32>
    %reduce_sum3A_992 = vector.multi_reduction <add>, %mul3A_990, %reduce_sum3A_991 [0] : vector<40x128xf32> to vector<128xf32>
    %broadcast_in_dim3A_993 = vector.shape_cast %reduce_sum3A_992 : vector<128xf32> to vector<1x128xf32>
    %slice3A_994 = vector.extract_strided_slice %get3A_77 {offsets = [1, 0, 0], sizes = [1, 40, 128], strides = [1, 1, 1]} : vector<3x40x128xf32> to vector<1x40x128xf32>
    %squeeze3A_995 = vector.shape_cast %slice3A_994 : vector<1x40x128xf32> to vector<40x128xf32>
    %mul3A_996 = arith.mulf %convert_element_type3A_987, %squeeze3A_995 : vector<40x128xf32>
    %reduce_sum3A_997 = arith.constant dense<0.000000e+00> : vector<128xf32>
    %reduce_sum3A_998 = vector.multi_reduction <add>, %mul3A_996, %reduce_sum3A_997 [0] : vector<40x128xf32> to vector<128xf32>
    %broadcast_in_dim3A_999 = vector.shape_cast %reduce_sum3A_998 : vector<128xf32> to vector<1x128xf32>
    %slice3A_1000 = vector.extract_strided_slice %get3A_77 {offsets = [2, 0, 0], sizes = [1, 40, 128], strides = [1, 1, 1]} : vector<3x40x128xf32> to vector<1x40x128xf32>
    %squeeze3A_1001 = vector.shape_cast %slice3A_1000 : vector<1x40x128xf32> to vector<40x128xf32>
    %mul3A_1002 = arith.mulf %convert_element_type3A_987, %squeeze3A_1001 : vector<40x128xf32>
    %reduce_sum3A_1003 = arith.constant dense<0.000000e+00> : vector<128xf32>
    %reduce_sum3A_1004 = vector.multi_reduction <add>, %mul3A_1002, %reduce_sum3A_1003 [0] : vector<40x128xf32> to vector<128xf32>
    %broadcast_in_dim3A_1005 = vector.shape_cast %reduce_sum3A_1004 : vector<128xf32> to vector<1x128xf32>
    %eq3A_1006 = arith.constant 10 : i32
    %eq3A_1007 = vector.broadcast %eq3A_1006 : i32 to vector<40x128xi32>
    %eq3A_1008 = arith.cmpi eq, %add3A_716, %eq3A_1007 : vector<40x128xi32>
    %jit3A_1009 = arith.constant 0 : i32
    %broadcast_in_dim3A_1010 = vector.broadcast %jit3A_1009 : i32 to vector<40x128xi32>
    %select_n3A_1011 = arith.select %eq3A_1008, %iota3A_78, %broadcast_in_dim3A_1010 : vector<40x128xi1>, vector<40x128xi32>
    %reduce_max3A_1012 = arith.constant dense<-2147483648> : vector<128xi32>
    %reduce_max3A_1013 = vector.multi_reduction <maxsi>, %select_n3A_1011, %reduce_max3A_1012 [0] : vector<40x128xi32> to vector<128xi32>
    %broadcast_in_dim3A_1014 = vector.shape_cast %reduce_max3A_1013 : vector<128xi32> to vector<1x128xi32>
    %convert_element_type3A_1015 = arith.extui %eq3A_1008 : vector<40x128xi1> to vector<40x128xi32>
    %convert_element_type3A_1016 = arith.sitofp %convert_element_type3A_1015 : vector<40x128xi32> to vector<40x128xf32>
    %slice3A_1017 = vector.extract_strided_slice %get3A_77 {offsets = [0, 0, 0], sizes = [1, 40, 128], strides = [1, 1, 1]} : vector<3x40x128xf32> to vector<1x40x128xf32>
    %squeeze3A_1018 = vector.shape_cast %slice3A_1017 : vector<1x40x128xf32> to vector<40x128xf32>
    %mul3A_1019 = arith.mulf %convert_element_type3A_1016, %squeeze3A_1018 : vector<40x128xf32>
    %reduce_sum3A_1020 = arith.constant dense<0.000000e+00> : vector<128xf32>
    %reduce_sum3A_1021 = vector.multi_reduction <add>, %mul3A_1019, %reduce_sum3A_1020 [0] : vector<40x128xf32> to vector<128xf32>
    %broadcast_in_dim3A_1022 = vector.shape_cast %reduce_sum3A_1021 : vector<128xf32> to vector<1x128xf32>
    %slice3A_1023 = vector.extract_strided_slice %get3A_77 {offsets = [1, 0, 0], sizes = [1, 40, 128], strides = [1, 1, 1]} : vector<3x40x128xf32> to vector<1x40x128xf32>
    %squeeze3A_1024 = vector.shape_cast %slice3A_1023 : vector<1x40x128xf32> to vector<40x128xf32>
    %mul3A_1025 = arith.mulf %convert_element_type3A_1016, %squeeze3A_1024 : vector<40x128xf32>
    %reduce_sum3A_1026 = arith.constant dense<0.000000e+00> : vector<128xf32>
    %reduce_sum3A_1027 = vector.multi_reduction <add>, %mul3A_1025, %reduce_sum3A_1026 [0] : vector<40x128xf32> to vector<128xf32>
    %broadcast_in_dim3A_1028 = vector.shape_cast %reduce_sum3A_1027 : vector<128xf32> to vector<1x128xf32>
    %slice3A_1029 = vector.extract_strided_slice %get3A_77 {offsets = [2, 0, 0], sizes = [1, 40, 128], strides = [1, 1, 1]} : vector<3x40x128xf32> to vector<1x40x128xf32>
    %squeeze3A_1030 = vector.shape_cast %slice3A_1029 : vector<1x40x128xf32> to vector<40x128xf32>
    %mul3A_1031 = arith.mulf %convert_element_type3A_1016, %squeeze3A_1030 : vector<40x128xf32>
    %reduce_sum3A_1032 = arith.constant dense<0.000000e+00> : vector<128xf32>
    %reduce_sum3A_1033 = vector.multi_reduction <add>, %mul3A_1031, %reduce_sum3A_1032 [0] : vector<40x128xf32> to vector<128xf32>
    %broadcast_in_dim3A_1034 = vector.shape_cast %reduce_sum3A_1033 : vector<128xf32> to vector<1x128xf32>
    %eq3A_1035 = arith.constant 11 : i32
    %eq3A_1036 = vector.broadcast %eq3A_1035 : i32 to vector<40x128xi32>
    %eq3A_1037 = arith.cmpi eq, %add3A_716, %eq3A_1036 : vector<40x128xi32>
    %jit3A_1038 = arith.constant 0 : i32
    %broadcast_in_dim3A_1039 = vector.broadcast %jit3A_1038 : i32 to vector<40x128xi32>
    %select_n3A_1040 = arith.select %eq3A_1037, %iota3A_78, %broadcast_in_dim3A_1039 : vector<40x128xi1>, vector<40x128xi32>
    %reduce_max3A_1041 = arith.constant dense<-2147483648> : vector<128xi32>
    %reduce_max3A_1042 = vector.multi_reduction <maxsi>, %select_n3A_1040, %reduce_max3A_1041 [0] : vector<40x128xi32> to vector<128xi32>
    %broadcast_in_dim3A_1043 = vector.shape_cast %reduce_max3A_1042 : vector<128xi32> to vector<1x128xi32>
    %convert_element_type3A_1044 = arith.extui %eq3A_1037 : vector<40x128xi1> to vector<40x128xi32>
    %convert_element_type3A_1045 = arith.sitofp %convert_element_type3A_1044 : vector<40x128xi32> to vector<40x128xf32>
    %slice3A_1046 = vector.extract_strided_slice %get3A_77 {offsets = [0, 0, 0], sizes = [1, 40, 128], strides = [1, 1, 1]} : vector<3x40x128xf32> to vector<1x40x128xf32>
    %squeeze3A_1047 = vector.shape_cast %slice3A_1046 : vector<1x40x128xf32> to vector<40x128xf32>
    %mul3A_1048 = arith.mulf %convert_element_type3A_1045, %squeeze3A_1047 : vector<40x128xf32>
    %reduce_sum3A_1049 = arith.constant dense<0.000000e+00> : vector<128xf32>
    %reduce_sum3A_1050 = vector.multi_reduction <add>, %mul3A_1048, %reduce_sum3A_1049 [0] : vector<40x128xf32> to vector<128xf32>
    %broadcast_in_dim3A_1051 = vector.shape_cast %reduce_sum3A_1050 : vector<128xf32> to vector<1x128xf32>
    %slice3A_1052 = vector.extract_strided_slice %get3A_77 {offsets = [1, 0, 0], sizes = [1, 40, 128], strides = [1, 1, 1]} : vector<3x40x128xf32> to vector<1x40x128xf32>
    %squeeze3A_1053 = vector.shape_cast %slice3A_1052 : vector<1x40x128xf32> to vector<40x128xf32>
    %mul3A_1054 = arith.mulf %convert_element_type3A_1045, %squeeze3A_1053 : vector<40x128xf32>
    %reduce_sum3A_1055 = arith.constant dense<0.000000e+00> : vector<128xf32>
    %reduce_sum3A_1056 = vector.multi_reduction <add>, %mul3A_1054, %reduce_sum3A_1055 [0] : vector<40x128xf32> to vector<128xf32>
    %broadcast_in_dim3A_1057 = vector.shape_cast %reduce_sum3A_1056 : vector<128xf32> to vector<1x128xf32>
    %slice3A_1058 = vector.extract_strided_slice %get3A_77 {offsets = [2, 0, 0], sizes = [1, 40, 128], strides = [1, 1, 1]} : vector<3x40x128xf32> to vector<1x40x128xf32>
    %squeeze3A_1059 = vector.shape_cast %slice3A_1058 : vector<1x40x128xf32> to vector<40x128xf32>
    %mul3A_1060 = arith.mulf %convert_element_type3A_1045, %squeeze3A_1059 : vector<40x128xf32>
    %reduce_sum3A_1061 = arith.constant dense<0.000000e+00> : vector<128xf32>
    %reduce_sum3A_1062 = vector.multi_reduction <add>, %mul3A_1060, %reduce_sum3A_1061 [0] : vector<40x128xf32> to vector<128xf32>
    %broadcast_in_dim3A_1063 = vector.shape_cast %reduce_sum3A_1062 : vector<128xf32> to vector<1x128xf32>
    %eq3A_1064 = arith.constant 12 : i32
    %eq3A_1065 = vector.broadcast %eq3A_1064 : i32 to vector<40x128xi32>
    %eq3A_1066 = arith.cmpi eq, %add3A_716, %eq3A_1065 : vector<40x128xi32>
    %jit3A_1067 = arith.constant 0 : i32
    %broadcast_in_dim3A_1068 = vector.broadcast %jit3A_1067 : i32 to vector<40x128xi32>
    %select_n3A_1069 = arith.select %eq3A_1066, %iota3A_78, %broadcast_in_dim3A_1068 : vector<40x128xi1>, vector<40x128xi32>
    %reduce_max3A_1070 = arith.constant dense<-2147483648> : vector<128xi32>
    %reduce_max3A_1071 = vector.multi_reduction <maxsi>, %select_n3A_1069, %reduce_max3A_1070 [0] : vector<40x128xi32> to vector<128xi32>
    %broadcast_in_dim3A_1072 = vector.shape_cast %reduce_max3A_1071 : vector<128xi32> to vector<1x128xi32>
    %convert_element_type3A_1073 = arith.extui %eq3A_1066 : vector<40x128xi1> to vector<40x128xi32>
    %convert_element_type3A_1074 = arith.sitofp %convert_element_type3A_1073 : vector<40x128xi32> to vector<40x128xf32>
    %slice3A_1075 = vector.extract_strided_slice %get3A_77 {offsets = [0, 0, 0], sizes = [1, 40, 128], strides = [1, 1, 1]} : vector<3x40x128xf32> to vector<1x40x128xf32>
    %squeeze3A_1076 = vector.shape_cast %slice3A_1075 : vector<1x40x128xf32> to vector<40x128xf32>
    %mul3A_1077 = arith.mulf %convert_element_type3A_1074, %squeeze3A_1076 : vector<40x128xf32>
    %reduce_sum3A_1078 = arith.constant dense<0.000000e+00> : vector<128xf32>
    %reduce_sum3A_1079 = vector.multi_reduction <add>, %mul3A_1077, %reduce_sum3A_1078 [0] : vector<40x128xf32> to vector<128xf32>
    %broadcast_in_dim3A_1080 = vector.shape_cast %reduce_sum3A_1079 : vector<128xf32> to vector<1x128xf32>
    %slice3A_1081 = vector.extract_strided_slice %get3A_77 {offsets = [1, 0, 0], sizes = [1, 40, 128], strides = [1, 1, 1]} : vector<3x40x128xf32> to vector<1x40x128xf32>
    %squeeze3A_1082 = vector.shape_cast %slice3A_1081 : vector<1x40x128xf32> to vector<40x128xf32>
    %mul3A_1083 = arith.mulf %convert_element_type3A_1074, %squeeze3A_1082 : vector<40x128xf32>
    %reduce_sum3A_1084 = arith.constant dense<0.000000e+00> : vector<128xf32>
    %reduce_sum3A_1085 = vector.multi_reduction <add>, %mul3A_1083, %reduce_sum3A_1084 [0] : vector<40x128xf32> to vector<128xf32>
    %broadcast_in_dim3A_1086 = vector.shape_cast %reduce_sum3A_1085 : vector<128xf32> to vector<1x128xf32>
    %slice3A_1087 = vector.extract_strided_slice %get3A_77 {offsets = [2, 0, 0], sizes = [1, 40, 128], strides = [1, 1, 1]} : vector<3x40x128xf32> to vector<1x40x128xf32>
    %squeeze3A_1088 = vector.shape_cast %slice3A_1087 : vector<1x40x128xf32> to vector<40x128xf32>
    %mul3A_1089 = arith.mulf %convert_element_type3A_1074, %squeeze3A_1088 : vector<40x128xf32>
    %reduce_sum3A_1090 = arith.constant dense<0.000000e+00> : vector<128xf32>
    %reduce_sum3A_1091 = vector.multi_reduction <add>, %mul3A_1089, %reduce_sum3A_1090 [0] : vector<40x128xf32> to vector<128xf32>
    %broadcast_in_dim3A_1092 = vector.shape_cast %reduce_sum3A_1091 : vector<128xf32> to vector<1x128xf32>
    %eq3A_1093 = arith.constant 13 : i32
    %eq3A_1094 = vector.broadcast %eq3A_1093 : i32 to vector<40x128xi32>
    %eq3A_1095 = arith.cmpi eq, %add3A_716, %eq3A_1094 : vector<40x128xi32>
    %jit3A_1096 = arith.constant 0 : i32
    %broadcast_in_dim3A_1097 = vector.broadcast %jit3A_1096 : i32 to vector<40x128xi32>
    %select_n3A_1098 = arith.select %eq3A_1095, %iota3A_78, %broadcast_in_dim3A_1097 : vector<40x128xi1>, vector<40x128xi32>
    %reduce_max3A_1099 = arith.constant dense<-2147483648> : vector<128xi32>
    %reduce_max3A_1100 = vector.multi_reduction <maxsi>, %select_n3A_1098, %reduce_max3A_1099 [0] : vector<40x128xi32> to vector<128xi32>
    %broadcast_in_dim3A_1101 = vector.shape_cast %reduce_max3A_1100 : vector<128xi32> to vector<1x128xi32>
    %convert_element_type3A_1102 = arith.extui %eq3A_1095 : vector<40x128xi1> to vector<40x128xi32>
    %convert_element_type3A_1103 = arith.sitofp %convert_element_type3A_1102 : vector<40x128xi32> to vector<40x128xf32>
    %slice3A_1104 = vector.extract_strided_slice %get3A_77 {offsets = [0, 0, 0], sizes = [1, 40, 128], strides = [1, 1, 1]} : vector<3x40x128xf32> to vector<1x40x128xf32>
    %squeeze3A_1105 = vector.shape_cast %slice3A_1104 : vector<1x40x128xf32> to vector<40x128xf32>
    %mul3A_1106 = arith.mulf %convert_element_type3A_1103, %squeeze3A_1105 : vector<40x128xf32>
    %reduce_sum3A_1107 = arith.constant dense<0.000000e+00> : vector<128xf32>
    %reduce_sum3A_1108 = vector.multi_reduction <add>, %mul3A_1106, %reduce_sum3A_1107 [0] : vector<40x128xf32> to vector<128xf32>
    %broadcast_in_dim3A_1109 = vector.shape_cast %reduce_sum3A_1108 : vector<128xf32> to vector<1x128xf32>
    %slice3A_1110 = vector.extract_strided_slice %get3A_77 {offsets = [1, 0, 0], sizes = [1, 40, 128], strides = [1, 1, 1]} : vector<3x40x128xf32> to vector<1x40x128xf32>
    %squeeze3A_1111 = vector.shape_cast %slice3A_1110 : vector<1x40x128xf32> to vector<40x128xf32>
    %mul3A_1112 = arith.mulf %convert_element_type3A_1103, %squeeze3A_1111 : vector<40x128xf32>
    %reduce_sum3A_1113 = arith.constant dense<0.000000e+00> : vector<128xf32>
    %reduce_sum3A_1114 = vector.multi_reduction <add>, %mul3A_1112, %reduce_sum3A_1113 [0] : vector<40x128xf32> to vector<128xf32>
    %broadcast_in_dim3A_1115 = vector.shape_cast %reduce_sum3A_1114 : vector<128xf32> to vector<1x128xf32>
    %slice3A_1116 = vector.extract_strided_slice %get3A_77 {offsets = [2, 0, 0], sizes = [1, 40, 128], strides = [1, 1, 1]} : vector<3x40x128xf32> to vector<1x40x128xf32>
    %squeeze3A_1117 = vector.shape_cast %slice3A_1116 : vector<1x40x128xf32> to vector<40x128xf32>
    %mul3A_1118 = arith.mulf %convert_element_type3A_1103, %squeeze3A_1117 : vector<40x128xf32>
    %reduce_sum3A_1119 = arith.constant dense<0.000000e+00> : vector<128xf32>
    %reduce_sum3A_1120 = vector.multi_reduction <add>, %mul3A_1118, %reduce_sum3A_1119 [0] : vector<40x128xf32> to vector<128xf32>
    %broadcast_in_dim3A_1121 = vector.shape_cast %reduce_sum3A_1120 : vector<128xf32> to vector<1x128xf32>
    %eq3A_1122 = arith.constant 14 : i32
    %eq3A_1123 = vector.broadcast %eq3A_1122 : i32 to vector<40x128xi32>
    %eq3A_1124 = arith.cmpi eq, %add3A_716, %eq3A_1123 : vector<40x128xi32>
    %jit3A_1125 = arith.constant 0 : i32
    %broadcast_in_dim3A_1126 = vector.broadcast %jit3A_1125 : i32 to vector<40x128xi32>
    %select_n3A_1127 = arith.select %eq3A_1124, %iota3A_78, %broadcast_in_dim3A_1126 : vector<40x128xi1>, vector<40x128xi32>
    %reduce_max3A_1128 = arith.constant dense<-2147483648> : vector<128xi32>
    %reduce_max3A_1129 = vector.multi_reduction <maxsi>, %select_n3A_1127, %reduce_max3A_1128 [0] : vector<40x128xi32> to vector<128xi32>
    %broadcast_in_dim3A_1130 = vector.shape_cast %reduce_max3A_1129 : vector<128xi32> to vector<1x128xi32>
    %convert_element_type3A_1131 = arith.extui %eq3A_1124 : vector<40x128xi1> to vector<40x128xi32>
    %convert_element_type3A_1132 = arith.sitofp %convert_element_type3A_1131 : vector<40x128xi32> to vector<40x128xf32>
    %slice3A_1133 = vector.extract_strided_slice %get3A_77 {offsets = [0, 0, 0], sizes = [1, 40, 128], strides = [1, 1, 1]} : vector<3x40x128xf32> to vector<1x40x128xf32>
    %squeeze3A_1134 = vector.shape_cast %slice3A_1133 : vector<1x40x128xf32> to vector<40x128xf32>
    %mul3A_1135 = arith.mulf %convert_element_type3A_1132, %squeeze3A_1134 : vector<40x128xf32>
    %reduce_sum3A_1136 = arith.constant dense<0.000000e+00> : vector<128xf32>
    %reduce_sum3A_1137 = vector.multi_reduction <add>, %mul3A_1135, %reduce_sum3A_1136 [0] : vector<40x128xf32> to vector<128xf32>
    %broadcast_in_dim3A_1138 = vector.shape_cast %reduce_sum3A_1137 : vector<128xf32> to vector<1x128xf32>
    %slice3A_1139 = vector.extract_strided_slice %get3A_77 {offsets = [1, 0, 0], sizes = [1, 40, 128], strides = [1, 1, 1]} : vector<3x40x128xf32> to vector<1x40x128xf32>
    %squeeze3A_1140 = vector.shape_cast %slice3A_1139 : vector<1x40x128xf32> to vector<40x128xf32>
    %mul3A_1141 = arith.mulf %convert_element_type3A_1132, %squeeze3A_1140 : vector<40x128xf32>
    %reduce_sum3A_1142 = arith.constant dense<0.000000e+00> : vector<128xf32>
    %reduce_sum3A_1143 = vector.multi_reduction <add>, %mul3A_1141, %reduce_sum3A_1142 [0] : vector<40x128xf32> to vector<128xf32>
    %broadcast_in_dim3A_1144 = vector.shape_cast %reduce_sum3A_1143 : vector<128xf32> to vector<1x128xf32>
    %slice3A_1145 = vector.extract_strided_slice %get3A_77 {offsets = [2, 0, 0], sizes = [1, 40, 128], strides = [1, 1, 1]} : vector<3x40x128xf32> to vector<1x40x128xf32>
    %squeeze3A_1146 = vector.shape_cast %slice3A_1145 : vector<1x40x128xf32> to vector<40x128xf32>
    %mul3A_1147 = arith.mulf %convert_element_type3A_1132, %squeeze3A_1146 : vector<40x128xf32>
    %reduce_sum3A_1148 = arith.constant dense<0.000000e+00> : vector<128xf32>
    %reduce_sum3A_1149 = vector.multi_reduction <add>, %mul3A_1147, %reduce_sum3A_1148 [0] : vector<40x128xf32> to vector<128xf32>
    %broadcast_in_dim3A_1150 = vector.shape_cast %reduce_sum3A_1149 : vector<128xf32> to vector<1x128xf32>
    %eq3A_1151 = arith.constant 15 : i32
    %eq3A_1152 = vector.broadcast %eq3A_1151 : i32 to vector<40x128xi32>
    %eq3A_1153 = arith.cmpi eq, %add3A_716, %eq3A_1152 : vector<40x128xi32>
    %jit3A_1154 = arith.constant 0 : i32
    %broadcast_in_dim3A_1155 = vector.broadcast %jit3A_1154 : i32 to vector<40x128xi32>
    %select_n3A_1156 = arith.select %eq3A_1153, %iota3A_78, %broadcast_in_dim3A_1155 : vector<40x128xi1>, vector<40x128xi32>
    %reduce_max3A_1157 = arith.constant dense<-2147483648> : vector<128xi32>
    %reduce_max3A_1158 = vector.multi_reduction <maxsi>, %select_n3A_1156, %reduce_max3A_1157 [0] : vector<40x128xi32> to vector<128xi32>
    %broadcast_in_dim3A_1159 = vector.shape_cast %reduce_max3A_1158 : vector<128xi32> to vector<1x128xi32>
    %convert_element_type3A_1160 = arith.extui %eq3A_1153 : vector<40x128xi1> to vector<40x128xi32>
    %convert_element_type3A_1161 = arith.sitofp %convert_element_type3A_1160 : vector<40x128xi32> to vector<40x128xf32>
    %slice3A_1162 = vector.extract_strided_slice %get3A_77 {offsets = [0, 0, 0], sizes = [1, 40, 128], strides = [1, 1, 1]} : vector<3x40x128xf32> to vector<1x40x128xf32>
    %squeeze3A_1163 = vector.shape_cast %slice3A_1162 : vector<1x40x128xf32> to vector<40x128xf32>
    %mul3A_1164 = arith.mulf %convert_element_type3A_1161, %squeeze3A_1163 : vector<40x128xf32>
    %reduce_sum3A_1165 = arith.constant dense<0.000000e+00> : vector<128xf32>
    %reduce_sum3A_1166 = vector.multi_reduction <add>, %mul3A_1164, %reduce_sum3A_1165 [0] : vector<40x128xf32> to vector<128xf32>
    %broadcast_in_dim3A_1167 = vector.shape_cast %reduce_sum3A_1166 : vector<128xf32> to vector<1x128xf32>
    %slice3A_1168 = vector.extract_strided_slice %get3A_77 {offsets = [1, 0, 0], sizes = [1, 40, 128], strides = [1, 1, 1]} : vector<3x40x128xf32> to vector<1x40x128xf32>
    %squeeze3A_1169 = vector.shape_cast %slice3A_1168 : vector<1x40x128xf32> to vector<40x128xf32>
    %mul3A_1170 = arith.mulf %convert_element_type3A_1161, %squeeze3A_1169 : vector<40x128xf32>
    %reduce_sum3A_1171 = arith.constant dense<0.000000e+00> : vector<128xf32>
    %reduce_sum3A_1172 = vector.multi_reduction <add>, %mul3A_1170, %reduce_sum3A_1171 [0] : vector<40x128xf32> to vector<128xf32>
    %broadcast_in_dim3A_1173 = vector.shape_cast %reduce_sum3A_1172 : vector<128xf32> to vector<1x128xf32>
    %slice3A_1174 = vector.extract_strided_slice %get3A_77 {offsets = [2, 0, 0], sizes = [1, 40, 128], strides = [1, 1, 1]} : vector<3x40x128xf32> to vector<1x40x128xf32>
    %squeeze3A_1175 = vector.shape_cast %slice3A_1174 : vector<1x40x128xf32> to vector<40x128xf32>
    %mul3A_1176 = arith.mulf %convert_element_type3A_1161, %squeeze3A_1175 : vector<40x128xf32>
    %reduce_sum3A_1177 = arith.constant dense<0.000000e+00> : vector<128xf32>
    %reduce_sum3A_1178 = vector.multi_reduction <add>, %mul3A_1176, %reduce_sum3A_1177 [0] : vector<40x128xf32> to vector<128xf32>
    %broadcast_in_dim3A_1179 = vector.shape_cast %reduce_sum3A_1178 : vector<128xf32> to vector<1x128xf32>
    %eq3A_1180 = arith.constant 16 : i32
    %eq3A_1181 = vector.broadcast %eq3A_1180 : i32 to vector<40x128xi32>
    %eq3A_1182 = arith.cmpi eq, %add3A_716, %eq3A_1181 : vector<40x128xi32>
    %jit3A_1183 = arith.constant 0 : i32
    %broadcast_in_dim3A_1184 = vector.broadcast %jit3A_1183 : i32 to vector<40x128xi32>
    %select_n3A_1185 = arith.select %eq3A_1182, %iota3A_78, %broadcast_in_dim3A_1184 : vector<40x128xi1>, vector<40x128xi32>
    %reduce_max3A_1186 = arith.constant dense<-2147483648> : vector<128xi32>
    %reduce_max3A_1187 = vector.multi_reduction <maxsi>, %select_n3A_1185, %reduce_max3A_1186 [0] : vector<40x128xi32> to vector<128xi32>
    %broadcast_in_dim3A_1188 = vector.shape_cast %reduce_max3A_1187 : vector<128xi32> to vector<1x128xi32>
    %convert_element_type3A_1189 = arith.extui %eq3A_1182 : vector<40x128xi1> to vector<40x128xi32>
    %convert_element_type3A_1190 = arith.sitofp %convert_element_type3A_1189 : vector<40x128xi32> to vector<40x128xf32>
    %slice3A_1191 = vector.extract_strided_slice %get3A_77 {offsets = [0, 0, 0], sizes = [1, 40, 128], strides = [1, 1, 1]} : vector<3x40x128xf32> to vector<1x40x128xf32>
    %squeeze3A_1192 = vector.shape_cast %slice3A_1191 : vector<1x40x128xf32> to vector<40x128xf32>
    %mul3A_1193 = arith.mulf %convert_element_type3A_1190, %squeeze3A_1192 : vector<40x128xf32>
    %reduce_sum3A_1194 = arith.constant dense<0.000000e+00> : vector<128xf32>
    %reduce_sum3A_1195 = vector.multi_reduction <add>, %mul3A_1193, %reduce_sum3A_1194 [0] : vector<40x128xf32> to vector<128xf32>
    %broadcast_in_dim3A_1196 = vector.shape_cast %reduce_sum3A_1195 : vector<128xf32> to vector<1x128xf32>
    %slice3A_1197 = vector.extract_strided_slice %get3A_77 {offsets = [1, 0, 0], sizes = [1, 40, 128], strides = [1, 1, 1]} : vector<3x40x128xf32> to vector<1x40x128xf32>
    %squeeze3A_1198 = vector.shape_cast %slice3A_1197 : vector<1x40x128xf32> to vector<40x128xf32>
    %mul3A_1199 = arith.mulf %convert_element_type3A_1190, %squeeze3A_1198 : vector<40x128xf32>
    %reduce_sum3A_1200 = arith.constant dense<0.000000e+00> : vector<128xf32>
    %reduce_sum3A_1201 = vector.multi_reduction <add>, %mul3A_1199, %reduce_sum3A_1200 [0] : vector<40x128xf32> to vector<128xf32>
    %broadcast_in_dim3A_1202 = vector.shape_cast %reduce_sum3A_1201 : vector<128xf32> to vector<1x128xf32>
    %slice3A_1203 = vector.extract_strided_slice %get3A_77 {offsets = [2, 0, 0], sizes = [1, 40, 128], strides = [1, 1, 1]} : vector<3x40x128xf32> to vector<1x40x128xf32>
    %squeeze3A_1204 = vector.shape_cast %slice3A_1203 : vector<1x40x128xf32> to vector<40x128xf32>
    %mul3A_1205 = arith.mulf %convert_element_type3A_1190, %squeeze3A_1204 : vector<40x128xf32>
    %reduce_sum3A_1206 = arith.constant dense<0.000000e+00> : vector<128xf32>
    %reduce_sum3A_1207 = vector.multi_reduction <add>, %mul3A_1205, %reduce_sum3A_1206 [0] : vector<40x128xf32> to vector<128xf32>
    %broadcast_in_dim3A_1208 = vector.shape_cast %reduce_sum3A_1207 : vector<128xf32> to vector<1x128xf32>
    %eq3A_1209 = arith.constant 17 : i32
    %eq3A_1210 = vector.broadcast %eq3A_1209 : i32 to vector<40x128xi32>
    %eq3A_1211 = arith.cmpi eq, %add3A_716, %eq3A_1210 : vector<40x128xi32>
    %jit3A_1212 = arith.constant 0 : i32
    %broadcast_in_dim3A_1213 = vector.broadcast %jit3A_1212 : i32 to vector<40x128xi32>
    %select_n3A_1214 = arith.select %eq3A_1211, %iota3A_78, %broadcast_in_dim3A_1213 : vector<40x128xi1>, vector<40x128xi32>
    %reduce_max3A_1215 = arith.constant dense<-2147483648> : vector<128xi32>
    %reduce_max3A_1216 = vector.multi_reduction <maxsi>, %select_n3A_1214, %reduce_max3A_1215 [0] : vector<40x128xi32> to vector<128xi32>
    %broadcast_in_dim3A_1217 = vector.shape_cast %reduce_max3A_1216 : vector<128xi32> to vector<1x128xi32>
    %convert_element_type3A_1218 = arith.extui %eq3A_1211 : vector<40x128xi1> to vector<40x128xi32>
    %convert_element_type3A_1219 = arith.sitofp %convert_element_type3A_1218 : vector<40x128xi32> to vector<40x128xf32>
    %slice3A_1220 = vector.extract_strided_slice %get3A_77 {offsets = [0, 0, 0], sizes = [1, 40, 128], strides = [1, 1, 1]} : vector<3x40x128xf32> to vector<1x40x128xf32>
    %squeeze3A_1221 = vector.shape_cast %slice3A_1220 : vector<1x40x128xf32> to vector<40x128xf32>
    %mul3A_1222 = arith.mulf %convert_element_type3A_1219, %squeeze3A_1221 : vector<40x128xf32>
    %reduce_sum3A_1223 = arith.constant dense<0.000000e+00> : vector<128xf32>
    %reduce_sum3A_1224 = vector.multi_reduction <add>, %mul3A_1222, %reduce_sum3A_1223 [0] : vector<40x128xf32> to vector<128xf32>
    %broadcast_in_dim3A_1225 = vector.shape_cast %reduce_sum3A_1224 : vector<128xf32> to vector<1x128xf32>
    %slice3A_1226 = vector.extract_strided_slice %get3A_77 {offsets = [1, 0, 0], sizes = [1, 40, 128], strides = [1, 1, 1]} : vector<3x40x128xf32> to vector<1x40x128xf32>
    %squeeze3A_1227 = vector.shape_cast %slice3A_1226 : vector<1x40x128xf32> to vector<40x128xf32>
    %mul3A_1228 = arith.mulf %convert_element_type3A_1219, %squeeze3A_1227 : vector<40x128xf32>
    %reduce_sum3A_1229 = arith.constant dense<0.000000e+00> : vector<128xf32>
    %reduce_sum3A_1230 = vector.multi_reduction <add>, %mul3A_1228, %reduce_sum3A_1229 [0] : vector<40x128xf32> to vector<128xf32>
    %broadcast_in_dim3A_1231 = vector.shape_cast %reduce_sum3A_1230 : vector<128xf32> to vector<1x128xf32>
    %slice3A_1232 = vector.extract_strided_slice %get3A_77 {offsets = [2, 0, 0], sizes = [1, 40, 128], strides = [1, 1, 1]} : vector<3x40x128xf32> to vector<1x40x128xf32>
    %squeeze3A_1233 = vector.shape_cast %slice3A_1232 : vector<1x40x128xf32> to vector<40x128xf32>
    %mul3A_1234 = arith.mulf %convert_element_type3A_1219, %squeeze3A_1233 : vector<40x128xf32>
    %reduce_sum3A_1235 = arith.constant dense<0.000000e+00> : vector<128xf32>
    %reduce_sum3A_1236 = vector.multi_reduction <add>, %mul3A_1234, %reduce_sum3A_1235 [0] : vector<40x128xf32> to vector<128xf32>
    %broadcast_in_dim3A_1237 = vector.shape_cast %reduce_sum3A_1236 : vector<128xf32> to vector<1x128xf32>
    %eq3A_1238 = arith.constant 18 : i32
    %eq3A_1239 = vector.broadcast %eq3A_1238 : i32 to vector<40x128xi32>
    %eq3A_1240 = arith.cmpi eq, %add3A_716, %eq3A_1239 : vector<40x128xi32>
    %jit3A_1241 = arith.constant 0 : i32
    %broadcast_in_dim3A_1242 = vector.broadcast %jit3A_1241 : i32 to vector<40x128xi32>
    %select_n3A_1243 = arith.select %eq3A_1240, %iota3A_78, %broadcast_in_dim3A_1242 : vector<40x128xi1>, vector<40x128xi32>
    %reduce_max3A_1244 = arith.constant dense<-2147483648> : vector<128xi32>
    %reduce_max3A_1245 = vector.multi_reduction <maxsi>, %select_n3A_1243, %reduce_max3A_1244 [0] : vector<40x128xi32> to vector<128xi32>
    %broadcast_in_dim3A_1246 = vector.shape_cast %reduce_max3A_1245 : vector<128xi32> to vector<1x128xi32>
    %convert_element_type3A_1247 = arith.extui %eq3A_1240 : vector<40x128xi1> to vector<40x128xi32>
    %convert_element_type3A_1248 = arith.sitofp %convert_element_type3A_1247 : vector<40x128xi32> to vector<40x128xf32>
    %slice3A_1249 = vector.extract_strided_slice %get3A_77 {offsets = [0, 0, 0], sizes = [1, 40, 128], strides = [1, 1, 1]} : vector<3x40x128xf32> to vector<1x40x128xf32>
    %squeeze3A_1250 = vector.shape_cast %slice3A_1249 : vector<1x40x128xf32> to vector<40x128xf32>
    %mul3A_1251 = arith.mulf %convert_element_type3A_1248, %squeeze3A_1250 : vector<40x128xf32>
    %reduce_sum3A_1252 = arith.constant dense<0.000000e+00> : vector<128xf32>
    %reduce_sum3A_1253 = vector.multi_reduction <add>, %mul3A_1251, %reduce_sum3A_1252 [0] : vector<40x128xf32> to vector<128xf32>
    %broadcast_in_dim3A_1254 = vector.shape_cast %reduce_sum3A_1253 : vector<128xf32> to vector<1x128xf32>
    %slice3A_1255 = vector.extract_strided_slice %get3A_77 {offsets = [1, 0, 0], sizes = [1, 40, 128], strides = [1, 1, 1]} : vector<3x40x128xf32> to vector<1x40x128xf32>
    %squeeze3A_1256 = vector.shape_cast %slice3A_1255 : vector<1x40x128xf32> to vector<40x128xf32>
    %mul3A_1257 = arith.mulf %convert_element_type3A_1248, %squeeze3A_1256 : vector<40x128xf32>
    %reduce_sum3A_1258 = arith.constant dense<0.000000e+00> : vector<128xf32>
    %reduce_sum3A_1259 = vector.multi_reduction <add>, %mul3A_1257, %reduce_sum3A_1258 [0] : vector<40x128xf32> to vector<128xf32>
    %broadcast_in_dim3A_1260 = vector.shape_cast %reduce_sum3A_1259 : vector<128xf32> to vector<1x128xf32>
    %slice3A_1261 = vector.extract_strided_slice %get3A_77 {offsets = [2, 0, 0], sizes = [1, 40, 128], strides = [1, 1, 1]} : vector<3x40x128xf32> to vector<1x40x128xf32>
    %squeeze3A_1262 = vector.shape_cast %slice3A_1261 : vector<1x40x128xf32> to vector<40x128xf32>
    %mul3A_1263 = arith.mulf %convert_element_type3A_1248, %squeeze3A_1262 : vector<40x128xf32>
    %reduce_sum3A_1264 = arith.constant dense<0.000000e+00> : vector<128xf32>
    %reduce_sum3A_1265 = vector.multi_reduction <add>, %mul3A_1263, %reduce_sum3A_1264 [0] : vector<40x128xf32> to vector<128xf32>
    %broadcast_in_dim3A_1266 = vector.shape_cast %reduce_sum3A_1265 : vector<128xf32> to vector<1x128xf32>
    %eq3A_1267 = arith.constant 19 : i32
    %eq3A_1268 = vector.broadcast %eq3A_1267 : i32 to vector<40x128xi32>
    %eq3A_1269 = arith.cmpi eq, %add3A_716, %eq3A_1268 : vector<40x128xi32>
    %jit3A_1270 = arith.constant 0 : i32
    %broadcast_in_dim3A_1271 = vector.broadcast %jit3A_1270 : i32 to vector<40x128xi32>
    %select_n3A_1272 = arith.select %eq3A_1269, %iota3A_78, %broadcast_in_dim3A_1271 : vector<40x128xi1>, vector<40x128xi32>
    %reduce_max3A_1273 = arith.constant dense<-2147483648> : vector<128xi32>
    %reduce_max3A_1274 = vector.multi_reduction <maxsi>, %select_n3A_1272, %reduce_max3A_1273 [0] : vector<40x128xi32> to vector<128xi32>
    %broadcast_in_dim3A_1275 = vector.shape_cast %reduce_max3A_1274 : vector<128xi32> to vector<1x128xi32>
    %convert_element_type3A_1276 = arith.extui %eq3A_1269 : vector<40x128xi1> to vector<40x128xi32>
    %convert_element_type3A_1277 = arith.sitofp %convert_element_type3A_1276 : vector<40x128xi32> to vector<40x128xf32>
    %slice3A_1278 = vector.extract_strided_slice %get3A_77 {offsets = [0, 0, 0], sizes = [1, 40, 128], strides = [1, 1, 1]} : vector<3x40x128xf32> to vector<1x40x128xf32>
    %squeeze3A_1279 = vector.shape_cast %slice3A_1278 : vector<1x40x128xf32> to vector<40x128xf32>
    %mul3A_1280 = arith.mulf %convert_element_type3A_1277, %squeeze3A_1279 : vector<40x128xf32>
    %reduce_sum3A_1281 = arith.constant dense<0.000000e+00> : vector<128xf32>
    %reduce_sum3A_1282 = vector.multi_reduction <add>, %mul3A_1280, %reduce_sum3A_1281 [0] : vector<40x128xf32> to vector<128xf32>
    %broadcast_in_dim3A_1283 = vector.shape_cast %reduce_sum3A_1282 : vector<128xf32> to vector<1x128xf32>
    %slice3A_1284 = vector.extract_strided_slice %get3A_77 {offsets = [1, 0, 0], sizes = [1, 40, 128], strides = [1, 1, 1]} : vector<3x40x128xf32> to vector<1x40x128xf32>
    %squeeze3A_1285 = vector.shape_cast %slice3A_1284 : vector<1x40x128xf32> to vector<40x128xf32>
    %mul3A_1286 = arith.mulf %convert_element_type3A_1277, %squeeze3A_1285 : vector<40x128xf32>
    %reduce_sum3A_1287 = arith.constant dense<0.000000e+00> : vector<128xf32>
    %reduce_sum3A_1288 = vector.multi_reduction <add>, %mul3A_1286, %reduce_sum3A_1287 [0] : vector<40x128xf32> to vector<128xf32>
    %broadcast_in_dim3A_1289 = vector.shape_cast %reduce_sum3A_1288 : vector<128xf32> to vector<1x128xf32>
    %slice3A_1290 = vector.extract_strided_slice %get3A_77 {offsets = [2, 0, 0], sizes = [1, 40, 128], strides = [1, 1, 1]} : vector<3x40x128xf32> to vector<1x40x128xf32>
    %squeeze3A_1291 = vector.shape_cast %slice3A_1290 : vector<1x40x128xf32> to vector<40x128xf32>
    %mul3A_1292 = arith.mulf %convert_element_type3A_1277, %squeeze3A_1291 : vector<40x128xf32>
    %reduce_sum3A_1293 = arith.constant dense<0.000000e+00> : vector<128xf32>
    %reduce_sum3A_1294 = vector.multi_reduction <add>, %mul3A_1292, %reduce_sum3A_1293 [0] : vector<40x128xf32> to vector<128xf32>
    %broadcast_in_dim3A_1295 = vector.shape_cast %reduce_sum3A_1294 : vector<128xf32> to vector<1x128xf32>
    %concatenate3A = tpu.concatenate %broadcast_in_dim3A_725, %broadcast_in_dim3A_753, %broadcast_in_dim3A_782, %broadcast_in_dim3A_811, %broadcast_in_dim3A_840, %broadcast_in_dim3A_869, %broadcast_in_dim3A_898, %broadcast_in_dim3A_927, %broadcast_in_dim3A_956, %broadcast_in_dim3A_985, %broadcast_in_dim3A_1014, %broadcast_in_dim3A_1043, %broadcast_in_dim3A_1072, %broadcast_in_dim3A_1101, %broadcast_in_dim3A_1130, %broadcast_in_dim3A_1159, %broadcast_in_dim3A_1188, %broadcast_in_dim3A_1217, %broadcast_in_dim3A_1246, %broadcast_in_dim3A_1275 in 0 : vector<1x128xi32>, vector<1x128xi32>, vector<1x128xi32>, vector<1x128xi32>, vector<1x128xi32>, vector<1x128xi32>, vector<1x128xi32>, vector<1x128xi32>, vector<1x128xi32>, vector<1x128xi32>, vector<1x128xi32>, vector<1x128xi32>, vector<1x128xi32>, vector<1x128xi32>, vector<1x128xi32>, vector<1x128xi32>, vector<1x128xi32>, vector<1x128xi32>, vector<1x128xi32>, vector<1x128xi32> -> vector<20x128xi32>
    %mul3A_1296 = arith.constant 128 : i32
    %mul3A_1297 = arith.muli %arg0, %mul3A_1296 : i32
    %iota3A_1298 = tpu.iota {dimensions = array<i32: 1>} : vector<20x128xi32>
    %add3A_1299 = vector.broadcast %mul3A_1297 : i32 to vector<20x128xi32>
    %add3A_1300 = arith.addi %add3A_1299, %iota3A_1298 : vector<20x128xi32>
    %mul3A_1301 = arith.constant 40 : i32
    %mul3A_1302 = vector.broadcast %mul3A_1301 : i32 to vector<20x128xi32>
    %mul3A_1303 = arith.muli %add3A_1300, %mul3A_1302 : vector<20x128xi32>
    %add3A_1304 = arith.addi %mul3A_1303, %concatenate3A : vector<20x128xi32>
    %swap3A_1305 = arith.constant 0 : index
    %swap3A_1306 = arith.constant 0 : index
    %swap3A_1307 = vector.load %arg8[%swap3A_1305, %swap3A_1306] : memref<20x128xi32, #tpu.memory_space<vmem>>, vector<20x128xi32>
    tpu.vector_store %arg8[%swap3A_1305, %swap3A_1306], %add3A_1304 {strides = array<i32>} : memref<20x128xi32, #tpu.memory_space<vmem>>, vector<20x128xi32>,
    %concatenate3A_1308 = tpu.concatenate %broadcast_in_dim3A_732, %broadcast_in_dim3A_761, %broadcast_in_dim3A_790, %broadcast_in_dim3A_819, %broadcast_in_dim3A_848, %broadcast_in_dim3A_877, %broadcast_in_dim3A_906, %broadcast_in_dim3A_935, %broadcast_in_dim3A_964, %broadcast_in_dim3A_993, %broadcast_in_dim3A_1022, %broadcast_in_dim3A_1051, %broadcast_in_dim3A_1080, %broadcast_in_dim3A_1109, %broadcast_in_dim3A_1138, %broadcast_in_dim3A_1167, %broadcast_in_dim3A_1196, %broadcast_in_dim3A_1225, %broadcast_in_dim3A_1254, %broadcast_in_dim3A_1283 in 0 : vector<1x128xf32>, vector<1x128xf32>, vector<1x128xf32>, vector<1x128xf32>, vector<1x128xf32>, vector<1x128xf32>, vector<1x128xf32>, vector<1x128xf32>, vector<1x128xf32>, vector<1x128xf32>, vector<1x128xf32>, vector<1x128xf32>, vector<1x128xf32>, vector<1x128xf32>, vector<1x128xf32>, vector<1x128xf32>, vector<1x128xf32>, vector<1x128xf32>, vector<1x128xf32>, vector<1x128xf32> -> vector<20x128xf32>
    %swap3A_1309 = arith.constant 0 : index
    %swap3A_1310 = arith.constant 0 : index
    %swap3A_1311 = arith.constant 0 : index
    %swap3A_1312 = vector.load %arg9[%swap3A_1309, %swap3A_1310, %swap3A_1311] : memref<3x20x128xf32, #tpu.memory_space<vmem>>, vector<1x20x128xf32>
    %swap3A_1313 = vector.shape_cast %swap3A_1312 : vector<1x20x128xf32> to vector<20x128xf32>
    %swap3A_1314 = vector.shape_cast %concatenate3A_1308 : vector<20x128xf32> to vector<1x20x128xf32>
    tpu.vector_store %arg9[%swap3A_1309, %swap3A_1310, %swap3A_1311], %swap3A_1314 {strides = array<i32>} : memref<3x20x128xf32, #tpu.memory_space<vmem>>, vector<1x20x128xf32>,
    %concatenate3A_1315 = tpu.concatenate %broadcast_in_dim3A_738, %broadcast_in_dim3A_767, %broadcast_in_dim3A_796, %broadcast_in_dim3A_825, %broadcast_in_dim3A_854, %broadcast_in_dim3A_883, %broadcast_in_dim3A_912, %broadcast_in_dim3A_941, %broadcast_in_dim3A_970, %broadcast_in_dim3A_999, %broadcast_in_dim3A_1028, %broadcast_in_dim3A_1057, %broadcast_in_dim3A_1086, %broadcast_in_dim3A_1115, %broadcast_in_dim3A_1144, %broadcast_in_dim3A_1173, %broadcast_in_dim3A_1202, %broadcast_in_dim3A_1231, %broadcast_in_dim3A_1260, %broadcast_in_dim3A_1289 in 0 : vector<1x128xf32>, vector<1x128xf32>, vector<1x128xf32>, vector<1x128xf32>, vector<1x128xf32>, vector<1x128xf32>, vector<1x128xf32>, vector<1x128xf32>, vector<1x128xf32>, vector<1x128xf32>, vector<1x128xf32>, vector<1x128xf32>, vector<1x128xf32>, vector<1x128xf32>, vector<1x128xf32>, vector<1x128xf32>, vector<1x128xf32>, vector<1x128xf32>, vector<1x128xf32>, vector<1x128xf32> -> vector<20x128xf32>
    %swap3A_1316 = arith.constant 1 : index
    %swap3A_1317 = arith.constant 0 : index
    %swap3A_1318 = arith.constant 0 : index
    %swap3A_1319 = vector.load %arg9[%swap3A_1316, %swap3A_1317, %swap3A_1318] : memref<3x20x128xf32, #tpu.memory_space<vmem>>, vector<1x20x128xf32>
    %swap3A_1320 = vector.shape_cast %swap3A_1319 : vector<1x20x128xf32> to vector<20x128xf32>
    %swap3A_1321 = vector.shape_cast %concatenate3A_1315 : vector<20x128xf32> to vector<1x20x128xf32>
    tpu.vector_store %arg9[%swap3A_1316, %swap3A_1317, %swap3A_1318], %swap3A_1321 {strides = array<i32>} : memref<3x20x128xf32, #tpu.memory_space<vmem>>, vector<1x20x128xf32>,
    %concatenate3A_1322 = tpu.concatenate %broadcast_in_dim3A_744, %broadcast_in_dim3A_773, %broadcast_in_dim3A_802, %broadcast_in_dim3A_831, %broadcast_in_dim3A_860, %broadcast_in_dim3A_889, %broadcast_in_dim3A_918, %broadcast_in_dim3A_947, %broadcast_in_dim3A_976, %broadcast_in_dim3A_1005, %broadcast_in_dim3A_1034, %broadcast_in_dim3A_1063, %broadcast_in_dim3A_1092, %broadcast_in_dim3A_1121, %broadcast_in_dim3A_1150, %broadcast_in_dim3A_1179, %broadcast_in_dim3A_1208, %broadcast_in_dim3A_1237, %broadcast_in_dim3A_1266, %broadcast_in_dim3A_1295 in 0 : vector<1x128xf32>, vector<1x128xf32>, vector<1x128xf32>, vector<1x128xf32>, vector<1x128xf32>, vector<1x128xf32>, vector<1x128xf32>, vector<1x128xf32>, vector<1x128xf32>, vector<1x128xf32>, vector<1x128xf32>, vector<1x128xf32>, vector<1x128xf32>, vector<1x128xf32>, vector<1x128xf32>, vector<1x128xf32>, vector<1x128xf32>, vector<1x128xf32>, vector<1x128xf32>, vector<1x128xf32> -> vector<20x128xf32>
    %swap3A_1323 = arith.constant 2 : index
    %swap3A_1324 = arith.constant 0 : index
    %swap3A_1325 = arith.constant 0 : index
    %swap3A_1326 = vector.load %arg9[%swap3A_1323, %swap3A_1324, %swap3A_1325] : memref<3x20x128xf32, #tpu.memory_space<vmem>>, vector<1x20x128xf32>
    %swap3A_1327 = vector.shape_cast %swap3A_1326 : vector<1x20x128xf32> to vector<20x128xf32>
    %swap3A_1328 = vector.shape_cast %concatenate3A_1322 : vector<20x128xf32> to vector<1x20x128xf32>
    tpu.vector_store %arg9[%swap3A_1323, %swap3A_1324, %swap3A_1325], %swap3A_1328 {strides = array<i32>} : memref<3x20x128xf32, #tpu.memory_space<vmem>>, vector<1x20x128xf32>,
    return
  }
  func.func @transform_0(%arg0: i32) -> (i32, i32, i32) {
    %c0_i32 = arith.constant 0 : i32
    %c0_i32_0 = arith.constant 0 : i32
    %c0_i32_1 = arith.constant 0 : i32
    return %arg0, %c0_i32, %c0_i32_0 : i32, i32, i32
  }
  func.func @transform_1(%arg0: i32) -> (i32, i32, i32) {
    %c0_i32 = arith.constant 0 : i32
    %c0_i32_0 = arith.constant 0 : i32
    %c0_i32_1 = arith.constant 0 : i32
    return %c0_i32, %c0_i32_0, %arg0 : i32, i32, i32
  }
  func.func @transform_2(%arg0: i32) -> (i32, i32) {
    %c0_i32 = arith.constant 0 : i32
    %c0_i32_0 = arith.constant 0 : i32
    %c0_i32_1 = arith.constant 0 : i32
    return %c0_i32, %c0_i32_0 : i32, i32
  }
  func.func @transform_3(%arg0: i32) -> (i32, i32) {
    %c0_i32 = arith.constant 0 : i32
    %c0_i32_0 = arith.constant 0 : i32
    %c0_i32_1 = arith.constant 0 : i32
    return %c0_i32, %c0_i32_0 : i32, i32
  }
  func.func @transform_4(%arg0: i32) -> (i32, i32) {
    %c0_i32 = arith.constant 0 : i32
    %c0_i32_0 = arith.constant 0 : i32
    %c0_i32_1 = arith.constant 0 : i32
    return %c0_i32, %c0_i32_0 : i32, i32
  }
  func.func @transform_5(%arg0: i32) -> (i32, i32) {
    %c0_i32 = arith.constant 0 : i32
    %c0_i32_0 = arith.constant 0 : i32
    %c0_i32_1 = arith.constant 0 : i32
    return %c0_i32, %c0_i32_0 : i32, i32
  }
  func.func @transform_6(%arg0: i32) -> (i32, i32, i32) {
    %c0_i32 = arith.constant 0 : i32
    %c0_i32_0 = arith.constant 0 : i32
    %c0_i32_1 = arith.constant 0 : i32
    return %arg0, %c0_i32, %c0_i32_0 : i32, i32, i32
  }
  func.func @transform_7(%arg0: i32) -> (i32, i32) {
    %c0_i32 = arith.constant 0 : i32
    %c0_i32_0 = arith.constant 0 : i32
    return %c0_i32, %arg0 : i32, i32
  }
  func.func @transform_8(%arg0: i32) -> (i32, i32, i32) {
    %c0_i32 = arith.constant 0 : i32
    %c0_i32_0 = arith.constant 0 : i32
    %c0_i32_1 = arith.constant 0 : i32
    return %c0_i32, %c0_i32_0, %arg0 : i32, i32, i32
  }
}

</mosaic_0001>

<sc_bundles>
// kernel: kernel.4.cloned.1.call-start
scs
__scs_entry_jumppad:
0x0: {  	(pc) =	sbr.rel $0x88, $3  }
0x1: {  	(tag) =	ssettag $0x0;
	lr =	simm.s32 $0x1  }
0x2: {  	[smem:$0x3F9B] =	sst lr;
	_ =	strace $0xD0000000  }
0x3: {  	_ = 	snop  }
0x4: {  	_ = 	snop  }
0x5: {  	_ = 	snop  }
0x6: {  	_ = 	snop  }
0x7: {  	_ = 	snop  }
__scs_overlays_trampoline_lowered:
0x8: {  	[smem:$0x3FAA] =	sst s0  }
0x9: {  	[smem:$0x3FAB] =	sst s1  }
0xa: {  	[smem:$0x3FAC] =	sst s2  }
0xb: {  	[smem:$0x3FAD] =	sst s3  }
0xc: {  	[smem:$0x3FAE] =	sst s4  }
0xd: {  	[smem:$0x3FAF] =	sst s5  }
0xe: {  	[smem:$0x3FB0] =	sst s6  }
0xf: {  	[smem:$0x3FB1] =	sst s7  }
0x10: {  	[smem:$0x3FB2] =	sst s8  }
0x11: {  	[smem:$0x3FB3] =	sst s9;
	s0 =	simm.s32 @!p0 $0x0  }
0x12: {  	s1 =	sld [smem:$0x3F99];
	s0 =	simm.s32 @p0 $0x1  }
0x13: {  	[smem:$0x3FB4] =	sst s0;
	s0 =	simm.s32 @!p1 $0x0  }
0x14: {  	s2 =	sld [smem:$0x3F98];
	s0 =	simm.s32 @p1 $0x1  }
0x15: {  	[smem:$0x3FB5] =	sst s0;
	s0 =	simm.s32 @!p2 $0x0  }
0x16: {  	s3 =	sld [smem:$0x3FDB];
	s0 =	simm.s32 @p2 $0x1  }
0x17: {  	s4 =	simm.s32 $0x1BF5;
	[smem:$0x3FB7] =	sst s0  }
0x18: {  	s0 =	sld [smem:$0x3F9A];
	_ =	swait.ge [sflag:s4], $0x0  }
0x19: {  	s7 =	sld [smem:$0x3F9B]  }
0x1a: {  	s8 =	sadd.s32 $0xFFFFE003, lr  }
0x1b: {  	s9 =	sadd.s32 $0xFFFFFEF7, lr;
	s5 =	simm.s32 $0xFFFFFFFF;
	p2 =	slt.u32 s8, $0xFFFFF086  }
0x1c: {  	p1 =	slt.u32 s9, $0xF7A;
	s5 =	simm.s32 @!p2 $0x0  }
0x1d: {  	s5 =	simm.s32 @p1 $0x1;
	p0 =	seq.s32 s7, s2  }
0x1e: {  	s7 =	smul.u32 @!p0 $0xF7A, s2;
	p2 =	seq.s32 @!p0 s5, $0x0  }
0x1f: {  	s9 =	smul.u32 $0xF7A, s1;
	s8 =	simm.s32 @!p0 $0x1BF5;
	p2 =	por !p2, p0  }
0x20: {  	[sflag:s8] =	ssyncset.s32 @!p0 $0xFFFFF086;
	s6 =	sadd.s32 @!p0 s3, s7;
	s7 =	simm.s32 @!p0 $0x108  }
0x21: {  	s3 =	sadd.s32 s3, s9;
	s6 =	sadd.s32 @!p0 $0x88, s6;
	s7 =	simm.s32 @p2 $0x1082  }
0x22: {  	[simem:s7], [sflag:s8] =	dma.local @!p0 [hbm:s6], $0xF7A  }
0x23: {  	s9 =	sor.u32 $0xD0000000, s2;
	s6 =	simm.s32 $0x108;
	_ =	swait.ge @!p0 [sflag:s8], $0x0  }
0x24: {  	s3 =	sadd.s32 $0x88, s3;
	s6 =	simm.s32 @!p1 $0x1082;
	[sflag:s4] =	ssyncset.s32 $0xFFFFF086  }
0x25: {  	[simem:s6], [sflag:s4] =	dma.local [hbm:s3], $0xF7A  }
0x26: {  	[smem:$0x3F9B] =	sst s1;
	(tag) =	ssettag s2;
	_ =	strace s9  }
0x27: {  	s1 =	sld [smem:$0x3FAB]  }
0x28: {  	s2 =	sld [smem:$0x3FAC]  }
0x29: {  	s4 =	sld [smem:$0x3FAE]  }
0x2a: {  	p0 =	seq.s32 s5, $0x0;
	s5 =	sld [smem:$0x3FAF]  }
0x2b: {  	s6 =	sld [smem:$0x3FB0]  }
0x2c: {  	s7 =	sld [smem:$0x3FB1]  }
0x2d: {  	s3 =	simm.s32 $0x108;
	s8 =	sld [smem:$0x3FB2]  }
0x2e: {  	s3 =	simm.s32 @!p0 $0x1082;
	s9 =	sld [smem:$0x3FB3]  }
0x2f: {  	lr =	sadd.s32 s0, s3;
	s0 =	sld [smem:$0x3FAA]  }
0x30: {  	s3 =	sld [smem:$0x3FAD]  }
0x31: {  	[smem:$0x3FB6] =	sst s10  }
0x32: {  	s10 =	sld [smem:$0x3FB4];
	_ =	sdelay $0x3  }
0x33: {  	p0 =	seq.s32 s10, $0x1;
	s10 =	sld [smem:$0x3FB6];
	_ =	sdelay $0x3  }
0x34: {  	[smem:$0x3FB6] =	sst s10  }
0x35: {  	s10 =	sld [smem:$0x3FB5];
	_ =	sdelay $0x3  }
0x36: {  	p1 =	seq.s32 s10, $0x1;
	s10 =	sld [smem:$0x3FB6];
	_ =	sdelay $0x3  }
0x37: {  	[smem:$0x3FB6] =	sst s10  }
0x38: {  	s10 =	sld [smem:$0x3FB7]  }
0x39: {  	_ = 	snop;
	(pc) =	sbr.ind lr, $3  }
0x3a: {  	_ = 	snop  }
0x3b: {  	_ = 	snop  }
0x3c: {  	p2 =	seq.s32 s10, $0x1;
	s10 =	sld [smem:$0x3FB6]  }
0x3d: {  	_ =	shalt  }
0x3e: {  	_ =	shalt  }
0x3f: {  	_ =	shalt  }
0x40: {  	_ =	shalt  }
0x41: {  	_ =	shalt  }
0x42: {  	_ =	shalt  }
0x43: {  	_ =	shalt  }
0x44: {  	_ =	shalt  }
0x45: {  	_ =	shalt  }
0x46: {  	_ =	shalt  }
0x47: {  	_ =	shalt  }
0x48: {  	_ =	shalt  }
0x49: {  	_ =	shalt  }
0x4a: {  	_ =	shalt  }
0x4b: {  	_ =	shalt  }
0x4c: {  	_ =	shalt  }
0x4d: {  	_ =	shalt  }
0x4e: {  	_ =	shalt  }
0x4f: {  	_ =	shalt  }
0x50: {  	_ =	shalt  }
0x51: {  	_ =	shalt  }
0x52: {  	_ =	shalt  }
0x53: {  	_ =	shalt  }
0x54: {  	_ =	shalt  }
0x55: {  	_ =	shalt  }
0x56: {  	_ =	shalt  }
0x57: {  	_ =	shalt  }
0x58: {  	_ =	shalt  }
0x59: {  	_ =	shalt  }
0x5a: {  	_ =	shalt  }
0x5b: {  	_ =	shalt  }
0x5c: {  	_ =	shalt  }
0x5d: {  	_ =	shalt  }
0x5e: {  	_ =	shalt  }
0x5f: {  	_ =	shalt  }
0x60: {  	_ =	shalt  }
0x61: {  	_ =	shalt  }
0x62: {  	_ =	shalt  }
0x63: {  	_ =	shalt  }
0x64: {  	_ =	shalt  }
0x65: {  	_ =	shalt  }
0x66: {  	_ =	shalt  }
0x67: {  	_ =	shalt  }
0x68: {  	_ =	shalt  }
0x69: {  	_ =	shalt  }
0x6a: {  	_ =	shalt  }
0x6b: {  	_ =	shalt  }
0x6c: {  	_ =	shalt  }
0x6d: {  	_ =	shalt  }
0x6e: {  	_ =	shalt  }
0x6f: {  	_ =	shalt  }
0x70: {  	_ =	shalt  }
0x71: {  	_ =	shalt  }
0x72: {  	_ =	shalt  }
0x73: {  	_ =	shalt  }
0x74: {  	_ =	shalt  }
0x75: {  	_ =	shalt  }
0x76: {  	_ =	shalt  }
0x77: {  	_ =	shalt  }
0x78: {  	_ =	shalt  }
0x79: {  	_ =	shalt  }
0x7a: {  	_ =	shalt  }
0x7b: {  	_ =	shalt  }
0x7c: {  	_ =	shalt  }
0x7d: {  	_ =	shalt  }
0x7e: {  	_ =	shalt  }
0x7f: {  	_ =	shalt  }
0x80: {  	_ =	shalt  }
0x81: {  	_ =	shalt  }
0x82: {  	_ =	shalt  }
0x83: {  	_ =	shalt  }
0x84: {  	_ =	shalt  }
0x85: {  	_ =	shalt  }
0x86: {  	_ =	shalt  }
0x87: {  	_ =	shalt  }
.Lfunc_end0:
.L_simem_size_0:
called_computation_lowered:
.L_overlay_start_0:
0x88: {  	s2 =	sld [smem:$0x3FD9]  }
0x89: {  	s3 =	sld [smem:$0x3FFE];
	_ =	sdelay $0x1  }
0x8a: {  	s1 =	srdreg.scid  }
0x8b: {  	s0 =	sand.u32 $0x1, s1  }
0x8c: {  	s14 =	sshll.u32 s0, $0xA;
	s2 =	sadd.s32 s3, s2  }
0x8d: {  	s2 =	sadd.s32 s2, s14  }
0x8e: {  	[smem:$0x3FC2] =	sst s2  }
0x8f: {  	_ = 	snop  }
0x90: {  	s2 =	sld [smem:$0x3FD0];
	_ =	sdelay $0x2  }
0x91: {  	s4 =	simm.s32 $0xA;
	s5 =	simm.s32 $0x10;
	s15 =	sld [smem:$0x3FC9]  }
0x92: {  	[smem:s5], [sflag:s4] =	dma.local [hbm:s2], $0x1  }
0x93: {  	_ =	swait.eq [sflag:s4], $0x1  }
0x94: {  	[sflag:s4] =	ssyncset.done $0x0  }
0x95: {  	[sflag:s4] =	ssyncadd.s32 $0xFFFFFFFF  }
0x96: {  	s16 =	sld [smem:$0x10];
	(tm) =	ssettm $0x1  }
0x97: {  	s17 =	sld [smem:$0x3FFB];
	_ =	sdelay $0x3  }
0x98: {  	_ =	strace s17  }
0x99: {  	s4 =	sld [smem:$0x3FFC];
	_ =	sdelay $0x3  }
0x9a: {  	_ =	strace s4  }
0x9b: {  	s4 =	sld [smem:$0x3FFD];
	_ =	sdelay $0x3  }
0x9c: {  	_ =	strace s4  }
0x9d: {  	_ =	strace $0x8FFFFFFF  }
0x9e: {  	s18 =	sld [smem:$0x3FDB];
	_ =	sdelay $0x1  }
0x9f: {  	s19 =	simm.s32 $_scs_section_size  }
0xa0: {  	s6 =	simm.s32 $_size__tile_overlayer_lowered;
	s7 =	simm.s32 $_tile_overlayer_lowered  }
0xa1: {  	s22 =	simm.s32 $0x1BFF;
	s21 =	sshll.u32 s7, $0x1;
	s4 =	sadd.s32 s19, s18  }
0xa2: {  	s8 =	simm.s32 $0x0;
	s20 =	sshll.u32 s6, $0x1;
	s6 =	sadd.s32 s21, s4  }
0xa3: {  	[timem:s8], [sflag:s22] =	dma.local [hbm:s6], s20  }
0xa4: {  	_ =	swait.ge [sflag:s22], s20  }
0xa5: {  	s5 =	ssub.s32 $0x0, s20;
	[sflag:s22] =	ssyncset.done $0x0  }
0xa6: {  	[sflag:s22] =	ssyncadd.s32 s5;
	_ =	sdelay $0x1  }
0xa7: {  	s23 =	simm.s32 $0x1B8B  }
0xa8: {  	_ =	swait.ge [sflag:s23], $0x1  }
0xa9: {  	[sflag:s23] =	ssyncset.done $0x0  }
0xaa: {  	s25 =	simm.s32 $0x1B8E;
	s24 =	sld [smem:$0x3FFE];
	[sflag:s23] =	ssyncadd.s32 $0xFFFFFFFF  }
0xab: {  	s26 =	simm.s32 $execute0_lowered;
	[smem:$0x3FD2] =	sst s25  }
0xac: {  	s6 =	sshll.u32 s26, $0x1;
	_ =	strace $0x80000046;
	[dreg:$0x1] =	wrdreg $0xFFFFFFFF  }
0xad: {  	s28 =	simm.s32 $_size_execute0_lowered;
	s4 =	sadd.s32 s4, s6;
	[dreg:$0x0] =	wrdreg $0x0  }
0xae: {  	s6 =	sshll.u32 s28, $0x1;
	[dreg:$0x2] =	wrdreg s4  }
0xaf: {  	[dreg:$0x3] =	wrdreg s6  }
0xb0: {  	[dreg:$0x4] =	wrdreg $0xC0  }
0xb1: {  	_ =	task [dreg:s8], $0x5FFFF  }
0xb2: {  	[dreg:$0x1] =	wrdreg $0xFFFFFFFF  }
0xb3: {  	[dreg:$0x0] =	wrdreg $0x60  }
0xb4: {  	[dreg:$0x2] =	wrdreg s15  }
0xb5: {  	[dreg:$0x3] =	wrdreg s24  }
0xb6: {  	[dreg:$0x4] =	wrdreg s16  }
0xb7: {  	[dreg:$0x5] =	wrdreg $0x9  }
0xb8: {  	_ =	task.clear_ibuf [dreg:s8], $0x6FFFF;
	_ =	strace $0x90000046  }
0xb9: {  	s29 =	simm.s32 $0x9;
	_ =	strace $0x80000048  }
0xba: {  	_ =	swait.ge [sflag:s29], $0x1  }
0xbb: {  	[sflag:s29] =	ssyncadd.s32 $0xFFFFFFFF  }
0xbc: {  	_ =	strace $0x90000048  }
0xbd: {  	_ =	sfence  }
0xbe: {  	s30 =	sld [smem:$0x0];
	_ =	sdelay $0x2  }
0xbf: {  	s31 =	sshll.u32 s1, $0xD;
	s1 =	sshrl.u32 s1, $0x2  }
0xc0: {  	s3 =	sand.u32 $0x4000, s31;
	s1 =	sadd.s32 s1, s30  }
0xc1: {  	s0 =	sor.u32 s3, s0;
	s1 =	sshll.u32 s1, $0x11  }
0xc2: {  	s0 =	sor.u32 s1, s0  }
0xc3: {  	s0 =	sadd.s32 $0x8F2B, s0  }
0xc4: {  	[sflag:s0] =	ssyncadd.remote.s32 $0x1  }
0xc5: {  	_ =	sfence.sel $0xFFFF  }
0xc6: {  	[dreg:$0x0] =	wrdreg $0xFFFFFFFF;
	(pc) =	sbr.abs _section_cstart, $3  }
0xc7: {  	[dreg:$0x1] =	wrdreg $0xFFFFFFFF  }
0xc8: {  	_ =	task.clear_ibuf [dreg:s8], $0x2FFFF;
	_ =	strace $0x9FFFFFFF  }
0xc9: {  	(tm) =	ssettm $0x7FFFFFFF  }
tec
execute0_lowered:
.L_overlay_start_1:
0x0: {  	(tag) =	ssettag $0x1  }
0x1: {  	s0 =	srdreg.scid;
	s5 =	stileid.u32  }
0x2: {  	s0 =	sand.u32 $0x1, s0;
	s1 =	sshll.u32 s5, $0x1  }
0x3: {  	s1 =	sor.u32 s0, s1  }
0x4: {  	p1 =	seq.s32 s0, $0x1;
	p0 =	seq.s32 s1, $0x0  }
0x5: {  	p0 =	por !p0, !p1  }
0x6: {  	s3 =	simm.s32 $0x1;
	s2 =	rddreg [dreg:$0x0];
	p0 =	por !p0, !p0  }
0x7: {  	s4 =	rddreg [dreg:$0x1];
	s3 =	simm.s32 @!p0 $0x0  }
0x8: {  	s31 =	rddreg [dreg:$0x2];
	s1 =	sshll.u32 s1, $0xC;
	s3 =	ssub.s32 s5, s3  }
0x9: {  	s7 =	sadd.s32 s31, s1;
	s6 =	sshll.u32 s3, $0x7;
	s3 =	simm.s32 $0x0  }
0xa: {  	s1 =	sadd.s32 $0x20000, s7;
	[smem:$0x7FF] =	sst s3  }
0xb: {  	s8 =	sadd.s32 $0x40000, s7;
	_ =	strace $0x80000047;
	[dreg:$0x6] =	wrdreg s1  }
0xc: {  	s9 =	sadd.s32 $0x60000, s7;
	[dreg:$0x7] =	wrdreg s8  }
0xd: {  	s10 =	sadd.s32 $0x80000, s7;
	[dreg:$0x8] =	wrdreg s9  }
0xe: {  	s11 =	sadd.s32 $0xA0000, s7;
	[dreg:$0x9] =	wrdreg s10  }
0xf: {  	s12 =	sadd.s32 $0xC0000, s7;
	[dreg:$0xa] =	wrdreg s11  }
0x10: {  	s13 =	sadd.s32 $0xE0000, s7;
	[dreg:$0xb] =	wrdreg s12  }
0x11: {  	s14 =	sadd.s32 $0x100000, s7;
	[dreg:$0xc] =	wrdreg s13  }
0x12: {  	s15 =	sadd.s32 $0x120000, s7;
	[dreg:$0xd] =	wrdreg s14  }
0x13: {  	s16 =	sadd.s32 $0x140000, s7;
	[dreg:$0xe] =	wrdreg s15  }
0x14: {  	s17 =	sadd.s32 $0x160000, s7;
	[dreg:$0xf] =	wrdreg s16  }
0x15: {  	s18 =	sadd.s32 $0x180000, s7;
	[dreg:$0x10] =	wrdreg s17  }
0x16: {  	s19 =	sadd.s32 $0x1A0000, s7;
	[dreg:$0x11] =	wrdreg s18  }
0x17: {  	s20 =	sadd.s32 $0x1C0000, s7;
	[dreg:$0x12] =	wrdreg s19  }
0x18: {  	s21 =	sadd.s32 $0x1E0000, s7;
	[dreg:$0x13] =	wrdreg s20  }
0x19: {  	s22 =	sadd.s32 $0x200000, s7;
	[dreg:$0x14] =	wrdreg s21  }
0x1a: {  	s29 =	simm.s32 $0x400;
	s23 =	sadd.s32 $0x220000, s7;
	[dreg:$0x15] =	wrdreg s22  }
0x1b: {  	s25 =	ssub.s32 $0x2, s0;
	s24 =	sadd.s32 $0x240000, s7;
	[dreg:$0x16] =	wrdreg s23  }
0x1c: {  	s30 =	simm.s32 $0x4000;
	s28 =	sshrl.u32 s25, $0x1;
	[dreg:$0x17] =	wrdreg s24  }
0x1d: {  	s31 =	simm.s32 $0x800;
	s26 =	sadd.s32 $0x260000, s7;
	[dreg:$0x1c] =	wrdreg s7  }
0x1e: {  	s5 =	ssub.s32 s25, s28;
	s6 =	sand.u32 $0x1FFFFF80, s6;
	[dreg:$0x18] =	wrdreg s26  }
0x1f: {  	s4 =	sadd.s32 s6, s4;
	s9 =	simm.s32 $0x1;
	[dreg:$0x19] =	wrdreg s29  }
0x20: {  	[dreg:$0x1a] =	wrdreg s30;
	s7 =	sadd.s32 $0x100, s2;
	s1 =	smax.u32 s5, $0x1  }
0x21: {  	v2 =	vlaneseq.u32;
	[dreg:$0x1b] =	wrdreg s31;
	s19 =	simm.s32 $0x4;
	s6 =	sadd.s32 $0x141000, s4  }
0x22: {  	vm0 =	vmmov $0xffff;
	v1 =	vshrl.u32 v2, $0x3;
	s20 =	simm.s32 $0x2;
	s4 =	sadd.s32 $0x142000, s4;
	[dreg:$0x4] =	wrdreg s6  }
0x23: {  	v0 =	vand.u32 $0x7, v2;
	v2 =	vor.u32 $0x8, v2;
	v1 =	vmul.u32 $0x8, v1;
	s21 =	simm.s32 $0x5;
	[dreg:$0x5] =	wrdreg s4;
	s6 =	sshll.u32 s0, $0x6  }
.LBB2_1:
0x24: {  	[dreg:$0x1d] =	wrdreg s1  }
0x25: {  	s24 =	rddreg [dreg:$0x4]  }
0x26: {  	s25 =	rddreg [dreg:$0x19]  }
0x27: {  	s28 =	rddreg [dreg:$0x1a]  }
0x28: {  	s29 =	rddreg [dreg:$0x5]  }
0x29: {  	[tilespmem:s3], [sflag:$0x7] =	stream.strided.gather [hbm4b:s24+s25], $0x800, s28, s25, $0x38;
	[tilespmem:$0x18C00] =	vst v63  }
0x2a: {  	s30 =	rddreg [dreg:$0x1b];
	s14 =	simm.s32 $0x7  }
0x2b: {  	[tilespmem:s30], [sflag:$0x7] =	stream.linear.gather [hbm4b:s29+s3], $0x200, $0x38;
	[tilespmem:$0x18C00] =	vst v63  }
0x2c: {  	_ =	swait.ge [sflag:s14], $0xA00  }
0x2d: {  	[sflag:s14] =	ssyncset.done $0x0  }
0x2e: {  	[sflag:s14] =	ssyncadd.s32 $0xFFFFF600  }
0x2f: {  	v3 =	vld [tilespmem:s6+$0x0];
	_ =	sdelay $0x4  }
0x30: {  	v4 =	vshll.u32 v3, $0x2  }
0x31: {  	v3 =	vand.u32 $0x7, v3;
	v4 =	vand.u32 $0xFFFFFFE0, v4  }
0x32: {  	v3 =	vor.u32 v3, v4  }
0x33: {  	v4 =	vperm.xlane v3, v0;
	_ =	sdelay $0x1  }
0x34: {  	v4 =	vadd.s32 v1, v4;
	_ =	sdelay $0x1  }
0x35: {  	v3 =	vperm.xlane v3, v2;
	_ =	sdelay $0x1  }
0x36: {  	s0 =	simm.s32 $0xC00;
	v3 =	vadd.s32 v1, v3  }
0x37: {  	[tilespmem:s0], [sflag:$0x1] =	stream.indirect_vreg.gather [hbm4b:s2+s3], $0x80, v4, vm0, $0xb8;
	[tilespmem:$0x18C00] =	vst v63  }
0x38: {  	s15 =	simm.s32 $0x1400  }
0x39: {  	[tilespmem:s15], [sflag:$0x1] =	stream.indirect_vreg.gather [hbm4b:s7+s3], $0x80, v4, vm0, $0xb8;
	[tilespmem:$0x18C00] =	vst v63  }
0x3a: {  	s16 =	simm.s32 $0x1C00  }
0x3b: {  	[tilespmem:s16], [sflag:$0x1] =	stream.indirect_vreg.gather [hbm4b:s2+s3], $0x80, v3, vm0, $0xb8;
	[tilespmem:$0x18C00] =	vst v63  }
0x3c: {  	s17 =	simm.s32 $0x2400  }
0x3d: {  	[tilespmem:s17], [sflag:$0x1] =	stream.indirect_vreg.gather [hbm4b:s7+s3], $0x80, v3, vm0, $0xb8;
	[tilespmem:$0x18C00] =	vst v63  }
0x3e: {  	v3 =	vld [tilespmem:s6+$0x10];
	_ =	sdelay $0x4  }
0x3f: {  	v41 =	vshll.u32 v3, $0x2  }
0x40: {  	v3 =	vand.u32 $0x7, v3;
	v4 =	vand.u32 $0xFFFFFFE0, v41  }
0x41: {  	v3 =	vor.u32 v3, v4  }
0x42: {  	v4 =	vperm.xlane v3, v0;
	_ =	sdelay $0x1  }
0x43: {  	v4 =	vadd.s32 v1, v4;
	_ =	sdelay $0x1  }
0x44: {  	v3 =	vperm.xlane v3, v2;
	_ =	sdelay $0x1  }
0x45: {  	s18 =	simm.s32 $0x2C00;
	v3 =	vadd.s32 v1, v3  }
0x46: {  	[tilespmem:s18], [sflag:$0x1] =	stream.indirect_vreg.gather [hbm4b:s2+s3], $0x80, v4, vm0, $0xb8;
	[tilespmem:$0x18C00] =	vst v63  }
0x47: {  	s22 =	simm.s32 $0x3400  }
0x48: {  	[tilespmem:s22], [sflag:$0x1] =	stream.indirect_vreg.gather [hbm4b:s7+s3], $0x80, v4, vm0, $0xb8;
	[tilespmem:$0x18C00] =	vst v63  }
0x49: {  	s23 =	simm.s32 $0x3C00  }
0x4a: {  	[tilespmem:s23], [sflag:$0x1] =	stream.indirect_vreg.gather [hbm4b:s2+s3], $0x80, v3, vm0, $0xb8;
	[tilespmem:$0x18C00] =	vst v63  }
0x4b: {  	s24 =	simm.s32 $0x4400  }
0x4c: {  	[tilespmem:s24], [sflag:$0x1] =	stream.indirect_vreg.gather [hbm4b:s7+s3], $0x80, v3, vm0, $0xb8;
	[tilespmem:$0x18C00] =	vst v63  }
0x4d: {  	v3 =	vld [tilespmem:s6+$0x20];
	_ =	sdelay $0x4  }
0x4e: {  	v42 =	vshll.u32 v3, $0x2  }
0x4f: {  	v3 =	vand.u32 $0x7, v3;
	v4 =	vand.u32 $0xFFFFFFE0, v42  }
0x50: {  	v3 =	vor.u32 v3, v4  }
0x51: {  	v4 =	vperm.xlane v3, v0;
	_ =	sdelay $0x1  }
0x52: {  	v4 =	vadd.s32 v1, v4;
	_ =	sdelay $0x1  }
0x53: {  	v3 =	vperm.xlane v3, v2;
	_ =	sdelay $0x1  }
0x54: {  	s25 =	simm.s32 $0x4C00;
	v3 =	vadd.s32 v1, v3  }
0x55: {  	[tilespmem:s25], [sflag:$0x1] =	stream.indirect_vreg.gather [hbm4b:s2+s3], $0x80, v4, vm0, $0xb8;
	[tilespmem:$0x18C00] =	vst v63  }
0x56: {  	s26 =	simm.s32 $0x5400  }
0x57: {  	[tilespmem:s26], [sflag:$0x1] =	stream.indirect_vreg.gather [hbm4b:s7+s3], $0x80, v4, vm0, $0xb8;
	[tilespmem:$0x18C00] =	vst v63  }
0x58: {  	s28 =	simm.s32 $0x5C00  }
0x59: {  	[tilespmem:s28], [sflag:$0x1] =	stream.indirect_vreg.gather [hbm4b:s2+s3], $0x80, v3, vm0, $0xb8;
	[tilespmem:$0x18C00] =	vst v63  }
0x5a: {  	s29 =	simm.s32 $0x6400  }
0x5b: {  	[tilespmem:s29], [sflag:$0x1] =	stream.indirect_vreg.gather [hbm4b:s7+s3], $0x80, v3, vm0, $0xb8;
	[tilespmem:$0x18C00] =	vst v63  }
0x5c: {  	v3 =	vld [tilespmem:s6+$0x30];
	_ =	sdelay $0x4  }
0x5d: {  	v43 =	vshll.u32 v3, $0x2  }
0x5e: {  	v3 =	vand.u32 $0x7, v3;
	v4 =	vand.u32 $0xFFFFFFE0, v43  }
0x5f: {  	v3 =	vor.u32 v3, v4  }
0x60: {  	v4 =	vperm.xlane v3, v0;
	_ =	sdelay $0x1  }
0x61: {  	v4 =	vadd.s32 v1, v4;
	_ =	sdelay $0x1  }
0x62: {  	v3 =	vperm.xlane v3, v2;
	_ =	sdelay $0x1  }
0x63: {  	s30 =	simm.s32 $0x6C00;
	v3 =	vadd.s32 v1, v3  }
0x64: {  	[tilespmem:s30], [sflag:$0x1] =	stream.indirect_vreg.gather [hbm4b:s2+s3], $0x80, v4, vm0, $0xb8;
	[tilespmem:$0x18C00] =	vst v63  }
0x65: {  	s31 =	simm.s32 $0x7400  }
0x66: {  	[tilespmem:s31], [sflag:$0x1] =	stream.indirect_vreg.gather [hbm4b:s7+s3], $0x80, v4, vm0, $0xb8;
	[tilespmem:$0x18C00] =	vst v63  }
0x67: {  	s8 =	simm.s32 $0x7C00  }
0x68: {  	[tilespmem:s8], [sflag:$0x1] =	stream.indirect_vreg.gather [hbm4b:s2+s3], $0x80, v3, vm0, $0xb8;
	[tilespmem:$0x18C00] =	vst v63  }
0x69: {  	s10 =	simm.s32 $0x8400  }
0x6a: {  	[tilespmem:s10], [sflag:$0x1] =	stream.indirect_vreg.gather [hbm4b:s7+s3], $0x80, v3, vm0, $0xb8;
	[tilespmem:$0x18C00] =	vst v63  }
0x6b: {  	v3 =	vld [tilespmem:s6+$0x80];
	_ =	sdelay $0x4  }
0x6c: {  	v44 =	vshll.u32 v3, $0x2  }
0x6d: {  	v3 =	vand.u32 $0x7, v3;
	v4 =	vand.u32 $0xFFFFFFE0, v44  }
0x6e: {  	v3 =	vor.u32 v3, v4  }
0x6f: {  	v4 =	vperm.xlane v3, v0;
	_ =	sdelay $0x1  }
0x70: {  	v4 =	vadd.s32 v1, v4;
	_ =	sdelay $0x1  }
0x71: {  	v3 =	vperm.xlane v3, v2;
	_ =	sdelay $0x1  }
0x72: {  	s17 =	simm.s32 $0x8C00;
	v3 =	vadd.s32 v1, v3  }
0x73: {  	[tilespmem:s17], [sflag:$0x2] =	stream.indirect_vreg.gather [hbm4b:s2+s3], $0x80, v4, vm0, $0xb8;
	[tilespmem:$0x18C00] =	vst v63  }
0x74: {  	s22 =	simm.s32 $0x9400  }
0x75: {  	[tilespmem:s22], [sflag:$0x2] =	stream.indirect_vreg.gather [hbm4b:s7+s3], $0x80, v4, vm0, $0xb8;
	[tilespmem:$0x18C00] =	vst v63  }
0x76: {  	s24 =	simm.s32 $0x9C00  }
0x77: {  	[tilespmem:s24], [sflag:$0x2] =	stream.indirect_vreg.gather [hbm4b:s2+s3], $0x80, v3, vm0, $0xb8;
	[tilespmem:$0x18C00] =	vst v63  }
0x78: {  	s26 =	simm.s32 $0xA400  }
0x79: {  	[tilespmem:s26], [sflag:$0x2] =	stream.indirect_vreg.gather [hbm4b:s7+s3], $0x80, v3, vm0, $0xb8;
	[tilespmem:$0x18C00] =	vst v63  }
0x7a: {  	v3 =	vld [tilespmem:s6+$0x90];
	_ =	sdelay $0x4  }
0x7b: {  	v45 =	vshll.u32 v3, $0x2  }
0x7c: {  	v3 =	vand.u32 $0x7, v3;
	v4 =	vand.u32 $0xFFFFFFE0, v45  }
0x7d: {  	v3 =	vor.u32 v3, v4  }
0x7e: {  	v4 =	vperm.xlane v3, v0;
	_ =	sdelay $0x1  }
0x7f: {  	v4 =	vadd.s32 v1, v4;
	_ =	sdelay $0x1  }
0x80: {  	v3 =	vperm.xlane v3, v2;
	_ =	sdelay $0x1  }
0x81: {  	s28 =	simm.s32 $0xAC00;
	v3 =	vadd.s32 v1, v3  }
0x82: {  	[tilespmem:s28], [sflag:$0x2] =	stream.indirect_vreg.gather [hbm4b:s2+s3], $0x80, v4, vm0, $0xb8;
	[tilespmem:$0x18C00] =	vst v63  }
0x83: {  	s30 =	simm.s32 $0xB400  }
0x84: {  	[tilespmem:s30], [sflag:$0x2] =	stream.indirect_vreg.gather [hbm4b:s7+s3], $0x80, v4, vm0, $0xb8;
	[tilespmem:$0x18C00] =	vst v63  }
0x85: {  	s31 =	simm.s32 $0xBC00  }
0x86: {  	[tilespmem:s31], [sflag:$0x2] =	stream.indirect_vreg.gather [hbm4b:s2+s3], $0x80, v3, vm0, $0xb8;
	[tilespmem:$0x18C00] =	vst v63  }
0x87: {  	s8 =	simm.s32 $0xC400  }
0x88: {  	[tilespmem:s8], [sflag:$0x2] =	stream.indirect_vreg.gather [hbm4b:s7+s3], $0x80, v3, vm0, $0xb8;
	[tilespmem:$0x18C00] =	vst v63  }
0x89: {  	v3 =	vld [tilespmem:s6+$0xA0];
	_ =	sdelay $0x4  }
0x8a: {  	v46 =	vshll.u32 v3, $0x2  }
0x8b: {  	v3 =	vand.u32 $0x7, v3;
	v4 =	vand.u32 $0xFFFFFFE0, v46  }
0x8c: {  	v3 =	vor.u32 v3, v4  }
0x8d: {  	v4 =	vperm.xlane v3, v0;
	_ =	sdelay $0x1  }
0x8e: {  	v4 =	vadd.s32 v1, v4;
	_ =	sdelay $0x1  }
0x8f: {  	v3 =	vperm.xlane v3, v2;
	_ =	sdelay $0x1  }
0x90: {  	s10 =	simm.s32 $0xCC00;
	v3 =	vadd.s32 v1, v3  }
0x91: {  	[tilespmem:s10], [sflag:$0x2] =	stream.indirect_vreg.gather [hbm4b:s2+s3], $0x80, v4, vm0, $0xb8;
	[tilespmem:$0x18C00] =	vst v63  }
0x92: {  	s17 =	simm.s32 $0xD400  }
0x93: {  	[tilespmem:s17], [sflag:$0x2] =	stream.indirect_vreg.gather [hbm4b:s7+s3], $0x80, v4, vm0, $0xb8;
	[tilespmem:$0x18C00] =	vst v63  }
0x94: {  	s24 =	simm.s32 $0xDC00  }
0x95: {  	[tilespmem:s24], [sflag:$0x2] =	stream.indirect_vreg.gather [hbm4b:s2+s3], $0x80, v3, vm0, $0xb8;
	[tilespmem:$0x18C00] =	vst v63  }
0x96: {  	s26 =	simm.s32 $0xE400  }
0x97: {  	[tilespmem:s26], [sflag:$0x2] =	stream.indirect_vreg.gather [hbm4b:s7+s3], $0x80, v3, vm0, $0xb8;
	[tilespmem:$0x18C00] =	vst v63  }
0x98: {  	v3 =	vld [tilespmem:s6+$0xB0];
	_ =	sdelay $0x4  }
0x99: {  	v47 =	vshll.u32 v3, $0x2  }
0x9a: {  	v3 =	vand.u32 $0x7, v3;
	v4 =	vand.u32 $0xFFFFFFE0, v47  }
0x9b: {  	v3 =	vor.u32 v3, v4  }
0x9c: {  	v4 =	vperm.xlane v3, v0;
	_ =	sdelay $0x1  }
0x9d: {  	v4 =	vadd.s32 v1, v4;
	_ =	sdelay $0x1  }
0x9e: {  	v3 =	vperm.xlane v3, v2;
	_ =	sdelay $0x1  }
0x9f: {  	s28 =	simm.s32 $0xEC00;
	v3 =	vadd.s32 v1, v3  }
0xa0: {  	[tilespmem:s28], [sflag:$0x2] =	stream.indirect_vreg.gather [hbm4b:s2+s3], $0x80, v4, vm0, $0xb8;
	[tilespmem:$0x18C00] =	vst v63  }
0xa1: {  	s30 =	simm.s32 $0xF400  }
0xa2: {  	[tilespmem:s30], [sflag:$0x2] =	stream.indirect_vreg.gather [hbm4b:s7+s3], $0x80, v4, vm0, $0xb8;
	[tilespmem:$0x18C00] =	vst v63  }
0xa3: {  	s31 =	simm.s32 $0xFC00  }
0xa4: {  	[tilespmem:s31], [sflag:$0x2] =	stream.indirect_vreg.gather [hbm4b:s2+s3], $0x80, v3, vm0, $0xb8;
	[tilespmem:$0x18C00] =	vst v63  }
0xa5: {  	s10 =	simm.s32 $0x10400  }
0xa6: {  	[tilespmem:s10], [sflag:$0x2] =	stream.indirect_vreg.gather [hbm4b:s7+s3], $0x80, v3, vm0, $0xb8;
	[tilespmem:$0x18C00] =	vst v63  }
0xa7: {  	v3 =	vld [tilespmem:s6+$0x100];
	_ =	sdelay $0x4  }
0xa8: {  	v48 =	vshll.u32 v3, $0x2  }
0xa9: {  	v3 =	vand.u32 $0x7, v3;
	v4 =	vand.u32 $0xFFFFFFE0, v48  }
0xaa: {  	v3 =	vor.u32 v3, v4  }
0xab: {  	v4 =	vperm.xlane v3, v0;
	_ =	sdelay $0x1  }
0xac: {  	v4 =	vadd.s32 v1, v4;
	_ =	sdelay $0x1  }
0xad: {  	v3 =	vperm.xlane v3, v2;
	_ =	sdelay $0x1  }
0xae: {  	s17 =	simm.s32 $0x10C00;
	v3 =	vadd.s32 v1, v3  }
0xaf: {  	[tilespmem:s17], [sflag:$0x3] =	stream.indirect_vreg.gather [hbm4b:s2+s3], $0x80, v4, vm0, $0xb8;
	[tilespmem:$0x18C00] =	vst v63  }
0xb0: {  	s24 =	simm.s32 $0x11400  }
0xb1: {  	[tilespmem:s24], [sflag:$0x3] =	stream.indirect_vreg.gather [hbm4b:s7+s3], $0x80, v4, vm0, $0xb8;
	[tilespmem:$0x18C00] =	vst v63  }
0xb2: {  	s26 =	simm.s32 $0x11C00  }
0xb3: {  	[tilespmem:s26], [sflag:$0x3] =	stream.indirect_vreg.gather [hbm4b:s2+s3], $0x80, v3, vm0, $0xb8;
	[tilespmem:$0x18C00] =	vst v63  }
0xb4: {  	s28 =	simm.s32 $0x12400  }
0xb5: {  	[tilespmem:s28], [sflag:$0x3] =	stream.indirect_vreg.gather [hbm4b:s7+s3], $0x80, v3, vm0, $0xb8;
	[tilespmem:$0x18C00] =	vst v63  }
0xb6: {  	v3 =	vld [tilespmem:s6+$0x110];
	_ =	sdelay $0x4  }
0xb7: {  	v49 =	vshll.u32 v3, $0x2  }
0xb8: {  	v3 =	vand.u32 $0x7, v3;
	v4 =	vand.u32 $0xFFFFFFE0, v49  }
0xb9: {  	v3 =	vor.u32 v3, v4  }
0xba: {  	v4 =	vperm.xlane v3, v0;
	_ =	sdelay $0x1  }
0xbb: {  	v4 =	vadd.s32 v1, v4;
	_ =	sdelay $0x1  }
0xbc: {  	v3 =	vperm.xlane v3, v2;
	_ =	sdelay $0x1  }
0xbd: {  	s30 =	simm.s32 $0x12C00;
	v3 =	vadd.s32 v1, v3  }
0xbe: {  	[tilespmem:s30], [sflag:$0x3] =	stream.indirect_vreg.gather [hbm4b:s2+s3], $0x80, v4, vm0, $0xb8;
	[tilespmem:$0x18C00] =	vst v63  }
0xbf: {  	s31 =	simm.s32 $0x13400  }
0xc0: {  	[tilespmem:s31], [sflag:$0x3] =	stream.indirect_vreg.gather [hbm4b:s7+s3], $0x80, v4, vm0, $0xb8;
	[tilespmem:$0x18C00] =	vst v63  }
0xc1: {  	s10 =	simm.s32 $0x13C00  }
0xc2: {  	[tilespmem:s10], [sflag:$0x3] =	stream.indirect_vreg.gather [hbm4b:s2+s3], $0x80, v3, vm0, $0xb8;
	[tilespmem:$0x18C00] =	vst v63  }
0xc3: {  	s17 =	simm.s32 $0x14400  }
0xc4: {  	[tilespmem:s17], [sflag:$0x3] =	stream.indirect_vreg.gather [hbm4b:s7+s3], $0x80, v3, vm0, $0xb8;
	[tilespmem:$0x18C00] =	vst v63  }
0xc5: {  	v3 =	vld [tilespmem:s6+$0x120];
	_ =	sdelay $0x4  }
0xc6: {  	v50 =	vshll.u32 v3, $0x2  }
0xc7: {  	v3 =	vand.u32 $0x7, v3;
	v4 =	vand.u32 $0xFFFFFFE0, v50  }
0xc8: {  	v3 =	vor.u32 v3, v4  }
0xc9: {  	v4 =	vperm.xlane v3, v0;
	_ =	sdelay $0x1  }
0xca: {  	v4 =	vadd.s32 v1, v4;
	_ =	sdelay $0x1  }
0xcb: {  	v3 =	vperm.xlane v3, v2;
	_ =	sdelay $0x1  }
0xcc: {  	s24 =	simm.s32 $0x14C00;
	v3 =	vadd.s32 v1, v3  }
0xcd: {  	[tilespmem:s24], [sflag:$0x3] =	stream.indirect_vreg.gather [hbm4b:s2+s3], $0x80, v4, vm0, $0xb8;
	[tilespmem:$0x18C00] =	vst v63  }
0xce: {  	s28 =	simm.s32 $0x15400  }
0xcf: {  	[tilespmem:s28], [sflag:$0x3] =	stream.indirect_vreg.gather [hbm4b:s7+s3], $0x80, v4, vm0, $0xb8;
	[tilespmem:$0x18C00] =	vst v63  }
0xd0: {  	s30 =	simm.s32 $0x15C00  }
0xd1: {  	[tilespmem:s30], [sflag:$0x3] =	stream.indirect_vreg.gather [hbm4b:s2+s3], $0x80, v3, vm0, $0xb8;
	[tilespmem:$0x18C00] =	vst v63  }
0xd2: {  	s31 =	simm.s32 $0x16400  }
0xd3: {  	[tilespmem:s31], [sflag:$0x3] =	stream.indirect_vreg.gather [hbm4b:s7+s3], $0x80, v3, vm0, $0xb8;
	[tilespmem:$0x18C00] =	vst v63  }
0xd4: {  	v3 =	vld [tilespmem:s6+$0x130];
	_ =	sdelay $0x4  }
0xd5: {  	v51 =	vshll.u32 v3, $0x2  }
0xd6: {  	v3 =	vand.u32 $0x7, v3;
	v4 =	vand.u32 $0xFFFFFFE0, v51  }
0xd7: {  	v3 =	vor.u32 v3, v4  }
0xd8: {  	v4 =	vperm.xlane v3, v0;
	_ =	sdelay $0x1  }
0xd9: {  	v4 =	vadd.s32 v1, v4;
	_ =	sdelay $0x1  }
0xda: {  	v3 =	vperm.xlane v3, v2;
	_ =	sdelay $0x1  }
0xdb: {  	s10 =	simm.s32 $0x16C00;
	v3 =	vadd.s32 v1, v3  }
0xdc: {  	[tilespmem:s10], [sflag:$0x3] =	stream.indirect_vreg.gather [hbm4b:s2+s3], $0x80, v4, vm0, $0xb8;
	[tilespmem:$0x18C00] =	vst v63  }
0xdd: {  	s17 =	simm.s32 $0x17400  }
0xde: {  	[tilespmem:s17], [sflag:$0x3] =	stream.indirect_vreg.gather [hbm4b:s7+s3], $0x80, v4, vm0, $0xb8;
	[tilespmem:$0x18C00] =	vst v63  }
0xdf: {  	s24 =	simm.s32 $0x17C00  }
0xe0: {  	[tilespmem:s24], [sflag:$0x3] =	stream.indirect_vreg.gather [hbm4b:s2+s3], $0x80, v3, vm0, $0xb8;
	[tilespmem:$0x18C00] =	vst v63  }
0xe1: {  	s28 =	simm.s32 $0x18400  }
0xe2: {  	[tilespmem:s28], [sflag:$0x3] =	stream.indirect_vreg.gather [hbm4b:s7+s3], $0x80, v3, vm0, $0xb8;
	[tilespmem:$0x18C00] =	vst v63  }
0xe3: {  	_ =	swait.ge [sflag:s9], $0x8000  }
0xe4: {  	[sflag:s9] =	ssyncset.done $0x0  }
0xe5: {  	s31 =	simm.s32 $0xC00;
	s30 =	rddreg [dreg:$0x1c];
	[sflag:s9] =	ssyncadd.s32 $0xFFFF8000  }
0xe6: {  	[hbm4b:s30+s3] =	stream.linear.scatter [tilespmem:s31], [sflag:$0x4], $0x8000, $0x38;
	[tilespmem:$0x18C00] =	vst v63  }
0xe7: {  	_ =	swait.ge [sflag:s19], $0x8000  }
0xe8: {  	[sflag:s19] =	ssyncset.done $0x0  }
0xe9: {  	[sflag:s19] =	ssyncadd.s32 $0xFFFF8000  }
0xea: {  	v3 =	vld [tilespmem:s6+$0x180];
	_ =	sdelay $0x4  }
0xeb: {  	v52 =	vshll.u32 v3, $0x2  }
0xec: {  	v3 =	vand.u32 $0x7, v3;
	v4 =	vand.u32 $0xFFFFFFE0, v52  }
0xed: {  	v3 =	vor.u32 v3, v4  }
0xee: {  	v4 =	vperm.xlane v3, v0;
	_ =	sdelay $0x1  }
0xef: {  	v4 =	vadd.s32 v1, v4;
	_ =	sdelay $0x1  }
0xf0: {  	v3 =	vperm.xlane v3, v2;
	_ =	sdelay $0x1  }
0xf1: {  	v3 =	vadd.s32 v1, v3  }
0xf2: {  	[tilespmem:s31], [sflag:$0x1] =	stream.indirect_vreg.gather [hbm4b:s2+s3], $0x80, v4, vm0, $0xb8;
	[tilespmem:$0x18C00] =	vst v63  }
0xf3: {  	s1 =	simm.s32 $0x1400  }
0xf4: {  	[tilespmem:s1], [sflag:$0x1] =	stream.indirect_vreg.gather [hbm4b:s7+s3], $0x80, v4, vm0, $0xb8;
	[tilespmem:$0x18C00] =	vst v63  }
0xf5: {  	s4 =	simm.s32 $0x1C00  }
0xf6: {  	[tilespmem:s4], [sflag:$0x1] =	stream.indirect_vreg.gather [hbm4b:s2+s3], $0x80, v3, vm0, $0xb8;
	[tilespmem:$0x18C00] =	vst v63  }
0xf7: {  	s17 =	simm.s32 $0x2400  }
0xf8: {  	[tilespmem:s17], [sflag:$0x1] =	stream.indirect_vreg.gather [hbm4b:s7+s3], $0x80, v3, vm0, $0xb8;
	[tilespmem:$0x18C00] =	vst v63  }
0xf9: {  	v3 =	vld [tilespmem:s6+$0x190];
	_ =	sdelay $0x4  }
0xfa: {  	v53 =	vshll.u32 v3, $0x2  }
0xfb: {  	v3 =	vand.u32 $0x7, v3;
	v4 =	vand.u32 $0xFFFFFFE0, v53  }
0xfc: {  	v3 =	vor.u32 v3, v4  }
0xfd: {  	v4 =	vperm.xlane v3, v0;
	_ =	sdelay $0x1  }
0xfe: {  	v4 =	vadd.s32 v1, v4;
	_ =	sdelay $0x1  }
0xff: {  	v3 =	vperm.xlane v3, v2;
	_ =	sdelay $0x1  }
0x100: {  	s12 =	simm.s32 $0x2C00;
	v3 =	vadd.s32 v1, v3  }
0x101: {  	[tilespmem:s12], [sflag:$0x1] =	stream.indirect_vreg.gather [hbm4b:s2+s3], $0x80, v4, vm0, $0xb8;
	[tilespmem:$0x18C00] =	vst v63  }
0x102: {  	s13 =	simm.s32 $0x3400  }
0x103: {  	[tilespmem:s13], [sflag:$0x1] =	stream.indirect_vreg.gather [hbm4b:s7+s3], $0x80, v4, vm0, $0xb8;
	[tilespmem:$0x18C00] =	vst v63  }
0x104: {  	s15 =	simm.s32 $0x3C00  }
0x105: {  	[tilespmem:s15], [sflag:$0x1] =	stream.indirect_vreg.gather [hbm4b:s2+s3], $0x80, v3, vm0, $0xb8;
	[tilespmem:$0x18C00] =	vst v63  }
0x106: {  	s31 =	simm.s32 $0x4400  }
0x107: {  	[tilespmem:s31], [sflag:$0x1] =	stream.indirect_vreg.gather [hbm4b:s7+s3], $0x80, v3, vm0, $0xb8;
	[tilespmem:$0x18C00] =	vst v63  }
0x108: {  	v3 =	vld [tilespmem:s6+$0x1A0];
	_ =	sdelay $0x4  }
0x109: {  	v54 =	vshll.u32 v3, $0x2  }
0x10a: {  	v3 =	vand.u32 $0x7, v3;
	v4 =	vand.u32 $0xFFFFFFE0, v54  }
0x10b: {  	v3 =	vor.u32 v3, v4  }
0x10c: {  	v4 =	vperm.xlane v3, v0;
	_ =	sdelay $0x1  }
0x10d: {  	v4 =	vadd.s32 v1, v4;
	_ =	sdelay $0x1  }
0x10e: {  	v3 =	vperm.xlane v3, v2;
	_ =	sdelay $0x1  }
0x10f: {  	s16 =	simm.s32 $0x4C00;
	v3 =	vadd.s32 v1, v3  }
0x110: {  	[tilespmem:s16], [sflag:$0x1] =	stream.indirect_vreg.gather [hbm4b:s2+s3], $0x80, v4, vm0, $0xb8;
	[tilespmem:$0x18C00] =	vst v63  }
0x111: {  	s18 =	simm.s32 $0x5400  }
0x112: {  	[tilespmem:s18], [sflag:$0x1] =	stream.indirect_vreg.gather [hbm4b:s7+s3], $0x80, v4, vm0, $0xb8;
	[tilespmem:$0x18C00] =	vst v63  }
0x113: {  	s25 =	simm.s32 $0x5C00  }
0x114: {  	[tilespmem:s25], [sflag:$0x1] =	stream.indirect_vreg.gather [hbm4b:s2+s3], $0x80, v3, vm0, $0xb8;
	[tilespmem:$0x18C00] =	vst v63  }
0x115: {  	s25 =	simm.s32 $0x6400  }
0x116: {  	[tilespmem:s25], [sflag:$0x1] =	stream.indirect_vreg.gather [hbm4b:s7+s3], $0x80, v3, vm0, $0xb8;
	[tilespmem:$0x18C00] =	vst v63  }
0x117: {  	v3 =	vld [tilespmem:s6+$0x1B0];
	_ =	sdelay $0x4  }
0x118: {  	v55 =	vshll.u32 v3, $0x2  }
0x119: {  	v3 =	vand.u32 $0x7, v3;
	v4 =	vand.u32 $0xFFFFFFE0, v55  }
0x11a: {  	v3 =	vor.u32 v3, v4  }
0x11b: {  	v4 =	vperm.xlane v3, v0;
	_ =	sdelay $0x1  }
0x11c: {  	v4 =	vadd.s32 v1, v4;
	_ =	sdelay $0x1  }
0x11d: {  	v3 =	vperm.xlane v3, v2;
	_ =	sdelay $0x1  }
0x11e: {  	s5 =	simm.s32 $0x6C00;
	v3 =	vadd.s32 v1, v3  }
0x11f: {  	[tilespmem:s5], [sflag:$0x1] =	stream.indirect_vreg.gather [hbm4b:s2+s3], $0x80, v4, vm0, $0xb8;
	[tilespmem:$0x18C00] =	vst v63  }
0x120: {  	s11 =	simm.s32 $0x7400  }
0x121: {  	[tilespmem:s11], [sflag:$0x1] =	stream.indirect_vreg.gather [hbm4b:s7+s3], $0x80, v4, vm0, $0xb8;
	[tilespmem:$0x18C00] =	vst v63  }
0x122: {  	s14 =	simm.s32 $0x7C00  }
0x123: {  	[tilespmem:s14], [sflag:$0x1] =	stream.indirect_vreg.gather [hbm4b:s2+s3], $0x80, v3, vm0, $0xb8;
	[tilespmem:$0x18C00] =	vst v63  }
0x124: {  	s10 =	simm.s32 $0x8400  }
0x125: {  	[tilespmem:s10], [sflag:$0x1] =	stream.indirect_vreg.gather [hbm4b:s7+s3], $0x80, v3, vm0, $0xb8;
	[tilespmem:$0x18C00] =	vst v63  }
0x126: {  	_ =	swait.ge [sflag:s20], $0x8000  }
0x127: {  	[sflag:s20] =	ssyncset.done $0x0  }
0x128: {  	s23 =	simm.s32 $0x8C00;
	s5 =	rddreg [dreg:$0x6];
	[sflag:s20] =	ssyncadd.s32 $0xFFFF8000  }
0x129: {  	[hbm4b:s5+s3] =	stream.linear.scatter [tilespmem:s23], [sflag:$0x5], $0x8000, $0x38;
	[tilespmem:$0x18C00] =	vst v63  }
0x12a: {  	_ =	swait.ge [sflag:s21], $0x8000  }
0x12b: {  	[sflag:s21] =	ssyncset.done $0x0  }
0x12c: {  	[sflag:s21] =	ssyncadd.s32 $0xFFFF8000  }
0x12d: {  	v3 =	vld [tilespmem:s6+$0x200];
	_ =	sdelay $0x4  }
0x12e: {  	v56 =	vshll.u32 v3, $0x2  }
0x12f: {  	v3 =	vand.u32 $0x7, v3;
	v4 =	vand.u32 $0xFFFFFFE0, v56  }
0x130: {  	v3 =	vor.u32 v3, v4  }
0x131: {  	v4 =	vperm.xlane v3, v0;
	_ =	sdelay $0x1  }
0x132: {  	v4 =	vadd.s32 v1, v4;
	_ =	sdelay $0x1  }
0x133: {  	v3 =	vperm.xlane v3, v2;
	_ =	sdelay $0x1  }
0x134: {  	v3 =	vadd.s32 v1, v3  }
0x135: {  	[tilespmem:s23], [sflag:$0x2] =	stream.indirect_vreg.gather [hbm4b:s2+s3], $0x80, v4, vm0, $0xb8;
	[tilespmem:$0x18C00] =	vst v63  }
0x136: {  	s28 =	simm.s32 $0x9400  }
0x137: {  	[tilespmem:s28], [sflag:$0x2] =	stream.indirect_vreg.gather [hbm4b:s7+s3], $0x80, v4, vm0, $0xb8;
	[tilespmem:$0x18C00] =	vst v63  }
0x138: {  	s1 =	simm.s32 $0x9C00  }
0x139: {  	[tilespmem:s1], [sflag:$0x2] =	stream.indirect_vreg.gather [hbm4b:s2+s3], $0x80, v3, vm0, $0xb8;
	[tilespmem:$0x18C00] =	vst v63  }
0x13a: {  	s29 =	simm.s32 $0xA400  }
0x13b: {  	[tilespmem:s29], [sflag:$0x2] =	stream.indirect_vreg.gather [hbm4b:s7+s3], $0x80, v3, vm0, $0xb8;
	[tilespmem:$0x18C00] =	vst v63  }
0x13c: {  	v3 =	vld [tilespmem:s6+$0x210];
	_ =	sdelay $0x4  }
0x13d: {  	v57 =	vshll.u32 v3, $0x2  }
0x13e: {  	v3 =	vand.u32 $0x7, v3;
	v4 =	vand.u32 $0xFFFFFFE0, v57  }
0x13f: {  	v3 =	vor.u32 v3, v4  }
0x140: {  	v4 =	vperm.xlane v3, v0;
	_ =	sdelay $0x1  }
0x141: {  	v4 =	vadd.s32 v1, v4;
	_ =	sdelay $0x1  }
0x142: {  	v3 =	vperm.xlane v3, v2;
	_ =	sdelay $0x1  }
0x143: {  	s30 =	simm.s32 $0xAC00;
	v3 =	vadd.s32 v1, v3  }
0x144: {  	[tilespmem:s30], [sflag:$0x2] =	stream.indirect_vreg.gather [hbm4b:s2+s3], $0x80, v4, vm0, $0xb8;
	[tilespmem:$0x18C00] =	vst v63  }
0x145: {  	s18 =	simm.s32 $0xB400  }
0x146: {  	[tilespmem:s18], [sflag:$0x2] =	stream.indirect_vreg.gather [hbm4b:s7+s3], $0x80, v4, vm0, $0xb8;
	[tilespmem:$0x18C00] =	vst v63  }
0x147: {  	s4 =	simm.s32 $0xBC00  }
0x148: {  	[tilespmem:s4], [sflag:$0x2] =	stream.indirect_vreg.gather [hbm4b:s2+s3], $0x80, v3, vm0, $0xb8;
	[tilespmem:$0x18C00] =	vst v63  }
0x149: {  	s22 =	simm.s32 $0xC400  }
0x14a: {  	[tilespmem:s22], [sflag:$0x2] =	stream.indirect_vreg.gather [hbm4b:s7+s3], $0x80, v3, vm0, $0xb8;
	[tilespmem:$0x18C00] =	vst v63  }
0x14b: {  	v3 =	vld [tilespmem:s6+$0x220];
	_ =	sdelay $0x4  }
0x14c: {  	v58 =	vshll.u32 v3, $0x2  }
0x14d: {  	v3 =	vand.u32 $0x7, v3;
	v4 =	vand.u32 $0xFFFFFFE0, v58  }
0x14e: {  	v3 =	vor.u32 v3, v4  }
0x14f: {  	v4 =	vperm.xlane v3, v0;
	_ =	sdelay $0x1  }
0x150: {  	v4 =	vadd.s32 v1, v4;
	_ =	sdelay $0x1  }
0x151: {  	v3 =	vperm.xlane v3, v2;
	_ =	sdelay $0x1  }
0x152: {  	s11 =	simm.s32 $0xCC00;
	v3 =	vadd.s32 v1, v3  }
0x153: {  	[tilespmem:s11], [sflag:$0x2] =	stream.indirect_vreg.gather [hbm4b:s2+s3], $0x80, v4, vm0, $0xb8;
	[tilespmem:$0x18C00] =	vst v63  }
0x154: {  	s12 =	simm.s32 $0xD400  }
0x155: {  	[tilespmem:s12], [sflag:$0x2] =	stream.indirect_vreg.gather [hbm4b:s7+s3], $0x80, v4, vm0, $0xb8;
	[tilespmem:$0x18C00] =	vst v63  }
0x156: {  	s13 =	simm.s32 $0xDC00  }
0x157: {  	[tilespmem:s13], [sflag:$0x2] =	stream.indirect_vreg.gather [hbm4b:s2+s3], $0x80, v3, vm0, $0xb8;
	[tilespmem:$0x18C00] =	vst v63  }
0x158: {  	s8 =	simm.s32 $0xE400  }
0x159: {  	[tilespmem:s8], [sflag:$0x2] =	stream.indirect_vreg.gather [hbm4b:s7+s3], $0x80, v3, vm0, $0xb8;
	[tilespmem:$0x18C00] =	vst v63  }
0x15a: {  	v3 =	vld [tilespmem:s6+$0x230];
	_ =	sdelay $0x4  }
0x15b: {  	v59 =	vshll.u32 v3, $0x2  }
0x15c: {  	v3 =	vand.u32 $0x7, v3;
	v4 =	vand.u32 $0xFFFFFFE0, v59  }
0x15d: {  	v3 =	vor.u32 v3, v4  }
0x15e: {  	v4 =	vperm.xlane v3, v0;
	_ =	sdelay $0x1  }
0x15f: {  	v4 =	vadd.s32 v1, v4;
	_ =	sdelay $0x1  }
0x160: {  	v3 =	vperm.xlane v3, v2;
	_ =	sdelay $0x1  }
0x161: {  	s14 =	simm.s32 $0xEC00;
	v3 =	vadd.s32 v1, v3  }
0x162: {  	[tilespmem:s14], [sflag:$0x2] =	stream.indirect_vreg.gather [hbm4b:s2+s3], $0x80, v4, vm0, $0xb8;
	[tilespmem:$0x18C00] =	vst v63  }
0x163: {  	s15 =	simm.s32 $0xF400  }
0x164: {  	[tilespmem:s15], [sflag:$0x2] =	stream.indirect_vreg.gather [hbm4b:s7+s3], $0x80, v4, vm0, $0xb8;
	[tilespmem:$0x18C00] =	vst v63  }
0x165: {  	s16 =	simm.s32 $0xFC00  }
0x166: {  	[tilespmem:s16], [sflag:$0x2] =	stream.indirect_vreg.gather [hbm4b:s2+s3], $0x80, v3, vm0, $0xb8;
	[tilespmem:$0x18C00] =	vst v63  }
0x167: {  	s0 =	simm.s32 $0x3;
	s8 =	simm.s32 $0x10400  }
0x168: {  	[tilespmem:s8], [sflag:$0x2] =	stream.indirect_vreg.gather [hbm4b:s7+s3], $0x80, v3, vm0, $0xb8;
	[tilespmem:$0x18C00] =	vst v63  }
0x169: {  	_ =	swait.ge [sflag:s0], $0x8000  }
0x16a: {  	[sflag:s0] =	ssyncset.done $0x0  }
0x16b: {  	s23 =	simm.s32 $0x10C00;
	s22 =	rddreg [dreg:$0x7];
	[sflag:s0] =	ssyncadd.s32 $0xFFFF8000  }
0x16c: {  	[hbm4b:s22+s3] =	stream.linear.scatter [tilespmem:s23], [sflag:$0x6], $0x8000, $0x38;
	[tilespmem:$0x18C00] =	vst v63  }
0x16d: {  	s22 =	simm.s32 $0x6  }
0x16e: {  	_ =	swait.ge [sflag:s22], $0x8000  }
0x16f: {  	[sflag:s22] =	ssyncset.done $0x0  }
0x170: {  	[sflag:s22] =	ssyncadd.s32 $0xFFFF8000  }
0x171: {  	v3 =	vld [tilespmem:s6+$0x280];
	_ =	sdelay $0x4  }
0x172: {  	v60 =	vshll.u32 v3, $0x2  }
0x173: {  	v3 =	vand.u32 $0x7, v3;
	v4 =	vand.u32 $0xFFFFFFE0, v60  }
0x174: {  	v3 =	vor.u32 v3, v4  }
0x175: {  	v4 =	vperm.xlane v3, v0;
	_ =	sdelay $0x1  }
0x176: {  	v4 =	vadd.s32 v1, v4;
	_ =	sdelay $0x1  }
0x177: {  	v3 =	vperm.xlane v3, v2;
	_ =	sdelay $0x1  }
0x178: {  	v3 =	vadd.s32 v1, v3  }
0x179: {  	[tilespmem:s23], [sflag:$0x3] =	stream.indirect_vreg.gather [hbm4b:s2+s3], $0x80, v4, vm0, $0xb8;
	[tilespmem:$0x18C00] =	vst v63  }
0x17a: {  	s23 =	simm.s32 $0x11400  }
0x17b: {  	[tilespmem:s23], [sflag:$0x3] =	stream.indirect_vreg.gather [hbm4b:s7+s3], $0x80, v4, vm0, $0xb8;
	[tilespmem:$0x18C00] =	vst v63  }
0x17c: {  	s8 =	simm.s32 $0x11C00  }
0x17d: {  	[tilespmem:s8], [sflag:$0x3] =	stream.indirect_vreg.gather [hbm4b:s2+s3], $0x80, v3, vm0, $0xb8;
	[tilespmem:$0x18C00] =	vst v63  }
0x17e: {  	s26 =	simm.s32 $0x12400  }
0x17f: {  	[tilespmem:s26], [sflag:$0x3] =	stream.indirect_vreg.gather [hbm4b:s7+s3], $0x80, v3, vm0, $0xb8;
	[tilespmem:$0x18C00] =	vst v63  }
0x180: {  	v3 =	vld [tilespmem:s6+$0x290];
	_ =	sdelay $0x4  }
0x181: {  	v61 =	vshll.u32 v3, $0x2  }
0x182: {  	v3 =	vand.u32 $0x7, v3;
	v4 =	vand.u32 $0xFFFFFFE0, v61  }
0x183: {  	v3 =	vor.u32 v3, v4  }
0x184: {  	v4 =	vperm.xlane v3, v0;
	_ =	sdelay $0x1  }
0x185: {  	v4 =	vadd.s32 v1, v4;
	_ =	sdelay $0x1  }
0x186: {  	v3 =	vperm.xlane v3, v2;
	_ =	sdelay $0x1  }
0x187: {  	s26 =	simm.s32 $0x12C00;
	v3 =	vadd.s32 v1, v3  }
0x188: {  	[tilespmem:s26], [sflag:$0x3] =	stream.indirect_vreg.gather [hbm4b:s2+s3], $0x80, v4, vm0, $0xb8;
	[tilespmem:$0x18C00] =	vst v63  }
0x189: {  	s29 =	simm.s32 $0x13400  }
0x18a: {  	[tilespmem:s29], [sflag:$0x3] =	stream.indirect_vreg.gather [hbm4b:s7+s3], $0x80, v4, vm0, $0xb8;
	[tilespmem:$0x18C00] =	vst v63  }
0x18b: {  	s24 =	simm.s32 $0x13C00  }
0x18c: {  	[tilespmem:s24], [sflag:$0x3] =	stream.indirect_vreg.gather [hbm4b:s2+s3], $0x80, v3, vm0, $0xb8;
	[tilespmem:$0x18C00] =	vst v63  }
0x18d: {  	s24 =	simm.s32 $0x14400  }
0x18e: {  	[tilespmem:s24], [sflag:$0x3] =	stream.indirect_vreg.gather [hbm4b:s7+s3], $0x80, v3, vm0, $0xb8;
	[tilespmem:$0x18C00] =	vst v63  }
0x18f: {  	v3 =	vld [tilespmem:s6+$0x2A0];
	_ =	sdelay $0x4  }
0x190: {  	v62 =	vshll.u32 v3, $0x2  }
0x191: {  	v3 =	vand.u32 $0x7, v3;
	v4 =	vand.u32 $0xFFFFFFE0, v62  }
0x192: {  	v3 =	vor.u32 v3, v4  }
0x193: {  	v4 =	vperm.xlane v3, v0;
	_ =	sdelay $0x1  }
0x194: {  	v4 =	vadd.s32 v1, v4;
	_ =	sdelay $0x1  }
0x195: {  	v3 =	vperm.xlane v3, v2;
	_ =	sdelay $0x1  }
0x196: {  	s24 =	simm.s32 $0x14C00;
	v3 =	vadd.s32 v1, v3  }
0x197: {  	[tilespmem:s24], [sflag:$0x3] =	stream.indirect_vreg.gather [hbm4b:s2+s3], $0x80, v4, vm0, $0xb8;
	[tilespmem:$0x18C00] =	vst v63  }
0x198: {  	s24 =	simm.s32 $0x15400  }
0x199: {  	[tilespmem:s24], [sflag:$0x3] =	stream.indirect_vreg.gather [hbm4b:s7+s3], $0x80, v4, vm0, $0xb8;
	[tilespmem:$0x18C00] =	vst v63  }
0x19a: {  	s24 =	simm.s32 $0x15C00  }
0x19b: {  	[tilespmem:s24], [sflag:$0x3] =	stream.indirect_vreg.gather [hbm4b:s2+s3], $0x80, v3, vm0, $0xb8;
	[tilespmem:$0x18C00] =	vst v63  }
0x19c: {  	s24 =	simm.s32 $0x16400  }
0x19d: {  	[tilespmem:s24], [sflag:$0x3] =	stream.indirect_vreg.gather [hbm4b:s7+s3], $0x80, v3, vm0, $0xb8;
	[tilespmem:$0x18C00] =	vst v63  }
0x19e: {  	v3 =	vld [tilespmem:s6+$0x2B0];
	_ =	sdelay $0x4  }
0x19f: {  	v63 =	vshll.u32 v3, $0x2  }
0x1a0: {  	v3 =	vand.u32 $0x7, v3;
	v4 =	vand.u32 $0xFFFFFFE0, v63  }
0x1a1: {  	v3 =	vor.u32 v3, v4  }
0x1a2: {  	v4 =	vperm.xlane v3, v0;
	_ =	sdelay $0x1  }
0x1a3: {  	v4 =	vadd.s32 v1, v4;
	_ =	sdelay $0x1  }
0x1a4: {  	v3 =	vperm.xlane v3, v2;
	_ =	sdelay $0x1  }
0x1a5: {  	s24 =	simm.s32 $0x16C00;
	v3 =	vadd.s32 v1, v3  }
0x1a6: {  	[tilespmem:s24], [sflag:$0x3] =	stream.indirect_vreg.gather [hbm4b:s2+s3], $0x80, v4, vm0, $0xb8;
	[tilespmem:$0x18C00] =	vst v63  }
0x1a7: {  	s24 =	simm.s32 $0x17400  }
0x1a8: {  	[tilespmem:s24], [sflag:$0x3] =	stream.indirect_vreg.gather [hbm4b:s7+s3], $0x80, v4, vm0, $0xb8;
	[tilespmem:$0x18C00] =	vst v63  }
0x1a9: {  	s24 =	simm.s32 $0x17C00  }
0x1aa: {  	[tilespmem:s24], [sflag:$0x3] =	stream.indirect_vreg.gather [hbm4b:s2+s3], $0x80, v3, vm0, $0xb8;
	[tilespmem:$0x18C00] =	vst v63  }
0x1ab: {  	s24 =	simm.s32 $0x18400  }
0x1ac: {  	[tilespmem:s24], [sflag:$0x3] =	stream.indirect_vreg.gather [hbm4b:s7+s3], $0x80, v3, vm0, $0xb8;
	[tilespmem:$0x18C00] =	vst v63  }
0x1ad: {  	_ =	swait.ge [sflag:s9], $0x8000  }
0x1ae: {  	[sflag:s9] =	ssyncset.done $0x0  }
0x1af: {  	s5 =	simm.s32 $0xC00;
	s24 =	rddreg [dreg:$0x8];
	[sflag:s9] =	ssyncadd.s32 $0xFFFF8000  }
0x1b0: {  	[hbm4b:s24+s3] =	stream.linear.scatter [tilespmem:s5], [sflag:$0x4], $0x8000, $0x38;
	[tilespmem:$0x18C00] =	vst v63  }
0x1b1: {  	_ =	swait.ge [sflag:s19], $0x8000  }
0x1b2: {  	[sflag:s19] =	ssyncset.done $0x0  }
0x1b3: {  	[sflag:s19] =	ssyncadd.s32 $0xFFFF8000  }
0x1b4: {  	v3 =	vld [tilespmem:s6+$0x300];
	_ =	sdelay $0x4  }
0x1b5: {  	v8 =	vshll.u32 v3, $0x2  }
0x1b6: {  	v3 =	vand.u32 $0x7, v3;
	v4 =	vand.u32 $0xFFFFFFE0, v8  }
0x1b7: {  	v3 =	vor.u32 v3, v4  }
0x1b8: {  	v4 =	vperm.xlane v3, v0;
	_ =	sdelay $0x1  }
0x1b9: {  	v4 =	vadd.s32 v1, v4;
	_ =	sdelay $0x1  }
0x1ba: {  	v3 =	vperm.xlane v3, v2;
	_ =	sdelay $0x1  }
0x1bb: {  	v3 =	vadd.s32 v1, v3  }
0x1bc: {  	[tilespmem:s5], [sflag:$0x1] =	stream.indirect_vreg.gather [hbm4b:s2+s3], $0x80, v4, vm0, $0xb8;
	[tilespmem:$0x18C00] =	vst v63  }
0x1bd: {  	s24 =	simm.s32 $0x1400  }
0x1be: {  	[tilespmem:s24], [sflag:$0x1] =	stream.indirect_vreg.gather [hbm4b:s7+s3], $0x80, v4, vm0, $0xb8;
	[tilespmem:$0x18C00] =	vst v63  }
0x1bf: {  	s24 =	simm.s32 $0x1C00  }
0x1c0: {  	[tilespmem:s24], [sflag:$0x1] =	stream.indirect_vreg.gather [hbm4b:s2+s3], $0x80, v3, vm0, $0xb8;
	[tilespmem:$0x18C00] =	vst v63  }
0x1c1: {  	_ = 	snop  }
0x1c2: {  	[tilespmem:s17], [sflag:$0x1] =	stream.indirect_vreg.gather [hbm4b:s7+s3], $0x80, v3, vm0, $0xb8;
	[tilespmem:$0x18C00] =	vst v63  }
0x1c3: {  	v3 =	vld [tilespmem:s6+$0x310];
	_ =	sdelay $0x4  }
0x1c4: {  	v9 =	vshll.u32 v3, $0x2  }
0x1c5: {  	v3 =	vand.u32 $0x7, v3;
	v4 =	vand.u32 $0xFFFFFFE0, v9  }
0x1c6: {  	v3 =	vor.u32 v3, v4  }
0x1c7: {  	v4 =	vperm.xlane v3, v0;
	_ =	sdelay $0x1  }
0x1c8: {  	v4 =	vadd.s32 v1, v4;
	_ =	sdelay $0x1  }
0x1c9: {  	v3 =	vperm.xlane v3, v2;
	_ =	sdelay $0x1  }
0x1ca: {  	s24 =	simm.s32 $0x2C00;
	v3 =	vadd.s32 v1, v3  }
0x1cb: {  	[tilespmem:s24], [sflag:$0x1] =	stream.indirect_vreg.gather [hbm4b:s2+s3], $0x80, v4, vm0, $0xb8;
	[tilespmem:$0x18C00] =	vst v63  }
0x1cc: {  	s24 =	simm.s32 $0x3400  }
0x1cd: {  	[tilespmem:s24], [sflag:$0x1] =	stream.indirect_vreg.gather [hbm4b:s7+s3], $0x80, v4, vm0, $0xb8;
	[tilespmem:$0x18C00] =	vst v63  }
0x1ce: {  	s24 =	simm.s32 $0x3C00  }
0x1cf: {  	[tilespmem:s24], [sflag:$0x1] =	stream.indirect_vreg.gather [hbm4b:s2+s3], $0x80, v3, vm0, $0xb8;
	[tilespmem:$0x18C00] =	vst v63  }
0x1d0: {  	_ = 	snop  }
0x1d1: {  	[tilespmem:s31], [sflag:$0x1] =	stream.indirect_vreg.gather [hbm4b:s7+s3], $0x80, v3, vm0, $0xb8;
	[tilespmem:$0x18C00] =	vst v63  }
0x1d2: {  	v3 =	vld [tilespmem:s6+$0x320];
	_ =	sdelay $0x4  }
0x1d3: {  	v10 =	vshll.u32 v3, $0x2  }
0x1d4: {  	v3 =	vand.u32 $0x7, v3;
	v4 =	vand.u32 $0xFFFFFFE0, v10  }
0x1d5: {  	v3 =	vor.u32 v3, v4  }
0x1d6: {  	v4 =	vperm.xlane v3, v0;
	_ =	sdelay $0x1  }
0x1d7: {  	v4 =	vadd.s32 v1, v4;
	_ =	sdelay $0x1  }
0x1d8: {  	v3 =	vperm.xlane v3, v2;
	_ =	sdelay $0x1  }
0x1d9: {  	s24 =	simm.s32 $0x4C00;
	v3 =	vadd.s32 v1, v3  }
0x1da: {  	[tilespmem:s24], [sflag:$0x1] =	stream.indirect_vreg.gather [hbm4b:s2+s3], $0x80, v4, vm0, $0xb8;
	[tilespmem:$0x18C00] =	vst v63  }
0x1db: {  	s24 =	simm.s32 $0x5400  }
0x1dc: {  	[tilespmem:s24], [sflag:$0x1] =	stream.indirect_vreg.gather [hbm4b:s7+s3], $0x80, v4, vm0, $0xb8;
	[tilespmem:$0x18C00] =	vst v63  }
0x1dd: {  	s24 =	simm.s32 $0x5C00  }
0x1de: {  	[tilespmem:s24], [sflag:$0x1] =	stream.indirect_vreg.gather [hbm4b:s2+s3], $0x80, v3, vm0, $0xb8;
	[tilespmem:$0x18C00] =	vst v63  }
0x1df: {  	_ = 	snop  }
0x1e0: {  	[tilespmem:s25], [sflag:$0x1] =	stream.indirect_vreg.gather [hbm4b:s7+s3], $0x80, v3, vm0, $0xb8;
	[tilespmem:$0x18C00] =	vst v63  }
0x1e1: {  	v3 =	vld [tilespmem:s6+$0x330];
	_ =	sdelay $0x4  }
0x1e2: {  	v11 =	vshll.u32 v3, $0x2  }
0x1e3: {  	v3 =	vand.u32 $0x7, v3;
	v4 =	vand.u32 $0xFFFFFFE0, v11  }
0x1e4: {  	v3 =	vor.u32 v3, v4  }
0x1e5: {  	v4 =	vperm.xlane v3, v0;
	_ =	sdelay $0x1  }
0x1e6: {  	v4 =	vadd.s32 v1, v4;
	_ =	sdelay $0x1  }
0x1e7: {  	v3 =	vperm.xlane v3, v2;
	_ =	sdelay $0x1  }
0x1e8: {  	s24 =	simm.s32 $0x6C00;
	v3 =	vadd.s32 v1, v3  }
0x1e9: {  	[tilespmem:s24], [sflag:$0x1] =	stream.indirect_vreg.gather [hbm4b:s2+s3], $0x80, v4, vm0, $0xb8;
	[tilespmem:$0x18C00] =	vst v63  }
0x1ea: {  	s24 =	simm.s32 $0x7400  }
0x1eb: {  	[tilespmem:s24], [sflag:$0x1] =	stream.indirect_vreg.gather [hbm4b:s7+s3], $0x80, v4, vm0, $0xb8;
	[tilespmem:$0x18C00] =	vst v63  }
0x1ec: {  	s24 =	simm.s32 $0x7C00  }
0x1ed: {  	[tilespmem:s24], [sflag:$0x1] =	stream.indirect_vreg.gather [hbm4b:s2+s3], $0x80, v3, vm0, $0xb8;
	[tilespmem:$0x18C00] =	vst v63  }
0x1ee: {  	_ = 	snop  }
0x1ef: {  	[tilespmem:s10], [sflag:$0x1] =	stream.indirect_vreg.gather [hbm4b:s7+s3], $0x80, v3, vm0, $0xb8;
	[tilespmem:$0x18C00] =	vst v63  }
0x1f0: {  	_ =	swait.ge [sflag:s20], $0x8000  }
0x1f1: {  	[sflag:s20] =	ssyncset.done $0x0  }
0x1f2: {  	s10 =	simm.s32 $0x8C00;
	s5 =	rddreg [dreg:$0x9];
	[sflag:s20] =	ssyncadd.s32 $0xFFFF8000  }
0x1f3: {  	[hbm4b:s5+s3] =	stream.linear.scatter [tilespmem:s10], [sflag:$0x5], $0x8000, $0x38;
	[tilespmem:$0x18C00] =	vst v63  }
0x1f4: {  	_ =	swait.ge [sflag:s21], $0x8000  }
0x1f5: {  	[sflag:s21] =	ssyncset.done $0x0  }
0x1f6: {  	[sflag:s21] =	ssyncadd.s32 $0xFFFF8000  }
0x1f7: {  	v3 =	vld [tilespmem:s6+$0x380];
	_ =	sdelay $0x4  }
0x1f8: {  	v12 =	vshll.u32 v3, $0x2  }
0x1f9: {  	v3 =	vand.u32 $0x7, v3;
	v4 =	vand.u32 $0xFFFFFFE0, v12  }
0x1fa: {  	v3 =	vor.u32 v3, v4  }
0x1fb: {  	v4 =	vperm.xlane v3, v0;
	_ =	sdelay $0x1  }
0x1fc: {  	v4 =	vadd.s32 v1, v4;
	_ =	sdelay $0x1  }
0x1fd: {  	v3 =	vperm.xlane v3, v2;
	_ =	sdelay $0x1  }
0x1fe: {  	v3 =	vadd.s32 v1, v3  }
0x1ff: {  	[tilespmem:s10], [sflag:$0x2] =	stream.indirect_vreg.gather [hbm4b:s2+s3], $0x80, v4, vm0, $0xb8;
	[tilespmem:$0x18C00] =	vst v63  }
0x200: {  	_ = 	snop  }
0x201: {  	[tilespmem:s28], [sflag:$0x2] =	stream.indirect_vreg.gather [hbm4b:s7+s3], $0x80, v4, vm0, $0xb8;
	[tilespmem:$0x18C00] =	vst v63  }
0x202: {  	_ = 	snop  }
0x203: {  	[tilespmem:s1], [sflag:$0x2] =	stream.indirect_vreg.gather [hbm4b:s2+s3], $0x80, v3, vm0, $0xb8;
	[tilespmem:$0x18C00] =	vst v63  }
0x204: {  	s28 =	simm.s32 $0xA400  }
0x205: {  	[tilespmem:s28], [sflag:$0x2] =	stream.indirect_vreg.gather [hbm4b:s7+s3], $0x80, v3, vm0, $0xb8;
	[tilespmem:$0x18C00] =	vst v63  }
0x206: {  	v3 =	vld [tilespmem:s6+$0x390];
	_ =	sdelay $0x4  }
0x207: {  	v13 =	vshll.u32 v3, $0x2  }
0x208: {  	v3 =	vand.u32 $0x7, v3;
	v4 =	vand.u32 $0xFFFFFFE0, v13  }
0x209: {  	v3 =	vor.u32 v3, v4  }
0x20a: {  	v4 =	vperm.xlane v3, v0;
	_ =	sdelay $0x1  }
0x20b: {  	v4 =	vadd.s32 v1, v4;
	_ =	sdelay $0x1  }
0x20c: {  	v3 =	vperm.xlane v3, v2;
	_ =	sdelay $0x1  }
0x20d: {  	v3 =	vadd.s32 v1, v3  }
0x20e: {  	[tilespmem:s30], [sflag:$0x2] =	stream.indirect_vreg.gather [hbm4b:s2+s3], $0x80, v4, vm0, $0xb8;
	[tilespmem:$0x18C00] =	vst v63  }
0x20f: {  	_ = 	snop  }
0x210: {  	[tilespmem:s18], [sflag:$0x2] =	stream.indirect_vreg.gather [hbm4b:s7+s3], $0x80, v4, vm0, $0xb8;
	[tilespmem:$0x18C00] =	vst v63  }
0x211: {  	_ = 	snop  }
0x212: {  	[tilespmem:s4], [sflag:$0x2] =	stream.indirect_vreg.gather [hbm4b:s2+s3], $0x80, v3, vm0, $0xb8;
	[tilespmem:$0x18C00] =	vst v63  }
0x213: {  	s5 =	simm.s32 $0xC400  }
0x214: {  	[tilespmem:s5], [sflag:$0x2] =	stream.indirect_vreg.gather [hbm4b:s7+s3], $0x80, v3, vm0, $0xb8;
	[tilespmem:$0x18C00] =	vst v63  }
0x215: {  	v3 =	vld [tilespmem:s6+$0x3A0];
	_ =	sdelay $0x4  }
0x216: {  	v14 =	vshll.u32 v3, $0x2  }
0x217: {  	v3 =	vand.u32 $0x7, v3;
	v4 =	vand.u32 $0xFFFFFFE0, v14  }
0x218: {  	v3 =	vor.u32 v3, v4  }
0x219: {  	v4 =	vperm.xlane v3, v0;
	_ =	sdelay $0x1  }
0x21a: {  	v4 =	vadd.s32 v1, v4;
	_ =	sdelay $0x1  }
0x21b: {  	v3 =	vperm.xlane v3, v2;
	_ =	sdelay $0x1  }
0x21c: {  	v3 =	vadd.s32 v1, v3  }
0x21d: {  	[tilespmem:s11], [sflag:$0x2] =	stream.indirect_vreg.gather [hbm4b:s2+s3], $0x80, v4, vm0, $0xb8;
	[tilespmem:$0x18C00] =	vst v63  }
0x21e: {  	_ = 	snop  }
0x21f: {  	[tilespmem:s12], [sflag:$0x2] =	stream.indirect_vreg.gather [hbm4b:s7+s3], $0x80, v4, vm0, $0xb8;
	[tilespmem:$0x18C00] =	vst v63  }
0x220: {  	_ = 	snop  }
0x221: {  	[tilespmem:s13], [sflag:$0x2] =	stream.indirect_vreg.gather [hbm4b:s2+s3], $0x80, v3, vm0, $0xb8;
	[tilespmem:$0x18C00] =	vst v63  }
0x222: {  	s10 =	simm.s32 $0xE400  }
0x223: {  	[tilespmem:s10], [sflag:$0x2] =	stream.indirect_vreg.gather [hbm4b:s7+s3], $0x80, v3, vm0, $0xb8;
	[tilespmem:$0x18C00] =	vst v63  }
0x224: {  	v3 =	vld [tilespmem:s6+$0x3B0];
	_ =	sdelay $0x4  }
0x225: {  	v15 =	vshll.u32 v3, $0x2  }
0x226: {  	v3 =	vand.u32 $0x7, v3;
	v4 =	vand.u32 $0xFFFFFFE0, v15  }
0x227: {  	v3 =	vor.u32 v3, v4  }
0x228: {  	v4 =	vperm.xlane v3, v0;
	_ =	sdelay $0x1  }
0x229: {  	v4 =	vadd.s32 v1, v4;
	_ =	sdelay $0x1  }
0x22a: {  	v3 =	vperm.xlane v3, v2;
	_ =	sdelay $0x1  }
0x22b: {  	v3 =	vadd.s32 v1, v3  }
0x22c: {  	[tilespmem:s14], [sflag:$0x2] =	stream.indirect_vreg.gather [hbm4b:s2+s3], $0x80, v4, vm0, $0xb8;
	[tilespmem:$0x18C00] =	vst v63  }
0x22d: {  	_ = 	snop  }
0x22e: {  	[tilespmem:s15], [sflag:$0x2] =	stream.indirect_vreg.gather [hbm4b:s7+s3], $0x80, v4, vm0, $0xb8;
	[tilespmem:$0x18C00] =	vst v63  }
0x22f: {  	_ = 	snop  }
0x230: {  	[tilespmem:s16], [sflag:$0x2] =	stream.indirect_vreg.gather [hbm4b:s2+s3], $0x80, v3, vm0, $0xb8;
	[tilespmem:$0x18C00] =	vst v63  }
0x231: {  	s11 =	simm.s32 $0x10400  }
0x232: {  	[tilespmem:s11], [sflag:$0x2] =	stream.indirect_vreg.gather [hbm4b:s7+s3], $0x80, v3, vm0, $0xb8;
	[tilespmem:$0x18C00] =	vst v63  }
0x233: {  	_ =	swait.ge [sflag:s0], $0x8000  }
0x234: {  	[sflag:s0] =	ssyncset.done $0x0  }
0x235: {  	s13 =	simm.s32 $0x10C00;
	s12 =	rddreg [dreg:$0xa];
	[sflag:s0] =	ssyncadd.s32 $0xFFFF8000  }
0x236: {  	[hbm4b:s12+s3] =	stream.linear.scatter [tilespmem:s13], [sflag:$0x6], $0x8000, $0x38;
	[tilespmem:$0x18C00] =	vst v63  }
0x237: {  	_ =	swait.ge [sflag:s22], $0x8000  }
0x238: {  	[sflag:s22] =	ssyncset.done $0x0  }
0x239: {  	[sflag:s22] =	ssyncadd.s32 $0xFFFF8000  }
0x23a: {  	v3 =	vld [tilespmem:s6+$0x400];
	_ =	sdelay $0x4  }
0x23b: {  	v16 =	vshll.u32 v3, $0x2  }
0x23c: {  	v3 =	vand.u32 $0x7, v3;
	v4 =	vand.u32 $0xFFFFFFE0, v16  }
0x23d: {  	v3 =	vor.u32 v3, v4  }
0x23e: {  	v4 =	vperm.xlane v3, v0;
	_ =	sdelay $0x1  }
0x23f: {  	v4 =	vadd.s32 v1, v4;
	_ =	sdelay $0x1  }
0x240: {  	v3 =	vperm.xlane v3, v2;
	_ =	sdelay $0x1  }
0x241: {  	v3 =	vadd.s32 v1, v3  }
0x242: {  	[tilespmem:s13], [sflag:$0x3] =	stream.indirect_vreg.gather [hbm4b:s2+s3], $0x80, v4, vm0, $0xb8;
	[tilespmem:$0x18C00] =	vst v63  }
0x243: {  	_ = 	snop  }
0x244: {  	[tilespmem:s23], [sflag:$0x3] =	stream.indirect_vreg.gather [hbm4b:s7+s3], $0x80, v4, vm0, $0xb8;
	[tilespmem:$0x18C00] =	vst v63  }
0x245: {  	_ = 	snop  }
0x246: {  	[tilespmem:s8], [sflag:$0x3] =	stream.indirect_vreg.gather [hbm4b:s2+s3], $0x80, v3, vm0, $0xb8;
	[tilespmem:$0x18C00] =	vst v63  }
0x247: {  	s14 =	simm.s32 $0x12400  }
0x248: {  	[tilespmem:s14], [sflag:$0x3] =	stream.indirect_vreg.gather [hbm4b:s7+s3], $0x80, v3, vm0, $0xb8;
	[tilespmem:$0x18C00] =	vst v63  }
0x249: {  	v3 =	vld [tilespmem:s6+$0x410];
	_ =	sdelay $0x4  }
0x24a: {  	v17 =	vshll.u32 v3, $0x2  }
0x24b: {  	v3 =	vand.u32 $0x7, v3;
	v4 =	vand.u32 $0xFFFFFFE0, v17  }
0x24c: {  	v3 =	vor.u32 v3, v4  }
0x24d: {  	v4 =	vperm.xlane v3, v0;
	_ =	sdelay $0x1  }
0x24e: {  	v4 =	vadd.s32 v1, v4;
	_ =	sdelay $0x1  }
0x24f: {  	v3 =	vperm.xlane v3, v2;
	_ =	sdelay $0x1  }
0x250: {  	v3 =	vadd.s32 v1, v3  }
0x251: {  	[tilespmem:s26], [sflag:$0x3] =	stream.indirect_vreg.gather [hbm4b:s2+s3], $0x80, v4, vm0, $0xb8;
	[tilespmem:$0x18C00] =	vst v63  }
0x252: {  	_ = 	snop  }
0x253: {  	[tilespmem:s29], [sflag:$0x3] =	stream.indirect_vreg.gather [hbm4b:s7+s3], $0x80, v4, vm0, $0xb8;
	[tilespmem:$0x18C00] =	vst v63  }
0x254: {  	s29 =	simm.s32 $0x13C00  }
0x255: {  	[tilespmem:s29], [sflag:$0x3] =	stream.indirect_vreg.gather [hbm4b:s2+s3], $0x80, v3, vm0, $0xb8;
	[tilespmem:$0x18C00] =	vst v63  }
0x256: {  	s12 =	simm.s32 $0x14400  }
0x257: {  	[tilespmem:s12], [sflag:$0x3] =	stream.indirect_vreg.gather [hbm4b:s7+s3], $0x80, v3, vm0, $0xb8;
	[tilespmem:$0x18C00] =	vst v63  }
0x258: {  	v3 =	vld [tilespmem:s6+$0x420];
	_ =	sdelay $0x4  }
0x259: {  	v18 =	vshll.u32 v3, $0x2  }
0x25a: {  	v3 =	vand.u32 $0x7, v3;
	v4 =	vand.u32 $0xFFFFFFE0, v18  }
0x25b: {  	v3 =	vor.u32 v3, v4  }
0x25c: {  	v4 =	vperm.xlane v3, v0;
	_ =	sdelay $0x1  }
0x25d: {  	v4 =	vadd.s32 v1, v4;
	_ =	sdelay $0x1  }
0x25e: {  	v3 =	vperm.xlane v3, v2;
	_ =	sdelay $0x1  }
0x25f: {  	s30 =	simm.s32 $0x14C00;
	v3 =	vadd.s32 v1, v3  }
0x260: {  	[tilespmem:s30], [sflag:$0x3] =	stream.indirect_vreg.gather [hbm4b:s2+s3], $0x80, v4, vm0, $0xb8;
	[tilespmem:$0x18C00] =	vst v63  }
0x261: {  	s15 =	simm.s32 $0x15400  }
0x262: {  	[tilespmem:s15], [sflag:$0x3] =	stream.indirect_vreg.gather [hbm4b:s7+s3], $0x80, v4, vm0, $0xb8;
	[tilespmem:$0x18C00] =	vst v63  }
0x263: {  	s8 =	simm.s32 $0x15C00  }
0x264: {  	[tilespmem:s8], [sflag:$0x3] =	stream.indirect_vreg.gather [hbm4b:s2+s3], $0x80, v3, vm0, $0xb8;
	[tilespmem:$0x18C00] =	vst v63  }
0x265: {  	s13 =	simm.s32 $0x16400  }
0x266: {  	[tilespmem:s13], [sflag:$0x3] =	stream.indirect_vreg.gather [hbm4b:s7+s3], $0x80, v3, vm0, $0xb8;
	[tilespmem:$0x18C00] =	vst v63  }
0x267: {  	v3 =	vld [tilespmem:s6+$0x430];
	_ =	sdelay $0x4  }
0x268: {  	v19 =	vshll.u32 v3, $0x2  }
0x269: {  	v3 =	vand.u32 $0x7, v3;
	v4 =	vand.u32 $0xFFFFFFE0, v19  }
0x26a: {  	v3 =	vor.u32 v3, v4  }
0x26b: {  	v4 =	vperm.xlane v3, v0;
	_ =	sdelay $0x1  }
0x26c: {  	v4 =	vadd.s32 v1, v4;
	_ =	sdelay $0x1  }
0x26d: {  	v3 =	vperm.xlane v3, v2;
	_ =	sdelay $0x1  }
0x26e: {  	s16 =	simm.s32 $0x16C00;
	v3 =	vadd.s32 v1, v3  }
0x26f: {  	[tilespmem:s16], [sflag:$0x3] =	stream.indirect_vreg.gather [hbm4b:s2+s3], $0x80, v4, vm0, $0xb8;
	[tilespmem:$0x18C00] =	vst v63  }
0x270: {  	s10 =	simm.s32 $0x17400  }
0x271: {  	[tilespmem:s10], [sflag:$0x3] =	stream.indirect_vreg.gather [hbm4b:s7+s3], $0x80, v4, vm0, $0xb8;
	[tilespmem:$0x18C00] =	vst v63  }
0x272: {  	s11 =	simm.s32 $0x17C00  }
0x273: {  	[tilespmem:s11], [sflag:$0x3] =	stream.indirect_vreg.gather [hbm4b:s2+s3], $0x80, v3, vm0, $0xb8;
	[tilespmem:$0x18C00] =	vst v63  }
0x274: {  	s14 =	simm.s32 $0x18400  }
0x275: {  	[tilespmem:s14], [sflag:$0x3] =	stream.indirect_vreg.gather [hbm4b:s7+s3], $0x80, v3, vm0, $0xb8;
	[tilespmem:$0x18C00] =	vst v63  }
0x276: {  	_ =	swait.ge [sflag:s9], $0x8000  }
0x277: {  	[sflag:s9] =	ssyncset.done $0x0  }
0x278: {  	s23 =	simm.s32 $0xC00;
	s18 =	rddreg [dreg:$0xb];
	[sflag:s9] =	ssyncadd.s32 $0xFFFF8000  }
0x279: {  	[hbm4b:s18+s3] =	stream.linear.scatter [tilespmem:s23], [sflag:$0x4], $0x8000, $0x38;
	[tilespmem:$0x18C00] =	vst v63  }
0x27a: {  	_ =	swait.ge [sflag:s19], $0x8000  }
0x27b: {  	[sflag:s19] =	ssyncset.done $0x0  }
0x27c: {  	[sflag:s19] =	ssyncadd.s32 $0xFFFF8000  }
0x27d: {  	v3 =	vld [tilespmem:s6+$0x480];
	_ =	sdelay $0x4  }
0x27e: {  	v20 =	vshll.u32 v3, $0x2  }
0x27f: {  	v3 =	vand.u32 $0x7, v3;
	v4 =	vand.u32 $0xFFFFFFE0, v20  }
0x280: {  	v3 =	vor.u32 v3, v4  }
0x281: {  	v4 =	vperm.xlane v3, v0;
	_ =	sdelay $0x1  }
0x282: {  	v4 =	vadd.s32 v1, v4;
	_ =	sdelay $0x1  }
0x283: {  	v3 =	vperm.xlane v3, v2;
	_ =	sdelay $0x1  }
0x284: {  	v3 =	vadd.s32 v1, v3  }
0x285: {  	[tilespmem:s23], [sflag:$0x1] =	stream.indirect_vreg.gather [hbm4b:s2+s3], $0x80, v4, vm0, $0xb8;
	[tilespmem:$0x18C00] =	vst v63  }
0x286: {  	s1 =	simm.s32 $0x1400  }
0x287: {  	[tilespmem:s1], [sflag:$0x1] =	stream.indirect_vreg.gather [hbm4b:s7+s3], $0x80, v4, vm0, $0xb8;
	[tilespmem:$0x18C00] =	vst v63  }
0x288: {  	s24 =	simm.s32 $0x1C00  }
0x289: {  	[tilespmem:s24], [sflag:$0x1] =	stream.indirect_vreg.gather [hbm4b:s2+s3], $0x80, v3, vm0, $0xb8;
	[tilespmem:$0x18C00] =	vst v63  }
0x28a: {  	s17 =	simm.s32 $0x2400  }
0x28b: {  	[tilespmem:s17], [sflag:$0x1] =	stream.indirect_vreg.gather [hbm4b:s7+s3], $0x80, v3, vm0, $0xb8;
	[tilespmem:$0x18C00] =	vst v63  }
0x28c: {  	v3 =	vld [tilespmem:s6+$0x490];
	_ =	sdelay $0x4  }
0x28d: {  	v21 =	vshll.u32 v3, $0x2  }
0x28e: {  	v3 =	vand.u32 $0x7, v3;
	v4 =	vand.u32 $0xFFFFFFE0, v21  }
0x28f: {  	v3 =	vor.u32 v3, v4  }
0x290: {  	v4 =	vperm.xlane v3, v0;
	_ =	sdelay $0x1  }
0x291: {  	v4 =	vadd.s32 v1, v4;
	_ =	sdelay $0x1  }
0x292: {  	v3 =	vperm.xlane v3, v2;
	_ =	sdelay $0x1  }
0x293: {  	s26 =	simm.s32 $0x2C00;
	v3 =	vadd.s32 v1, v3  }
0x294: {  	[tilespmem:s26], [sflag:$0x1] =	stream.indirect_vreg.gather [hbm4b:s2+s3], $0x80, v4, vm0, $0xb8;
	[tilespmem:$0x18C00] =	vst v63  }
0x295: {  	s5 =	simm.s32 $0x3400  }
0x296: {  	[tilespmem:s5], [sflag:$0x1] =	stream.indirect_vreg.gather [hbm4b:s7+s3], $0x80, v4, vm0, $0xb8;
	[tilespmem:$0x18C00] =	vst v63  }
0x297: {  	s15 =	simm.s32 $0x3C00  }
0x298: {  	[tilespmem:s15], [sflag:$0x1] =	stream.indirect_vreg.gather [hbm4b:s2+s3], $0x80, v3, vm0, $0xb8;
	[tilespmem:$0x18C00] =	vst v63  }
0x299: {  	s31 =	simm.s32 $0x4400  }
0x29a: {  	[tilespmem:s31], [sflag:$0x1] =	stream.indirect_vreg.gather [hbm4b:s7+s3], $0x80, v3, vm0, $0xb8;
	[tilespmem:$0x18C00] =	vst v63  }
0x29b: {  	v3 =	vld [tilespmem:s6+$0x4A0];
	_ =	sdelay $0x4  }
0x29c: {  	v22 =	vshll.u32 v3, $0x2  }
0x29d: {  	v3 =	vand.u32 $0x7, v3;
	v4 =	vand.u32 $0xFFFFFFE0, v22  }
0x29e: {  	v3 =	vor.u32 v3, v4  }
0x29f: {  	v4 =	vperm.xlane v3, v0;
	_ =	sdelay $0x1  }
0x2a0: {  	v4 =	vadd.s32 v1, v4;
	_ =	sdelay $0x1  }
0x2a1: {  	v3 =	vperm.xlane v3, v2;
	_ =	sdelay $0x1  }
0x2a2: {  	s16 =	simm.s32 $0x4C00;
	v3 =	vadd.s32 v1, v3  }
0x2a3: {  	[tilespmem:s16], [sflag:$0x1] =	stream.indirect_vreg.gather [hbm4b:s2+s3], $0x80, v4, vm0, $0xb8;
	[tilespmem:$0x18C00] =	vst v63  }
0x2a4: {  	s17 =	simm.s32 $0x5400  }
0x2a5: {  	[tilespmem:s17], [sflag:$0x1] =	stream.indirect_vreg.gather [hbm4b:s7+s3], $0x80, v4, vm0, $0xb8;
	[tilespmem:$0x18C00] =	vst v63  }
0x2a6: {  	s18 =	simm.s32 $0x5C00  }
0x2a7: {  	[tilespmem:s18], [sflag:$0x1] =	stream.indirect_vreg.gather [hbm4b:s2+s3], $0x80, v3, vm0, $0xb8;
	[tilespmem:$0x18C00] =	vst v63  }
0x2a8: {  	s25 =	simm.s32 $0x6400  }
0x2a9: {  	[tilespmem:s25], [sflag:$0x1] =	stream.indirect_vreg.gather [hbm4b:s7+s3], $0x80, v3, vm0, $0xb8;
	[tilespmem:$0x18C00] =	vst v63  }
0x2aa: {  	v3 =	vld [tilespmem:s6+$0x4B0];
	_ =	sdelay $0x4  }
0x2ab: {  	v23 =	vshll.u32 v3, $0x2  }
0x2ac: {  	v3 =	vand.u32 $0x7, v3;
	v4 =	vand.u32 $0xFFFFFFE0, v23  }
0x2ad: {  	v3 =	vor.u32 v3, v4  }
0x2ae: {  	v4 =	vperm.xlane v3, v0;
	_ =	sdelay $0x1  }
0x2af: {  	v4 =	vadd.s32 v1, v4;
	_ =	sdelay $0x1  }
0x2b0: {  	v3 =	vperm.xlane v3, v2;
	_ =	sdelay $0x1  }
0x2b1: {  	s23 =	simm.s32 $0x6C00;
	v3 =	vadd.s32 v1, v3  }
0x2b2: {  	[tilespmem:s23], [sflag:$0x1] =	stream.indirect_vreg.gather [hbm4b:s2+s3], $0x80, v4, vm0, $0xb8;
	[tilespmem:$0x18C00] =	vst v63  }
0x2b3: {  	s24 =	simm.s32 $0x7400  }
0x2b4: {  	[tilespmem:s24], [sflag:$0x1] =	stream.indirect_vreg.gather [hbm4b:s7+s3], $0x80, v4, vm0, $0xb8;
	[tilespmem:$0x18C00] =	vst v63  }
0x2b5: {  	s25 =	simm.s32 $0x7C00  }
0x2b6: {  	[tilespmem:s25], [sflag:$0x1] =	stream.indirect_vreg.gather [hbm4b:s2+s3], $0x80, v3, vm0, $0xb8;
	[tilespmem:$0x18C00] =	vst v63  }
0x2b7: {  	s26 =	simm.s32 $0x8400  }
0x2b8: {  	[tilespmem:s26], [sflag:$0x1] =	stream.indirect_vreg.gather [hbm4b:s7+s3], $0x80, v3, vm0, $0xb8;
	[tilespmem:$0x18C00] =	vst v63  }
0x2b9: {  	_ =	swait.ge [sflag:s20], $0x8000  }
0x2ba: {  	[sflag:s20] =	ssyncset.done $0x0  }
0x2bb: {  	s4 =	simm.s32 $0x8C00;
	s31 =	rddreg [dreg:$0xc];
	[sflag:s20] =	ssyncadd.s32 $0xFFFF8000  }
0x2bc: {  	[hbm4b:s31+s3] =	stream.linear.scatter [tilespmem:s4], [sflag:$0x5], $0x8000, $0x38;
	[tilespmem:$0x18C00] =	vst v63  }
0x2bd: {  	_ =	swait.ge [sflag:s21], $0x8000  }
0x2be: {  	[sflag:s21] =	ssyncset.done $0x0  }
0x2bf: {  	[sflag:s21] =	ssyncadd.s32 $0xFFFF8000  }
0x2c0: {  	v3 =	vld [tilespmem:s6+$0x500];
	_ =	sdelay $0x4  }
0x2c1: {  	v24 =	vshll.u32 v3, $0x2  }
0x2c2: {  	v3 =	vand.u32 $0x7, v3;
	v4 =	vand.u32 $0xFFFFFFE0, v24  }
0x2c3: {  	v3 =	vor.u32 v3, v4  }
0x2c4: {  	v4 =	vperm.xlane v3, v0;
	_ =	sdelay $0x1  }
0x2c5: {  	v4 =	vadd.s32 v1, v4;
	_ =	sdelay $0x1  }
0x2c6: {  	v3 =	vperm.xlane v3, v2;
	_ =	sdelay $0x1  }
0x2c7: {  	v3 =	vadd.s32 v1, v3  }
0x2c8: {  	[tilespmem:s4], [sflag:$0x2] =	stream.indirect_vreg.gather [hbm4b:s2+s3], $0x80, v4, vm0, $0xb8;
	[tilespmem:$0x18C00] =	vst v63  }
0x2c9: {  	s17 =	simm.s32 $0x9400  }
0x2ca: {  	[tilespmem:s17], [sflag:$0x2] =	stream.indirect_vreg.gather [hbm4b:s7+s3], $0x80, v4, vm0, $0xb8;
	[tilespmem:$0x18C00] =	vst v63  }
0x2cb: {  	s18 =	simm.s32 $0x9C00  }
0x2cc: {  	[tilespmem:s18], [sflag:$0x2] =	stream.indirect_vreg.gather [hbm4b:s2+s3], $0x80, v3, vm0, $0xb8;
	[tilespmem:$0x18C00] =	vst v63  }
0x2cd: {  	s28 =	simm.s32 $0xA400  }
0x2ce: {  	[tilespmem:s28], [sflag:$0x2] =	stream.indirect_vreg.gather [hbm4b:s7+s3], $0x80, v3, vm0, $0xb8;
	[tilespmem:$0x18C00] =	vst v63  }
0x2cf: {  	v3 =	vld [tilespmem:s6+$0x510];
	_ =	sdelay $0x4  }
0x2d0: {  	v25 =	vshll.u32 v3, $0x2  }
0x2d1: {  	v3 =	vand.u32 $0x7, v3;
	v4 =	vand.u32 $0xFFFFFFE0, v25  }
0x2d2: {  	v3 =	vor.u32 v3, v4  }
0x2d3: {  	v4 =	vperm.xlane v3, v0;
	_ =	sdelay $0x1  }
0x2d4: {  	v4 =	vadd.s32 v1, v4;
	_ =	sdelay $0x1  }
0x2d5: {  	v3 =	vperm.xlane v3, v2;
	_ =	sdelay $0x1  }
0x2d6: {  	s23 =	simm.s32 $0xAC00;
	v3 =	vadd.s32 v1, v3  }
0x2d7: {  	[tilespmem:s23], [sflag:$0x2] =	stream.indirect_vreg.gather [hbm4b:s2+s3], $0x80, v4, vm0, $0xb8;
	[tilespmem:$0x18C00] =	vst v63  }
0x2d8: {  	s25 =	simm.s32 $0xB400  }
0x2d9: {  	[tilespmem:s25], [sflag:$0x2] =	stream.indirect_vreg.gather [hbm4b:s7+s3], $0x80, v4, vm0, $0xb8;
	[tilespmem:$0x18C00] =	vst v63  }
0x2da: {  	s26 =	simm.s32 $0xBC00  }
0x2db: {  	[tilespmem:s26], [sflag:$0x2] =	stream.indirect_vreg.gather [hbm4b:s2+s3], $0x80, v3, vm0, $0xb8;
	[tilespmem:$0x18C00] =	vst v63  }
0x2dc: {  	s15 =	simm.s32 $0xC400  }
0x2dd: {  	[tilespmem:s15], [sflag:$0x2] =	stream.indirect_vreg.gather [hbm4b:s7+s3], $0x80, v3, vm0, $0xb8;
	[tilespmem:$0x18C00] =	vst v63  }
0x2de: {  	v3 =	vld [tilespmem:s6+$0x520];
	_ =	sdelay $0x4  }
0x2df: {  	v26 =	vshll.u32 v3, $0x2  }
0x2e0: {  	v3 =	vand.u32 $0x7, v3;
	v4 =	vand.u32 $0xFFFFFFE0, v26  }
0x2e1: {  	v3 =	vor.u32 v3, v4  }
0x2e2: {  	v4 =	vperm.xlane v3, v0;
	_ =	sdelay $0x1  }
0x2e3: {  	v4 =	vadd.s32 v1, v4;
	_ =	sdelay $0x1  }
0x2e4: {  	v3 =	vperm.xlane v3, v2;
	_ =	sdelay $0x1  }
0x2e5: {  	s28 =	simm.s32 $0xCC00;
	v3 =	vadd.s32 v1, v3  }
0x2e6: {  	[tilespmem:s28], [sflag:$0x2] =	stream.indirect_vreg.gather [hbm4b:s2+s3], $0x80, v4, vm0, $0xb8;
	[tilespmem:$0x18C00] =	vst v63  }
0x2e7: {  	s31 =	simm.s32 $0xD400  }
0x2e8: {  	[tilespmem:s31], [sflag:$0x2] =	stream.indirect_vreg.gather [hbm4b:s7+s3], $0x80, v4, vm0, $0xb8;
	[tilespmem:$0x18C00] =	vst v63  }
0x2e9: {  	s16 =	simm.s32 $0xDC00  }
0x2ea: {  	[tilespmem:s16], [sflag:$0x2] =	stream.indirect_vreg.gather [hbm4b:s2+s3], $0x80, v3, vm0, $0xb8;
	[tilespmem:$0x18C00] =	vst v63  }
0x2eb: {  	s24 =	simm.s32 $0xE400  }
0x2ec: {  	[tilespmem:s24], [sflag:$0x2] =	stream.indirect_vreg.gather [hbm4b:s7+s3], $0x80, v3, vm0, $0xb8;
	[tilespmem:$0x18C00] =	vst v63  }
0x2ed: {  	v3 =	vld [tilespmem:s6+$0x530];
	_ =	sdelay $0x4  }
0x2ee: {  	v27 =	vshll.u32 v3, $0x2  }
0x2ef: {  	v3 =	vand.u32 $0x7, v3;
	v4 =	vand.u32 $0xFFFFFFE0, v27  }
0x2f0: {  	v3 =	vor.u32 v3, v4  }
0x2f1: {  	v4 =	vperm.xlane v3, v0;
	_ =	sdelay $0x1  }
0x2f2: {  	v4 =	vadd.s32 v1, v4;
	_ =	sdelay $0x1  }
0x2f3: {  	v3 =	vperm.xlane v3, v2;
	_ =	sdelay $0x1  }
0x2f4: {  	s15 =	simm.s32 $0xEC00;
	v3 =	vadd.s32 v1, v3  }
0x2f5: {  	[tilespmem:s15], [sflag:$0x2] =	stream.indirect_vreg.gather [hbm4b:s2+s3], $0x80, v4, vm0, $0xb8;
	[tilespmem:$0x18C00] =	vst v63  }
0x2f6: {  	s16 =	simm.s32 $0xF400  }
0x2f7: {  	[tilespmem:s16], [sflag:$0x2] =	stream.indirect_vreg.gather [hbm4b:s7+s3], $0x80, v4, vm0, $0xb8;
	[tilespmem:$0x18C00] =	vst v63  }
0x2f8: {  	s5 =	simm.s32 $0xFC00  }
0x2f9: {  	[tilespmem:s5], [sflag:$0x2] =	stream.indirect_vreg.gather [hbm4b:s2+s3], $0x80, v3, vm0, $0xb8;
	[tilespmem:$0x18C00] =	vst v63  }
0x2fa: {  	s24 =	simm.s32 $0x10400  }
0x2fb: {  	[tilespmem:s24], [sflag:$0x2] =	stream.indirect_vreg.gather [hbm4b:s7+s3], $0x80, v3, vm0, $0xb8;
	[tilespmem:$0x18C00] =	vst v63  }
0x2fc: {  	_ =	swait.ge [sflag:s0], $0x8000  }
0x2fd: {  	[sflag:s0] =	ssyncset.done $0x0  }
0x2fe: {  	s5 =	simm.s32 $0x10C00;
	s4 =	rddreg [dreg:$0xd];
	[sflag:s0] =	ssyncadd.s32 $0xFFFF8000  }
0x2ff: {  	[hbm4b:s4+s3] =	stream.linear.scatter [tilespmem:s5], [sflag:$0x6], $0x8000, $0x38;
	[tilespmem:$0x18C00] =	vst v63  }
0x300: {  	_ =	swait.ge [sflag:s22], $0x8000  }
0x301: {  	[sflag:s22] =	ssyncset.done $0x0  }
0x302: {  	[sflag:s22] =	ssyncadd.s32 $0xFFFF8000  }
0x303: {  	v3 =	vld [tilespmem:s6+$0x580];
	_ =	sdelay $0x4  }
0x304: {  	v28 =	vshll.u32 v3, $0x2  }
0x305: {  	v3 =	vand.u32 $0x7, v3;
	v4 =	vand.u32 $0xFFFFFFE0, v28  }
0x306: {  	v3 =	vor.u32 v3, v4  }
0x307: {  	v4 =	vperm.xlane v3, v0;
	_ =	sdelay $0x1  }
0x308: {  	v4 =	vadd.s32 v1, v4;
	_ =	sdelay $0x1  }
0x309: {  	v3 =	vperm.xlane v3, v2;
	_ =	sdelay $0x1  }
0x30a: {  	v3 =	vadd.s32 v1, v3  }
0x30b: {  	[tilespmem:s5], [sflag:$0x3] =	stream.indirect_vreg.gather [hbm4b:s2+s3], $0x80, v4, vm0, $0xb8;
	[tilespmem:$0x18C00] =	vst v63  }
0x30c: {  	s5 =	simm.s32 $0x11400  }
0x30d: {  	[tilespmem:s5], [sflag:$0x3] =	stream.indirect_vreg.gather [hbm4b:s7+s3], $0x80, v4, vm0, $0xb8;
	[tilespmem:$0x18C00] =	vst v63  }
0x30e: {  	s24 =	simm.s32 $0x11C00  }
0x30f: {  	[tilespmem:s24], [sflag:$0x3] =	stream.indirect_vreg.gather [hbm4b:s2+s3], $0x80, v3, vm0, $0xb8;
	[tilespmem:$0x18C00] =	vst v63  }
0x310: {  	s24 =	simm.s32 $0x12400  }
0x311: {  	[tilespmem:s24], [sflag:$0x3] =	stream.indirect_vreg.gather [hbm4b:s7+s3], $0x80, v3, vm0, $0xb8;
	[tilespmem:$0x18C00] =	vst v63  }
0x312: {  	v3 =	vld [tilespmem:s6+$0x590];
	_ =	sdelay $0x4  }
0x313: {  	v29 =	vshll.u32 v3, $0x2  }
0x314: {  	v3 =	vand.u32 $0x7, v3;
	v4 =	vand.u32 $0xFFFFFFE0, v29  }
0x315: {  	v3 =	vor.u32 v3, v4  }
0x316: {  	v4 =	vperm.xlane v3, v0;
	_ =	sdelay $0x1  }
0x317: {  	v4 =	vadd.s32 v1, v4;
	_ =	sdelay $0x1  }
0x318: {  	v3 =	vperm.xlane v3, v2;
	_ =	sdelay $0x1  }
0x319: {  	s24 =	simm.s32 $0x12C00;
	v3 =	vadd.s32 v1, v3  }
0x31a: {  	[tilespmem:s24], [sflag:$0x3] =	stream.indirect_vreg.gather [hbm4b:s2+s3], $0x80, v4, vm0, $0xb8;
	[tilespmem:$0x18C00] =	vst v63  }
0x31b: {  	s24 =	simm.s32 $0x13400  }
0x31c: {  	[tilespmem:s24], [sflag:$0x3] =	stream.indirect_vreg.gather [hbm4b:s7+s3], $0x80, v4, vm0, $0xb8;
	[tilespmem:$0x18C00] =	vst v63  }
0x31d: {  	_ = 	snop  }
0x31e: {  	[tilespmem:s29], [sflag:$0x3] =	stream.indirect_vreg.gather [hbm4b:s2+s3], $0x80, v3, vm0, $0xb8;
	[tilespmem:$0x18C00] =	vst v63  }
0x31f: {  	_ = 	snop  }
0x320: {  	[tilespmem:s12], [sflag:$0x3] =	stream.indirect_vreg.gather [hbm4b:s7+s3], $0x80, v3, vm0, $0xb8;
	[tilespmem:$0x18C00] =	vst v63  }
0x321: {  	v3 =	vld [tilespmem:s6+$0x5A0];
	_ =	sdelay $0x4  }
0x322: {  	v30 =	vshll.u32 v3, $0x2  }
0x323: {  	v3 =	vand.u32 $0x7, v3;
	v4 =	vand.u32 $0xFFFFFFE0, v30  }
0x324: {  	v3 =	vor.u32 v3, v4  }
0x325: {  	v4 =	vperm.xlane v3, v0;
	_ =	sdelay $0x1  }
0x326: {  	v4 =	vadd.s32 v1, v4;
	_ =	sdelay $0x1  }
0x327: {  	v3 =	vperm.xlane v3, v2;
	_ =	sdelay $0x1  }
0x328: {  	v3 =	vadd.s32 v1, v3  }
0x329: {  	[tilespmem:s30], [sflag:$0x3] =	stream.indirect_vreg.gather [hbm4b:s2+s3], $0x80, v4, vm0, $0xb8;
	[tilespmem:$0x18C00] =	vst v63  }
0x32a: {  	s30 =	simm.s32 $0x15400  }
0x32b: {  	[tilespmem:s30], [sflag:$0x3] =	stream.indirect_vreg.gather [hbm4b:s7+s3], $0x80, v4, vm0, $0xb8;
	[tilespmem:$0x18C00] =	vst v63  }
0x32c: {  	_ = 	snop  }
0x32d: {  	[tilespmem:s8], [sflag:$0x3] =	stream.indirect_vreg.gather [hbm4b:s2+s3], $0x80, v3, vm0, $0xb8;
	[tilespmem:$0x18C00] =	vst v63  }
0x32e: {  	_ = 	snop  }
0x32f: {  	[tilespmem:s13], [sflag:$0x3] =	stream.indirect_vreg.gather [hbm4b:s7+s3], $0x80, v3, vm0, $0xb8;
	[tilespmem:$0x18C00] =	vst v63  }
0x330: {  	v3 =	vld [tilespmem:s6+$0x5B0];
	_ =	sdelay $0x4  }
0x331: {  	v31 =	vshll.u32 v3, $0x2  }
0x332: {  	v3 =	vand.u32 $0x7, v3;
	v4 =	vand.u32 $0xFFFFFFE0, v31  }
0x333: {  	v3 =	vor.u32 v3, v4  }
0x334: {  	v4 =	vperm.xlane v3, v0;
	_ =	sdelay $0x1  }
0x335: {  	v4 =	vadd.s32 v1, v4;
	_ =	sdelay $0x1  }
0x336: {  	v3 =	vperm.xlane v3, v2;
	_ =	sdelay $0x1  }
0x337: {  	s8 =	simm.s32 $0x16C00;
	v3 =	vadd.s32 v1, v3  }
0x338: {  	[tilespmem:s8], [sflag:$0x3] =	stream.indirect_vreg.gather [hbm4b:s2+s3], $0x80, v4, vm0, $0xb8;
	[tilespmem:$0x18C00] =	vst v63  }
0x339: {  	_ = 	snop  }
0x33a: {  	[tilespmem:s10], [sflag:$0x3] =	stream.indirect_vreg.gather [hbm4b:s7+s3], $0x80, v4, vm0, $0xb8;
	[tilespmem:$0x18C00] =	vst v63  }
0x33b: {  	_ = 	snop  }
0x33c: {  	[tilespmem:s11], [sflag:$0x3] =	stream.indirect_vreg.gather [hbm4b:s2+s3], $0x80, v3, vm0, $0xb8;
	[tilespmem:$0x18C00] =	vst v63  }
0x33d: {  	_ = 	snop  }
0x33e: {  	[tilespmem:s14], [sflag:$0x3] =	stream.indirect_vreg.gather [hbm4b:s7+s3], $0x80, v3, vm0, $0xb8;
	[tilespmem:$0x18C00] =	vst v63  }
0x33f: {  	_ =	swait.ge [sflag:s9], $0x8000  }
0x340: {  	[sflag:s9] =	ssyncset.done $0x0  }
0x341: {  	s13 =	simm.s32 $0xC00;
	s12 =	rddreg [dreg:$0xe];
	[sflag:s9] =	ssyncadd.s32 $0xFFFF8000  }
0x342: {  	[hbm4b:s12+s3] =	stream.linear.scatter [tilespmem:s13], [sflag:$0x4], $0x8000, $0x38;
	[tilespmem:$0x18C00] =	vst v63  }
0x343: {  	_ =	swait.ge [sflag:s19], $0x8000  }
0x344: {  	[sflag:s19] =	ssyncset.done $0x0  }
0x345: {  	[sflag:s19] =	ssyncadd.s32 $0xFFFF8000  }
0x346: {  	v3 =	vld [tilespmem:s6+$0x600];
	_ =	sdelay $0x4  }
0x347: {  	v32 =	vshll.u32 v3, $0x2  }
0x348: {  	v3 =	vand.u32 $0x7, v3;
	v4 =	vand.u32 $0xFFFFFFE0, v32  }
0x349: {  	v3 =	vor.u32 v3, v4  }
0x34a: {  	v4 =	vperm.xlane v3, v0;
	_ =	sdelay $0x1  }
0x34b: {  	v4 =	vadd.s32 v1, v4;
	_ =	sdelay $0x1  }
0x34c: {  	v3 =	vperm.xlane v3, v2;
	_ =	sdelay $0x1  }
0x34d: {  	v3 =	vadd.s32 v1, v3  }
0x34e: {  	[tilespmem:s13], [sflag:$0x1] =	stream.indirect_vreg.gather [hbm4b:s2+s3], $0x80, v4, vm0, $0xb8;
	[tilespmem:$0x18C00] =	vst v63  }
0x34f: {  	_ = 	snop  }
0x350: {  	[tilespmem:s1], [sflag:$0x1] =	stream.indirect_vreg.gather [hbm4b:s7+s3], $0x80, v4, vm0, $0xb8;
	[tilespmem:$0x18C00] =	vst v63  }
0x351: {  	s14 =	simm.s32 $0x1C00  }
0x352: {  	[tilespmem:s14], [sflag:$0x1] =	stream.indirect_vreg.gather [hbm4b:s2+s3], $0x80, v3, vm0, $0xb8;
	[tilespmem:$0x18C00] =	vst v63  }
0x353: {  	s4 =	simm.s32 $0x2400  }
0x354: {  	[tilespmem:s4], [sflag:$0x1] =	stream.indirect_vreg.gather [hbm4b:s7+s3], $0x80, v3, vm0, $0xb8;
	[tilespmem:$0x18C00] =	vst v63  }
0x355: {  	v3 =	vld [tilespmem:s6+$0x610];
	_ =	sdelay $0x4  }
0x356: {  	v33 =	vshll.u32 v3, $0x2  }
0x357: {  	v3 =	vand.u32 $0x7, v3;
	v4 =	vand.u32 $0xFFFFFFE0, v33  }
0x358: {  	v3 =	vor.u32 v3, v4  }
0x359: {  	v4 =	vperm.xlane v3, v0;
	_ =	sdelay $0x1  }
0x35a: {  	v4 =	vadd.s32 v1, v4;
	_ =	sdelay $0x1  }
0x35b: {  	v3 =	vperm.xlane v3, v2;
	_ =	sdelay $0x1  }
0x35c: {  	s24 =	simm.s32 $0x2C00;
	v3 =	vadd.s32 v1, v3  }
0x35d: {  	[tilespmem:s24], [sflag:$0x1] =	stream.indirect_vreg.gather [hbm4b:s2+s3], $0x80, v4, vm0, $0xb8;
	[tilespmem:$0x18C00] =	vst v63  }
0x35e: {  	s8 =	simm.s32 $0x3400  }
0x35f: {  	[tilespmem:s8], [sflag:$0x1] =	stream.indirect_vreg.gather [hbm4b:s7+s3], $0x80, v4, vm0, $0xb8;
	[tilespmem:$0x18C00] =	vst v63  }
0x360: {  	s10 =	simm.s32 $0x3C00  }
0x361: {  	[tilespmem:s10], [sflag:$0x1] =	stream.indirect_vreg.gather [hbm4b:s2+s3], $0x80, v3, vm0, $0xb8;
	[tilespmem:$0x18C00] =	vst v63  }
0x362: {  	s8 =	simm.s32 $0x4400  }
0x363: {  	[tilespmem:s8], [sflag:$0x1] =	stream.indirect_vreg.gather [hbm4b:s7+s3], $0x80, v3, vm0, $0xb8;
	[tilespmem:$0x18C00] =	vst v63  }
0x364: {  	v3 =	vld [tilespmem:s6+$0x620];
	_ =	sdelay $0x4  }
0x365: {  	v34 =	vshll.u32 v3, $0x2  }
0x366: {  	v3 =	vand.u32 $0x7, v3;
	v4 =	vand.u32 $0xFFFFFFE0, v34  }
0x367: {  	v3 =	vor.u32 v3, v4  }
0x368: {  	v4 =	vperm.xlane v3, v0;
	_ =	sdelay $0x1  }
0x369: {  	v4 =	vadd.s32 v1, v4;
	_ =	sdelay $0x1  }
0x36a: {  	v3 =	vperm.xlane v3, v2;
	_ =	sdelay $0x1  }
0x36b: {  	s11 =	simm.s32 $0x4C00;
	v3 =	vadd.s32 v1, v3  }
0x36c: {  	[tilespmem:s11], [sflag:$0x1] =	stream.indirect_vreg.gather [hbm4b:s2+s3], $0x80, v4, vm0, $0xb8;
	[tilespmem:$0x18C00] =	vst v63  }
0x36d: {  	s12 =	simm.s32 $0x5400  }
0x36e: {  	[tilespmem:s12], [sflag:$0x1] =	stream.indirect_vreg.gather [hbm4b:s7+s3], $0x80, v4, vm0, $0xb8;
	[tilespmem:$0x18C00] =	vst v63  }
0x36f: {  	s13 =	simm.s32 $0x5C00  }
0x370: {  	[tilespmem:s13], [sflag:$0x1] =	stream.indirect_vreg.gather [hbm4b:s2+s3], $0x80, v3, vm0, $0xb8;
	[tilespmem:$0x18C00] =	vst v63  }
0x371: {  	s10 =	simm.s32 $0x6400  }
0x372: {  	[tilespmem:s10], [sflag:$0x1] =	stream.indirect_vreg.gather [hbm4b:s7+s3], $0x80, v3, vm0, $0xb8;
	[tilespmem:$0x18C00] =	vst v63  }
0x373: {  	v3 =	vld [tilespmem:s6+$0x630];
	_ =	sdelay $0x4  }
0x374: {  	v35 =	vshll.u32 v3, $0x2  }
0x375: {  	v3 =	vand.u32 $0x7, v3;
	v4 =	vand.u32 $0xFFFFFFE0, v35  }
0x376: {  	v3 =	vor.u32 v3, v4  }
0x377: {  	v4 =	vperm.xlane v3, v0;
	_ =	sdelay $0x1  }
0x378: {  	v4 =	vadd.s32 v1, v4;
	_ =	sdelay $0x1  }
0x379: {  	v3 =	vperm.xlane v3, v2;
	_ =	sdelay $0x1  }
0x37a: {  	s14 =	simm.s32 $0x6C00;
	v3 =	vadd.s32 v1, v3  }
0x37b: {  	[tilespmem:s14], [sflag:$0x1] =	stream.indirect_vreg.gather [hbm4b:s2+s3], $0x80, v4, vm0, $0xb8;
	[tilespmem:$0x18C00] =	vst v63  }
0x37c: {  	s24 =	simm.s32 $0x7400  }
0x37d: {  	[tilespmem:s24], [sflag:$0x1] =	stream.indirect_vreg.gather [hbm4b:s7+s3], $0x80, v4, vm0, $0xb8;
	[tilespmem:$0x18C00] =	vst v63  }
0x37e: {  	s11 =	simm.s32 $0x7C00  }
0x37f: {  	[tilespmem:s11], [sflag:$0x1] =	stream.indirect_vreg.gather [hbm4b:s2+s3], $0x80, v3, vm0, $0xb8;
	[tilespmem:$0x18C00] =	vst v63  }
0x380: {  	s12 =	simm.s32 $0x8400  }
0x381: {  	[tilespmem:s12], [sflag:$0x1] =	stream.indirect_vreg.gather [hbm4b:s7+s3], $0x80, v3, vm0, $0xb8;
	[tilespmem:$0x18C00] =	vst v63  }
0x382: {  	_ =	swait.ge [sflag:s20], $0x8000  }
0x383: {  	[sflag:s20] =	ssyncset.done $0x0  }
0x384: {  	s14 =	simm.s32 $0x8C00;
	s13 =	rddreg [dreg:$0xf];
	[sflag:s20] =	ssyncadd.s32 $0xFFFF8000  }
0x385: {  	[hbm4b:s13+s3] =	stream.linear.scatter [tilespmem:s14], [sflag:$0x5], $0x8000, $0x38;
	[tilespmem:$0x18C00] =	vst v63  }
0x386: {  	_ =	swait.ge [sflag:s21], $0x8000  }
0x387: {  	[sflag:s21] =	ssyncset.done $0x0  }
0x388: {  	[sflag:s21] =	ssyncadd.s32 $0xFFFF8000  }
0x389: {  	v3 =	vld [tilespmem:s6+$0x680];
	_ =	sdelay $0x4  }
0x38a: {  	v36 =	vshll.u32 v3, $0x2  }
0x38b: {  	v3 =	vand.u32 $0x7, v3;
	v4 =	vand.u32 $0xFFFFFFE0, v36  }
0x38c: {  	v3 =	vor.u32 v3, v4  }
0x38d: {  	v4 =	vperm.xlane v3, v0;
	_ =	sdelay $0x1  }
0x38e: {  	v4 =	vadd.s32 v1, v4;
	_ =	sdelay $0x1  }
0x38f: {  	v3 =	vperm.xlane v3, v2;
	_ =	sdelay $0x1  }
0x390: {  	v3 =	vadd.s32 v1, v3  }
0x391: {  	[tilespmem:s14], [sflag:$0x2] =	stream.indirect_vreg.gather [hbm4b:s2+s3], $0x80, v4, vm0, $0xb8;
	[tilespmem:$0x18C00] =	vst v63  }
0x392: {  	_ = 	snop  }
0x393: {  	[tilespmem:s17], [sflag:$0x2] =	stream.indirect_vreg.gather [hbm4b:s7+s3], $0x80, v4, vm0, $0xb8;
	[tilespmem:$0x18C00] =	vst v63  }
0x394: {  	_ = 	snop  }
0x395: {  	[tilespmem:s18], [sflag:$0x2] =	stream.indirect_vreg.gather [hbm4b:s2+s3], $0x80, v3, vm0, $0xb8;
	[tilespmem:$0x18C00] =	vst v63  }
0x396: {  	s13 =	simm.s32 $0xA400  }
0x397: {  	[tilespmem:s13], [sflag:$0x2] =	stream.indirect_vreg.gather [hbm4b:s7+s3], $0x80, v3, vm0, $0xb8;
	[tilespmem:$0x18C00] =	vst v63  }
0x398: {  	v3 =	vld [tilespmem:s6+$0x690];
	_ =	sdelay $0x4  }
0x399: {  	v37 =	vshll.u32 v3, $0x2  }
0x39a: {  	v3 =	vand.u32 $0x7, v3;
	v4 =	vand.u32 $0xFFFFFFE0, v37  }
0x39b: {  	v3 =	vor.u32 v3, v4  }
0x39c: {  	v4 =	vperm.xlane v3, v0;
	_ =	sdelay $0x1  }
0x39d: {  	v4 =	vadd.s32 v1, v4;
	_ =	sdelay $0x1  }
0x39e: {  	v3 =	vperm.xlane v3, v2;
	_ =	sdelay $0x1  }
0x39f: {  	v3 =	vadd.s32 v1, v3  }
0x3a0: {  	[tilespmem:s23], [sflag:$0x2] =	stream.indirect_vreg.gather [hbm4b:s2+s3], $0x80, v4, vm0, $0xb8;
	[tilespmem:$0x18C00] =	vst v63  }
0x3a1: {  	_ = 	snop  }
0x3a2: {  	[tilespmem:s25], [sflag:$0x2] =	stream.indirect_vreg.gather [hbm4b:s7+s3], $0x80, v4, vm0, $0xb8;
	[tilespmem:$0x18C00] =	vst v63  }
0x3a3: {  	_ = 	snop  }
0x3a4: {  	[tilespmem:s26], [sflag:$0x2] =	stream.indirect_vreg.gather [hbm4b:s2+s3], $0x80, v3, vm0, $0xb8;
	[tilespmem:$0x18C00] =	vst v63  }
0x3a5: {  	s26 =	simm.s32 $0xC400  }
0x3a6: {  	[tilespmem:s26], [sflag:$0x2] =	stream.indirect_vreg.gather [hbm4b:s7+s3], $0x80, v3, vm0, $0xb8;
	[tilespmem:$0x18C00] =	vst v63  }
0x3a7: {  	v3 =	vld [tilespmem:s6+$0x6A0];
	_ =	sdelay $0x4  }
0x3a8: {  	v38 =	vshll.u32 v3, $0x2  }
0x3a9: {  	v3 =	vand.u32 $0x7, v3;
	v4 =	vand.u32 $0xFFFFFFE0, v38  }
0x3aa: {  	v3 =	vor.u32 v3, v4  }
0x3ab: {  	v4 =	vperm.xlane v3, v0;
	_ =	sdelay $0x1  }
0x3ac: {  	v4 =	vadd.s32 v1, v4;
	_ =	sdelay $0x1  }
0x3ad: {  	v3 =	vperm.xlane v3, v2;
	_ =	sdelay $0x1  }
0x3ae: {  	v3 =	vadd.s32 v1, v3  }
0x3af: {  	[tilespmem:s28], [sflag:$0x2] =	stream.indirect_vreg.gather [hbm4b:s2+s3], $0x80, v4, vm0, $0xb8;
	[tilespmem:$0x18C00] =	vst v63  }
0x3b0: {  	_ = 	snop  }
0x3b1: {  	[tilespmem:s31], [sflag:$0x2] =	stream.indirect_vreg.gather [hbm4b:s7+s3], $0x80, v4, vm0, $0xb8;
	[tilespmem:$0x18C00] =	vst v63  }
0x3b2: {  	s28 =	simm.s32 $0xDC00  }
0x3b3: {  	[tilespmem:s28], [sflag:$0x2] =	stream.indirect_vreg.gather [hbm4b:s2+s3], $0x80, v3, vm0, $0xb8;
	[tilespmem:$0x18C00] =	vst v63  }
0x3b4: {  	s31 =	simm.s32 $0xE400  }
0x3b5: {  	[tilespmem:s31], [sflag:$0x2] =	stream.indirect_vreg.gather [hbm4b:s7+s3], $0x80, v3, vm0, $0xb8;
	[tilespmem:$0x18C00] =	vst v63  }
0x3b6: {  	v3 =	vld [tilespmem:s6+$0x6B0];
	_ =	sdelay $0x4  }
0x3b7: {  	v39 =	vshll.u32 v3, $0x2  }
0x3b8: {  	v3 =	vand.u32 $0x7, v3;
	v4 =	vand.u32 $0xFFFFFFE0, v39  }
0x3b9: {  	v3 =	vor.u32 v3, v4  }
0x3ba: {  	v4 =	vperm.xlane v3, v0;
	_ =	sdelay $0x1  }
0x3bb: {  	v4 =	vadd.s32 v1, v4;
	_ =	sdelay $0x1  }
0x3bc: {  	v3 =	vperm.xlane v3, v2;
	_ =	sdelay $0x1  }
0x3bd: {  	v3 =	vadd.s32 v1, v3  }
0x3be: {  	[tilespmem:s15], [sflag:$0x2] =	stream.indirect_vreg.gather [hbm4b:s2+s3], $0x80, v4, vm0, $0xb8;
	[tilespmem:$0x18C00] =	vst v63  }
0x3bf: {  	_ = 	snop  }
0x3c0: {  	[tilespmem:s16], [sflag:$0x2] =	stream.indirect_vreg.gather [hbm4b:s7+s3], $0x80, v4, vm0, $0xb8;
	[tilespmem:$0x18C00] =	vst v63  }
0x3c1: {  	s11 =	simm.s32 $0xFC00  }
0x3c2: {  	[tilespmem:s11], [sflag:$0x2] =	stream.indirect_vreg.gather [hbm4b:s2+s3], $0x80, v3, vm0, $0xb8;
	[tilespmem:$0x18C00] =	vst v63  }
0x3c3: {  	s12 =	simm.s32 $0x10400  }
0x3c4: {  	[tilespmem:s12], [sflag:$0x2] =	stream.indirect_vreg.gather [hbm4b:s7+s3], $0x80, v3, vm0, $0xb8;
	[tilespmem:$0x18C00] =	vst v63  }
0x3c5: {  	_ =	swait.ge [sflag:s0], $0x8000  }
0x3c6: {  	[sflag:s0] =	ssyncset.done $0x0  }
0x3c7: {  	s16 =	simm.s32 $0x10C00;
	s15 =	rddreg [dreg:$0x10];
	[sflag:s0] =	ssyncadd.s32 $0xFFFF8000  }
0x3c8: {  	[hbm4b:s15+s3] =	stream.linear.scatter [tilespmem:s16], [sflag:$0x6], $0x8000, $0x38;
	[tilespmem:$0x18C00] =	vst v63  }
0x3c9: {  	_ =	swait.ge [sflag:s22], $0x8000  }
0x3ca: {  	[sflag:s22] =	ssyncset.done $0x0  }
0x3cb: {  	[sflag:s22] =	ssyncadd.s32 $0xFFFF8000  }
0x3cc: {  	v3 =	vld [tilespmem:s6+$0x700];
	_ =	sdelay $0x4  }
0x3cd: {  	v40 =	vshll.u32 v3, $0x2  }
0x3ce: {  	v3 =	vand.u32 $0x7, v3;
	v4 =	vand.u32 $0xFFFFFFE0, v40  }
0x3cf: {  	v3 =	vor.u32 v3, v4  }
0x3d0: {  	v4 =	vperm.xlane v3, v0;
	_ =	sdelay $0x1  }
0x3d1: {  	v4 =	vadd.s32 v1, v4;
	_ =	sdelay $0x1  }
0x3d2: {  	v3 =	vperm.xlane v3, v2;
	_ =	sdelay $0x1  }
0x3d3: {  	v3 =	vadd.s32 v1, v3  }
0x3d4: {  	[tilespmem:s16], [sflag:$0x3] =	stream.indirect_vreg.gather [hbm4b:s2+s3], $0x80, v4, vm0, $0xb8;
	[tilespmem:$0x18C00] =	vst v63  }
0x3d5: {  	_ = 	snop  }
0x3d6: {  	[tilespmem:s5], [sflag:$0x3] =	stream.indirect_vreg.gather [hbm4b:s7+s3], $0x80, v4, vm0, $0xb8;
	[tilespmem:$0x18C00] =	vst v63  }
0x3d7: {  	s17 =	simm.s32 $0x11C00  }
0x3d8: {  	[tilespmem:s17], [sflag:$0x3] =	stream.indirect_vreg.gather [hbm4b:s2+s3], $0x80, v3, vm0, $0xb8;
	[tilespmem:$0x18C00] =	vst v63  }
0x3d9: {  	s18 =	simm.s32 $0x12400  }
0x3da: {  	[tilespmem:s18], [sflag:$0x3] =	stream.indirect_vreg.gather [hbm4b:s7+s3], $0x80, v3, vm0, $0xb8;
	[tilespmem:$0x18C00] =	vst v63  }
0x3db: {  	v3 =	vld [tilespmem:s6+$0x710];
	_ =	sdelay $0x4  }
0x3dc: {  	v41 =	vshll.u32 v3, $0x2  }
0x3dd: {  	v3 =	vand.u32 $0x7, v3;
	v4 =	vand.u32 $0xFFFFFFE0, v41  }
0x3de: {  	v3 =	vor.u32 v3, v4  }
0x3df: {  	v4 =	vperm.xlane v3, v0;
	_ =	sdelay $0x1  }
0x3e0: {  	v4 =	vadd.s32 v1, v4;
	_ =	sdelay $0x1  }
0x3e1: {  	v3 =	vperm.xlane v3, v2;
	_ =	sdelay $0x1  }
0x3e2: {  	s23 =	simm.s32 $0x12C00;
	v3 =	vadd.s32 v1, v3  }
0x3e3: {  	[tilespmem:s23], [sflag:$0x3] =	stream.indirect_vreg.gather [hbm4b:s2+s3], $0x80, v4, vm0, $0xb8;
	[tilespmem:$0x18C00] =	vst v63  }
0x3e4: {  	s24 =	simm.s32 $0x13400  }
0x3e5: {  	[tilespmem:s24], [sflag:$0x3] =	stream.indirect_vreg.gather [hbm4b:s7+s3], $0x80, v4, vm0, $0xb8;
	[tilespmem:$0x18C00] =	vst v63  }
0x3e6: {  	s1 =	simm.s32 $0x13C00  }
0x3e7: {  	[tilespmem:s1], [sflag:$0x3] =	stream.indirect_vreg.gather [hbm4b:s2+s3], $0x80, v3, vm0, $0xb8;
	[tilespmem:$0x18C00] =	vst v63  }
0x3e8: {  	s5 =	simm.s32 $0x14400  }
0x3e9: {  	[tilespmem:s5], [sflag:$0x3] =	stream.indirect_vreg.gather [hbm4b:s7+s3], $0x80, v3, vm0, $0xb8;
	[tilespmem:$0x18C00] =	vst v63  }
0x3ea: {  	v3 =	vld [tilespmem:s6+$0x720];
	_ =	sdelay $0x4  }
0x3eb: {  	v42 =	vshll.u32 v3, $0x2  }
0x3ec: {  	v3 =	vand.u32 $0x7, v3;
	v4 =	vand.u32 $0xFFFFFFE0, v42  }
0x3ed: {  	v3 =	vor.u32 v3, v4  }
0x3ee: {  	v4 =	vperm.xlane v3, v0;
	_ =	sdelay $0x1  }
0x3ef: {  	v4 =	vadd.s32 v1, v4;
	_ =	sdelay $0x1  }
0x3f0: {  	v3 =	vperm.xlane v3, v2;
	_ =	sdelay $0x1  }
0x3f1: {  	s25 =	simm.s32 $0x14C00;
	v3 =	vadd.s32 v1, v3  }
0x3f2: {  	[tilespmem:s25], [sflag:$0x3] =	stream.indirect_vreg.gather [hbm4b:s2+s3], $0x80, v4, vm0, $0xb8;
	[tilespmem:$0x18C00] =	vst v63  }
0x3f3: {  	s30 =	simm.s32 $0x15400  }
0x3f4: {  	[tilespmem:s30], [sflag:$0x3] =	stream.indirect_vreg.gather [hbm4b:s7+s3], $0x80, v4, vm0, $0xb8;
	[tilespmem:$0x18C00] =	vst v63  }
0x3f5: {  	s26 =	simm.s32 $0x15C00  }
0x3f6: {  	[tilespmem:s26], [sflag:$0x3] =	stream.indirect_vreg.gather [hbm4b:s2+s3], $0x80, v3, vm0, $0xb8;
	[tilespmem:$0x18C00] =	vst v63  }
0x3f7: {  	s28 =	simm.s32 $0x16400  }
0x3f8: {  	[tilespmem:s28], [sflag:$0x3] =	stream.indirect_vreg.gather [hbm4b:s7+s3], $0x80, v3, vm0, $0xb8;
	[tilespmem:$0x18C00] =	vst v63  }
0x3f9: {  	v3 =	vld [tilespmem:s6+$0x730];
	_ =	sdelay $0x4  }
0x3fa: {  	v43 =	vshll.u32 v3, $0x2  }
0x3fb: {  	v3 =	vand.u32 $0x7, v3;
	v4 =	vand.u32 $0xFFFFFFE0, v43  }
0x3fc: {  	v3 =	vor.u32 v3, v4  }
0x3fd: {  	v4 =	vperm.xlane v3, v0;
	_ =	sdelay $0x1  }
0x3fe: {  	v4 =	vadd.s32 v1, v4;
	_ =	sdelay $0x1  }
0x3ff: {  	v3 =	vperm.xlane v3, v2;
	_ =	sdelay $0x1  }
0x400: {  	s25 =	simm.s32 $0x16C00;
	v3 =	vadd.s32 v1, v3  }
0x401: {  	[tilespmem:s25], [sflag:$0x3] =	stream.indirect_vreg.gather [hbm4b:s2+s3], $0x80, v4, vm0, $0xb8;
	[tilespmem:$0x18C00] =	vst v63  }
0x402: {  	s26 =	simm.s32 $0x17400  }
0x403: {  	[tilespmem:s26], [sflag:$0x3] =	stream.indirect_vreg.gather [hbm4b:s7+s3], $0x80, v4, vm0, $0xb8;
	[tilespmem:$0x18C00] =	vst v63  }
0x404: {  	s28 =	simm.s32 $0x17C00  }
0x405: {  	[tilespmem:s28], [sflag:$0x3] =	stream.indirect_vreg.gather [hbm4b:s2+s3], $0x80, v3, vm0, $0xb8;
	[tilespmem:$0x18C00] =	vst v63  }
0x406: {  	s24 =	simm.s32 $0x18400  }
0x407: {  	[tilespmem:s24], [sflag:$0x3] =	stream.indirect_vreg.gather [hbm4b:s7+s3], $0x80, v3, vm0, $0xb8;
	[tilespmem:$0x18C00] =	vst v63  }
0x408: {  	_ =	swait.ge [sflag:s9], $0x8000  }
0x409: {  	[sflag:s9] =	ssyncset.done $0x0  }
0x40a: {  	s29 =	simm.s32 $0xC00;
	s24 =	rddreg [dreg:$0x11];
	[sflag:s9] =	ssyncadd.s32 $0xFFFF8000  }
0x40b: {  	[hbm4b:s24+s3] =	stream.linear.scatter [tilespmem:s29], [sflag:$0x4], $0x8000, $0x38;
	[tilespmem:$0x18C00] =	vst v63  }
0x40c: {  	_ =	swait.ge [sflag:s19], $0x8000  }
0x40d: {  	[sflag:s19] =	ssyncset.done $0x0  }
0x40e: {  	[sflag:s19] =	ssyncadd.s32 $0xFFFF8000  }
0x40f: {  	v3 =	vld [tilespmem:s6+$0x780];
	_ =	sdelay $0x4  }
0x410: {  	v44 =	vshll.u32 v3, $0x2  }
0x411: {  	v3 =	vand.u32 $0x7, v3;
	v4 =	vand.u32 $0xFFFFFFE0, v44  }
0x412: {  	v3 =	vor.u32 v3, v4  }
0x413: {  	v4 =	vperm.xlane v3, v0;
	_ =	sdelay $0x1  }
0x414: {  	v4 =	vadd.s32 v1, v4;
	_ =	sdelay $0x1  }
0x415: {  	v3 =	vperm.xlane v3, v2;
	_ =	sdelay $0x1  }
0x416: {  	v3 =	vadd.s32 v1, v3  }
0x417: {  	[tilespmem:s29], [sflag:$0x1] =	stream.indirect_vreg.gather [hbm4b:s2+s3], $0x80, v4, vm0, $0xb8;
	[tilespmem:$0x18C00] =	vst v63  }
0x418: {  	s24 =	simm.s32 $0x1400  }
0x419: {  	[tilespmem:s24], [sflag:$0x1] =	stream.indirect_vreg.gather [hbm4b:s7+s3], $0x80, v4, vm0, $0xb8;
	[tilespmem:$0x18C00] =	vst v63  }
0x41a: {  	s24 =	simm.s32 $0x1C00  }
0x41b: {  	[tilespmem:s24], [sflag:$0x1] =	stream.indirect_vreg.gather [hbm4b:s2+s3], $0x80, v3, vm0, $0xb8;
	[tilespmem:$0x18C00] =	vst v63  }
0x41c: {  	_ = 	snop  }
0x41d: {  	[tilespmem:s4], [sflag:$0x1] =	stream.indirect_vreg.gather [hbm4b:s7+s3], $0x80, v3, vm0, $0xb8;
	[tilespmem:$0x18C00] =	vst v63  }
0x41e: {  	v3 =	vld [tilespmem:s6+$0x790];
	_ =	sdelay $0x4  }
0x41f: {  	v45 =	vshll.u32 v3, $0x2  }
0x420: {  	v3 =	vand.u32 $0x7, v3;
	v4 =	vand.u32 $0xFFFFFFE0, v45  }
0x421: {  	v3 =	vor.u32 v3, v4  }
0x422: {  	v4 =	vperm.xlane v3, v0;
	_ =	sdelay $0x1  }
0x423: {  	v4 =	vadd.s32 v1, v4;
	_ =	sdelay $0x1  }
0x424: {  	v3 =	vperm.xlane v3, v2;
	_ =	sdelay $0x1  }
0x425: {  	s24 =	simm.s32 $0x2C00;
	v3 =	vadd.s32 v1, v3  }
0x426: {  	[tilespmem:s24], [sflag:$0x1] =	stream.indirect_vreg.gather [hbm4b:s2+s3], $0x80, v4, vm0, $0xb8;
	[tilespmem:$0x18C00] =	vst v63  }
0x427: {  	s24 =	simm.s32 $0x3400  }
0x428: {  	[tilespmem:s24], [sflag:$0x1] =	stream.indirect_vreg.gather [hbm4b:s7+s3], $0x80, v4, vm0, $0xb8;
	[tilespmem:$0x18C00] =	vst v63  }
0x429: {  	s24 =	simm.s32 $0x3C00  }
0x42a: {  	[tilespmem:s24], [sflag:$0x1] =	stream.indirect_vreg.gather [hbm4b:s2+s3], $0x80, v3, vm0, $0xb8;
	[tilespmem:$0x18C00] =	vst v63  }
0x42b: {  	_ = 	snop  }
0x42c: {  	[tilespmem:s8], [sflag:$0x1] =	stream.indirect_vreg.gather [hbm4b:s7+s3], $0x80, v3, vm0, $0xb8;
	[tilespmem:$0x18C00] =	vst v63  }
0x42d: {  	v3 =	vld [tilespmem:s6+$0x7A0];
	_ =	sdelay $0x4  }
0x42e: {  	v46 =	vshll.u32 v3, $0x2  }
0x42f: {  	v3 =	vand.u32 $0x7, v3;
	v4 =	vand.u32 $0xFFFFFFE0, v46  }
0x430: {  	v3 =	vor.u32 v3, v4  }
0x431: {  	v4 =	vperm.xlane v3, v0;
	_ =	sdelay $0x1  }
0x432: {  	v4 =	vadd.s32 v1, v4;
	_ =	sdelay $0x1  }
0x433: {  	v3 =	vperm.xlane v3, v2;
	_ =	sdelay $0x1  }
0x434: {  	s24 =	simm.s32 $0x4C00;
	v3 =	vadd.s32 v1, v3  }
0x435: {  	[tilespmem:s24], [sflag:$0x1] =	stream.indirect_vreg.gather [hbm4b:s2+s3], $0x80, v4, vm0, $0xb8;
	[tilespmem:$0x18C00] =	vst v63  }
0x436: {  	s24 =	simm.s32 $0x5400  }
0x437: {  	[tilespmem:s24], [sflag:$0x1] =	stream.indirect_vreg.gather [hbm4b:s7+s3], $0x80, v4, vm0, $0xb8;
	[tilespmem:$0x18C00] =	vst v63  }
0x438: {  	s24 =	simm.s32 $0x5C00  }
0x439: {  	[tilespmem:s24], [sflag:$0x1] =	stream.indirect_vreg.gather [hbm4b:s2+s3], $0x80, v3, vm0, $0xb8;
	[tilespmem:$0x18C00] =	vst v63  }
0x43a: {  	_ = 	snop  }
0x43b: {  	[tilespmem:s10], [sflag:$0x1] =	stream.indirect_vreg.gather [hbm4b:s7+s3], $0x80, v3, vm0, $0xb8;
	[tilespmem:$0x18C00] =	vst v63  }
0x43c: {  	v3 =	vld [tilespmem:s6+$0x7B0];
	_ =	sdelay $0x4  }
0x43d: {  	v47 =	vshll.u32 v3, $0x2  }
0x43e: {  	v3 =	vand.u32 $0x7, v3;
	v4 =	vand.u32 $0xFFFFFFE0, v47  }
0x43f: {  	v3 =	vor.u32 v3, v4  }
0x440: {  	v4 =	vperm.xlane v3, v0;
	_ =	sdelay $0x1  }
0x441: {  	v4 =	vadd.s32 v1, v4;
	_ =	sdelay $0x1  }
0x442: {  	v3 =	vperm.xlane v3, v2;
	_ =	sdelay $0x1  }
0x443: {  	s24 =	simm.s32 $0x6C00;
	v3 =	vadd.s32 v1, v3  }
0x444: {  	[tilespmem:s24], [sflag:$0x1] =	stream.indirect_vreg.gather [hbm4b:s2+s3], $0x80, v4, vm0, $0xb8;
	[tilespmem:$0x18C00] =	vst v63  }
0x445: {  	s24 =	simm.s32 $0x7400  }
0x446: {  	[tilespmem:s24], [sflag:$0x1] =	stream.indirect_vreg.gather [hbm4b:s7+s3], $0x80, v4, vm0, $0xb8;
	[tilespmem:$0x18C00] =	vst v63  }
0x447: {  	s24 =	simm.s32 $0x7C00  }
0x448: {  	[tilespmem:s24], [sflag:$0x1] =	stream.indirect_vreg.gather [hbm4b:s2+s3], $0x80, v3, vm0, $0xb8;
	[tilespmem:$0x18C00] =	vst v63  }
0x449: {  	s24 =	simm.s32 $0x8400  }
0x44a: {  	[tilespmem:s24], [sflag:$0x1] =	stream.indirect_vreg.gather [hbm4b:s7+s3], $0x80, v3, vm0, $0xb8;
	[tilespmem:$0x18C00] =	vst v63  }
0x44b: {  	_ =	swait.ge [sflag:s20], $0x8000  }
0x44c: {  	[sflag:s20] =	ssyncset.done $0x0  }
0x44d: {  	s14 =	simm.s32 $0x8C00;
	s24 =	rddreg [dreg:$0x12];
	[sflag:s20] =	ssyncadd.s32 $0xFFFF8000  }
0x44e: {  	[hbm4b:s24+s3] =	stream.linear.scatter [tilespmem:s14], [sflag:$0x5], $0x8000, $0x38;
	[tilespmem:$0x18C00] =	vst v63  }
0x44f: {  	_ =	swait.ge [sflag:s21], $0x8000  }
0x450: {  	[sflag:s21] =	ssyncset.done $0x0  }
0x451: {  	[sflag:s21] =	ssyncadd.s32 $0xFFFF8000  }
0x452: {  	v3 =	vld [tilespmem:s6+$0x800];
	_ =	sdelay $0x4  }
0x453: {  	v48 =	vshll.u32 v3, $0x2  }
0x454: {  	v3 =	vand.u32 $0x7, v3;
	v4 =	vand.u32 $0xFFFFFFE0, v48  }
0x455: {  	v3 =	vor.u32 v3, v4  }
0x456: {  	v4 =	vperm.xlane v3, v0;
	_ =	sdelay $0x1  }
0x457: {  	v4 =	vadd.s32 v1, v4;
	_ =	sdelay $0x1  }
0x458: {  	v3 =	vperm.xlane v3, v2;
	_ =	sdelay $0x1  }
0x459: {  	v3 =	vadd.s32 v1, v3  }
0x45a: {  	[tilespmem:s14], [sflag:$0x2] =	stream.indirect_vreg.gather [hbm4b:s2+s3], $0x80, v4, vm0, $0xb8;
	[tilespmem:$0x18C00] =	vst v63  }
0x45b: {  	s24 =	simm.s32 $0x9400  }
0x45c: {  	[tilespmem:s24], [sflag:$0x2] =	stream.indirect_vreg.gather [hbm4b:s7+s3], $0x80, v4, vm0, $0xb8;
	[tilespmem:$0x18C00] =	vst v63  }
0x45d: {  	s24 =	simm.s32 $0x9C00  }
0x45e: {  	[tilespmem:s24], [sflag:$0x2] =	stream.indirect_vreg.gather [hbm4b:s2+s3], $0x80, v3, vm0, $0xb8;
	[tilespmem:$0x18C00] =	vst v63  }
0x45f: {  	_ = 	snop  }
0x460: {  	[tilespmem:s13], [sflag:$0x2] =	stream.indirect_vreg.gather [hbm4b:s7+s3], $0x80, v3, vm0, $0xb8;
	[tilespmem:$0x18C00] =	vst v63  }
0x461: {  	v3 =	vld [tilespmem:s6+$0x810];
	_ =	sdelay $0x4  }
0x462: {  	v49 =	vshll.u32 v3, $0x2  }
0x463: {  	v3 =	vand.u32 $0x7, v3;
	v4 =	vand.u32 $0xFFFFFFE0, v49  }
0x464: {  	v3 =	vor.u32 v3, v4  }
0x465: {  	v4 =	vperm.xlane v3, v0;
	_ =	sdelay $0x1  }
0x466: {  	v4 =	vadd.s32 v1, v4;
	_ =	sdelay $0x1  }
0x467: {  	v3 =	vperm.xlane v3, v2;
	_ =	sdelay $0x1  }
0x468: {  	s24 =	simm.s32 $0xAC00;
	v3 =	vadd.s32 v1, v3  }
0x469: {  	[tilespmem:s24], [sflag:$0x2] =	stream.indirect_vreg.gather [hbm4b:s2+s3], $0x80, v4, vm0, $0xb8;
	[tilespmem:$0x18C00] =	vst v63  }
0x46a: {  	s24 =	simm.s32 $0xB400  }
0x46b: {  	[tilespmem:s24], [sflag:$0x2] =	stream.indirect_vreg.gather [hbm4b:s7+s3], $0x80, v4, vm0, $0xb8;
	[tilespmem:$0x18C00] =	vst v63  }
0x46c: {  	s24 =	simm.s32 $0xBC00  }
0x46d: {  	[tilespmem:s24], [sflag:$0x2] =	stream.indirect_vreg.gather [hbm4b:s2+s3], $0x80, v3, vm0, $0xb8;
	[tilespmem:$0x18C00] =	vst v63  }
0x46e: {  	s24 =	simm.s32 $0xC400  }
0x46f: {  	[tilespmem:s24], [sflag:$0x2] =	stream.indirect_vreg.gather [hbm4b:s7+s3], $0x80, v3, vm0, $0xb8;
	[tilespmem:$0x18C00] =	vst v63  }
0x470: {  	v3 =	vld [tilespmem:s6+$0x820];
	_ =	sdelay $0x4  }
0x471: {  	v50 =	vshll.u32 v3, $0x2  }
0x472: {  	v3 =	vand.u32 $0x7, v3;
	v4 =	vand.u32 $0xFFFFFFE0, v50  }
0x473: {  	v3 =	vor.u32 v3, v4  }
0x474: {  	v4 =	vperm.xlane v3, v0;
	_ =	sdelay $0x1  }
0x475: {  	v4 =	vadd.s32 v1, v4;
	_ =	sdelay $0x1  }
0x476: {  	v3 =	vperm.xlane v3, v2;
	_ =	sdelay $0x1  }
0x477: {  	s24 =	simm.s32 $0xCC00;
	v3 =	vadd.s32 v1, v3  }
0x478: {  	[tilespmem:s24], [sflag:$0x2] =	stream.indirect_vreg.gather [hbm4b:s2+s3], $0x80, v4, vm0, $0xb8;
	[tilespmem:$0x18C00] =	vst v63  }
0x479: {  	s24 =	simm.s32 $0xD400  }
0x47a: {  	[tilespmem:s24], [sflag:$0x2] =	stream.indirect_vreg.gather [hbm4b:s7+s3], $0x80, v4, vm0, $0xb8;
	[tilespmem:$0x18C00] =	vst v63  }
0x47b: {  	s24 =	simm.s32 $0xDC00  }
0x47c: {  	[tilespmem:s24], [sflag:$0x2] =	stream.indirect_vreg.gather [hbm4b:s2+s3], $0x80, v3, vm0, $0xb8;
	[tilespmem:$0x18C00] =	vst v63  }
0x47d: {  	s24 =	simm.s32 $0xE400  }
0x47e: {  	[tilespmem:s24], [sflag:$0x2] =	stream.indirect_vreg.gather [hbm4b:s7+s3], $0x80, v3, vm0, $0xb8;
	[tilespmem:$0x18C00] =	vst v63  }
0x47f: {  	v3 =	vld [tilespmem:s6+$0x830];
	_ =	sdelay $0x4  }
0x480: {  	v51 =	vshll.u32 v3, $0x2  }
0x481: {  	v3 =	vand.u32 $0x7, v3;
	v4 =	vand.u32 $0xFFFFFFE0, v51  }
0x482: {  	v3 =	vor.u32 v3, v4  }
0x483: {  	v4 =	vperm.xlane v3, v0;
	_ =	sdelay $0x1  }
0x484: {  	v4 =	vadd.s32 v1, v4;
	_ =	sdelay $0x1  }
0x485: {  	v3 =	vperm.xlane v3, v2;
	_ =	sdelay $0x1  }
0x486: {  	s24 =	simm.s32 $0xEC00;
	v3 =	vadd.s32 v1, v3  }
0x487: {  	[tilespmem:s24], [sflag:$0x2] =	stream.indirect_vreg.gather [hbm4b:s2+s3], $0x80, v4, vm0, $0xb8;
	[tilespmem:$0x18C00] =	vst v63  }
0x488: {  	s24 =	simm.s32 $0xF400  }
0x489: {  	[tilespmem:s24], [sflag:$0x2] =	stream.indirect_vreg.gather [hbm4b:s7+s3], $0x80, v4, vm0, $0xb8;
	[tilespmem:$0x18C00] =	vst v63  }
0x48a: {  	s24 =	simm.s32 $0xFC00  }
0x48b: {  	[tilespmem:s24], [sflag:$0x2] =	stream.indirect_vreg.gather [hbm4b:s2+s3], $0x80, v3, vm0, $0xb8;
	[tilespmem:$0x18C00] =	vst v63  }
0x48c: {  	s24 =	simm.s32 $0x10400  }
0x48d: {  	[tilespmem:s24], [sflag:$0x2] =	stream.indirect_vreg.gather [hbm4b:s7+s3], $0x80, v3, vm0, $0xb8;
	[tilespmem:$0x18C00] =	vst v63  }
0x48e: {  	_ =	swait.ge [sflag:s0], $0x8000  }
0x48f: {  	[sflag:s0] =	ssyncset.done $0x0  }
0x490: {  	s15 =	simm.s32 $0x10C00;
	s24 =	rddreg [dreg:$0x13];
	[sflag:s0] =	ssyncadd.s32 $0xFFFF8000  }
0x491: {  	[hbm4b:s24+s3] =	stream.linear.scatter [tilespmem:s15], [sflag:$0x6], $0x8000, $0x38;
	[tilespmem:$0x18C00] =	vst v63  }
0x492: {  	_ =	swait.ge [sflag:s22], $0x8000  }
0x493: {  	[sflag:s22] =	ssyncset.done $0x0  }
0x494: {  	[sflag:s22] =	ssyncadd.s32 $0xFFFF8000  }
0x495: {  	v3 =	vld [tilespmem:s6+$0x880];
	_ =	sdelay $0x4  }
0x496: {  	v52 =	vshll.u32 v3, $0x2  }
0x497: {  	v3 =	vand.u32 $0x7, v3;
	v4 =	vand.u32 $0xFFFFFFE0, v52  }
0x498: {  	v3 =	vor.u32 v3, v4  }
0x499: {  	v4 =	vperm.xlane v3, v0;
	_ =	sdelay $0x1  }
0x49a: {  	v4 =	vadd.s32 v1, v4;
	_ =	sdelay $0x1  }
0x49b: {  	v3 =	vperm.xlane v3, v2;
	_ =	sdelay $0x1  }
0x49c: {  	v3 =	vadd.s32 v1, v3  }
0x49d: {  	[tilespmem:s15], [sflag:$0x3] =	stream.indirect_vreg.gather [hbm4b:s2+s3], $0x80, v4, vm0, $0xb8;
	[tilespmem:$0x18C00] =	vst v63  }
0x49e: {  	s31 =	simm.s32 $0x11400  }
0x49f: {  	[tilespmem:s31], [sflag:$0x3] =	stream.indirect_vreg.gather [hbm4b:s7+s3], $0x80, v4, vm0, $0xb8;
	[tilespmem:$0x18C00] =	vst v63  }
0x4a0: {  	s16 =	simm.s32 $0x11C00  }
0x4a1: {  	[tilespmem:s16], [sflag:$0x3] =	stream.indirect_vreg.gather [hbm4b:s2+s3], $0x80, v3, vm0, $0xb8;
	[tilespmem:$0x18C00] =	vst v63  }
0x4a2: {  	s17 =	simm.s32 $0x12400  }
0x4a3: {  	[tilespmem:s17], [sflag:$0x3] =	stream.indirect_vreg.gather [hbm4b:s7+s3], $0x80, v3, vm0, $0xb8;
	[tilespmem:$0x18C00] =	vst v63  }
0x4a4: {  	v3 =	vld [tilespmem:s6+$0x890];
	_ =	sdelay $0x4  }
0x4a5: {  	v53 =	vshll.u32 v3, $0x2  }
0x4a6: {  	v3 =	vand.u32 $0x7, v3;
	v4 =	vand.u32 $0xFFFFFFE0, v53  }
0x4a7: {  	v3 =	vor.u32 v3, v4  }
0x4a8: {  	v4 =	vperm.xlane v3, v0;
	_ =	sdelay $0x1  }
0x4a9: {  	v4 =	vadd.s32 v1, v4;
	_ =	sdelay $0x1  }
0x4aa: {  	v3 =	vperm.xlane v3, v2;
	_ =	sdelay $0x1  }
0x4ab: {  	s11 =	simm.s32 $0x12C00;
	v3 =	vadd.s32 v1, v3  }
0x4ac: {  	[tilespmem:s11], [sflag:$0x3] =	stream.indirect_vreg.gather [hbm4b:s2+s3], $0x80, v4, vm0, $0xb8;
	[tilespmem:$0x18C00] =	vst v63  }
0x4ad: {  	s12 =	simm.s32 $0x13400  }
0x4ae: {  	[tilespmem:s12], [sflag:$0x3] =	stream.indirect_vreg.gather [hbm4b:s7+s3], $0x80, v4, vm0, $0xb8;
	[tilespmem:$0x18C00] =	vst v63  }
0x4af: {  	_ = 	snop  }
0x4b0: {  	[tilespmem:s1], [sflag:$0x3] =	stream.indirect_vreg.gather [hbm4b:s2+s3], $0x80, v3, vm0, $0xb8;
	[tilespmem:$0x18C00] =	vst v63  }
0x4b1: {  	_ = 	snop  }
0x4b2: {  	[tilespmem:s5], [sflag:$0x3] =	stream.indirect_vreg.gather [hbm4b:s7+s3], $0x80, v3, vm0, $0xb8;
	[tilespmem:$0x18C00] =	vst v63  }
0x4b3: {  	v3 =	vld [tilespmem:s6+$0x8A0];
	_ =	sdelay $0x4  }
0x4b4: {  	v54 =	vshll.u32 v3, $0x2  }
0x4b5: {  	v3 =	vand.u32 $0x7, v3;
	v4 =	vand.u32 $0xFFFFFFE0, v54  }
0x4b6: {  	v3 =	vor.u32 v3, v4  }
0x4b7: {  	v4 =	vperm.xlane v3, v0;
	_ =	sdelay $0x1  }
0x4b8: {  	v4 =	vadd.s32 v1, v4;
	_ =	sdelay $0x1  }
0x4b9: {  	v3 =	vperm.xlane v3, v2;
	_ =	sdelay $0x1  }
0x4ba: {  	s23 =	simm.s32 $0x14C00;
	v3 =	vadd.s32 v1, v3  }
0x4bb: {  	[tilespmem:s23], [sflag:$0x3] =	stream.indirect_vreg.gather [hbm4b:s2+s3], $0x80, v4, vm0, $0xb8;
	[tilespmem:$0x18C00] =	vst v63  }
0x4bc: {  	s18 =	simm.s32 $0x15400  }
0x4bd: {  	[tilespmem:s18], [sflag:$0x3] =	stream.indirect_vreg.gather [hbm4b:s7+s3], $0x80, v4, vm0, $0xb8;
	[tilespmem:$0x18C00] =	vst v63  }
0x4be: {  	s30 =	simm.s32 $0x15C00  }
0x4bf: {  	[tilespmem:s30], [sflag:$0x3] =	stream.indirect_vreg.gather [hbm4b:s2+s3], $0x80, v3, vm0, $0xb8;
	[tilespmem:$0x18C00] =	vst v63  }
0x4c0: {  	s31 =	simm.s32 $0x16400  }
0x4c1: {  	[tilespmem:s31], [sflag:$0x3] =	stream.indirect_vreg.gather [hbm4b:s7+s3], $0x80, v3, vm0, $0xb8;
	[tilespmem:$0x18C00] =	vst v63  }
0x4c2: {  	v3 =	vld [tilespmem:s6+$0x8B0];
	_ =	sdelay $0x4  }
0x4c3: {  	v55 =	vshll.u32 v3, $0x2  }
0x4c4: {  	v3 =	vand.u32 $0x7, v3;
	v4 =	vand.u32 $0xFFFFFFE0, v55  }
0x4c5: {  	v3 =	vor.u32 v3, v4  }
0x4c6: {  	v4 =	vperm.xlane v3, v0;
	_ =	sdelay $0x1  }
0x4c7: {  	v4 =	vadd.s32 v1, v4;
	_ =	sdelay $0x1  }
0x4c8: {  	v3 =	vperm.xlane v3, v2;
	_ =	sdelay $0x1  }
0x4c9: {  	s25 =	simm.s32 $0x16C00;
	v3 =	vadd.s32 v1, v3  }
0x4ca: {  	[tilespmem:s25], [sflag:$0x3] =	stream.indirect_vreg.gather [hbm4b:s2+s3], $0x80, v4, vm0, $0xb8;
	[tilespmem:$0x18C00] =	vst v63  }
0x4cb: {  	s26 =	simm.s32 $0x17400  }
0x4cc: {  	[tilespmem:s26], [sflag:$0x3] =	stream.indirect_vreg.gather [hbm4b:s7+s3], $0x80, v4, vm0, $0xb8;
	[tilespmem:$0x18C00] =	vst v63  }
0x4cd: {  	s28 =	simm.s32 $0x17C00  }
0x4ce: {  	[tilespmem:s28], [sflag:$0x3] =	stream.indirect_vreg.gather [hbm4b:s2+s3], $0x80, v3, vm0, $0xb8;
	[tilespmem:$0x18C00] =	vst v63  }
0x4cf: {  	s5 =	simm.s32 $0x18400  }
0x4d0: {  	[tilespmem:s5], [sflag:$0x3] =	stream.indirect_vreg.gather [hbm4b:s7+s3], $0x80, v3, vm0, $0xb8;
	[tilespmem:$0x18C00] =	vst v63  }
0x4d1: {  	_ =	swait.ge [sflag:s9], $0x8000  }
0x4d2: {  	[sflag:s9] =	ssyncset.done $0x0  }
0x4d3: {  	s11 =	rddreg [dreg:$0x14];
	[sflag:s9] =	ssyncadd.s32 $0xFFFF8000  }
0x4d4: {  	[hbm4b:s11+s3] =	stream.linear.scatter [tilespmem:s29], [sflag:$0x4], $0x8000, $0x38;
	[tilespmem:$0x18C00] =	vst v63  }
0x4d5: {  	_ =	swait.ge [sflag:s19], $0x8000  }
0x4d6: {  	[sflag:s19] =	ssyncset.done $0x0  }
0x4d7: {  	[sflag:s19] =	ssyncadd.s32 $0xFFFF8000  }
0x4d8: {  	v3 =	vld [tilespmem:s6+$0x900];
	_ =	sdelay $0x4  }
0x4d9: {  	v56 =	vshll.u32 v3, $0x2  }
0x4da: {  	v3 =	vand.u32 $0x7, v3;
	v4 =	vand.u32 $0xFFFFFFE0, v56  }
0x4db: {  	v3 =	vor.u32 v3, v4  }
0x4dc: {  	v4 =	vperm.xlane v3, v0;
	_ =	sdelay $0x1  }
0x4dd: {  	v4 =	vadd.s32 v1, v4;
	_ =	sdelay $0x1  }
0x4de: {  	v3 =	vperm.xlane v3, v2;
	_ =	sdelay $0x1  }
0x4df: {  	v3 =	vadd.s32 v1, v3  }
0x4e0: {  	[tilespmem:s29], [sflag:$0x1] =	stream.indirect_vreg.gather [hbm4b:s2+s3], $0x80, v4, vm0, $0xb8;
	[tilespmem:$0x18C00] =	vst v63  }
0x4e1: {  	s12 =	simm.s32 $0x1400  }
0x4e2: {  	[tilespmem:s12], [sflag:$0x1] =	stream.indirect_vreg.gather [hbm4b:s7+s3], $0x80, v4, vm0, $0xb8;
	[tilespmem:$0x18C00] =	vst v63  }
0x4e3: {  	s16 =	simm.s32 $0x1C00  }
0x4e4: {  	[tilespmem:s16], [sflag:$0x1] =	stream.indirect_vreg.gather [hbm4b:s2+s3], $0x80, v3, vm0, $0xb8;
	[tilespmem:$0x18C00] =	vst v63  }
0x4e5: {  	s4 =	simm.s32 $0x2400  }
0x4e6: {  	[tilespmem:s4], [sflag:$0x1] =	stream.indirect_vreg.gather [hbm4b:s7+s3], $0x80, v3, vm0, $0xb8;
	[tilespmem:$0x18C00] =	vst v63  }
0x4e7: {  	v3 =	vld [tilespmem:s6+$0x910];
	_ =	sdelay $0x4  }
0x4e8: {  	v57 =	vshll.u32 v3, $0x2  }
0x4e9: {  	v3 =	vand.u32 $0x7, v3;
	v4 =	vand.u32 $0xFFFFFFE0, v57  }
0x4ea: {  	v3 =	vor.u32 v3, v4  }
0x4eb: {  	v4 =	vperm.xlane v3, v0;
	_ =	sdelay $0x1  }
0x4ec: {  	v4 =	vadd.s32 v1, v4;
	_ =	sdelay $0x1  }
0x4ed: {  	v3 =	vperm.xlane v3, v2;
	_ =	sdelay $0x1  }
0x4ee: {  	s17 =	simm.s32 $0x2C00;
	v3 =	vadd.s32 v1, v3  }
0x4ef: {  	[tilespmem:s17], [sflag:$0x1] =	stream.indirect_vreg.gather [hbm4b:s2+s3], $0x80, v4, vm0, $0xb8;
	[tilespmem:$0x18C00] =	vst v63  }
0x4f0: {  	s18 =	simm.s32 $0x3400  }
0x4f1: {  	[tilespmem:s18], [sflag:$0x1] =	stream.indirect_vreg.gather [hbm4b:s7+s3], $0x80, v4, vm0, $0xb8;
	[tilespmem:$0x18C00] =	vst v63  }
0x4f2: {  	s22 =	simm.s32 $0x3C00  }
0x4f3: {  	[tilespmem:s22], [sflag:$0x1] =	stream.indirect_vreg.gather [hbm4b:s2+s3], $0x80, v3, vm0, $0xb8;
	[tilespmem:$0x18C00] =	vst v63  }
0x4f4: {  	s8 =	simm.s32 $0x4400  }
0x4f5: {  	[tilespmem:s8], [sflag:$0x1] =	stream.indirect_vreg.gather [hbm4b:s7+s3], $0x80, v3, vm0, $0xb8;
	[tilespmem:$0x18C00] =	vst v63  }
0x4f6: {  	v3 =	vld [tilespmem:s6+$0x920];
	_ =	sdelay $0x4  }
0x4f7: {  	v58 =	vshll.u32 v3, $0x2  }
0x4f8: {  	v3 =	vand.u32 $0x7, v3;
	v4 =	vand.u32 $0xFFFFFFE0, v58  }
0x4f9: {  	v3 =	vor.u32 v3, v4  }
0x4fa: {  	v4 =	vperm.xlane v3, v0;
	_ =	sdelay $0x1  }
0x4fb: {  	v4 =	vadd.s32 v1, v4;
	_ =	sdelay $0x1  }
0x4fc: {  	v3 =	vperm.xlane v3, v2;
	_ =	sdelay $0x1  }
0x4fd: {  	s23 =	simm.s32 $0x4C00;
	v3 =	vadd.s32 v1, v3  }
0x4fe: {  	[tilespmem:s23], [sflag:$0x1] =	stream.indirect_vreg.gather [hbm4b:s2+s3], $0x80, v4, vm0, $0xb8;
	[tilespmem:$0x18C00] =	vst v63  }
0x4ff: {  	s24 =	simm.s32 $0x5400  }
0x500: {  	[tilespmem:s24], [sflag:$0x1] =	stream.indirect_vreg.gather [hbm4b:s7+s3], $0x80, v4, vm0, $0xb8;
	[tilespmem:$0x18C00] =	vst v63  }
0x501: {  	s25 =	simm.s32 $0x5C00  }
0x502: {  	[tilespmem:s25], [sflag:$0x1] =	stream.indirect_vreg.gather [hbm4b:s2+s3], $0x80, v3, vm0, $0xb8;
	[tilespmem:$0x18C00] =	vst v63  }
0x503: {  	s10 =	simm.s32 $0x6400  }
0x504: {  	[tilespmem:s10], [sflag:$0x1] =	stream.indirect_vreg.gather [hbm4b:s7+s3], $0x80, v3, vm0, $0xb8;
	[tilespmem:$0x18C00] =	vst v63  }
0x505: {  	v3 =	vld [tilespmem:s6+$0x930];
	_ =	sdelay $0x4  }
0x506: {  	v59 =	vshll.u32 v3, $0x2  }
0x507: {  	v3 =	vand.u32 $0x7, v3;
	v4 =	vand.u32 $0xFFFFFFE0, v59  }
0x508: {  	v3 =	vor.u32 v3, v4  }
0x509: {  	v4 =	vperm.xlane v3, v0;
	_ =	sdelay $0x1  }
0x50a: {  	v4 =	vadd.s32 v1, v4;
	_ =	sdelay $0x1  }
0x50b: {  	v3 =	vperm.xlane v3, v2;
	_ =	sdelay $0x1  }
0x50c: {  	s26 =	simm.s32 $0x6C00;
	v3 =	vadd.s32 v1, v3  }
0x50d: {  	[tilespmem:s26], [sflag:$0x1] =	stream.indirect_vreg.gather [hbm4b:s2+s3], $0x80, v4, vm0, $0xb8;
	[tilespmem:$0x18C00] =	vst v63  }
0x50e: {  	s28 =	simm.s32 $0x7400  }
0x50f: {  	[tilespmem:s28], [sflag:$0x1] =	stream.indirect_vreg.gather [hbm4b:s7+s3], $0x80, v4, vm0, $0xb8;
	[tilespmem:$0x18C00] =	vst v63  }
0x510: {  	s30 =	simm.s32 $0x7C00  }
0x511: {  	[tilespmem:s30], [sflag:$0x1] =	stream.indirect_vreg.gather [hbm4b:s2+s3], $0x80, v3, vm0, $0xb8;
	[tilespmem:$0x18C00] =	vst v63  }
0x512: {  	s31 =	simm.s32 $0x8400  }
0x513: {  	[tilespmem:s31], [sflag:$0x1] =	stream.indirect_vreg.gather [hbm4b:s7+s3], $0x80, v3, vm0, $0xb8;
	[tilespmem:$0x18C00] =	vst v63  }
0x514: {  	_ =	swait.ge [sflag:s20], $0x8000  }
0x515: {  	[sflag:s20] =	ssyncset.done $0x0  }
0x516: {  	s1 =	rddreg [dreg:$0x15];
	[sflag:s20] =	ssyncadd.s32 $0xFFFF8000  }
0x517: {  	[hbm4b:s1+s3] =	stream.linear.scatter [tilespmem:s14], [sflag:$0x5], $0x8000, $0x38;
	[tilespmem:$0x18C00] =	vst v63  }
0x518: {  	_ =	swait.ge [sflag:s21], $0x8000  }
0x519: {  	[sflag:s21] =	ssyncset.done $0x0  }
0x51a: {  	[sflag:s21] =	ssyncadd.s32 $0xFFFF8000  }
0x51b: {  	v3 =	vld [tilespmem:s6+$0x980];
	_ =	sdelay $0x4  }
0x51c: {  	v60 =	vshll.u32 v3, $0x2  }
0x51d: {  	v3 =	vand.u32 $0x7, v3;
	v4 =	vand.u32 $0xFFFFFFE0, v60  }
0x51e: {  	v3 =	vor.u32 v3, v4  }
0x51f: {  	v4 =	vperm.xlane v3, v0;
	_ =	sdelay $0x1  }
0x520: {  	v4 =	vadd.s32 v1, v4;
	_ =	sdelay $0x1  }
0x521: {  	v3 =	vperm.xlane v3, v2;
	_ =	sdelay $0x1  }
0x522: {  	v3 =	vadd.s32 v1, v3  }
0x523: {  	[tilespmem:s14], [sflag:$0x2] =	stream.indirect_vreg.gather [hbm4b:s2+s3], $0x80, v4, vm0, $0xb8;
	[tilespmem:$0x18C00] =	vst v63  }
0x524: {  	s4 =	simm.s32 $0x9400  }
0x525: {  	[tilespmem:s4], [sflag:$0x2] =	stream.indirect_vreg.gather [hbm4b:s7+s3], $0x80, v4, vm0, $0xb8;
	[tilespmem:$0x18C00] =	vst v63  }
0x526: {  	s5 =	simm.s32 $0x9C00  }
0x527: {  	[tilespmem:s5], [sflag:$0x2] =	stream.indirect_vreg.gather [hbm4b:s2+s3], $0x80, v3, vm0, $0xb8;
	[tilespmem:$0x18C00] =	vst v63  }
0x528: {  	s13 =	simm.s32 $0xA400  }
0x529: {  	[tilespmem:s13], [sflag:$0x2] =	stream.indirect_vreg.gather [hbm4b:s7+s3], $0x80, v3, vm0, $0xb8;
	[tilespmem:$0x18C00] =	vst v63  }
0x52a: {  	v3 =	vld [tilespmem:s6+$0x990];
	_ =	sdelay $0x4  }
0x52b: {  	v61 =	vshll.u32 v3, $0x2  }
0x52c: {  	v3 =	vand.u32 $0x7, v3;
	v4 =	vand.u32 $0xFFFFFFE0, v61  }
0x52d: {  	v3 =	vor.u32 v3, v4  }
0x52e: {  	v4 =	vperm.xlane v3, v0;
	_ =	sdelay $0x1  }
0x52f: {  	v4 =	vadd.s32 v1, v4;
	_ =	sdelay $0x1  }
0x530: {  	v3 =	vperm.xlane v3, v2;
	_ =	sdelay $0x1  }
0x531: {  	s8 =	simm.s32 $0xAC00;
	v3 =	vadd.s32 v1, v3  }
0x532: {  	[tilespmem:s8], [sflag:$0x2] =	stream.indirect_vreg.gather [hbm4b:s2+s3], $0x80, v4, vm0, $0xb8;
	[tilespmem:$0x18C00] =	vst v63  }
0x533: {  	s11 =	simm.s32 $0xB400  }
0x534: {  	[tilespmem:s11], [sflag:$0x2] =	stream.indirect_vreg.gather [hbm4b:s7+s3], $0x80, v4, vm0, $0xb8;
	[tilespmem:$0x18C00] =	vst v63  }
0x535: {  	s12 =	simm.s32 $0xBC00  }
0x536: {  	[tilespmem:s12], [sflag:$0x2] =	stream.indirect_vreg.gather [hbm4b:s2+s3], $0x80, v3, vm0, $0xb8;
	[tilespmem:$0x18C00] =	vst v63  }
0x537: {  	s13 =	simm.s32 $0xC400  }
0x538: {  	[tilespmem:s13], [sflag:$0x2] =	stream.indirect_vreg.gather [hbm4b:s7+s3], $0x80, v3, vm0, $0xb8;
	[tilespmem:$0x18C00] =	vst v63  }
0x539: {  	v3 =	vld [tilespmem:s6+$0x9A0];
	_ =	sdelay $0x4  }
0x53a: {  	v62 =	vshll.u32 v3, $0x2  }
0x53b: {  	v3 =	vand.u32 $0x7, v3;
	v4 =	vand.u32 $0xFFFFFFE0, v62  }
0x53c: {  	v3 =	vor.u32 v3, v4  }
0x53d: {  	v4 =	vperm.xlane v3, v0;
	_ =	sdelay $0x1  }
0x53e: {  	v4 =	vadd.s32 v1, v4;
	_ =	sdelay $0x1  }
0x53f: {  	v3 =	vperm.xlane v3, v2;
	_ =	sdelay $0x1  }
0x540: {  	s16 =	simm.s32 $0xCC00;
	v3 =	vadd.s32 v1, v3  }
0x541: {  	[tilespmem:s16], [sflag:$0x2] =	stream.indirect_vreg.gather [hbm4b:s2+s3], $0x80, v4, vm0, $0xb8;
	[tilespmem:$0x18C00] =	vst v63  }
0x542: {  	s17 =	simm.s32 $0xD400  }
0x543: {  	[tilespmem:s17], [sflag:$0x2] =	stream.indirect_vreg.gather [hbm4b:s7+s3], $0x80, v4, vm0, $0xb8;
	[tilespmem:$0x18C00] =	vst v63  }
0x544: {  	s18 =	simm.s32 $0xDC00  }
0x545: {  	[tilespmem:s18], [sflag:$0x2] =	stream.indirect_vreg.gather [hbm4b:s2+s3], $0x80, v3, vm0, $0xb8;
	[tilespmem:$0x18C00] =	vst v63  }
0x546: {  	s22 =	simm.s32 $0xE400  }
0x547: {  	[tilespmem:s22], [sflag:$0x2] =	stream.indirect_vreg.gather [hbm4b:s7+s3], $0x80, v3, vm0, $0xb8;
	[tilespmem:$0x18C00] =	vst v63  }
0x548: {  	v3 =	vld [tilespmem:s6+$0x9B0];
	_ =	sdelay $0x4  }
0x549: {  	v63 =	vshll.u32 v3, $0x2  }
0x54a: {  	v3 =	vand.u32 $0x7, v3;
	v4 =	vand.u32 $0xFFFFFFE0, v63  }
0x54b: {  	v3 =	vor.u32 v3, v4  }
0x54c: {  	v4 =	vperm.xlane v3, v0;
	_ =	sdelay $0x1  }
0x54d: {  	v4 =	vadd.s32 v1, v4;
	_ =	sdelay $0x1  }
0x54e: {  	v3 =	vperm.xlane v3, v2;
	_ =	sdelay $0x1  }
0x54f: {  	s23 =	simm.s32 $0xEC00;
	v3 =	vadd.s32 v1, v3  }
0x550: {  	[tilespmem:s23], [sflag:$0x2] =	stream.indirect_vreg.gather [hbm4b:s2+s3], $0x80, v4, vm0, $0xb8;
	[tilespmem:$0x18C00] =	vst v63  }
0x551: {  	s24 =	simm.s32 $0xF400  }
0x552: {  	[tilespmem:s24], [sflag:$0x2] =	stream.indirect_vreg.gather [hbm4b:s7+s3], $0x80, v4, vm0, $0xb8;
	[tilespmem:$0x18C00] =	vst v63  }
0x553: {  	s25 =	simm.s32 $0xFC00  }
0x554: {  	[tilespmem:s25], [sflag:$0x2] =	stream.indirect_vreg.gather [hbm4b:s2+s3], $0x80, v3, vm0, $0xb8;
	[tilespmem:$0x18C00] =	vst v63  }
0x555: {  	s26 =	simm.s32 $0x10400  }
0x556: {  	[tilespmem:s26], [sflag:$0x2] =	stream.indirect_vreg.gather [hbm4b:s7+s3], $0x80, v3, vm0, $0xb8;
	[tilespmem:$0x18C00] =	vst v63  }
0x557: {  	s10 =	rddreg [dreg:$0x1d];
	_ =	swait.ge [sflag:s0], $0x8000  }
0x558: {  	[sflag:s0] =	ssyncset.done $0x0  }
0x559: {  	s28 =	rddreg [dreg:$0x16];
	[sflag:s0] =	ssyncadd.s32 $0xFFFF8000  }
0x55a: {  	[hbm4b:s28+s3] =	stream.linear.scatter [tilespmem:s15], [sflag:$0x6], $0x8000, $0x38;
	[tilespmem:$0x18C00] =	vst v63  }
0x55b: {  	_ =	swait.ge [sflag:s9], $0x8000  }
0x55c: {  	[sflag:s9] =	ssyncset.done $0x0  }
0x55d: {  	s30 =	rddreg [dreg:$0x17];
	[sflag:s9] =	ssyncadd.s32 $0xFFFF8000  }
0x55e: {  	[hbm4b:s30+s3] =	stream.linear.scatter [tilespmem:s29], [sflag:$0x4], $0x8000, $0x38;
	[tilespmem:$0x18C00] =	vst v63  }
0x55f: {  	_ =	swait.ge [sflag:s20], $0x8000  }
0x560: {  	[sflag:s20] =	ssyncset.done $0x0  }
0x561: {  	s31 =	rddreg [dreg:$0x18];
	[sflag:s20] =	ssyncadd.s32 $0xFFFF8000  }
0x562: {  	[hbm4b:s31+s3] =	stream.linear.scatter [tilespmem:s14], [sflag:$0x5], $0x8000, $0x38;
	[tilespmem:$0x18C00] =	vst v63  }
0x563: {  	p0 =	sne.s32 s10, $0x1;
	_ =	swait.ge [sflag:s19], $0x8000  }
.Ltmp0:
0x564: {  	[sflag:s19] =	ssyncset.done $0x0;
	(pc) =	sbr.rel @p0 .LBB2_1-.Ltmp0, $4  }
0x565: {  	[sflag:s19] =	ssyncadd.s32 $0xFFFF8000  }
0x566: {  	_ =	swait.ge [sflag:s21], $0x8000  }
0x567: {  	[sflag:s21] =	ssyncset.done $0x0  }
0x568: {  	s1 =	sadd.s32 $0xFFFFFFFF, s10;
	[sflag:s21] =	ssyncadd.s32 $0xFFFF8000  }
0x569: {  	_ =	sfence.sel $0x180000  }
0x56a: {  	[bflag:$0x0] =	sbarrier.arrive $0xFFFF  }
0x56b: {  	_ =	strace $0x90000047  }
0x56c: {  	s0 =	stileid.u32;
	[bflag:$0x2] =	sbarrier.arrive $0xFFFF  }
0x56d: {  	p0 =	sne.s32 s0, $0x0;
	s0 =	rddreg [dreg:$0x3]  }
0x56e: {  	s0 =	sadd.s32 @!p0 $0x100000, s0  }
0x56f: {  	[sflag:s0] =	ssyncadd.tile.s32 @!p0 $0x1;
	_ =	shalt  }
.Lfunc_end2:
_tile_overlayer_lowered:
.L_overlay_start_2:
0x570: {  	(tag) =	ssettag $0x2  }
0x571: {  	s0 =	rddreg [dreg:$0x0];
	s2 =	stileid.u32  }
0x572: {  	s1 =	rddreg [dreg:$0x1];
	p0 =	sne.s32 s2, $0x0  }
0x573: {  	s3 =	rddreg [dreg:$0x2];
	[bflag:$0x3] =	sbarrier.arrive $0xFFFF;
	s2 =	simm.s32 @!p0 $0x1C07  }
0x574: {  	[timem:s3], [sflag:s2] =	dma.local @!p0 [hbm:s0], s1  }
0x575: {  	s0 =	simm.s32 @!p0 $0x7  }
0x576: {  	_ =	swait.ge @!p0 [sflag:s0], s1  }
0x577: {  	s1 =	ssub.s32 @!p0 $0x0, s1;
	[sflag:s0] =	ssyncset.done @!p0 $0x0  }
0x578: {  	[sflag:s0] =	ssyncadd.s32 @!p0 s1  }
0x579: {  	[bflag:$0x3] =	sbarrier.arrive $0xFFFF  }
0x57a: {  	_ =	shalt  }

</sc_bundles>
